<compile_context>
chip_gen: v7x
topology: tpu7x:2x2x1
jax: 0.10.2.dev20260603
libtpu: 0.0.44.dev20260713+nightly
codegen_flags: <defaults>
</compile_context>

<pallas_src>
import jax
import jax.numpy as jnp
from jax import lax
from jax.experimental import pallas as pl
from jax.experimental.pallas import tpu as pltpu
from jax.experimental.pallas import tpu_sc as plsc

NUM_CORES = 2
NUM_SUBCORES = 16
NUM_WORKERS = NUM_CORES * NUM_SUBCORES
LANES = 16
BATCH_TOTAL = 16384
ROWS_PER_W = BATCH_TOTAL // NUM_WORKERS
CHUNK = 128
NCHUNK = ROWS_PER_W // CHUNK
EMBED = 64


def _sc_body(users_hbm, items_hbm, gu_hbm, bu_hbm, gi_hbm, bi_hbm, b_hbm,
             out_hbm,
             idx_u, idx_i, gu_v, gi_v, bu_v, bi_v, b_v, out_v, sem):
    wid = lax.axis_index("s") * NUM_CORES + lax.axis_index("c")
    base = wid * ROWS_PER_W

    pltpu.sync_copy(users_hbm.at[pl.ds(wid * NCHUNK, NCHUNK)], idx_u)
    pltpu.sync_copy(items_hbm.at[pl.ds(wid * NCHUNK, NCHUNK)], idx_i)
    pltpu.sync_copy(b_hbm, b_v)

    copies = []
    for j in range(NCHUNK):
        sl = pl.ds(j * CHUNK, CHUNK)
        copies.append(pltpu.async_copy(gu_hbm.at[idx_u.at[j]], gu_v.at[sl], sem))
        copies.append(pltpu.async_copy(gi_hbm.at[idx_i.at[j]], gi_v.at[sl], sem))
        copies.append(pltpu.async_copy(bu_hbm.at[idx_u.at[j]], bu_v.at[sl], sem))
        copies.append(pltpu.async_copy(bi_hbm.at[idx_i.at[j]], bi_v.at[sl], sem))
    for c in copies:
        c.wait()

    bvec = b_v[...]
    lane = lax.iota(jnp.int32, LANES)

    def rot(x, s):
        return x.at[(lane + s) % LANES].get(mode="promise_in_bounds")

    def group(g, carry):
        sums = jnp.zeros((LANES,), jnp.float32)
        for l in range(LANES):
            r = g * LANES + l
            acc = jnp.zeros((LANES,), jnp.float32)
            for v in range(EMBED // LANES):
                sl = pl.ds(v * LANES, LANES)
                acc = acc + gu_v[r, sl] * gi_v[r, sl]
            for s in (8, 4, 2, 1):
                acc = acc + rot(acc, s)
            sums = jnp.where(lane == l, acc, sums)
        sl = pl.ds(g * LANES, LANES)
        out_v[sl] = sums + bu_v[sl] + bi_v[sl] + bvec
        return carry

    lax.fori_loop(0, ROWS_PER_W // LANES, group, 0)

    pltpu.sync_copy(out_v, out_hbm.at[pl.ds(base, ROWS_PER_W)])


def kernel(users, items, Gu, Bu, Gi, Bi, B):
    u2d = users.reshape(BATCH_TOTAL // CHUNK, CHUNK)
    i2d = items.reshape(BATCH_TOTAL // CHUNK, CHUNK)
    b16 = jnp.broadcast_to(B, (LANES,))
    mesh = plsc.VectorSubcoreMesh(core_axis_name="c", subcore_axis_name="s")
    fn = pl.kernel(
        _sc_body,
        mesh=mesh,
        compiler_params=pltpu.CompilerParams(use_tc_tiling_on_sc=False),
        out_type=jax.ShapeDtypeStruct((BATCH_TOTAL,), jnp.float32),
        scratch_types=[
            pltpu.VMEM((NCHUNK, CHUNK), jnp.int32),
            pltpu.VMEM((NCHUNK, CHUNK), jnp.int32),
            pltpu.VMEM((ROWS_PER_W, EMBED), jnp.float32),
            pltpu.VMEM((ROWS_PER_W, EMBED), jnp.float32),
            pltpu.VMEM((ROWS_PER_W,), jnp.float32),
            pltpu.VMEM((ROWS_PER_W,), jnp.float32),
            pltpu.VMEM((LANES,), jnp.float32),
            pltpu.VMEM((ROWS_PER_W,), jnp.float32),
            pltpu.SemaphoreType.DMA,
        ],
    )
    return fn(u2d, i2d, Gu, Bu, Gi, Bi, b16)

# --- scband reference (transcript-rebuilt; emitter-appended) ---
"""Pipeline reference for scband-bprmfmodel-56092272885978 (READ-ONLY COPY).

The authoritative reference and input builder live on the scoring server;
editing this copy changes nothing except your own understanding.
"""

import jax, jax.numpy as jnp
import numpy as np

NUM_USERS = 1000000
NUM_ITEMS = 1000000
EMBED_K = 64
BATCH = 16384


def setup_inputs(seed: int = 0) -> dict:
    key = jax.random.key(seed)
    k1, k2, k3, k4, k5, k6, k7 = jax.random.split(key, 7)
    users = jax.random.randint(k1, (BATCH, 1), 0, NUM_USERS, dtype=jnp.int64 if jax.config.jax_enable_x64 else jnp.int32).astype(jnp.int32)
    items = jax.random.randint(k2, (BATCH, 1), 0, NUM_ITEMS, dtype=jnp.int32)
    # xavier-normal style init: std = sqrt(2/(fan_in+fan_out))
    std_g = float(np.sqrt(2.0 / (NUM_USERS + EMBED_K)))
    Gu = jax.random.normal(k3, (NUM_USERS, EMBED_K), dtype=jnp.float32) * std_g
    Gi = jax.random.normal(k4, (NUM_ITEMS, EMBED_K), dtype=jnp.float32) * std_g
    Bu = jax.random.normal(k5, (NUM_USERS,), dtype=jnp.float32) * 0.01
    Bi = jax.random.normal(k6, (NUM_ITEMS,), dtype=jnp.float32) * 0.01
    B = jax.random.normal(k7, (1,), dtype=jnp.float32) * 0.01
    return {"users": users, "items": items, "Gu": Gu, "Bu": Bu, "Gi": Gi, "Bi": Bi, "B": B}


def reference(users, items, Gu, Bu, Gi, Bi, B):
    # gather embeddings (SparseCore-friendly gathers)
    u_idx = users[:, 0]
    i_idx = items[:, 0]
    gamma_u = jnp.take(Gu, u_idx, axis=0)  # [B, K]
    beta_u = jnp.take(Bu, u_idx, axis=0)   # [B]
    gamma_i = jnp.take(Gi, i_idx, axis=0)  # [B, K]
    beta_i = jnp.take(Bi, i_idx, axis=0)   # [B]
    xui = jnp.sum(gamma_u * gamma_i, axis=1) + beta_u + beta_i + B
    return xui

if __name__ == "__main__":
    import jax
    _d = setup_inputs()
    print(jax.jit(kernel)(*tuple(_d.values())))

</pallas_src>

<mosaic_0001>
#map = affine_map<(d0, d1) -> (0, 0)>
#map1 = affine_map<(d0, d1) -> (0)>
module attributes {stable_mosaic.version = 14 : i64} {
  func.func @_sc_body(%arg0: i32, %arg1: i32, %arg2: memref<128x128xi32, #tpu.memory_space<hbm>>, %arg3: memref<128x128xi32, #tpu.memory_space<hbm>>, %arg4: memref<1000000x64xf32, #tpu.memory_space<hbm>>, %arg5: memref<1000000xf32, #tpu.memory_space<hbm>>, %arg6: memref<1000000x64xf32, #tpu.memory_space<hbm>>, %arg7: memref<1000000xf32, #tpu.memory_space<hbm>>, %arg8: memref<16xf32, #tpu.memory_space<hbm>>, %arg9: memref<16384xf32, #tpu.memory_space<hbm>>, %arg10: memref<4x128xi32, #tpu.memory_space<vmem>>, %arg11: memref<4x128xi32, #tpu.memory_space<vmem>>, %arg12: memref<512x64xf32, #tpu.memory_space<vmem>>, %arg13: memref<512x64xf32, #tpu.memory_space<vmem>>, %arg14: memref<512xf32, #tpu.memory_space<vmem>>, %arg15: memref<512xf32, #tpu.memory_space<vmem>>, %arg16: memref<16xf32, #tpu.memory_space<vmem>>, %arg17: memref<512xf32, #tpu.memory_space<vmem>>, %arg18: memref<!tpu.dma_semaphore, #tpu.memory_space<semaphore_mem>>) attributes {dimension_semantics = [#tpu.dimension_semantics<core_parallel>, #tpu.dimension_semantics<subcore_parallel>], iteration_bounds = array<i64: 2, 16>, scalar_prefetch = 0 : i64, scratch_operands = 9 : i64, tpu.core_type = #tpu.core_type<sc_vector_subcore>, window_params = [{transform_indices = #map}, {transform_indices = #map}, {transform_indices = #map}, {transform_indices = #map1}, {transform_indices = #map}, {transform_indices = #map1}, {transform_indices = #map1}, {transform_indices = #map1}]} {
    %mul3A = arith.constant 2 : i32
    %mul3A_0 = arith.muli %arg1, %mul3A : i32
    %add3A = arith.addi %mul3A_0, %arg0 : i32
    %mul3A_1 = arith.constant 512 : i32
    %mul3A_2 = arith.muli %add3A, %mul3A_1 : i32
    %mul3A_3 = arith.constant 4 : i32
    %mul3A_4 = arith.muli %add3A, %mul3A_3 : i32
    "tpu.region"() ({
      %run_scoped3A = tpu.sem_alloc : memref<!tpu.dma_semaphore, #tpu.memory_space<semaphore_mem>>
      %dma_start3A_300 = arith.constant 0 : i32
      %dma_start3A_301 = tpu.memref_slice %arg2[%mul3A_4, %dma_start3A_300] : memref<128x128xi32, #tpu.memory_space<hbm>> -> memref<4x128xi32, #tpu.memory_space<hbm>>
      %dma_start3A_302 = arith.constant 0 : i32
      %dma_start3A_303 = tpu.memref_slice %arg2[%mul3A_4, %dma_start3A_302] : memref<128x128xi32, #tpu.memory_space<hbm>> -> memref<4x128xi32, #tpu.memory_space<hbm>>
      tpu.enqueue_dma source(%dma_start3A_303 : memref<4x128xi32, #tpu.memory_space<hbm>>) target(%arg10 : memref<4x128xi32, #tpu.memory_space<vmem>>) target_semaphore(%run_scoped3A : memref<!tpu.dma_semaphore, #tpu.memory_space<semaphore_mem>>)
      %dma_wait3A_304 = arith.constant 0 : i32
      %dma_wait3A_305 = tpu.memref_slice %arg2[%mul3A_4, %dma_wait3A_304] : memref<128x128xi32, #tpu.memory_space<hbm>> -> memref<4x128xi32, #tpu.memory_space<hbm>>
      %dma_wait3A_306 = arith.constant 0 : i32
      %dma_wait3A_307 = tpu.memref_slice %arg2[%mul3A_4, %dma_wait3A_306] : memref<128x128xi32, #tpu.memory_space<hbm>> -> memref<4x128xi32, #tpu.memory_space<hbm>>
      tpu.wait_dma2 semaphore(%run_scoped3A : memref<!tpu.dma_semaphore, #tpu.memory_space<semaphore_mem>>) src(%dma_wait3A_307 : memref<4x128xi32, #tpu.memory_space<hbm>>) dst(%arg10 : memref<4x128xi32, #tpu.memory_space<vmem>>)
      tpu.yield
    }) : () -> ()
    %mul3A_5 = arith.constant 4 : i32
    %mul3A_6 = arith.muli %add3A, %mul3A_5 : i32
    "tpu.region"() ({
      %run_scoped3A = tpu.sem_alloc : memref<!tpu.dma_semaphore, #tpu.memory_space<semaphore_mem>>
      %dma_start3A_300 = arith.constant 0 : i32
      %dma_start3A_301 = tpu.memref_slice %arg3[%mul3A_6, %dma_start3A_300] : memref<128x128xi32, #tpu.memory_space<hbm>> -> memref<4x128xi32, #tpu.memory_space<hbm>>
      %dma_start3A_302 = arith.constant 0 : i32
      %dma_start3A_303 = tpu.memref_slice %arg3[%mul3A_6, %dma_start3A_302] : memref<128x128xi32, #tpu.memory_space<hbm>> -> memref<4x128xi32, #tpu.memory_space<hbm>>
      tpu.enqueue_dma source(%dma_start3A_303 : memref<4x128xi32, #tpu.memory_space<hbm>>) target(%arg11 : memref<4x128xi32, #tpu.memory_space<vmem>>) target_semaphore(%run_scoped3A : memref<!tpu.dma_semaphore, #tpu.memory_space<semaphore_mem>>)
      %dma_wait3A_304 = arith.constant 0 : i32
      %dma_wait3A_305 = tpu.memref_slice %arg3[%mul3A_6, %dma_wait3A_304] : memref<128x128xi32, #tpu.memory_space<hbm>> -> memref<4x128xi32, #tpu.memory_space<hbm>>
      %dma_wait3A_306 = arith.constant 0 : i32
      %dma_wait3A_307 = tpu.memref_slice %arg3[%mul3A_6, %dma_wait3A_306] : memref<128x128xi32, #tpu.memory_space<hbm>> -> memref<4x128xi32, #tpu.memory_space<hbm>>
      tpu.wait_dma2 semaphore(%run_scoped3A : memref<!tpu.dma_semaphore, #tpu.memory_space<semaphore_mem>>) src(%dma_wait3A_307 : memref<4x128xi32, #tpu.memory_space<hbm>>) dst(%arg11 : memref<4x128xi32, #tpu.memory_space<vmem>>)
      tpu.yield
    }) : () -> ()
    "tpu.region"() ({
      %run_scoped3A = tpu.sem_alloc : memref<!tpu.dma_semaphore, #tpu.memory_space<semaphore_mem>>
      tpu.enqueue_dma source(%arg8 : memref<16xf32, #tpu.memory_space<hbm>>) target(%arg16 : memref<16xf32, #tpu.memory_space<vmem>>) target_semaphore(%run_scoped3A : memref<!tpu.dma_semaphore, #tpu.memory_space<semaphore_mem>>)
      tpu.wait_dma2 semaphore(%run_scoped3A : memref<!tpu.dma_semaphore, #tpu.memory_space<semaphore_mem>>) src(%arg8 : memref<16xf32, #tpu.memory_space<hbm>>) dst(%arg16 : memref<16xf32, #tpu.memory_space<vmem>>)
      tpu.yield
    }) : () -> ()
    %dma_start3A = arith.constant 0 : i32
    %dma_start3A_7 = arith.constant 0 : i32
    %dma_start3A_8 = arith.constant 0 : i32
    %dma_start3A_9 = tpu.memref_slice %arg12[%dma_start3A_7, %dma_start3A_8] : memref<512x64xf32, #tpu.memory_space<vmem>> -> memref<128x64xf32, #tpu.memory_space<vmem>>
    %dma_start3A_10 = arith.constant 0 : i32
    %dma_start3A_11 = tpu.memref_slice %arg10[%dma_start3A, %dma_start3A_10] : memref<4x128xi32, #tpu.memory_space<vmem>> -> memref<1x128xi32, #tpu.memory_space<vmem>>
    %dma_start3A_12 = tpu.memref_squeeze %dma_start3A_11 : memref<1x128xi32, #tpu.memory_space<vmem>> -> memref<128xi32, #tpu.memory_space<vmem>>
    %dma_start3A_13 = arith.constant 0 : i32
    %dma_start3A_14 = arith.constant 0 : i32
    %dma_start3A_15 = tpu.memref_slice %arg4[%dma_start3A_13, %dma_start3A_14] : memref<1000000x64xf32, #tpu.memory_space<hbm>> -> memref<1000000x64xf32, #tpu.memory_space<hbm>>
    tpu.enqueue_indirect_dma source(%dma_start3A_15 : memref<1000000x64xf32, #tpu.memory_space<hbm>>) target(%dma_start3A_9 : memref<128x64xf32, #tpu.memory_space<vmem>>) offsets(%dma_start3A_12 : memref<128xi32, #tpu.memory_space<vmem>>) semaphore(%arg18 : memref<!tpu.dma_semaphore, #tpu.memory_space<semaphore_mem>>)
    %dma_start3A_16 = arith.constant 0 : i32
    %dma_start3A_17 = arith.constant 0 : i32
    %dma_start3A_18 = arith.constant 0 : i32
    %dma_start3A_19 = tpu.memref_slice %arg13[%dma_start3A_17, %dma_start3A_18] : memref<512x64xf32, #tpu.memory_space<vmem>> -> memref<128x64xf32, #tpu.memory_space<vmem>>
    %dma_start3A_20 = arith.constant 0 : i32
    %dma_start3A_21 = tpu.memref_slice %arg11[%dma_start3A_16, %dma_start3A_20] : memref<4x128xi32, #tpu.memory_space<vmem>> -> memref<1x128xi32, #tpu.memory_space<vmem>>
    %dma_start3A_22 = tpu.memref_squeeze %dma_start3A_21 : memref<1x128xi32, #tpu.memory_space<vmem>> -> memref<128xi32, #tpu.memory_space<vmem>>
    %dma_start3A_23 = arith.constant 0 : i32
    %dma_start3A_24 = arith.constant 0 : i32
    %dma_start3A_25 = tpu.memref_slice %arg6[%dma_start3A_23, %dma_start3A_24] : memref<1000000x64xf32, #tpu.memory_space<hbm>> -> memref<1000000x64xf32, #tpu.memory_space<hbm>>
    tpu.enqueue_indirect_dma source(%dma_start3A_25 : memref<1000000x64xf32, #tpu.memory_space<hbm>>) target(%dma_start3A_19 : memref<128x64xf32, #tpu.memory_space<vmem>>) offsets(%dma_start3A_22 : memref<128xi32, #tpu.memory_space<vmem>>) semaphore(%arg18 : memref<!tpu.dma_semaphore, #tpu.memory_space<semaphore_mem>>)
    %dma_start3A_26 = arith.constant 0 : i32
    %dma_start3A_27 = arith.constant 0 : i32
    %dma_start3A_28 = tpu.memref_slice %arg14[%dma_start3A_27] : memref<512xf32, #tpu.memory_space<vmem>> -> memref<128xf32, #tpu.memory_space<vmem>>
    %dma_start3A_29 = arith.constant 0 : i32
    %dma_start3A_30 = tpu.memref_slice %arg10[%dma_start3A_26, %dma_start3A_29] : memref<4x128xi32, #tpu.memory_space<vmem>> -> memref<1x128xi32, #tpu.memory_space<vmem>>
    %dma_start3A_31 = tpu.memref_squeeze %dma_start3A_30 : memref<1x128xi32, #tpu.memory_space<vmem>> -> memref<128xi32, #tpu.memory_space<vmem>>
    %dma_start3A_32 = arith.constant 0 : i32
    %dma_start3A_33 = tpu.memref_slice %arg5[%dma_start3A_32] : memref<1000000xf32, #tpu.memory_space<hbm>> -> memref<1000000xf32, #tpu.memory_space<hbm>>
    tpu.enqueue_indirect_dma source(%dma_start3A_33 : memref<1000000xf32, #tpu.memory_space<hbm>>) target(%dma_start3A_28 : memref<128xf32, #tpu.memory_space<vmem>>) offsets(%dma_start3A_31 : memref<128xi32, #tpu.memory_space<vmem>>) semaphore(%arg18 : memref<!tpu.dma_semaphore, #tpu.memory_space<semaphore_mem>>)
    %dma_start3A_34 = arith.constant 0 : i32
    %dma_start3A_35 = arith.constant 0 : i32
    %dma_start3A_36 = tpu.memref_slice %arg15[%dma_start3A_35] : memref<512xf32, #tpu.memory_space<vmem>> -> memref<128xf32, #tpu.memory_space<vmem>>
    %dma_start3A_37 = arith.constant 0 : i32
    %dma_start3A_38 = tpu.memref_slice %arg11[%dma_start3A_34, %dma_start3A_37] : memref<4x128xi32, #tpu.memory_space<vmem>> -> memref<1x128xi32, #tpu.memory_space<vmem>>
    %dma_start3A_39 = tpu.memref_squeeze %dma_start3A_38 : memref<1x128xi32, #tpu.memory_space<vmem>> -> memref<128xi32, #tpu.memory_space<vmem>>
    %dma_start3A_40 = arith.constant 0 : i32
    %dma_start3A_41 = tpu.memref_slice %arg7[%dma_start3A_40] : memref<1000000xf32, #tpu.memory_space<hbm>> -> memref<1000000xf32, #tpu.memory_space<hbm>>
    tpu.enqueue_indirect_dma source(%dma_start3A_41 : memref<1000000xf32, #tpu.memory_space<hbm>>) target(%dma_start3A_36 : memref<128xf32, #tpu.memory_space<vmem>>) offsets(%dma_start3A_39 : memref<128xi32, #tpu.memory_space<vmem>>) semaphore(%arg18 : memref<!tpu.dma_semaphore, #tpu.memory_space<semaphore_mem>>)
    %dma_start3A_42 = arith.constant 1 : i32
    %dma_start3A_43 = arith.constant 128 : i32
    %dma_start3A_44 = arith.constant 0 : i32
    %dma_start3A_45 = tpu.memref_slice %arg12[%dma_start3A_43, %dma_start3A_44] : memref<512x64xf32, #tpu.memory_space<vmem>> -> memref<128x64xf32, #tpu.memory_space<vmem>>
    %dma_start3A_46 = arith.constant 0 : i32
    %dma_start3A_47 = tpu.memref_slice %arg10[%dma_start3A_42, %dma_start3A_46] : memref<4x128xi32, #tpu.memory_space<vmem>> -> memref<1x128xi32, #tpu.memory_space<vmem>>
    %dma_start3A_48 = tpu.memref_squeeze %dma_start3A_47 : memref<1x128xi32, #tpu.memory_space<vmem>> -> memref<128xi32, #tpu.memory_space<vmem>>
    %dma_start3A_49 = arith.constant 0 : i32
    %dma_start3A_50 = arith.constant 0 : i32
    %dma_start3A_51 = tpu.memref_slice %arg4[%dma_start3A_49, %dma_start3A_50] : memref<1000000x64xf32, #tpu.memory_space<hbm>> -> memref<1000000x64xf32, #tpu.memory_space<hbm>>
    tpu.enqueue_indirect_dma source(%dma_start3A_51 : memref<1000000x64xf32, #tpu.memory_space<hbm>>) target(%dma_start3A_45 : memref<128x64xf32, #tpu.memory_space<vmem>>) offsets(%dma_start3A_48 : memref<128xi32, #tpu.memory_space<vmem>>) semaphore(%arg18 : memref<!tpu.dma_semaphore, #tpu.memory_space<semaphore_mem>>)
    %dma_start3A_52 = arith.constant 1 : i32
    %dma_start3A_53 = arith.constant 128 : i32
    %dma_start3A_54 = arith.constant 0 : i32
    %dma_start3A_55 = tpu.memref_slice %arg13[%dma_start3A_53, %dma_start3A_54] : memref<512x64xf32, #tpu.memory_space<vmem>> -> memref<128x64xf32, #tpu.memory_space<vmem>>
    %dma_start3A_56 = arith.constant 0 : i32
    %dma_start3A_57 = tpu.memref_slice %arg11[%dma_start3A_52, %dma_start3A_56] : memref<4x128xi32, #tpu.memory_space<vmem>> -> memref<1x128xi32, #tpu.memory_space<vmem>>
    %dma_start3A_58 = tpu.memref_squeeze %dma_start3A_57 : memref<1x128xi32, #tpu.memory_space<vmem>> -> memref<128xi32, #tpu.memory_space<vmem>>
    %dma_start3A_59 = arith.constant 0 : i32
    %dma_start3A_60 = arith.constant 0 : i32
    %dma_start3A_61 = tpu.memref_slice %arg6[%dma_start3A_59, %dma_start3A_60] : memref<1000000x64xf32, #tpu.memory_space<hbm>> -> memref<1000000x64xf32, #tpu.memory_space<hbm>>
    tpu.enqueue_indirect_dma source(%dma_start3A_61 : memref<1000000x64xf32, #tpu.memory_space<hbm>>) target(%dma_start3A_55 : memref<128x64xf32, #tpu.memory_space<vmem>>) offsets(%dma_start3A_58 : memref<128xi32, #tpu.memory_space<vmem>>) semaphore(%arg18 : memref<!tpu.dma_semaphore, #tpu.memory_space<semaphore_mem>>)
    %dma_start3A_62 = arith.constant 1 : i32
    %dma_start3A_63 = arith.constant 128 : i32
    %dma_start3A_64 = tpu.memref_slice %arg14[%dma_start3A_63] : memref<512xf32, #tpu.memory_space<vmem>> -> memref<128xf32, #tpu.memory_space<vmem>>
    %dma_start3A_65 = arith.constant 0 : i32
    %dma_start3A_66 = tpu.memref_slice %arg10[%dma_start3A_62, %dma_start3A_65] : memref<4x128xi32, #tpu.memory_space<vmem>> -> memref<1x128xi32, #tpu.memory_space<vmem>>
    %dma_start3A_67 = tpu.memref_squeeze %dma_start3A_66 : memref<1x128xi32, #tpu.memory_space<vmem>> -> memref<128xi32, #tpu.memory_space<vmem>>
    %dma_start3A_68 = arith.constant 0 : i32
    %dma_start3A_69 = tpu.memref_slice %arg5[%dma_start3A_68] : memref<1000000xf32, #tpu.memory_space<hbm>> -> memref<1000000xf32, #tpu.memory_space<hbm>>
    tpu.enqueue_indirect_dma source(%dma_start3A_69 : memref<1000000xf32, #tpu.memory_space<hbm>>) target(%dma_start3A_64 : memref<128xf32, #tpu.memory_space<vmem>>) offsets(%dma_start3A_67 : memref<128xi32, #tpu.memory_space<vmem>>) semaphore(%arg18 : memref<!tpu.dma_semaphore, #tpu.memory_space<semaphore_mem>>)
    %dma_start3A_70 = arith.constant 1 : i32
    %dma_start3A_71 = arith.constant 128 : i32
    %dma_start3A_72 = tpu.memref_slice %arg15[%dma_start3A_71] : memref<512xf32, #tpu.memory_space<vmem>> -> memref<128xf32, #tpu.memory_space<vmem>>
    %dma_start3A_73 = arith.constant 0 : i32
    %dma_start3A_74 = tpu.memref_slice %arg11[%dma_start3A_70, %dma_start3A_73] : memref<4x128xi32, #tpu.memory_space<vmem>> -> memref<1x128xi32, #tpu.memory_space<vmem>>
    %dma_start3A_75 = tpu.memref_squeeze %dma_start3A_74 : memref<1x128xi32, #tpu.memory_space<vmem>> -> memref<128xi32, #tpu.memory_space<vmem>>
    %dma_start3A_76 = arith.constant 0 : i32
    %dma_start3A_77 = tpu.memref_slice %arg7[%dma_start3A_76] : memref<1000000xf32, #tpu.memory_space<hbm>> -> memref<1000000xf32, #tpu.memory_space<hbm>>
    tpu.enqueue_indirect_dma source(%dma_start3A_77 : memref<1000000xf32, #tpu.memory_space<hbm>>) target(%dma_start3A_72 : memref<128xf32, #tpu.memory_space<vmem>>) offsets(%dma_start3A_75 : memref<128xi32, #tpu.memory_space<vmem>>) semaphore(%arg18 : memref<!tpu.dma_semaphore, #tpu.memory_space<semaphore_mem>>)
    %dma_start3A_78 = arith.constant 2 : i32
    %dma_start3A_79 = arith.constant 256 : i32
    %dma_start3A_80 = arith.constant 0 : i32
    %dma_start3A_81 = tpu.memref_slice %arg12[%dma_start3A_79, %dma_start3A_80] : memref<512x64xf32, #tpu.memory_space<vmem>> -> memref<128x64xf32, #tpu.memory_space<vmem>>
    %dma_start3A_82 = arith.constant 0 : i32
    %dma_start3A_83 = tpu.memref_slice %arg10[%dma_start3A_78, %dma_start3A_82] : memref<4x128xi32, #tpu.memory_space<vmem>> -> memref<1x128xi32, #tpu.memory_space<vmem>>
    %dma_start3A_84 = tpu.memref_squeeze %dma_start3A_83 : memref<1x128xi32, #tpu.memory_space<vmem>> -> memref<128xi32, #tpu.memory_space<vmem>>
    %dma_start3A_85 = arith.constant 0 : i32
    %dma_start3A_86 = arith.constant 0 : i32
    %dma_start3A_87 = tpu.memref_slice %arg4[%dma_start3A_85, %dma_start3A_86] : memref<1000000x64xf32, #tpu.memory_space<hbm>> -> memref<1000000x64xf32, #tpu.memory_space<hbm>>
    tpu.enqueue_indirect_dma source(%dma_start3A_87 : memref<1000000x64xf32, #tpu.memory_space<hbm>>) target(%dma_start3A_81 : memref<128x64xf32, #tpu.memory_space<vmem>>) offsets(%dma_start3A_84 : memref<128xi32, #tpu.memory_space<vmem>>) semaphore(%arg18 : memref<!tpu.dma_semaphore, #tpu.memory_space<semaphore_mem>>)
    %dma_start3A_88 = arith.constant 2 : i32
    %dma_start3A_89 = arith.constant 256 : i32
    %dma_start3A_90 = arith.constant 0 : i32
    %dma_start3A_91 = tpu.memref_slice %arg13[%dma_start3A_89, %dma_start3A_90] : memref<512x64xf32, #tpu.memory_space<vmem>> -> memref<128x64xf32, #tpu.memory_space<vmem>>
    %dma_start3A_92 = arith.constant 0 : i32
    %dma_start3A_93 = tpu.memref_slice %arg11[%dma_start3A_88, %dma_start3A_92] : memref<4x128xi32, #tpu.memory_space<vmem>> -> memref<1x128xi32, #tpu.memory_space<vmem>>
    %dma_start3A_94 = tpu.memref_squeeze %dma_start3A_93 : memref<1x128xi32, #tpu.memory_space<vmem>> -> memref<128xi32, #tpu.memory_space<vmem>>
    %dma_start3A_95 = arith.constant 0 : i32
    %dma_start3A_96 = arith.constant 0 : i32
    %dma_start3A_97 = tpu.memref_slice %arg6[%dma_start3A_95, %dma_start3A_96] : memref<1000000x64xf32, #tpu.memory_space<hbm>> -> memref<1000000x64xf32, #tpu.memory_space<hbm>>
    tpu.enqueue_indirect_dma source(%dma_start3A_97 : memref<1000000x64xf32, #tpu.memory_space<hbm>>) target(%dma_start3A_91 : memref<128x64xf32, #tpu.memory_space<vmem>>) offsets(%dma_start3A_94 : memref<128xi32, #tpu.memory_space<vmem>>) semaphore(%arg18 : memref<!tpu.dma_semaphore, #tpu.memory_space<semaphore_mem>>)
    %dma_start3A_98 = arith.constant 2 : i32
    %dma_start3A_99 = arith.constant 256 : i32
    %dma_start3A_100 = tpu.memref_slice %arg14[%dma_start3A_99] : memref<512xf32, #tpu.memory_space<vmem>> -> memref<128xf32, #tpu.memory_space<vmem>>
    %dma_start3A_101 = arith.constant 0 : i32
    %dma_start3A_102 = tpu.memref_slice %arg10[%dma_start3A_98, %dma_start3A_101] : memref<4x128xi32, #tpu.memory_space<vmem>> -> memref<1x128xi32, #tpu.memory_space<vmem>>
    %dma_start3A_103 = tpu.memref_squeeze %dma_start3A_102 : memref<1x128xi32, #tpu.memory_space<vmem>> -> memref<128xi32, #tpu.memory_space<vmem>>
    %dma_start3A_104 = arith.constant 0 : i32
    %dma_start3A_105 = tpu.memref_slice %arg5[%dma_start3A_104] : memref<1000000xf32, #tpu.memory_space<hbm>> -> memref<1000000xf32, #tpu.memory_space<hbm>>
    tpu.enqueue_indirect_dma source(%dma_start3A_105 : memref<1000000xf32, #tpu.memory_space<hbm>>) target(%dma_start3A_100 : memref<128xf32, #tpu.memory_space<vmem>>) offsets(%dma_start3A_103 : memref<128xi32, #tpu.memory_space<vmem>>) semaphore(%arg18 : memref<!tpu.dma_semaphore, #tpu.memory_space<semaphore_mem>>)
    %dma_start3A_106 = arith.constant 2 : i32
    %dma_start3A_107 = arith.constant 256 : i32
    %dma_start3A_108 = tpu.memref_slice %arg15[%dma_start3A_107] : memref<512xf32, #tpu.memory_space<vmem>> -> memref<128xf32, #tpu.memory_space<vmem>>
    %dma_start3A_109 = arith.constant 0 : i32
    %dma_start3A_110 = tpu.memref_slice %arg11[%dma_start3A_106, %dma_start3A_109] : memref<4x128xi32, #tpu.memory_space<vmem>> -> memref<1x128xi32, #tpu.memory_space<vmem>>
    %dma_start3A_111 = tpu.memref_squeeze %dma_start3A_110 : memref<1x128xi32, #tpu.memory_space<vmem>> -> memref<128xi32, #tpu.memory_space<vmem>>
    %dma_start3A_112 = arith.constant 0 : i32
    %dma_start3A_113 = tpu.memref_slice %arg7[%dma_start3A_112] : memref<1000000xf32, #tpu.memory_space<hbm>> -> memref<1000000xf32, #tpu.memory_space<hbm>>
    tpu.enqueue_indirect_dma source(%dma_start3A_113 : memref<1000000xf32, #tpu.memory_space<hbm>>) target(%dma_start3A_108 : memref<128xf32, #tpu.memory_space<vmem>>) offsets(%dma_start3A_111 : memref<128xi32, #tpu.memory_space<vmem>>) semaphore(%arg18 : memref<!tpu.dma_semaphore, #tpu.memory_space<semaphore_mem>>)
    %dma_start3A_114 = arith.constant 3 : i32
    %dma_start3A_115 = arith.constant 384 : i32
    %dma_start3A_116 = arith.constant 0 : i32
    %dma_start3A_117 = tpu.memref_slice %arg12[%dma_start3A_115, %dma_start3A_116] : memref<512x64xf32, #tpu.memory_space<vmem>> -> memref<128x64xf32, #tpu.memory_space<vmem>>
    %dma_start3A_118 = arith.constant 0 : i32
    %dma_start3A_119 = tpu.memref_slice %arg10[%dma_start3A_114, %dma_start3A_118] : memref<4x128xi32, #tpu.memory_space<vmem>> -> memref<1x128xi32, #tpu.memory_space<vmem>>
    %dma_start3A_120 = tpu.memref_squeeze %dma_start3A_119 : memref<1x128xi32, #tpu.memory_space<vmem>> -> memref<128xi32, #tpu.memory_space<vmem>>
    %dma_start3A_121 = arith.constant 0 : i32
    %dma_start3A_122 = arith.constant 0 : i32
    %dma_start3A_123 = tpu.memref_slice %arg4[%dma_start3A_121, %dma_start3A_122] : memref<1000000x64xf32, #tpu.memory_space<hbm>> -> memref<1000000x64xf32, #tpu.memory_space<hbm>>
    tpu.enqueue_indirect_dma source(%dma_start3A_123 : memref<1000000x64xf32, #tpu.memory_space<hbm>>) target(%dma_start3A_117 : memref<128x64xf32, #tpu.memory_space<vmem>>) offsets(%dma_start3A_120 : memref<128xi32, #tpu.memory_space<vmem>>) semaphore(%arg18 : memref<!tpu.dma_semaphore, #tpu.memory_space<semaphore_mem>>)
    %dma_start3A_124 = arith.constant 3 : i32
    %dma_start3A_125 = arith.constant 384 : i32
    %dma_start3A_126 = arith.constant 0 : i32
    %dma_start3A_127 = tpu.memref_slice %arg13[%dma_start3A_125, %dma_start3A_126] : memref<512x64xf32, #tpu.memory_space<vmem>> -> memref<128x64xf32, #tpu.memory_space<vmem>>
    %dma_start3A_128 = arith.constant 0 : i32
    %dma_start3A_129 = tpu.memref_slice %arg11[%dma_start3A_124, %dma_start3A_128] : memref<4x128xi32, #tpu.memory_space<vmem>> -> memref<1x128xi32, #tpu.memory_space<vmem>>
    %dma_start3A_130 = tpu.memref_squeeze %dma_start3A_129 : memref<1x128xi32, #tpu.memory_space<vmem>> -> memref<128xi32, #tpu.memory_space<vmem>>
    %dma_start3A_131 = arith.constant 0 : i32
    %dma_start3A_132 = arith.constant 0 : i32
    %dma_start3A_133 = tpu.memref_slice %arg6[%dma_start3A_131, %dma_start3A_132] : memref<1000000x64xf32, #tpu.memory_space<hbm>> -> memref<1000000x64xf32, #tpu.memory_space<hbm>>
    tpu.enqueue_indirect_dma source(%dma_start3A_133 : memref<1000000x64xf32, #tpu.memory_space<hbm>>) target(%dma_start3A_127 : memref<128x64xf32, #tpu.memory_space<vmem>>) offsets(%dma_start3A_130 : memref<128xi32, #tpu.memory_space<vmem>>) semaphore(%arg18 : memref<!tpu.dma_semaphore, #tpu.memory_space<semaphore_mem>>)
    %dma_start3A_134 = arith.constant 3 : i32
    %dma_start3A_135 = arith.constant 384 : i32
    %dma_start3A_136 = tpu.memref_slice %arg14[%dma_start3A_135] : memref<512xf32, #tpu.memory_space<vmem>> -> memref<128xf32, #tpu.memory_space<vmem>>
    %dma_start3A_137 = arith.constant 0 : i32
    %dma_start3A_138 = tpu.memref_slice %arg10[%dma_start3A_134, %dma_start3A_137] : memref<4x128xi32, #tpu.memory_space<vmem>> -> memref<1x128xi32, #tpu.memory_space<vmem>>
    %dma_start3A_139 = tpu.memref_squeeze %dma_start3A_138 : memref<1x128xi32, #tpu.memory_space<vmem>> -> memref<128xi32, #tpu.memory_space<vmem>>
    %dma_start3A_140 = arith.constant 0 : i32
    %dma_start3A_141 = tpu.memref_slice %arg5[%dma_start3A_140] : memref<1000000xf32, #tpu.memory_space<hbm>> -> memref<1000000xf32, #tpu.memory_space<hbm>>
    tpu.enqueue_indirect_dma source(%dma_start3A_141 : memref<1000000xf32, #tpu.memory_space<hbm>>) target(%dma_start3A_136 : memref<128xf32, #tpu.memory_space<vmem>>) offsets(%dma_start3A_139 : memref<128xi32, #tpu.memory_space<vmem>>) semaphore(%arg18 : memref<!tpu.dma_semaphore, #tpu.memory_space<semaphore_mem>>)
    %dma_start3A_142 = arith.constant 3 : i32
    %dma_start3A_143 = arith.constant 384 : i32
    %dma_start3A_144 = tpu.memref_slice %arg15[%dma_start3A_143] : memref<512xf32, #tpu.memory_space<vmem>> -> memref<128xf32, #tpu.memory_space<vmem>>
    %dma_start3A_145 = arith.constant 0 : i32
    %dma_start3A_146 = tpu.memref_slice %arg11[%dma_start3A_142, %dma_start3A_145] : memref<4x128xi32, #tpu.memory_space<vmem>> -> memref<1x128xi32, #tpu.memory_space<vmem>>
    %dma_start3A_147 = tpu.memref_squeeze %dma_start3A_146 : memref<1x128xi32, #tpu.memory_space<vmem>> -> memref<128xi32, #tpu.memory_space<vmem>>
    %dma_start3A_148 = arith.constant 0 : i32
    %dma_start3A_149 = tpu.memref_slice %arg7[%dma_start3A_148] : memref<1000000xf32, #tpu.memory_space<hbm>> -> memref<1000000xf32, #tpu.memory_space<hbm>>
    tpu.enqueue_indirect_dma source(%dma_start3A_149 : memref<1000000xf32, #tpu.memory_space<hbm>>) target(%dma_start3A_144 : memref<128xf32, #tpu.memory_space<vmem>>) offsets(%dma_start3A_147 : memref<128xi32, #tpu.memory_space<vmem>>) semaphore(%arg18 : memref<!tpu.dma_semaphore, #tpu.memory_space<semaphore_mem>>)
    %dma_wait3A = arith.constant 0 : i32
    %dma_wait3A_150 = arith.constant 0 : i32
    %dma_wait3A_151 = arith.constant 0 : i32
    %dma_wait3A_152 = tpu.memref_slice %arg12[%dma_wait3A_150, %dma_wait3A_151] : memref<512x64xf32, #tpu.memory_space<vmem>> -> memref<128x64xf32, #tpu.memory_space<vmem>>
    %dma_wait3A_153 = arith.constant 0 : i32
    %dma_wait3A_154 = tpu.memref_slice %arg10[%dma_wait3A, %dma_wait3A_153] : memref<4x128xi32, #tpu.memory_space<vmem>> -> memref<1x128xi32, #tpu.memory_space<vmem>>
    %dma_wait3A_155 = tpu.memref_squeeze %dma_wait3A_154 : memref<1x128xi32, #tpu.memory_space<vmem>> -> memref<128xi32, #tpu.memory_space<vmem>>
    %dma_wait3A_156 = arith.constant 0 : i32
    %dma_wait3A_157 = arith.constant 0 : i32
    %dma_wait3A_158 = tpu.memref_slice %arg4[%dma_wait3A_156, %dma_wait3A_157] : memref<1000000x64xf32, #tpu.memory_space<hbm>> -> memref<1000000x64xf32, #tpu.memory_space<hbm>>
    tpu.wait_indirect_dma semaphore(%arg18 : memref<!tpu.dma_semaphore, #tpu.memory_space<semaphore_mem>>) src(%dma_wait3A_158 : memref<1000000x64xf32, #tpu.memory_space<hbm>>) dst(%dma_wait3A_152 : memref<128x64xf32, #tpu.memory_space<vmem>>)
    %dma_wait3A_159 = arith.constant 0 : i32
    %dma_wait3A_160 = arith.constant 0 : i32
    %dma_wait3A_161 = arith.constant 0 : i32
    %dma_wait3A_162 = tpu.memref_slice %arg13[%dma_wait3A_160, %dma_wait3A_161] : memref<512x64xf32, #tpu.memory_space<vmem>> -> memref<128x64xf32, #tpu.memory_space<vmem>>
    %dma_wait3A_163 = arith.constant 0 : i32
    %dma_wait3A_164 = tpu.memref_slice %arg11[%dma_wait3A_159, %dma_wait3A_163] : memref<4x128xi32, #tpu.memory_space<vmem>> -> memref<1x128xi32, #tpu.memory_space<vmem>>
    %dma_wait3A_165 = tpu.memref_squeeze %dma_wait3A_164 : memref<1x128xi32, #tpu.memory_space<vmem>> -> memref<128xi32, #tpu.memory_space<vmem>>
    %dma_wait3A_166 = arith.constant 0 : i32
    %dma_wait3A_167 = arith.constant 0 : i32
    %dma_wait3A_168 = tpu.memref_slice %arg6[%dma_wait3A_166, %dma_wait3A_167] : memref<1000000x64xf32, #tpu.memory_space<hbm>> -> memref<1000000x64xf32, #tpu.memory_space<hbm>>
    tpu.wait_indirect_dma semaphore(%arg18 : memref<!tpu.dma_semaphore, #tpu.memory_space<semaphore_mem>>) src(%dma_wait3A_168 : memref<1000000x64xf32, #tpu.memory_space<hbm>>) dst(%dma_wait3A_162 : memref<128x64xf32, #tpu.memory_space<vmem>>)
    %dma_wait3A_169 = arith.constant 0 : i32
    %dma_wait3A_170 = arith.constant 0 : i32
    %dma_wait3A_171 = tpu.memref_slice %arg14[%dma_wait3A_170] : memref<512xf32, #tpu.memory_space<vmem>> -> memref<128xf32, #tpu.memory_space<vmem>>
    %dma_wait3A_172 = arith.constant 0 : i32
    %dma_wait3A_173 = tpu.memref_slice %arg10[%dma_wait3A_169, %dma_wait3A_172] : memref<4x128xi32, #tpu.memory_space<vmem>> -> memref<1x128xi32, #tpu.memory_space<vmem>>
    %dma_wait3A_174 = tpu.memref_squeeze %dma_wait3A_173 : memref<1x128xi32, #tpu.memory_space<vmem>> -> memref<128xi32, #tpu.memory_space<vmem>>
    %dma_wait3A_175 = arith.constant 0 : i32
    %dma_wait3A_176 = tpu.memref_slice %arg5[%dma_wait3A_175] : memref<1000000xf32, #tpu.memory_space<hbm>> -> memref<1000000xf32, #tpu.memory_space<hbm>>
    tpu.wait_indirect_dma semaphore(%arg18 : memref<!tpu.dma_semaphore, #tpu.memory_space<semaphore_mem>>) src(%dma_wait3A_176 : memref<1000000xf32, #tpu.memory_space<hbm>>) dst(%dma_wait3A_171 : memref<128xf32, #tpu.memory_space<vmem>>)
    %dma_wait3A_177 = arith.constant 0 : i32
    %dma_wait3A_178 = arith.constant 0 : i32
    %dma_wait3A_179 = tpu.memref_slice %arg15[%dma_wait3A_178] : memref<512xf32, #tpu.memory_space<vmem>> -> memref<128xf32, #tpu.memory_space<vmem>>
    %dma_wait3A_180 = arith.constant 0 : i32
    %dma_wait3A_181 = tpu.memref_slice %arg11[%dma_wait3A_177, %dma_wait3A_180] : memref<4x128xi32, #tpu.memory_space<vmem>> -> memref<1x128xi32, #tpu.memory_space<vmem>>
    %dma_wait3A_182 = tpu.memref_squeeze %dma_wait3A_181 : memref<1x128xi32, #tpu.memory_space<vmem>> -> memref<128xi32, #tpu.memory_space<vmem>>
    %dma_wait3A_183 = arith.constant 0 : i32
    %dma_wait3A_184 = tpu.memref_slice %arg7[%dma_wait3A_183] : memref<1000000xf32, #tpu.memory_space<hbm>> -> memref<1000000xf32, #tpu.memory_space<hbm>>
    tpu.wait_indirect_dma semaphore(%arg18 : memref<!tpu.dma_semaphore, #tpu.memory_space<semaphore_mem>>) src(%dma_wait3A_184 : memref<1000000xf32, #tpu.memory_space<hbm>>) dst(%dma_wait3A_179 : memref<128xf32, #tpu.memory_space<vmem>>)
    %dma_wait3A_185 = arith.constant 1 : i32
    %dma_wait3A_186 = arith.constant 128 : i32
    %dma_wait3A_187 = arith.constant 0 : i32
    %dma_wait3A_188 = tpu.memref_slice %arg12[%dma_wait3A_186, %dma_wait3A_187] : memref<512x64xf32, #tpu.memory_space<vmem>> -> memref<128x64xf32, #tpu.memory_space<vmem>>
    %dma_wait3A_189 = arith.constant 0 : i32
    %dma_wait3A_190 = tpu.memref_slice %arg10[%dma_wait3A_185, %dma_wait3A_189] : memref<4x128xi32, #tpu.memory_space<vmem>> -> memref<1x128xi32, #tpu.memory_space<vmem>>
    %dma_wait3A_191 = tpu.memref_squeeze %dma_wait3A_190 : memref<1x128xi32, #tpu.memory_space<vmem>> -> memref<128xi32, #tpu.memory_space<vmem>>
    %dma_wait3A_192 = arith.constant 0 : i32
    %dma_wait3A_193 = arith.constant 0 : i32
    %dma_wait3A_194 = tpu.memref_slice %arg4[%dma_wait3A_192, %dma_wait3A_193] : memref<1000000x64xf32, #tpu.memory_space<hbm>> -> memref<1000000x64xf32, #tpu.memory_space<hbm>>
    tpu.wait_indirect_dma semaphore(%arg18 : memref<!tpu.dma_semaphore, #tpu.memory_space<semaphore_mem>>) src(%dma_wait3A_194 : memref<1000000x64xf32, #tpu.memory_space<hbm>>) dst(%dma_wait3A_188 : memref<128x64xf32, #tpu.memory_space<vmem>>)
    %dma_wait3A_195 = arith.constant 1 : i32
    %dma_wait3A_196 = arith.constant 128 : i32
    %dma_wait3A_197 = arith.constant 0 : i32
    %dma_wait3A_198 = tpu.memref_slice %arg13[%dma_wait3A_196, %dma_wait3A_197] : memref<512x64xf32, #tpu.memory_space<vmem>> -> memref<128x64xf32, #tpu.memory_space<vmem>>
    %dma_wait3A_199 = arith.constant 0 : i32
    %dma_wait3A_200 = tpu.memref_slice %arg11[%dma_wait3A_195, %dma_wait3A_199] : memref<4x128xi32, #tpu.memory_space<vmem>> -> memref<1x128xi32, #tpu.memory_space<vmem>>
    %dma_wait3A_201 = tpu.memref_squeeze %dma_wait3A_200 : memref<1x128xi32, #tpu.memory_space<vmem>> -> memref<128xi32, #tpu.memory_space<vmem>>
    %dma_wait3A_202 = arith.constant 0 : i32
    %dma_wait3A_203 = arith.constant 0 : i32
    %dma_wait3A_204 = tpu.memref_slice %arg6[%dma_wait3A_202, %dma_wait3A_203] : memref<1000000x64xf32, #tpu.memory_space<hbm>> -> memref<1000000x64xf32, #tpu.memory_space<hbm>>
    tpu.wait_indirect_dma semaphore(%arg18 : memref<!tpu.dma_semaphore, #tpu.memory_space<semaphore_mem>>) src(%dma_wait3A_204 : memref<1000000x64xf32, #tpu.memory_space<hbm>>) dst(%dma_wait3A_198 : memref<128x64xf32, #tpu.memory_space<vmem>>)
    %dma_wait3A_205 = arith.constant 1 : i32
    %dma_wait3A_206 = arith.constant 128 : i32
    %dma_wait3A_207 = tpu.memref_slice %arg14[%dma_wait3A_206] : memref<512xf32, #tpu.memory_space<vmem>> -> memref<128xf32, #tpu.memory_space<vmem>>
    %dma_wait3A_208 = arith.constant 0 : i32
    %dma_wait3A_209 = tpu.memref_slice %arg10[%dma_wait3A_205, %dma_wait3A_208] : memref<4x128xi32, #tpu.memory_space<vmem>> -> memref<1x128xi32, #tpu.memory_space<vmem>>
    %dma_wait3A_210 = tpu.memref_squeeze %dma_wait3A_209 : memref<1x128xi32, #tpu.memory_space<vmem>> -> memref<128xi32, #tpu.memory_space<vmem>>
    %dma_wait3A_211 = arith.constant 0 : i32
    %dma_wait3A_212 = tpu.memref_slice %arg5[%dma_wait3A_211] : memref<1000000xf32, #tpu.memory_space<hbm>> -> memref<1000000xf32, #tpu.memory_space<hbm>>
    tpu.wait_indirect_dma semaphore(%arg18 : memref<!tpu.dma_semaphore, #tpu.memory_space<semaphore_mem>>) src(%dma_wait3A_212 : memref<1000000xf32, #tpu.memory_space<hbm>>) dst(%dma_wait3A_207 : memref<128xf32, #tpu.memory_space<vmem>>)
    %dma_wait3A_213 = arith.constant 1 : i32
    %dma_wait3A_214 = arith.constant 128 : i32
    %dma_wait3A_215 = tpu.memref_slice %arg15[%dma_wait3A_214] : memref<512xf32, #tpu.memory_space<vmem>> -> memref<128xf32, #tpu.memory_space<vmem>>
    %dma_wait3A_216 = arith.constant 0 : i32
    %dma_wait3A_217 = tpu.memref_slice %arg11[%dma_wait3A_213, %dma_wait3A_216] : memref<4x128xi32, #tpu.memory_space<vmem>> -> memref<1x128xi32, #tpu.memory_space<vmem>>
    %dma_wait3A_218 = tpu.memref_squeeze %dma_wait3A_217 : memref<1x128xi32, #tpu.memory_space<vmem>> -> memref<128xi32, #tpu.memory_space<vmem>>
    %dma_wait3A_219 = arith.constant 0 : i32
    %dma_wait3A_220 = tpu.memref_slice %arg7[%dma_wait3A_219] : memref<1000000xf32, #tpu.memory_space<hbm>> -> memref<1000000xf32, #tpu.memory_space<hbm>>
    tpu.wait_indirect_dma semaphore(%arg18 : memref<!tpu.dma_semaphore, #tpu.memory_space<semaphore_mem>>) src(%dma_wait3A_220 : memref<1000000xf32, #tpu.memory_space<hbm>>) dst(%dma_wait3A_215 : memref<128xf32, #tpu.memory_space<vmem>>)
    %dma_wait3A_221 = arith.constant 2 : i32
    %dma_wait3A_222 = arith.constant 256 : i32
    %dma_wait3A_223 = arith.constant 0 : i32
    %dma_wait3A_224 = tpu.memref_slice %arg12[%dma_wait3A_222, %dma_wait3A_223] : memref<512x64xf32, #tpu.memory_space<vmem>> -> memref<128x64xf32, #tpu.memory_space<vmem>>
    %dma_wait3A_225 = arith.constant 0 : i32
    %dma_wait3A_226 = tpu.memref_slice %arg10[%dma_wait3A_221, %dma_wait3A_225] : memref<4x128xi32, #tpu.memory_space<vmem>> -> memref<1x128xi32, #tpu.memory_space<vmem>>
    %dma_wait3A_227 = tpu.memref_squeeze %dma_wait3A_226 : memref<1x128xi32, #tpu.memory_space<vmem>> -> memref<128xi32, #tpu.memory_space<vmem>>
    %dma_wait3A_228 = arith.constant 0 : i32
    %dma_wait3A_229 = arith.constant 0 : i32
    %dma_wait3A_230 = tpu.memref_slice %arg4[%dma_wait3A_228, %dma_wait3A_229] : memref<1000000x64xf32, #tpu.memory_space<hbm>> -> memref<1000000x64xf32, #tpu.memory_space<hbm>>
    tpu.wait_indirect_dma semaphore(%arg18 : memref<!tpu.dma_semaphore, #tpu.memory_space<semaphore_mem>>) src(%dma_wait3A_230 : memref<1000000x64xf32, #tpu.memory_space<hbm>>) dst(%dma_wait3A_224 : memref<128x64xf32, #tpu.memory_space<vmem>>)
    %dma_wait3A_231 = arith.constant 2 : i32
    %dma_wait3A_232 = arith.constant 256 : i32
    %dma_wait3A_233 = arith.constant 0 : i32
    %dma_wait3A_234 = tpu.memref_slice %arg13[%dma_wait3A_232, %dma_wait3A_233] : memref<512x64xf32, #tpu.memory_space<vmem>> -> memref<128x64xf32, #tpu.memory_space<vmem>>
    %dma_wait3A_235 = arith.constant 0 : i32
    %dma_wait3A_236 = tpu.memref_slice %arg11[%dma_wait3A_231, %dma_wait3A_235] : memref<4x128xi32, #tpu.memory_space<vmem>> -> memref<1x128xi32, #tpu.memory_space<vmem>>
    %dma_wait3A_237 = tpu.memref_squeeze %dma_wait3A_236 : memref<1x128xi32, #tpu.memory_space<vmem>> -> memref<128xi32, #tpu.memory_space<vmem>>
    %dma_wait3A_238 = arith.constant 0 : i32
    %dma_wait3A_239 = arith.constant 0 : i32
    %dma_wait3A_240 = tpu.memref_slice %arg6[%dma_wait3A_238, %dma_wait3A_239] : memref<1000000x64xf32, #tpu.memory_space<hbm>> -> memref<1000000x64xf32, #tpu.memory_space<hbm>>
    tpu.wait_indirect_dma semaphore(%arg18 : memref<!tpu.dma_semaphore, #tpu.memory_space<semaphore_mem>>) src(%dma_wait3A_240 : memref<1000000x64xf32, #tpu.memory_space<hbm>>) dst(%dma_wait3A_234 : memref<128x64xf32, #tpu.memory_space<vmem>>)
    %dma_wait3A_241 = arith.constant 2 : i32
    %dma_wait3A_242 = arith.constant 256 : i32
    %dma_wait3A_243 = tpu.memref_slice %arg14[%dma_wait3A_242] : memref<512xf32, #tpu.memory_space<vmem>> -> memref<128xf32, #tpu.memory_space<vmem>>
    %dma_wait3A_244 = arith.constant 0 : i32
    %dma_wait3A_245 = tpu.memref_slice %arg10[%dma_wait3A_241, %dma_wait3A_244] : memref<4x128xi32, #tpu.memory_space<vmem>> -> memref<1x128xi32, #tpu.memory_space<vmem>>
    %dma_wait3A_246 = tpu.memref_squeeze %dma_wait3A_245 : memref<1x128xi32, #tpu.memory_space<vmem>> -> memref<128xi32, #tpu.memory_space<vmem>>
    %dma_wait3A_247 = arith.constant 0 : i32
    %dma_wait3A_248 = tpu.memref_slice %arg5[%dma_wait3A_247] : memref<1000000xf32, #tpu.memory_space<hbm>> -> memref<1000000xf32, #tpu.memory_space<hbm>>
    tpu.wait_indirect_dma semaphore(%arg18 : memref<!tpu.dma_semaphore, #tpu.memory_space<semaphore_mem>>) src(%dma_wait3A_248 : memref<1000000xf32, #tpu.memory_space<hbm>>) dst(%dma_wait3A_243 : memref<128xf32, #tpu.memory_space<vmem>>)
    %dma_wait3A_249 = arith.constant 2 : i32
    %dma_wait3A_250 = arith.constant 256 : i32
    %dma_wait3A_251 = tpu.memref_slice %arg15[%dma_wait3A_250] : memref<512xf32, #tpu.memory_space<vmem>> -> memref<128xf32, #tpu.memory_space<vmem>>
    %dma_wait3A_252 = arith.constant 0 : i32
    %dma_wait3A_253 = tpu.memref_slice %arg11[%dma_wait3A_249, %dma_wait3A_252] : memref<4x128xi32, #tpu.memory_space<vmem>> -> memref<1x128xi32, #tpu.memory_space<vmem>>
    %dma_wait3A_254 = tpu.memref_squeeze %dma_wait3A_253 : memref<1x128xi32, #tpu.memory_space<vmem>> -> memref<128xi32, #tpu.memory_space<vmem>>
    %dma_wait3A_255 = arith.constant 0 : i32
    %dma_wait3A_256 = tpu.memref_slice %arg7[%dma_wait3A_255] : memref<1000000xf32, #tpu.memory_space<hbm>> -> memref<1000000xf32, #tpu.memory_space<hbm>>
    tpu.wait_indirect_dma semaphore(%arg18 : memref<!tpu.dma_semaphore, #tpu.memory_space<semaphore_mem>>) src(%dma_wait3A_256 : memref<1000000xf32, #tpu.memory_space<hbm>>) dst(%dma_wait3A_251 : memref<128xf32, #tpu.memory_space<vmem>>)
    %dma_wait3A_257 = arith.constant 3 : i32
    %dma_wait3A_258 = arith.constant 384 : i32
    %dma_wait3A_259 = arith.constant 0 : i32
    %dma_wait3A_260 = tpu.memref_slice %arg12[%dma_wait3A_258, %dma_wait3A_259] : memref<512x64xf32, #tpu.memory_space<vmem>> -> memref<128x64xf32, #tpu.memory_space<vmem>>
    %dma_wait3A_261 = arith.constant 0 : i32
    %dma_wait3A_262 = tpu.memref_slice %arg10[%dma_wait3A_257, %dma_wait3A_261] : memref<4x128xi32, #tpu.memory_space<vmem>> -> memref<1x128xi32, #tpu.memory_space<vmem>>
    %dma_wait3A_263 = tpu.memref_squeeze %dma_wait3A_262 : memref<1x128xi32, #tpu.memory_space<vmem>> -> memref<128xi32, #tpu.memory_space<vmem>>
    %dma_wait3A_264 = arith.constant 0 : i32
    %dma_wait3A_265 = arith.constant 0 : i32
    %dma_wait3A_266 = tpu.memref_slice %arg4[%dma_wait3A_264, %dma_wait3A_265] : memref<1000000x64xf32, #tpu.memory_space<hbm>> -> memref<1000000x64xf32, #tpu.memory_space<hbm>>
    tpu.wait_indirect_dma semaphore(%arg18 : memref<!tpu.dma_semaphore, #tpu.memory_space<semaphore_mem>>) src(%dma_wait3A_266 : memref<1000000x64xf32, #tpu.memory_space<hbm>>) dst(%dma_wait3A_260 : memref<128x64xf32, #tpu.memory_space<vmem>>)
    %dma_wait3A_267 = arith.constant 3 : i32
    %dma_wait3A_268 = arith.constant 384 : i32
    %dma_wait3A_269 = arith.constant 0 : i32
    %dma_wait3A_270 = tpu.memref_slice %arg13[%dma_wait3A_268, %dma_wait3A_269] : memref<512x64xf32, #tpu.memory_space<vmem>> -> memref<128x64xf32, #tpu.memory_space<vmem>>
    %dma_wait3A_271 = arith.constant 0 : i32
    %dma_wait3A_272 = tpu.memref_slice %arg11[%dma_wait3A_267, %dma_wait3A_271] : memref<4x128xi32, #tpu.memory_space<vmem>> -> memref<1x128xi32, #tpu.memory_space<vmem>>
    %dma_wait3A_273 = tpu.memref_squeeze %dma_wait3A_272 : memref<1x128xi32, #tpu.memory_space<vmem>> -> memref<128xi32, #tpu.memory_space<vmem>>
    %dma_wait3A_274 = arith.constant 0 : i32
    %dma_wait3A_275 = arith.constant 0 : i32
    %dma_wait3A_276 = tpu.memref_slice %arg6[%dma_wait3A_274, %dma_wait3A_275] : memref<1000000x64xf32, #tpu.memory_space<hbm>> -> memref<1000000x64xf32, #tpu.memory_space<hbm>>
    tpu.wait_indirect_dma semaphore(%arg18 : memref<!tpu.dma_semaphore, #tpu.memory_space<semaphore_mem>>) src(%dma_wait3A_276 : memref<1000000x64xf32, #tpu.memory_space<hbm>>) dst(%dma_wait3A_270 : memref<128x64xf32, #tpu.memory_space<vmem>>)
    %dma_wait3A_277 = arith.constant 3 : i32
    %dma_wait3A_278 = arith.constant 384 : i32
    %dma_wait3A_279 = tpu.memref_slice %arg14[%dma_wait3A_278] : memref<512xf32, #tpu.memory_space<vmem>> -> memref<128xf32, #tpu.memory_space<vmem>>
    %dma_wait3A_280 = arith.constant 0 : i32
    %dma_wait3A_281 = tpu.memref_slice %arg10[%dma_wait3A_277, %dma_wait3A_280] : memref<4x128xi32, #tpu.memory_space<vmem>> -> memref<1x128xi32, #tpu.memory_space<vmem>>
    %dma_wait3A_282 = tpu.memref_squeeze %dma_wait3A_281 : memref<1x128xi32, #tpu.memory_space<vmem>> -> memref<128xi32, #tpu.memory_space<vmem>>
    %dma_wait3A_283 = arith.constant 0 : i32
    %dma_wait3A_284 = tpu.memref_slice %arg5[%dma_wait3A_283] : memref<1000000xf32, #tpu.memory_space<hbm>> -> memref<1000000xf32, #tpu.memory_space<hbm>>
    tpu.wait_indirect_dma semaphore(%arg18 : memref<!tpu.dma_semaphore, #tpu.memory_space<semaphore_mem>>) src(%dma_wait3A_284 : memref<1000000xf32, #tpu.memory_space<hbm>>) dst(%dma_wait3A_279 : memref<128xf32, #tpu.memory_space<vmem>>)
    %dma_wait3A_285 = arith.constant 3 : i32
    %dma_wait3A_286 = arith.constant 384 : i32
    %dma_wait3A_287 = tpu.memref_slice %arg15[%dma_wait3A_286] : memref<512xf32, #tpu.memory_space<vmem>> -> memref<128xf32, #tpu.memory_space<vmem>>
    %dma_wait3A_288 = arith.constant 0 : i32
    %dma_wait3A_289 = tpu.memref_slice %arg11[%dma_wait3A_285, %dma_wait3A_288] : memref<4x128xi32, #tpu.memory_space<vmem>> -> memref<1x128xi32, #tpu.memory_space<vmem>>
    %dma_wait3A_290 = tpu.memref_squeeze %dma_wait3A_289 : memref<1x128xi32, #tpu.memory_space<vmem>> -> memref<128xi32, #tpu.memory_space<vmem>>
    %dma_wait3A_291 = arith.constant 0 : i32
    %dma_wait3A_292 = tpu.memref_slice %arg7[%dma_wait3A_291] : memref<1000000xf32, #tpu.memory_space<hbm>> -> memref<1000000xf32, #tpu.memory_space<hbm>>
    tpu.wait_indirect_dma semaphore(%arg18 : memref<!tpu.dma_semaphore, #tpu.memory_space<semaphore_mem>>) src(%dma_wait3A_292 : memref<1000000xf32, #tpu.memory_space<hbm>>) dst(%dma_wait3A_287 : memref<128xf32, #tpu.memory_space<vmem>>)
    %get3A = arith.constant 0 : index
    %get3A_293 = tpu.vector_load %arg16[%get3A] {strides = array<i32>} : memref<16xf32, #tpu.memory_space<vmem>>, vector<16xf32>,
    %get3A_294 = vector.shape_cast %get3A_293 : vector<16xf32> to vector<16xf32>
    %iota3A = tpu.iota {dimensions = array<i32: 0>} : vector<16xi32>
    %scan3A = arith.constant 0 : i32
    %scan3A_295 = arith.constant 0 : i32
    %scan3A_296 = arith.constant 32 : i32
    %scan3A_297 = arith.addi %scan3A_295, %scan3A_296 : i32
    %scan3A_298 = arith.constant 1 : i32
    scf.for %scan3A_300 = %scan3A_295 to %scan3A_297 step %scan3A_298  : i32 {
      %broadcast_in_dim3A = arith.constant 0.000000e+00 : f32
      %broadcast_in_dim3A_301 = vector.broadcast %broadcast_in_dim3A : f32 to vector<16xf32>
      %mul3A_302 = arith.constant 16 : i32
      %mul3A_303 = arith.muli %scan3A_300, %mul3A_302 : i32
      %add3A_304 = arith.constant 0 : i32
      %add3A_305 = arith.addi %mul3A_303, %add3A_304 : i32
      %broadcast_in_dim3A_306 = arith.constant 0.000000e+00 : f32
      %broadcast_in_dim3A_307 = vector.broadcast %broadcast_in_dim3A_306 : f32 to vector<16xf32>
      %get3A_308 = arith.index_cast %add3A_305 : i32 to index
      %get3A_309 = arith.constant 0 : index
      %get3A_310 = tpu.vector_load %arg12[%get3A_308, %get3A_309] {strides = array<i32>} : memref<512x64xf32, #tpu.memory_space<vmem>>, vector<1x16xf32>,
      %get3A_311 = vector.shape_cast %get3A_310 : vector<1x16xf32> to vector<16xf32>
      %get3A_312 = arith.index_cast %add3A_305 : i32 to index
      %get3A_313 = arith.constant 0 : index
      %get3A_314 = tpu.vector_load %arg13[%get3A_312, %get3A_313] {strides = array<i32>} : memref<512x64xf32, #tpu.memory_space<vmem>>, vector<1x16xf32>,
      %get3A_315 = vector.shape_cast %get3A_314 : vector<1x16xf32> to vector<16xf32>
      %mul3A_316 = arith.mulf %get3A_311, %get3A_315 : vector<16xf32>
      %add3A_317 = arith.addf %broadcast_in_dim3A_307, %mul3A_316 : vector<16xf32>
      %get3A_318 = arith.index_cast %add3A_305 : i32 to index
      %get3A_319 = arith.constant 16 : index
      %get3A_320 = tpu.vector_load %arg12[%get3A_318, %get3A_319] {strides = array<i32>} : memref<512x64xf32, #tpu.memory_space<vmem>>, vector<1x16xf32>,
      %get3A_321 = vector.shape_cast %get3A_320 : vector<1x16xf32> to vector<16xf32>
      %get3A_322 = arith.index_cast %add3A_305 : i32 to index
      %get3A_323 = arith.constant 16 : index
      %get3A_324 = tpu.vector_load %arg13[%get3A_322, %get3A_323] {strides = array<i32>} : memref<512x64xf32, #tpu.memory_space<vmem>>, vector<1x16xf32>,
      %get3A_325 = vector.shape_cast %get3A_324 : vector<1x16xf32> to vector<16xf32>
      %mul3A_326 = arith.mulf %get3A_321, %get3A_325 : vector<16xf32>
      %add3A_327 = arith.addf %add3A_317, %mul3A_326 : vector<16xf32>
      %get3A_328 = arith.index_cast %add3A_305 : i32 to index
      %get3A_329 = arith.constant 32 : index
      %get3A_330 = tpu.vector_load %arg12[%get3A_328, %get3A_329] {strides = array<i32>} : memref<512x64xf32, #tpu.memory_space<vmem>>, vector<1x16xf32>,
      %get3A_331 = vector.shape_cast %get3A_330 : vector<1x16xf32> to vector<16xf32>
      %get3A_332 = arith.index_cast %add3A_305 : i32 to index
      %get3A_333 = arith.constant 32 : index
      %get3A_334 = tpu.vector_load %arg13[%get3A_332, %get3A_333] {strides = array<i32>} : memref<512x64xf32, #tpu.memory_space<vmem>>, vector<1x16xf32>,
      %get3A_335 = vector.shape_cast %get3A_334 : vector<1x16xf32> to vector<16xf32>
      %mul3A_336 = arith.mulf %get3A_331, %get3A_335 : vector<16xf32>
      %add3A_337 = arith.addf %add3A_327, %mul3A_336 : vector<16xf32>
      %get3A_338 = arith.index_cast %add3A_305 : i32 to index
      %get3A_339 = arith.constant 48 : index
      %get3A_340 = tpu.vector_load %arg12[%get3A_338, %get3A_339] {strides = array<i32>} : memref<512x64xf32, #tpu.memory_space<vmem>>, vector<1x16xf32>,
      %get3A_341 = vector.shape_cast %get3A_340 : vector<1x16xf32> to vector<16xf32>
      %get3A_342 = arith.index_cast %add3A_305 : i32 to index
      %get3A_343 = arith.constant 48 : index
      %get3A_344 = tpu.vector_load %arg13[%get3A_342, %get3A_343] {strides = array<i32>} : memref<512x64xf32, #tpu.memory_space<vmem>>, vector<1x16xf32>,
      %get3A_345 = vector.shape_cast %get3A_344 : vector<1x16xf32> to vector<16xf32>
      %mul3A_346 = arith.mulf %get3A_341, %get3A_345 : vector<16xf32>
      %add3A_347 = arith.addf %add3A_337, %mul3A_346 : vector<16xf32>
      %add3A_348 = arith.constant 8 : i32
      %add3A_349 = vector.broadcast %add3A_348 : i32 to vector<16xi32>
      %add3A_350 = arith.addi %iota3A, %add3A_349 : vector<16xi32>
      %jit3A = arith.constant 16 : i32
      %eq3A = arith.constant 0 : i32
      %eq3A_351 = arith.cmpi eq, %jit3A, %eq3A : i32
      %jit3A_352 = arith.constant 1 : i32
      %select_n3A = arith.select %eq3A_351, %jit3A_352, %jit3A : i32
      %rem3A = vector.broadcast %select_n3A : i32 to vector<16xi32>
      %rem3A_353 = arith.remsi %add3A_350, %rem3A : vector<16xi32>
      %ne3A = arith.constant 0 : i32
      %ne3A_354 = vector.broadcast %ne3A : i32 to vector<16xi32>
      %ne3A_355 = arith.cmpi ne, %rem3A_353, %ne3A_354 : vector<16xi32>
      %lt3A = arith.constant 0 : i32
      %lt3A_356 = vector.broadcast %lt3A : i32 to vector<16xi32>
      %lt3A_357 = arith.cmpi slt, %rem3A_353, %lt3A_356 : vector<16xi32>
      %lt3A_358 = arith.constant 0 : i32
      %lt3A_359 = arith.cmpi slt, %select_n3A, %lt3A_358 : i32
      %ne3A_360 = vector.broadcast %lt3A_359 : i1 to vector<16xi1>
      %ne3A_361 = vector.broadcast %ne3A_360 : vector<16xi1> to vector<16xi1>
      %ne3A_362 = arith.xori %lt3A_357, %ne3A_361 : vector<16xi1>
      %and3A = arith.andi %ne3A_362, %ne3A_355 : vector<16xi1>
      %add3A_363 = vector.broadcast %select_n3A : i32 to vector<16xi32>
      %add3A_364 = arith.addi %rem3A_353, %add3A_363 : vector<16xi32>
      %select_n3A_365 = arith.select %and3A, %add3A_364, %rem3A_353 : vector<16xi1>, vector<16xi32>
      %lt3A_366 = arith.constant 0 : i32
      %lt3A_367 = vector.broadcast %lt3A_366 : i32 to vector<16xi32>
      %lt3A_368 = arith.cmpi slt, %select_n3A_365, %lt3A_367 : vector<16xi32>
      %add3A_369 = arith.constant 16 : i32
      %add3A_370 = vector.broadcast %add3A_369 : i32 to vector<16xi32>
      %add3A_371 = arith.addi %select_n3A_365, %add3A_370 : vector<16xi32>
      %select_n3A_372 = arith.select %lt3A_368, %add3A_371, %select_n3A_365 : vector<16xi1>, vector<16xi32>
      %broadcast_in_dim3A_373 = vector.shape_cast %select_n3A_372 : vector<16xi32> to vector<16x1xi32>
      %gather3A = vector.shape_cast %broadcast_in_dim3A_373 : vector<16x1xi32> to vector<16xi32>
      %gather3A_374 = tpu.dynamic_gather %add3A_347[%gather3A] in [0] : vector<16xf32>, vector<16xi32> -> vector<16xf32>
      %add3A_375 = arith.addf %add3A_347, %gather3A_374 : vector<16xf32>
      %add3A_376 = arith.constant 4 : i32
      %add3A_377 = vector.broadcast %add3A_376 : i32 to vector<16xi32>
      %add3A_378 = arith.addi %iota3A, %add3A_377 : vector<16xi32>
      %jit3A_379 = arith.constant 16 : i32
      %eq3A_380 = arith.constant 0 : i32
      %eq3A_381 = arith.cmpi eq, %jit3A_379, %eq3A_380 : i32
      %jit3A_382 = arith.constant 1 : i32
      %select_n3A_383 = arith.select %eq3A_381, %jit3A_382, %jit3A_379 : i32
      %rem3A_384 = vector.broadcast %select_n3A_383 : i32 to vector<16xi32>
      %rem3A_385 = arith.remsi %add3A_378, %rem3A_384 : vector<16xi32>
      %ne3A_386 = arith.constant 0 : i32
      %ne3A_387 = vector.broadcast %ne3A_386 : i32 to vector<16xi32>
      %ne3A_388 = arith.cmpi ne, %rem3A_385, %ne3A_387 : vector<16xi32>
      %lt3A_389 = arith.constant 0 : i32
      %lt3A_390 = vector.broadcast %lt3A_389 : i32 to vector<16xi32>
      %lt3A_391 = arith.cmpi slt, %rem3A_385, %lt3A_390 : vector<16xi32>
      %lt3A_392 = arith.constant 0 : i32
      %lt3A_393 = arith.cmpi slt, %select_n3A_383, %lt3A_392 : i32
      %ne3A_394 = vector.broadcast %lt3A_393 : i1 to vector<16xi1>
      %ne3A_395 = vector.broadcast %ne3A_394 : vector<16xi1> to vector<16xi1>
      %ne3A_396 = arith.xori %lt3A_391, %ne3A_395 : vector<16xi1>
      %and3A_397 = arith.andi %ne3A_396, %ne3A_388 : vector<16xi1>
      %add3A_398 = vector.broadcast %select_n3A_383 : i32 to vector<16xi32>
      %add3A_399 = arith.addi %rem3A_385, %add3A_398 : vector<16xi32>
      %select_n3A_400 = arith.select %and3A_397, %add3A_399, %rem3A_385 : vector<16xi1>, vector<16xi32>
      %lt3A_401 = arith.constant 0 : i32
      %lt3A_402 = vector.broadcast %lt3A_401 : i32 to vector<16xi32>
      %lt3A_403 = arith.cmpi slt, %select_n3A_400, %lt3A_402 : vector<16xi32>
      %add3A_404 = arith.constant 16 : i32
      %add3A_405 = vector.broadcast %add3A_404 : i32 to vector<16xi32>
      %add3A_406 = arith.addi %select_n3A_400, %add3A_405 : vector<16xi32>
      %select_n3A_407 = arith.select %lt3A_403, %add3A_406, %select_n3A_400 : vector<16xi1>, vector<16xi32>
      %broadcast_in_dim3A_408 = vector.shape_cast %select_n3A_407 : vector<16xi32> to vector<16x1xi32>
      %gather3A_409 = vector.shape_cast %broadcast_in_dim3A_408 : vector<16x1xi32> to vector<16xi32>
      %gather3A_410 = tpu.dynamic_gather %add3A_375[%gather3A_409] in [0] : vector<16xf32>, vector<16xi32> -> vector<16xf32>
      %add3A_411 = arith.addf %add3A_375, %gather3A_410 : vector<16xf32>
      %add3A_412 = arith.constant 2 : i32
      %add3A_413 = vector.broadcast %add3A_412 : i32 to vector<16xi32>
      %add3A_414 = arith.addi %iota3A, %add3A_413 : vector<16xi32>
      %jit3A_415 = arith.constant 16 : i32
      %eq3A_416 = arith.constant 0 : i32
      %eq3A_417 = arith.cmpi eq, %jit3A_415, %eq3A_416 : i32
      %jit3A_418 = arith.constant 1 : i32
      %select_n3A_419 = arith.select %eq3A_417, %jit3A_418, %jit3A_415 : i32
      %rem3A_420 = vector.broadcast %select_n3A_419 : i32 to vector<16xi32>
      %rem3A_421 = arith.remsi %add3A_414, %rem3A_420 : vector<16xi32>
      %ne3A_422 = arith.constant 0 : i32
      %ne3A_423 = vector.broadcast %ne3A_422 : i32 to vector<16xi32>
      %ne3A_424 = arith.cmpi ne, %rem3A_421, %ne3A_423 : vector<16xi32>
      %lt3A_425 = arith.constant 0 : i32
      %lt3A_426 = vector.broadcast %lt3A_425 : i32 to vector<16xi32>
      %lt3A_427 = arith.cmpi slt, %rem3A_421, %lt3A_426 : vector<16xi32>
      %lt3A_428 = arith.constant 0 : i32
      %lt3A_429 = arith.cmpi slt, %select_n3A_419, %lt3A_428 : i32
      %ne3A_430 = vector.broadcast %lt3A_429 : i1 to vector<16xi1>
      %ne3A_431 = vector.broadcast %ne3A_430 : vector<16xi1> to vector<16xi1>
      %ne3A_432 = arith.xori %lt3A_427, %ne3A_431 : vector<16xi1>
      %and3A_433 = arith.andi %ne3A_432, %ne3A_424 : vector<16xi1>
      %add3A_434 = vector.broadcast %select_n3A_419 : i32 to vector<16xi32>
      %add3A_435 = arith.addi %rem3A_421, %add3A_434 : vector<16xi32>
      %select_n3A_436 = arith.select %and3A_433, %add3A_435, %rem3A_421 : vector<16xi1>, vector<16xi32>
      %lt3A_437 = arith.constant 0 : i32
      %lt3A_438 = vector.broadcast %lt3A_437 : i32 to vector<16xi32>
      %lt3A_439 = arith.cmpi slt, %select_n3A_436, %lt3A_438 : vector<16xi32>
      %add3A_440 = arith.constant 16 : i32
      %add3A_441 = vector.broadcast %add3A_440 : i32 to vector<16xi32>
      %add3A_442 = arith.addi %select_n3A_436, %add3A_441 : vector<16xi32>
      %select_n3A_443 = arith.select %lt3A_439, %add3A_442, %select_n3A_436 : vector<16xi1>, vector<16xi32>
      %broadcast_in_dim3A_444 = vector.shape_cast %select_n3A_443 : vector<16xi32> to vector<16x1xi32>
      %gather3A_445 = vector.shape_cast %broadcast_in_dim3A_444 : vector<16x1xi32> to vector<16xi32>
      %gather3A_446 = tpu.dynamic_gather %add3A_411[%gather3A_445] in [0] : vector<16xf32>, vector<16xi32> -> vector<16xf32>
      %add3A_447 = arith.addf %add3A_411, %gather3A_446 : vector<16xf32>
      %add3A_448 = arith.constant 1 : i32
      %add3A_449 = vector.broadcast %add3A_448 : i32 to vector<16xi32>
      %add3A_450 = arith.addi %iota3A, %add3A_449 : vector<16xi32>
      %jit3A_451 = arith.constant 16 : i32
      %eq3A_452 = arith.constant 0 : i32
      %eq3A_453 = arith.cmpi eq, %jit3A_451, %eq3A_452 : i32
      %jit3A_454 = arith.constant 1 : i32
      %select_n3A_455 = arith.select %eq3A_453, %jit3A_454, %jit3A_451 : i32
      %rem3A_456 = vector.broadcast %select_n3A_455 : i32 to vector<16xi32>
      %rem3A_457 = arith.remsi %add3A_450, %rem3A_456 : vector<16xi32>
      %ne3A_458 = arith.constant 0 : i32
      %ne3A_459 = vector.broadcast %ne3A_458 : i32 to vector<16xi32>
      %ne3A_460 = arith.cmpi ne, %rem3A_457, %ne3A_459 : vector<16xi32>
      %lt3A_461 = arith.constant 0 : i32
      %lt3A_462 = vector.broadcast %lt3A_461 : i32 to vector<16xi32>
      %lt3A_463 = arith.cmpi slt, %rem3A_457, %lt3A_462 : vector<16xi32>
      %lt3A_464 = arith.constant 0 : i32
      %lt3A_465 = arith.cmpi slt, %select_n3A_455, %lt3A_464 : i32
      %ne3A_466 = vector.broadcast %lt3A_465 : i1 to vector<16xi1>
      %ne3A_467 = vector.broadcast %ne3A_466 : vector<16xi1> to vector<16xi1>
      %ne3A_468 = arith.xori %lt3A_463, %ne3A_467 : vector<16xi1>
      %and3A_469 = arith.andi %ne3A_468, %ne3A_460 : vector<16xi1>
      %add3A_470 = vector.broadcast %select_n3A_455 : i32 to vector<16xi32>
      %add3A_471 = arith.addi %rem3A_457, %add3A_470 : vector<16xi32>
      %select_n3A_472 = arith.select %and3A_469, %add3A_471, %rem3A_457 : vector<16xi1>, vector<16xi32>
      %lt3A_473 = arith.constant 0 : i32
      %lt3A_474 = vector.broadcast %lt3A_473 : i32 to vector<16xi32>
      %lt3A_475 = arith.cmpi slt, %select_n3A_472, %lt3A_474 : vector<16xi32>
      %add3A_476 = arith.constant 16 : i32
      %add3A_477 = vector.broadcast %add3A_476 : i32 to vector<16xi32>
      %add3A_478 = arith.addi %select_n3A_472, %add3A_477 : vector<16xi32>
      %select_n3A_479 = arith.select %lt3A_475, %add3A_478, %select_n3A_472 : vector<16xi1>, vector<16xi32>
      %broadcast_in_dim3A_480 = vector.shape_cast %select_n3A_479 : vector<16xi32> to vector<16x1xi32>
      %gather3A_481 = vector.shape_cast %broadcast_in_dim3A_480 : vector<16x1xi32> to vector<16xi32>
      %gather3A_482 = tpu.dynamic_gather %add3A_447[%gather3A_481] in [0] : vector<16xf32>, vector<16xi32> -> vector<16xf32>
      %add3A_483 = arith.addf %add3A_447, %gather3A_482 : vector<16xf32>
      %eq3A_484 = arith.constant 0 : i32
      %eq3A_485 = vector.broadcast %eq3A_484 : i32 to vector<16xi32>
      %eq3A_486 = arith.cmpi eq, %iota3A, %eq3A_485 : vector<16xi32>
      %select_n3A_487 = arith.select %eq3A_486, %add3A_483, %broadcast_in_dim3A_301 : vector<16xi1>, vector<16xf32>
      %mul3A_488 = arith.constant 16 : i32
      %mul3A_489 = arith.muli %scan3A_300, %mul3A_488 : i32
      %add3A_490 = arith.constant 1 : i32
      %add3A_491 = arith.addi %mul3A_489, %add3A_490 : i32
      %broadcast_in_dim3A_492 = arith.constant 0.000000e+00 : f32
      %broadcast_in_dim3A_493 = vector.broadcast %broadcast_in_dim3A_492 : f32 to vector<16xf32>
      %get3A_494 = arith.index_cast %add3A_491 : i32 to index
      %get3A_495 = arith.constant 0 : index
      %get3A_496 = tpu.vector_load %arg12[%get3A_494, %get3A_495] {strides = array<i32>} : memref<512x64xf32, #tpu.memory_space<vmem>>, vector<1x16xf32>,
      %get3A_497 = vector.shape_cast %get3A_496 : vector<1x16xf32> to vector<16xf32>
      %get3A_498 = arith.index_cast %add3A_491 : i32 to index
      %get3A_499 = arith.constant 0 : index
      %get3A_500 = tpu.vector_load %arg13[%get3A_498, %get3A_499] {strides = array<i32>} : memref<512x64xf32, #tpu.memory_space<vmem>>, vector<1x16xf32>,
      %get3A_501 = vector.shape_cast %get3A_500 : vector<1x16xf32> to vector<16xf32>
      %mul3A_502 = arith.mulf %get3A_497, %get3A_501 : vector<16xf32>
      %add3A_503 = arith.addf %broadcast_in_dim3A_493, %mul3A_502 : vector<16xf32>
      %get3A_504 = arith.index_cast %add3A_491 : i32 to index
      %get3A_505 = arith.constant 16 : index
      %get3A_506 = tpu.vector_load %arg12[%get3A_504, %get3A_505] {strides = array<i32>} : memref<512x64xf32, #tpu.memory_space<vmem>>, vector<1x16xf32>,
      %get3A_507 = vector.shape_cast %get3A_506 : vector<1x16xf32> to vector<16xf32>
      %get3A_508 = arith.index_cast %add3A_491 : i32 to index
      %get3A_509 = arith.constant 16 : index
      %get3A_510 = tpu.vector_load %arg13[%get3A_508, %get3A_509] {strides = array<i32>} : memref<512x64xf32, #tpu.memory_space<vmem>>, vector<1x16xf32>,
      %get3A_511 = vector.shape_cast %get3A_510 : vector<1x16xf32> to vector<16xf32>
      %mul3A_512 = arith.mulf %get3A_507, %get3A_511 : vector<16xf32>
      %add3A_513 = arith.addf %add3A_503, %mul3A_512 : vector<16xf32>
      %get3A_514 = arith.index_cast %add3A_491 : i32 to index
      %get3A_515 = arith.constant 32 : index
      %get3A_516 = tpu.vector_load %arg12[%get3A_514, %get3A_515] {strides = array<i32>} : memref<512x64xf32, #tpu.memory_space<vmem>>, vector<1x16xf32>,
      %get3A_517 = vector.shape_cast %get3A_516 : vector<1x16xf32> to vector<16xf32>
      %get3A_518 = arith.index_cast %add3A_491 : i32 to index
      %get3A_519 = arith.constant 32 : index
      %get3A_520 = tpu.vector_load %arg13[%get3A_518, %get3A_519] {strides = array<i32>} : memref<512x64xf32, #tpu.memory_space<vmem>>, vector<1x16xf32>,
      %get3A_521 = vector.shape_cast %get3A_520 : vector<1x16xf32> to vector<16xf32>
      %mul3A_522 = arith.mulf %get3A_517, %get3A_521 : vector<16xf32>
      %add3A_523 = arith.addf %add3A_513, %mul3A_522 : vector<16xf32>
      %get3A_524 = arith.index_cast %add3A_491 : i32 to index
      %get3A_525 = arith.constant 48 : index
      %get3A_526 = tpu.vector_load %arg12[%get3A_524, %get3A_525] {strides = array<i32>} : memref<512x64xf32, #tpu.memory_space<vmem>>, vector<1x16xf32>,
      %get3A_527 = vector.shape_cast %get3A_526 : vector<1x16xf32> to vector<16xf32>
      %get3A_528 = arith.index_cast %add3A_491 : i32 to index
      %get3A_529 = arith.constant 48 : index
      %get3A_530 = tpu.vector_load %arg13[%get3A_528, %get3A_529] {strides = array<i32>} : memref<512x64xf32, #tpu.memory_space<vmem>>, vector<1x16xf32>,
      %get3A_531 = vector.shape_cast %get3A_530 : vector<1x16xf32> to vector<16xf32>
      %mul3A_532 = arith.mulf %get3A_527, %get3A_531 : vector<16xf32>
      %add3A_533 = arith.addf %add3A_523, %mul3A_532 : vector<16xf32>
      %add3A_534 = arith.constant 8 : i32
      %add3A_535 = vector.broadcast %add3A_534 : i32 to vector<16xi32>
      %add3A_536 = arith.addi %iota3A, %add3A_535 : vector<16xi32>
      %jit3A_537 = arith.constant 16 : i32
      %eq3A_538 = arith.constant 0 : i32
      %eq3A_539 = arith.cmpi eq, %jit3A_537, %eq3A_538 : i32
      %jit3A_540 = arith.constant 1 : i32
      %select_n3A_541 = arith.select %eq3A_539, %jit3A_540, %jit3A_537 : i32
      %rem3A_542 = vector.broadcast %select_n3A_541 : i32 to vector<16xi32>
      %rem3A_543 = arith.remsi %add3A_536, %rem3A_542 : vector<16xi32>
      %ne3A_544 = arith.constant 0 : i32
      %ne3A_545 = vector.broadcast %ne3A_544 : i32 to vector<16xi32>
      %ne3A_546 = arith.cmpi ne, %rem3A_543, %ne3A_545 : vector<16xi32>
      %lt3A_547 = arith.constant 0 : i32
      %lt3A_548 = vector.broadcast %lt3A_547 : i32 to vector<16xi32>
      %lt3A_549 = arith.cmpi slt, %rem3A_543, %lt3A_548 : vector<16xi32>
      %lt3A_550 = arith.constant 0 : i32
      %lt3A_551 = arith.cmpi slt, %select_n3A_541, %lt3A_550 : i32
      %ne3A_552 = vector.broadcast %lt3A_551 : i1 to vector<16xi1>
      %ne3A_553 = vector.broadcast %ne3A_552 : vector<16xi1> to vector<16xi1>
      %ne3A_554 = arith.xori %lt3A_549, %ne3A_553 : vector<16xi1>
      %and3A_555 = arith.andi %ne3A_554, %ne3A_546 : vector<16xi1>
      %add3A_556 = vector.broadcast %select_n3A_541 : i32 to vector<16xi32>
      %add3A_557 = arith.addi %rem3A_543, %add3A_556 : vector<16xi32>
      %select_n3A_558 = arith.select %and3A_555, %add3A_557, %rem3A_543 : vector<16xi1>, vector<16xi32>
      %lt3A_559 = arith.constant 0 : i32
      %lt3A_560 = vector.broadcast %lt3A_559 : i32 to vector<16xi32>
      %lt3A_561 = arith.cmpi slt, %select_n3A_558, %lt3A_560 : vector<16xi32>
      %add3A_562 = arith.constant 16 : i32
      %add3A_563 = vector.broadcast %add3A_562 : i32 to vector<16xi32>
      %add3A_564 = arith.addi %select_n3A_558, %add3A_563 : vector<16xi32>
      %select_n3A_565 = arith.select %lt3A_561, %add3A_564, %select_n3A_558 : vector<16xi1>, vector<16xi32>
      %broadcast_in_dim3A_566 = vector.shape_cast %select_n3A_565 : vector<16xi32> to vector<16x1xi32>
      %gather3A_567 = vector.shape_cast %broadcast_in_dim3A_566 : vector<16x1xi32> to vector<16xi32>
      %gather3A_568 = tpu.dynamic_gather %add3A_533[%gather3A_567] in [0] : vector<16xf32>, vector<16xi32> -> vector<16xf32>
      %add3A_569 = arith.addf %add3A_533, %gather3A_568 : vector<16xf32>
      %add3A_570 = arith.constant 4 : i32
      %add3A_571 = vector.broadcast %add3A_570 : i32 to vector<16xi32>
      %add3A_572 = arith.addi %iota3A, %add3A_571 : vector<16xi32>
      %jit3A_573 = arith.constant 16 : i32
      %eq3A_574 = arith.constant 0 : i32
      %eq3A_575 = arith.cmpi eq, %jit3A_573, %eq3A_574 : i32
      %jit3A_576 = arith.constant 1 : i32
      %select_n3A_577 = arith.select %eq3A_575, %jit3A_576, %jit3A_573 : i32
      %rem3A_578 = vector.broadcast %select_n3A_577 : i32 to vector<16xi32>
      %rem3A_579 = arith.remsi %add3A_572, %rem3A_578 : vector<16xi32>
      %ne3A_580 = arith.constant 0 : i32
      %ne3A_581 = vector.broadcast %ne3A_580 : i32 to vector<16xi32>
      %ne3A_582 = arith.cmpi ne, %rem3A_579, %ne3A_581 : vector<16xi32>
      %lt3A_583 = arith.constant 0 : i32
      %lt3A_584 = vector.broadcast %lt3A_583 : i32 to vector<16xi32>
      %lt3A_585 = arith.cmpi slt, %rem3A_579, %lt3A_584 : vector<16xi32>
      %lt3A_586 = arith.constant 0 : i32
      %lt3A_587 = arith.cmpi slt, %select_n3A_577, %lt3A_586 : i32
      %ne3A_588 = vector.broadcast %lt3A_587 : i1 to vector<16xi1>
      %ne3A_589 = vector.broadcast %ne3A_588 : vector<16xi1> to vector<16xi1>
      %ne3A_590 = arith.xori %lt3A_585, %ne3A_589 : vector<16xi1>
      %and3A_591 = arith.andi %ne3A_590, %ne3A_582 : vector<16xi1>
      %add3A_592 = vector.broadcast %select_n3A_577 : i32 to vector<16xi32>
      %add3A_593 = arith.addi %rem3A_579, %add3A_592 : vector<16xi32>
      %select_n3A_594 = arith.select %and3A_591, %add3A_593, %rem3A_579 : vector<16xi1>, vector<16xi32>
      %lt3A_595 = arith.constant 0 : i32
      %lt3A_596 = vector.broadcast %lt3A_595 : i32 to vector<16xi32>
      %lt3A_597 = arith.cmpi slt, %select_n3A_594, %lt3A_596 : vector<16xi32>
      %add3A_598 = arith.constant 16 : i32
      %add3A_599 = vector.broadcast %add3A_598 : i32 to vector<16xi32>
      %add3A_600 = arith.addi %select_n3A_594, %add3A_599 : vector<16xi32>
      %select_n3A_601 = arith.select %lt3A_597, %add3A_600, %select_n3A_594 : vector<16xi1>, vector<16xi32>
      %broadcast_in_dim3A_602 = vector.shape_cast %select_n3A_601 : vector<16xi32> to vector<16x1xi32>
      %gather3A_603 = vector.shape_cast %broadcast_in_dim3A_602 : vector<16x1xi32> to vector<16xi32>
      %gather3A_604 = tpu.dynamic_gather %add3A_569[%gather3A_603] in [0] : vector<16xf32>, vector<16xi32> -> vector<16xf32>
      %add3A_605 = arith.addf %add3A_569, %gather3A_604 : vector<16xf32>
      %add3A_606 = arith.constant 2 : i32
      %add3A_607 = vector.broadcast %add3A_606 : i32 to vector<16xi32>
      %add3A_608 = arith.addi %iota3A, %add3A_607 : vector<16xi32>
      %jit3A_609 = arith.constant 16 : i32
      %eq3A_610 = arith.constant 0 : i32
      %eq3A_611 = arith.cmpi eq, %jit3A_609, %eq3A_610 : i32
      %jit3A_612 = arith.constant 1 : i32
      %select_n3A_613 = arith.select %eq3A_611, %jit3A_612, %jit3A_609 : i32
      %rem3A_614 = vector.broadcast %select_n3A_613 : i32 to vector<16xi32>
      %rem3A_615 = arith.remsi %add3A_608, %rem3A_614 : vector<16xi32>
      %ne3A_616 = arith.constant 0 : i32
      %ne3A_617 = vector.broadcast %ne3A_616 : i32 to vector<16xi32>
      %ne3A_618 = arith.cmpi ne, %rem3A_615, %ne3A_617 : vector<16xi32>
      %lt3A_619 = arith.constant 0 : i32
      %lt3A_620 = vector.broadcast %lt3A_619 : i32 to vector<16xi32>
      %lt3A_621 = arith.cmpi slt, %rem3A_615, %lt3A_620 : vector<16xi32>
      %lt3A_622 = arith.constant 0 : i32
      %lt3A_623 = arith.cmpi slt, %select_n3A_613, %lt3A_622 : i32
      %ne3A_624 = vector.broadcast %lt3A_623 : i1 to vector<16xi1>
      %ne3A_625 = vector.broadcast %ne3A_624 : vector<16xi1> to vector<16xi1>
      %ne3A_626 = arith.xori %lt3A_621, %ne3A_625 : vector<16xi1>
      %and3A_627 = arith.andi %ne3A_626, %ne3A_618 : vector<16xi1>
      %add3A_628 = vector.broadcast %select_n3A_613 : i32 to vector<16xi32>
      %add3A_629 = arith.addi %rem3A_615, %add3A_628 : vector<16xi32>
      %select_n3A_630 = arith.select %and3A_627, %add3A_629, %rem3A_615 : vector<16xi1>, vector<16xi32>
      %lt3A_631 = arith.constant 0 : i32
      %lt3A_632 = vector.broadcast %lt3A_631 : i32 to vector<16xi32>
      %lt3A_633 = arith.cmpi slt, %select_n3A_630, %lt3A_632 : vector<16xi32>
      %add3A_634 = arith.constant 16 : i32
      %add3A_635 = vector.broadcast %add3A_634 : i32 to vector<16xi32>
      %add3A_636 = arith.addi %select_n3A_630, %add3A_635 : vector<16xi32>
      %select_n3A_637 = arith.select %lt3A_633, %add3A_636, %select_n3A_630 : vector<16xi1>, vector<16xi32>
      %broadcast_in_dim3A_638 = vector.shape_cast %select_n3A_637 : vector<16xi32> to vector<16x1xi32>
      %gather3A_639 = vector.shape_cast %broadcast_in_dim3A_638 : vector<16x1xi32> to vector<16xi32>
      %gather3A_640 = tpu.dynamic_gather %add3A_605[%gather3A_639] in [0] : vector<16xf32>, vector<16xi32> -> vector<16xf32>
      %add3A_641 = arith.addf %add3A_605, %gather3A_640 : vector<16xf32>
      %add3A_642 = arith.constant 1 : i32
      %add3A_643 = vector.broadcast %add3A_642 : i32 to vector<16xi32>
      %add3A_644 = arith.addi %iota3A, %add3A_643 : vector<16xi32>
      %jit3A_645 = arith.constant 16 : i32
      %eq3A_646 = arith.constant 0 : i32
      %eq3A_647 = arith.cmpi eq, %jit3A_645, %eq3A_646 : i32
      %jit3A_648 = arith.constant 1 : i32
      %select_n3A_649 = arith.select %eq3A_647, %jit3A_648, %jit3A_645 : i32
      %rem3A_650 = vector.broadcast %select_n3A_649 : i32 to vector<16xi32>
      %rem3A_651 = arith.remsi %add3A_644, %rem3A_650 : vector<16xi32>
      %ne3A_652 = arith.constant 0 : i32
      %ne3A_653 = vector.broadcast %ne3A_652 : i32 to vector<16xi32>
      %ne3A_654 = arith.cmpi ne, %rem3A_651, %ne3A_653 : vector<16xi32>
      %lt3A_655 = arith.constant 0 : i32
      %lt3A_656 = vector.broadcast %lt3A_655 : i32 to vector<16xi32>
      %lt3A_657 = arith.cmpi slt, %rem3A_651, %lt3A_656 : vector<16xi32>
      %lt3A_658 = arith.constant 0 : i32
      %lt3A_659 = arith.cmpi slt, %select_n3A_649, %lt3A_658 : i32
      %ne3A_660 = vector.broadcast %lt3A_659 : i1 to vector<16xi1>
      %ne3A_661 = vector.broadcast %ne3A_660 : vector<16xi1> to vector<16xi1>
      %ne3A_662 = arith.xori %lt3A_657, %ne3A_661 : vector<16xi1>
      %and3A_663 = arith.andi %ne3A_662, %ne3A_654 : vector<16xi1>
      %add3A_664 = vector.broadcast %select_n3A_649 : i32 to vector<16xi32>
      %add3A_665 = arith.addi %rem3A_651, %add3A_664 : vector<16xi32>
      %select_n3A_666 = arith.select %and3A_663, %add3A_665, %rem3A_651 : vector<16xi1>, vector<16xi32>
      %lt3A_667 = arith.constant 0 : i32
      %lt3A_668 = vector.broadcast %lt3A_667 : i32 to vector<16xi32>
      %lt3A_669 = arith.cmpi slt, %select_n3A_666, %lt3A_668 : vector<16xi32>
      %add3A_670 = arith.constant 16 : i32
      %add3A_671 = vector.broadcast %add3A_670 : i32 to vector<16xi32>
      %add3A_672 = arith.addi %select_n3A_666, %add3A_671 : vector<16xi32>
      %select_n3A_673 = arith.select %lt3A_669, %add3A_672, %select_n3A_666 : vector<16xi1>, vector<16xi32>
      %broadcast_in_dim3A_674 = vector.shape_cast %select_n3A_673 : vector<16xi32> to vector<16x1xi32>
      %gather3A_675 = vector.shape_cast %broadcast_in_dim3A_674 : vector<16x1xi32> to vector<16xi32>
      %gather3A_676 = tpu.dynamic_gather %add3A_641[%gather3A_675] in [0] : vector<16xf32>, vector<16xi32> -> vector<16xf32>
      %add3A_677 = arith.addf %add3A_641, %gather3A_676 : vector<16xf32>
      %eq3A_678 = arith.constant 1 : i32
      %eq3A_679 = vector.broadcast %eq3A_678 : i32 to vector<16xi32>
      %eq3A_680 = arith.cmpi eq, %iota3A, %eq3A_679 : vector<16xi32>
      %select_n3A_681 = arith.select %eq3A_680, %add3A_677, %select_n3A_487 : vector<16xi1>, vector<16xf32>
      %mul3A_682 = arith.constant 16 : i32
      %mul3A_683 = arith.muli %scan3A_300, %mul3A_682 : i32
      %add3A_684 = arith.constant 2 : i32
      %add3A_685 = arith.addi %mul3A_683, %add3A_684 : i32
      %broadcast_in_dim3A_686 = arith.constant 0.000000e+00 : f32
      %broadcast_in_dim3A_687 = vector.broadcast %broadcast_in_dim3A_686 : f32 to vector<16xf32>
      %get3A_688 = arith.index_cast %add3A_685 : i32 to index
      %get3A_689 = arith.constant 0 : index
      %get3A_690 = tpu.vector_load %arg12[%get3A_688, %get3A_689] {strides = array<i32>} : memref<512x64xf32, #tpu.memory_space<vmem>>, vector<1x16xf32>,
      %get3A_691 = vector.shape_cast %get3A_690 : vector<1x16xf32> to vector<16xf32>
      %get3A_692 = arith.index_cast %add3A_685 : i32 to index
      %get3A_693 = arith.constant 0 : index
      %get3A_694 = tpu.vector_load %arg13[%get3A_692, %get3A_693] {strides = array<i32>} : memref<512x64xf32, #tpu.memory_space<vmem>>, vector<1x16xf32>,
      %get3A_695 = vector.shape_cast %get3A_694 : vector<1x16xf32> to vector<16xf32>
      %mul3A_696 = arith.mulf %get3A_691, %get3A_695 : vector<16xf32>
      %add3A_697 = arith.addf %broadcast_in_dim3A_687, %mul3A_696 : vector<16xf32>
      %get3A_698 = arith.index_cast %add3A_685 : i32 to index
      %get3A_699 = arith.constant 16 : index
      %get3A_700 = tpu.vector_load %arg12[%get3A_698, %get3A_699] {strides = array<i32>} : memref<512x64xf32, #tpu.memory_space<vmem>>, vector<1x16xf32>,
      %get3A_701 = vector.shape_cast %get3A_700 : vector<1x16xf32> to vector<16xf32>
      %get3A_702 = arith.index_cast %add3A_685 : i32 to index
      %get3A_703 = arith.constant 16 : index
      %get3A_704 = tpu.vector_load %arg13[%get3A_702, %get3A_703] {strides = array<i32>} : memref<512x64xf32, #tpu.memory_space<vmem>>, vector<1x16xf32>,
      %get3A_705 = vector.shape_cast %get3A_704 : vector<1x16xf32> to vector<16xf32>
      %mul3A_706 = arith.mulf %get3A_701, %get3A_705 : vector<16xf32>
      %add3A_707 = arith.addf %add3A_697, %mul3A_706 : vector<16xf32>
      %get3A_708 = arith.index_cast %add3A_685 : i32 to index
      %get3A_709 = arith.constant 32 : index
      %get3A_710 = tpu.vector_load %arg12[%get3A_708, %get3A_709] {strides = array<i32>} : memref<512x64xf32, #tpu.memory_space<vmem>>, vector<1x16xf32>,
      %get3A_711 = vector.shape_cast %get3A_710 : vector<1x16xf32> to vector<16xf32>
      %get3A_712 = arith.index_cast %add3A_685 : i32 to index
      %get3A_713 = arith.constant 32 : index
      %get3A_714 = tpu.vector_load %arg13[%get3A_712, %get3A_713] {strides = array<i32>} : memref<512x64xf32, #tpu.memory_space<vmem>>, vector<1x16xf32>,
      %get3A_715 = vector.shape_cast %get3A_714 : vector<1x16xf32> to vector<16xf32>
      %mul3A_716 = arith.mulf %get3A_711, %get3A_715 : vector<16xf32>
      %add3A_717 = arith.addf %add3A_707, %mul3A_716 : vector<16xf32>
      %get3A_718 = arith.index_cast %add3A_685 : i32 to index
      %get3A_719 = arith.constant 48 : index
      %get3A_720 = tpu.vector_load %arg12[%get3A_718, %get3A_719] {strides = array<i32>} : memref<512x64xf32, #tpu.memory_space<vmem>>, vector<1x16xf32>,
      %get3A_721 = vector.shape_cast %get3A_720 : vector<1x16xf32> to vector<16xf32>
      %get3A_722 = arith.index_cast %add3A_685 : i32 to index
      %get3A_723 = arith.constant 48 : index
      %get3A_724 = tpu.vector_load %arg13[%get3A_722, %get3A_723] {strides = array<i32>} : memref<512x64xf32, #tpu.memory_space<vmem>>, vector<1x16xf32>,
      %get3A_725 = vector.shape_cast %get3A_724 : vector<1x16xf32> to vector<16xf32>
      %mul3A_726 = arith.mulf %get3A_721, %get3A_725 : vector<16xf32>
      %add3A_727 = arith.addf %add3A_717, %mul3A_726 : vector<16xf32>
      %add3A_728 = arith.constant 8 : i32
      %add3A_729 = vector.broadcast %add3A_728 : i32 to vector<16xi32>
      %add3A_730 = arith.addi %iota3A, %add3A_729 : vector<16xi32>
      %jit3A_731 = arith.constant 16 : i32
      %eq3A_732 = arith.constant 0 : i32
      %eq3A_733 = arith.cmpi eq, %jit3A_731, %eq3A_732 : i32
      %jit3A_734 = arith.constant 1 : i32
      %select_n3A_735 = arith.select %eq3A_733, %jit3A_734, %jit3A_731 : i32
      %rem3A_736 = vector.broadcast %select_n3A_735 : i32 to vector<16xi32>
      %rem3A_737 = arith.remsi %add3A_730, %rem3A_736 : vector<16xi32>
      %ne3A_738 = arith.constant 0 : i32
      %ne3A_739 = vector.broadcast %ne3A_738 : i32 to vector<16xi32>
      %ne3A_740 = arith.cmpi ne, %rem3A_737, %ne3A_739 : vector<16xi32>
      %lt3A_741 = arith.constant 0 : i32
      %lt3A_742 = vector.broadcast %lt3A_741 : i32 to vector<16xi32>
      %lt3A_743 = arith.cmpi slt, %rem3A_737, %lt3A_742 : vector<16xi32>
      %lt3A_744 = arith.constant 0 : i32
      %lt3A_745 = arith.cmpi slt, %select_n3A_735, %lt3A_744 : i32
      %ne3A_746 = vector.broadcast %lt3A_745 : i1 to vector<16xi1>
      %ne3A_747 = vector.broadcast %ne3A_746 : vector<16xi1> to vector<16xi1>
      %ne3A_748 = arith.xori %lt3A_743, %ne3A_747 : vector<16xi1>
      %and3A_749 = arith.andi %ne3A_748, %ne3A_740 : vector<16xi1>
      %add3A_750 = vector.broadcast %select_n3A_735 : i32 to vector<16xi32>
      %add3A_751 = arith.addi %rem3A_737, %add3A_750 : vector<16xi32>
      %select_n3A_752 = arith.select %and3A_749, %add3A_751, %rem3A_737 : vector<16xi1>, vector<16xi32>
      %lt3A_753 = arith.constant 0 : i32
      %lt3A_754 = vector.broadcast %lt3A_753 : i32 to vector<16xi32>
      %lt3A_755 = arith.cmpi slt, %select_n3A_752, %lt3A_754 : vector<16xi32>
      %add3A_756 = arith.constant 16 : i32
      %add3A_757 = vector.broadcast %add3A_756 : i32 to vector<16xi32>
      %add3A_758 = arith.addi %select_n3A_752, %add3A_757 : vector<16xi32>
      %select_n3A_759 = arith.select %lt3A_755, %add3A_758, %select_n3A_752 : vector<16xi1>, vector<16xi32>
      %broadcast_in_dim3A_760 = vector.shape_cast %select_n3A_759 : vector<16xi32> to vector<16x1xi32>
      %gather3A_761 = vector.shape_cast %broadcast_in_dim3A_760 : vector<16x1xi32> to vector<16xi32>
      %gather3A_762 = tpu.dynamic_gather %add3A_727[%gather3A_761] in [0] : vector<16xf32>, vector<16xi32> -> vector<16xf32>
      %add3A_763 = arith.addf %add3A_727, %gather3A_762 : vector<16xf32>
      %add3A_764 = arith.constant 4 : i32
      %add3A_765 = vector.broadcast %add3A_764 : i32 to vector<16xi32>
      %add3A_766 = arith.addi %iota3A, %add3A_765 : vector<16xi32>
      %jit3A_767 = arith.constant 16 : i32
      %eq3A_768 = arith.constant 0 : i32
      %eq3A_769 = arith.cmpi eq, %jit3A_767, %eq3A_768 : i32
      %jit3A_770 = arith.constant 1 : i32
      %select_n3A_771 = arith.select %eq3A_769, %jit3A_770, %jit3A_767 : i32
      %rem3A_772 = vector.broadcast %select_n3A_771 : i32 to vector<16xi32>
      %rem3A_773 = arith.remsi %add3A_766, %rem3A_772 : vector<16xi32>
      %ne3A_774 = arith.constant 0 : i32
      %ne3A_775 = vector.broadcast %ne3A_774 : i32 to vector<16xi32>
      %ne3A_776 = arith.cmpi ne, %rem3A_773, %ne3A_775 : vector<16xi32>
      %lt3A_777 = arith.constant 0 : i32
      %lt3A_778 = vector.broadcast %lt3A_777 : i32 to vector<16xi32>
      %lt3A_779 = arith.cmpi slt, %rem3A_773, %lt3A_778 : vector<16xi32>
      %lt3A_780 = arith.constant 0 : i32
      %lt3A_781 = arith.cmpi slt, %select_n3A_771, %lt3A_780 : i32
      %ne3A_782 = vector.broadcast %lt3A_781 : i1 to vector<16xi1>
      %ne3A_783 = vector.broadcast %ne3A_782 : vector<16xi1> to vector<16xi1>
      %ne3A_784 = arith.xori %lt3A_779, %ne3A_783 : vector<16xi1>
      %and3A_785 = arith.andi %ne3A_784, %ne3A_776 : vector<16xi1>
      %add3A_786 = vector.broadcast %select_n3A_771 : i32 to vector<16xi32>
      %add3A_787 = arith.addi %rem3A_773, %add3A_786 : vector<16xi32>
      %select_n3A_788 = arith.select %and3A_785, %add3A_787, %rem3A_773 : vector<16xi1>, vector<16xi32>
      %lt3A_789 = arith.constant 0 : i32
      %lt3A_790 = vector.broadcast %lt3A_789 : i32 to vector<16xi32>
      %lt3A_791 = arith.cmpi slt, %select_n3A_788, %lt3A_790 : vector<16xi32>
      %add3A_792 = arith.constant 16 : i32
      %add3A_793 = vector.broadcast %add3A_792 : i32 to vector<16xi32>
      %add3A_794 = arith.addi %select_n3A_788, %add3A_793 : vector<16xi32>
      %select_n3A_795 = arith.select %lt3A_791, %add3A_794, %select_n3A_788 : vector<16xi1>, vector<16xi32>
      %broadcast_in_dim3A_796 = vector.shape_cast %select_n3A_795 : vector<16xi32> to vector<16x1xi32>
      %gather3A_797 = vector.shape_cast %broadcast_in_dim3A_796 : vector<16x1xi32> to vector<16xi32>
      %gather3A_798 = tpu.dynamic_gather %add3A_763[%gather3A_797] in [0] : vector<16xf32>, vector<16xi32> -> vector<16xf32>
      %add3A_799 = arith.addf %add3A_763, %gather3A_798 : vector<16xf32>
      %add3A_800 = arith.constant 2 : i32
      %add3A_801 = vector.broadcast %add3A_800 : i32 to vector<16xi32>
      %add3A_802 = arith.addi %iota3A, %add3A_801 : vector<16xi32>
      %jit3A_803 = arith.constant 16 : i32
      %eq3A_804 = arith.constant 0 : i32
      %eq3A_805 = arith.cmpi eq, %jit3A_803, %eq3A_804 : i32
      %jit3A_806 = arith.constant 1 : i32
      %select_n3A_807 = arith.select %eq3A_805, %jit3A_806, %jit3A_803 : i32
      %rem3A_808 = vector.broadcast %select_n3A_807 : i32 to vector<16xi32>
      %rem3A_809 = arith.remsi %add3A_802, %rem3A_808 : vector<16xi32>
      %ne3A_810 = arith.constant 0 : i32
      %ne3A_811 = vector.broadcast %ne3A_810 : i32 to vector<16xi32>
      %ne3A_812 = arith.cmpi ne, %rem3A_809, %ne3A_811 : vector<16xi32>
      %lt3A_813 = arith.constant 0 : i32
      %lt3A_814 = vector.broadcast %lt3A_813 : i32 to vector<16xi32>
      %lt3A_815 = arith.cmpi slt, %rem3A_809, %lt3A_814 : vector<16xi32>
      %lt3A_816 = arith.constant 0 : i32
      %lt3A_817 = arith.cmpi slt, %select_n3A_807, %lt3A_816 : i32
      %ne3A_818 = vector.broadcast %lt3A_817 : i1 to vector<16xi1>
      %ne3A_819 = vector.broadcast %ne3A_818 : vector<16xi1> to vector<16xi1>
      %ne3A_820 = arith.xori %lt3A_815, %ne3A_819 : vector<16xi1>
      %and3A_821 = arith.andi %ne3A_820, %ne3A_812 : vector<16xi1>
      %add3A_822 = vector.broadcast %select_n3A_807 : i32 to vector<16xi32>
      %add3A_823 = arith.addi %rem3A_809, %add3A_822 : vector<16xi32>
      %select_n3A_824 = arith.select %and3A_821, %add3A_823, %rem3A_809 : vector<16xi1>, vector<16xi32>
      %lt3A_825 = arith.constant 0 : i32
      %lt3A_826 = vector.broadcast %lt3A_825 : i32 to vector<16xi32>
      %lt3A_827 = arith.cmpi slt, %select_n3A_824, %lt3A_826 : vector<16xi32>
      %add3A_828 = arith.constant 16 : i32
      %add3A_829 = vector.broadcast %add3A_828 : i32 to vector<16xi32>
      %add3A_830 = arith.addi %select_n3A_824, %add3A_829 : vector<16xi32>
      %select_n3A_831 = arith.select %lt3A_827, %add3A_830, %select_n3A_824 : vector<16xi1>, vector<16xi32>
      %broadcast_in_dim3A_832 = vector.shape_cast %select_n3A_831 : vector<16xi32> to vector<16x1xi32>
      %gather3A_833 = vector.shape_cast %broadcast_in_dim3A_832 : vector<16x1xi32> to vector<16xi32>
      %gather3A_834 = tpu.dynamic_gather %add3A_799[%gather3A_833] in [0] : vector<16xf32>, vector<16xi32> -> vector<16xf32>
      %add3A_835 = arith.addf %add3A_799, %gather3A_834 : vector<16xf32>
      %add3A_836 = arith.constant 1 : i32
      %add3A_837 = vector.broadcast %add3A_836 : i32 to vector<16xi32>
      %add3A_838 = arith.addi %iota3A, %add3A_837 : vector<16xi32>
      %jit3A_839 = arith.constant 16 : i32
      %eq3A_840 = arith.constant 0 : i32
      %eq3A_841 = arith.cmpi eq, %jit3A_839, %eq3A_840 : i32
      %jit3A_842 = arith.constant 1 : i32
      %select_n3A_843 = arith.select %eq3A_841, %jit3A_842, %jit3A_839 : i32
      %rem3A_844 = vector.broadcast %select_n3A_843 : i32 to vector<16xi32>
      %rem3A_845 = arith.remsi %add3A_838, %rem3A_844 : vector<16xi32>
      %ne3A_846 = arith.constant 0 : i32
      %ne3A_847 = vector.broadcast %ne3A_846 : i32 to vector<16xi32>
      %ne3A_848 = arith.cmpi ne, %rem3A_845, %ne3A_847 : vector<16xi32>
      %lt3A_849 = arith.constant 0 : i32
      %lt3A_850 = vector.broadcast %lt3A_849 : i32 to vector<16xi32>
      %lt3A_851 = arith.cmpi slt, %rem3A_845, %lt3A_850 : vector<16xi32>
      %lt3A_852 = arith.constant 0 : i32
      %lt3A_853 = arith.cmpi slt, %select_n3A_843, %lt3A_852 : i32
      %ne3A_854 = vector.broadcast %lt3A_853 : i1 to vector<16xi1>
      %ne3A_855 = vector.broadcast %ne3A_854 : vector<16xi1> to vector<16xi1>
      %ne3A_856 = arith.xori %lt3A_851, %ne3A_855 : vector<16xi1>
      %and3A_857 = arith.andi %ne3A_856, %ne3A_848 : vector<16xi1>
      %add3A_858 = vector.broadcast %select_n3A_843 : i32 to vector<16xi32>
      %add3A_859 = arith.addi %rem3A_845, %add3A_858 : vector<16xi32>
      %select_n3A_860 = arith.select %and3A_857, %add3A_859, %rem3A_845 : vector<16xi1>, vector<16xi32>
      %lt3A_861 = arith.constant 0 : i32
      %lt3A_862 = vector.broadcast %lt3A_861 : i32 to vector<16xi32>
      %lt3A_863 = arith.cmpi slt, %select_n3A_860, %lt3A_862 : vector<16xi32>
      %add3A_864 = arith.constant 16 : i32
      %add3A_865 = vector.broadcast %add3A_864 : i32 to vector<16xi32>
      %add3A_866 = arith.addi %select_n3A_860, %add3A_865 : vector<16xi32>
      %select_n3A_867 = arith.select %lt3A_863, %add3A_866, %select_n3A_860 : vector<16xi1>, vector<16xi32>
      %broadcast_in_dim3A_868 = vector.shape_cast %select_n3A_867 : vector<16xi32> to vector<16x1xi32>
      %gather3A_869 = vector.shape_cast %broadcast_in_dim3A_868 : vector<16x1xi32> to vector<16xi32>
      %gather3A_870 = tpu.dynamic_gather %add3A_835[%gather3A_869] in [0] : vector<16xf32>, vector<16xi32> -> vector<16xf32>
      %add3A_871 = arith.addf %add3A_835, %gather3A_870 : vector<16xf32>
      %eq3A_872 = arith.constant 2 : i32
      %eq3A_873 = vector.broadcast %eq3A_872 : i32 to vector<16xi32>
      %eq3A_874 = arith.cmpi eq, %iota3A, %eq3A_873 : vector<16xi32>
      %select_n3A_875 = arith.select %eq3A_874, %add3A_871, %select_n3A_681 : vector<16xi1>, vector<16xf32>
      %mul3A_876 = arith.constant 16 : i32
      %mul3A_877 = arith.muli %scan3A_300, %mul3A_876 : i32
      %add3A_878 = arith.constant 3 : i32
      %add3A_879 = arith.addi %mul3A_877, %add3A_878 : i32
      %broadcast_in_dim3A_880 = arith.constant 0.000000e+00 : f32
      %broadcast_in_dim3A_881 = vector.broadcast %broadcast_in_dim3A_880 : f32 to vector<16xf32>
      %get3A_882 = arith.index_cast %add3A_879 : i32 to index
      %get3A_883 = arith.constant 0 : index
      %get3A_884 = tpu.vector_load %arg12[%get3A_882, %get3A_883] {strides = array<i32>} : memref<512x64xf32, #tpu.memory_space<vmem>>, vector<1x16xf32>,
      %get3A_885 = vector.shape_cast %get3A_884 : vector<1x16xf32> to vector<16xf32>
      %get3A_886 = arith.index_cast %add3A_879 : i32 to index
      %get3A_887 = arith.constant 0 : index
      %get3A_888 = tpu.vector_load %arg13[%get3A_886, %get3A_887] {strides = array<i32>} : memref<512x64xf32, #tpu.memory_space<vmem>>, vector<1x16xf32>,
      %get3A_889 = vector.shape_cast %get3A_888 : vector<1x16xf32> to vector<16xf32>
      %mul3A_890 = arith.mulf %get3A_885, %get3A_889 : vector<16xf32>
      %add3A_891 = arith.addf %broadcast_in_dim3A_881, %mul3A_890 : vector<16xf32>
      %get3A_892 = arith.index_cast %add3A_879 : i32 to index
      %get3A_893 = arith.constant 16 : index
      %get3A_894 = tpu.vector_load %arg12[%get3A_892, %get3A_893] {strides = array<i32>} : memref<512x64xf32, #tpu.memory_space<vmem>>, vector<1x16xf32>,
      %get3A_895 = vector.shape_cast %get3A_894 : vector<1x16xf32> to vector<16xf32>
      %get3A_896 = arith.index_cast %add3A_879 : i32 to index
      %get3A_897 = arith.constant 16 : index
      %get3A_898 = tpu.vector_load %arg13[%get3A_896, %get3A_897] {strides = array<i32>} : memref<512x64xf32, #tpu.memory_space<vmem>>, vector<1x16xf32>,
      %get3A_899 = vector.shape_cast %get3A_898 : vector<1x16xf32> to vector<16xf32>
      %mul3A_900 = arith.mulf %get3A_895, %get3A_899 : vector<16xf32>
      %add3A_901 = arith.addf %add3A_891, %mul3A_900 : vector<16xf32>
      %get3A_902 = arith.index_cast %add3A_879 : i32 to index
      %get3A_903 = arith.constant 32 : index
      %get3A_904 = tpu.vector_load %arg12[%get3A_902, %get3A_903] {strides = array<i32>} : memref<512x64xf32, #tpu.memory_space<vmem>>, vector<1x16xf32>,
      %get3A_905 = vector.shape_cast %get3A_904 : vector<1x16xf32> to vector<16xf32>
      %get3A_906 = arith.index_cast %add3A_879 : i32 to index
      %get3A_907 = arith.constant 32 : index
      %get3A_908 = tpu.vector_load %arg13[%get3A_906, %get3A_907] {strides = array<i32>} : memref<512x64xf32, #tpu.memory_space<vmem>>, vector<1x16xf32>,
      %get3A_909 = vector.shape_cast %get3A_908 : vector<1x16xf32> to vector<16xf32>
      %mul3A_910 = arith.mulf %get3A_905, %get3A_909 : vector<16xf32>
      %add3A_911 = arith.addf %add3A_901, %mul3A_910 : vector<16xf32>
      %get3A_912 = arith.index_cast %add3A_879 : i32 to index
      %get3A_913 = arith.constant 48 : index
      %get3A_914 = tpu.vector_load %arg12[%get3A_912, %get3A_913] {strides = array<i32>} : memref<512x64xf32, #tpu.memory_space<vmem>>, vector<1x16xf32>,
      %get3A_915 = vector.shape_cast %get3A_914 : vector<1x16xf32> to vector<16xf32>
      %get3A_916 = arith.index_cast %add3A_879 : i32 to index
      %get3A_917 = arith.constant 48 : index
      %get3A_918 = tpu.vector_load %arg13[%get3A_916, %get3A_917] {strides = array<i32>} : memref<512x64xf32, #tpu.memory_space<vmem>>, vector<1x16xf32>,
      %get3A_919 = vector.shape_cast %get3A_918 : vector<1x16xf32> to vector<16xf32>
      %mul3A_920 = arith.mulf %get3A_915, %get3A_919 : vector<16xf32>
      %add3A_921 = arith.addf %add3A_911, %mul3A_920 : vector<16xf32>
      %add3A_922 = arith.constant 8 : i32
      %add3A_923 = vector.broadcast %add3A_922 : i32 to vector<16xi32>
      %add3A_924 = arith.addi %iota3A, %add3A_923 : vector<16xi32>
      %jit3A_925 = arith.constant 16 : i32
      %eq3A_926 = arith.constant 0 : i32
      %eq3A_927 = arith.cmpi eq, %jit3A_925, %eq3A_926 : i32
      %jit3A_928 = arith.constant 1 : i32
      %select_n3A_929 = arith.select %eq3A_927, %jit3A_928, %jit3A_925 : i32
      %rem3A_930 = vector.broadcast %select_n3A_929 : i32 to vector<16xi32>
      %rem3A_931 = arith.remsi %add3A_924, %rem3A_930 : vector<16xi32>
      %ne3A_932 = arith.constant 0 : i32
      %ne3A_933 = vector.broadcast %ne3A_932 : i32 to vector<16xi32>
      %ne3A_934 = arith.cmpi ne, %rem3A_931, %ne3A_933 : vector<16xi32>
      %lt3A_935 = arith.constant 0 : i32
      %lt3A_936 = vector.broadcast %lt3A_935 : i32 to vector<16xi32>
      %lt3A_937 = arith.cmpi slt, %rem3A_931, %lt3A_936 : vector<16xi32>
      %lt3A_938 = arith.constant 0 : i32
      %lt3A_939 = arith.cmpi slt, %select_n3A_929, %lt3A_938 : i32
      %ne3A_940 = vector.broadcast %lt3A_939 : i1 to vector<16xi1>
      %ne3A_941 = vector.broadcast %ne3A_940 : vector<16xi1> to vector<16xi1>
      %ne3A_942 = arith.xori %lt3A_937, %ne3A_941 : vector<16xi1>
      %and3A_943 = arith.andi %ne3A_942, %ne3A_934 : vector<16xi1>
      %add3A_944 = vector.broadcast %select_n3A_929 : i32 to vector<16xi32>
      %add3A_945 = arith.addi %rem3A_931, %add3A_944 : vector<16xi32>
      %select_n3A_946 = arith.select %and3A_943, %add3A_945, %rem3A_931 : vector<16xi1>, vector<16xi32>
      %lt3A_947 = arith.constant 0 : i32
      %lt3A_948 = vector.broadcast %lt3A_947 : i32 to vector<16xi32>
      %lt3A_949 = arith.cmpi slt, %select_n3A_946, %lt3A_948 : vector<16xi32>
      %add3A_950 = arith.constant 16 : i32
      %add3A_951 = vector.broadcast %add3A_950 : i32 to vector<16xi32>
      %add3A_952 = arith.addi %select_n3A_946, %add3A_951 : vector<16xi32>
      %select_n3A_953 = arith.select %lt3A_949, %add3A_952, %select_n3A_946 : vector<16xi1>, vector<16xi32>
      %broadcast_in_dim3A_954 = vector.shape_cast %select_n3A_953 : vector<16xi32> to vector<16x1xi32>
      %gather3A_955 = vector.shape_cast %broadcast_in_dim3A_954 : vector<16x1xi32> to vector<16xi32>
      %gather3A_956 = tpu.dynamic_gather %add3A_921[%gather3A_955] in [0] : vector<16xf32>, vector<16xi32> -> vector<16xf32>
      %add3A_957 = arith.addf %add3A_921, %gather3A_956 : vector<16xf32>
      %add3A_958 = arith.constant 4 : i32
      %add3A_959 = vector.broadcast %add3A_958 : i32 to vector<16xi32>
      %add3A_960 = arith.addi %iota3A, %add3A_959 : vector<16xi32>
      %jit3A_961 = arith.constant 16 : i32
      %eq3A_962 = arith.constant 0 : i32
      %eq3A_963 = arith.cmpi eq, %jit3A_961, %eq3A_962 : i32
      %jit3A_964 = arith.constant 1 : i32
      %select_n3A_965 = arith.select %eq3A_963, %jit3A_964, %jit3A_961 : i32
      %rem3A_966 = vector.broadcast %select_n3A_965 : i32 to vector<16xi32>
      %rem3A_967 = arith.remsi %add3A_960, %rem3A_966 : vector<16xi32>
      %ne3A_968 = arith.constant 0 : i32
      %ne3A_969 = vector.broadcast %ne3A_968 : i32 to vector<16xi32>
      %ne3A_970 = arith.cmpi ne, %rem3A_967, %ne3A_969 : vector<16xi32>
      %lt3A_971 = arith.constant 0 : i32
      %lt3A_972 = vector.broadcast %lt3A_971 : i32 to vector<16xi32>
      %lt3A_973 = arith.cmpi slt, %rem3A_967, %lt3A_972 : vector<16xi32>
      %lt3A_974 = arith.constant 0 : i32
      %lt3A_975 = arith.cmpi slt, %select_n3A_965, %lt3A_974 : i32
      %ne3A_976 = vector.broadcast %lt3A_975 : i1 to vector<16xi1>
      %ne3A_977 = vector.broadcast %ne3A_976 : vector<16xi1> to vector<16xi1>
      %ne3A_978 = arith.xori %lt3A_973, %ne3A_977 : vector<16xi1>
      %and3A_979 = arith.andi %ne3A_978, %ne3A_970 : vector<16xi1>
      %add3A_980 = vector.broadcast %select_n3A_965 : i32 to vector<16xi32>
      %add3A_981 = arith.addi %rem3A_967, %add3A_980 : vector<16xi32>
      %select_n3A_982 = arith.select %and3A_979, %add3A_981, %rem3A_967 : vector<16xi1>, vector<16xi32>
      %lt3A_983 = arith.constant 0 : i32
      %lt3A_984 = vector.broadcast %lt3A_983 : i32 to vector<16xi32>
      %lt3A_985 = arith.cmpi slt, %select_n3A_982, %lt3A_984 : vector<16xi32>
      %add3A_986 = arith.constant 16 : i32
      %add3A_987 = vector.broadcast %add3A_986 : i32 to vector<16xi32>
      %add3A_988 = arith.addi %select_n3A_982, %add3A_987 : vector<16xi32>
      %select_n3A_989 = arith.select %lt3A_985, %add3A_988, %select_n3A_982 : vector<16xi1>, vector<16xi32>
      %broadcast_in_dim3A_990 = vector.shape_cast %select_n3A_989 : vector<16xi32> to vector<16x1xi32>
      %gather3A_991 = vector.shape_cast %broadcast_in_dim3A_990 : vector<16x1xi32> to vector<16xi32>
      %gather3A_992 = tpu.dynamic_gather %add3A_957[%gather3A_991] in [0] : vector<16xf32>, vector<16xi32> -> vector<16xf32>
      %add3A_993 = arith.addf %add3A_957, %gather3A_992 : vector<16xf32>
      %add3A_994 = arith.constant 2 : i32
      %add3A_995 = vector.broadcast %add3A_994 : i32 to vector<16xi32>
      %add3A_996 = arith.addi %iota3A, %add3A_995 : vector<16xi32>
      %jit3A_997 = arith.constant 16 : i32
      %eq3A_998 = arith.constant 0 : i32
      %eq3A_999 = arith.cmpi eq, %jit3A_997, %eq3A_998 : i32
      %jit3A_1000 = arith.constant 1 : i32
      %select_n3A_1001 = arith.select %eq3A_999, %jit3A_1000, %jit3A_997 : i32
      %rem3A_1002 = vector.broadcast %select_n3A_1001 : i32 to vector<16xi32>
      %rem3A_1003 = arith.remsi %add3A_996, %rem3A_1002 : vector<16xi32>
      %ne3A_1004 = arith.constant 0 : i32
      %ne3A_1005 = vector.broadcast %ne3A_1004 : i32 to vector<16xi32>
      %ne3A_1006 = arith.cmpi ne, %rem3A_1003, %ne3A_1005 : vector<16xi32>
      %lt3A_1007 = arith.constant 0 : i32
      %lt3A_1008 = vector.broadcast %lt3A_1007 : i32 to vector<16xi32>
      %lt3A_1009 = arith.cmpi slt, %rem3A_1003, %lt3A_1008 : vector<16xi32>
      %lt3A_1010 = arith.constant 0 : i32
      %lt3A_1011 = arith.cmpi slt, %select_n3A_1001, %lt3A_1010 : i32
      %ne3A_1012 = vector.broadcast %lt3A_1011 : i1 to vector<16xi1>
      %ne3A_1013 = vector.broadcast %ne3A_1012 : vector<16xi1> to vector<16xi1>
      %ne3A_1014 = arith.xori %lt3A_1009, %ne3A_1013 : vector<16xi1>
      %and3A_1015 = arith.andi %ne3A_1014, %ne3A_1006 : vector<16xi1>
      %add3A_1016 = vector.broadcast %select_n3A_1001 : i32 to vector<16xi32>
      %add3A_1017 = arith.addi %rem3A_1003, %add3A_1016 : vector<16xi32>
      %select_n3A_1018 = arith.select %and3A_1015, %add3A_1017, %rem3A_1003 : vector<16xi1>, vector<16xi32>
      %lt3A_1019 = arith.constant 0 : i32
      %lt3A_1020 = vector.broadcast %lt3A_1019 : i32 to vector<16xi32>
      %lt3A_1021 = arith.cmpi slt, %select_n3A_1018, %lt3A_1020 : vector<16xi32>
      %add3A_1022 = arith.constant 16 : i32
      %add3A_1023 = vector.broadcast %add3A_1022 : i32 to vector<16xi32>
      %add3A_1024 = arith.addi %select_n3A_1018, %add3A_1023 : vector<16xi32>
      %select_n3A_1025 = arith.select %lt3A_1021, %add3A_1024, %select_n3A_1018 : vector<16xi1>, vector<16xi32>
      %broadcast_in_dim3A_1026 = vector.shape_cast %select_n3A_1025 : vector<16xi32> to vector<16x1xi32>
      %gather3A_1027 = vector.shape_cast %broadcast_in_dim3A_1026 : vector<16x1xi32> to vector<16xi32>
      %gather3A_1028 = tpu.dynamic_gather %add3A_993[%gather3A_1027] in [0] : vector<16xf32>, vector<16xi32> -> vector<16xf32>
      %add3A_1029 = arith.addf %add3A_993, %gather3A_1028 : vector<16xf32>
      %add3A_1030 = arith.constant 1 : i32
      %add3A_1031 = vector.broadcast %add3A_1030 : i32 to vector<16xi32>
      %add3A_1032 = arith.addi %iota3A, %add3A_1031 : vector<16xi32>
      %jit3A_1033 = arith.constant 16 : i32
      %eq3A_1034 = arith.constant 0 : i32
      %eq3A_1035 = arith.cmpi eq, %jit3A_1033, %eq3A_1034 : i32
      %jit3A_1036 = arith.constant 1 : i32
      %select_n3A_1037 = arith.select %eq3A_1035, %jit3A_1036, %jit3A_1033 : i32
      %rem3A_1038 = vector.broadcast %select_n3A_1037 : i32 to vector<16xi32>
      %rem3A_1039 = arith.remsi %add3A_1032, %rem3A_1038 : vector<16xi32>
      %ne3A_1040 = arith.constant 0 : i32
      %ne3A_1041 = vector.broadcast %ne3A_1040 : i32 to vector<16xi32>
      %ne3A_1042 = arith.cmpi ne, %rem3A_1039, %ne3A_1041 : vector<16xi32>
      %lt3A_1043 = arith.constant 0 : i32
      %lt3A_1044 = vector.broadcast %lt3A_1043 : i32 to vector<16xi32>
      %lt3A_1045 = arith.cmpi slt, %rem3A_1039, %lt3A_1044 : vector<16xi32>
      %lt3A_1046 = arith.constant 0 : i32
      %lt3A_1047 = arith.cmpi slt, %select_n3A_1037, %lt3A_1046 : i32
      %ne3A_1048 = vector.broadcast %lt3A_1047 : i1 to vector<16xi1>
      %ne3A_1049 = vector.broadcast %ne3A_1048 : vector<16xi1> to vector<16xi1>
      %ne3A_1050 = arith.xori %lt3A_1045, %ne3A_1049 : vector<16xi1>
      %and3A_1051 = arith.andi %ne3A_1050, %ne3A_1042 : vector<16xi1>
      %add3A_1052 = vector.broadcast %select_n3A_1037 : i32 to vector<16xi32>
      %add3A_1053 = arith.addi %rem3A_1039, %add3A_1052 : vector<16xi32>
      %select_n3A_1054 = arith.select %and3A_1051, %add3A_1053, %rem3A_1039 : vector<16xi1>, vector<16xi32>
      %lt3A_1055 = arith.constant 0 : i32
      %lt3A_1056 = vector.broadcast %lt3A_1055 : i32 to vector<16xi32>
      %lt3A_1057 = arith.cmpi slt, %select_n3A_1054, %lt3A_1056 : vector<16xi32>
      %add3A_1058 = arith.constant 16 : i32
      %add3A_1059 = vector.broadcast %add3A_1058 : i32 to vector<16xi32>
      %add3A_1060 = arith.addi %select_n3A_1054, %add3A_1059 : vector<16xi32>
      %select_n3A_1061 = arith.select %lt3A_1057, %add3A_1060, %select_n3A_1054 : vector<16xi1>, vector<16xi32>
      %broadcast_in_dim3A_1062 = vector.shape_cast %select_n3A_1061 : vector<16xi32> to vector<16x1xi32>
      %gather3A_1063 = vector.shape_cast %broadcast_in_dim3A_1062 : vector<16x1xi32> to vector<16xi32>
      %gather3A_1064 = tpu.dynamic_gather %add3A_1029[%gather3A_1063] in [0] : vector<16xf32>, vector<16xi32> -> vector<16xf32>
      %add3A_1065 = arith.addf %add3A_1029, %gather3A_1064 : vector<16xf32>
      %eq3A_1066 = arith.constant 3 : i32
      %eq3A_1067 = vector.broadcast %eq3A_1066 : i32 to vector<16xi32>
      %eq3A_1068 = arith.cmpi eq, %iota3A, %eq3A_1067 : vector<16xi32>
      %select_n3A_1069 = arith.select %eq3A_1068, %add3A_1065, %select_n3A_875 : vector<16xi1>, vector<16xf32>
      %mul3A_1070 = arith.constant 16 : i32
      %mul3A_1071 = arith.muli %scan3A_300, %mul3A_1070 : i32
      %add3A_1072 = arith.constant 4 : i32
      %add3A_1073 = arith.addi %mul3A_1071, %add3A_1072 : i32
      %broadcast_in_dim3A_1074 = arith.constant 0.000000e+00 : f32
      %broadcast_in_dim3A_1075 = vector.broadcast %broadcast_in_dim3A_1074 : f32 to vector<16xf32>
      %get3A_1076 = arith.index_cast %add3A_1073 : i32 to index
      %get3A_1077 = arith.constant 0 : index
      %get3A_1078 = tpu.vector_load %arg12[%get3A_1076, %get3A_1077] {strides = array<i32>} : memref<512x64xf32, #tpu.memory_space<vmem>>, vector<1x16xf32>,
      %get3A_1079 = vector.shape_cast %get3A_1078 : vector<1x16xf32> to vector<16xf32>
      %get3A_1080 = arith.index_cast %add3A_1073 : i32 to index
      %get3A_1081 = arith.constant 0 : index
      %get3A_1082 = tpu.vector_load %arg13[%get3A_1080, %get3A_1081] {strides = array<i32>} : memref<512x64xf32, #tpu.memory_space<vmem>>, vector<1x16xf32>,
      %get3A_1083 = vector.shape_cast %get3A_1082 : vector<1x16xf32> to vector<16xf32>
      %mul3A_1084 = arith.mulf %get3A_1079, %get3A_1083 : vector<16xf32>
      %add3A_1085 = arith.addf %broadcast_in_dim3A_1075, %mul3A_1084 : vector<16xf32>
      %get3A_1086 = arith.index_cast %add3A_1073 : i32 to index
      %get3A_1087 = arith.constant 16 : index
      %get3A_1088 = tpu.vector_load %arg12[%get3A_1086, %get3A_1087] {strides = array<i32>} : memref<512x64xf32, #tpu.memory_space<vmem>>, vector<1x16xf32>,
      %get3A_1089 = vector.shape_cast %get3A_1088 : vector<1x16xf32> to vector<16xf32>
      %get3A_1090 = arith.index_cast %add3A_1073 : i32 to index
      %get3A_1091 = arith.constant 16 : index
      %get3A_1092 = tpu.vector_load %arg13[%get3A_1090, %get3A_1091] {strides = array<i32>} : memref<512x64xf32, #tpu.memory_space<vmem>>, vector<1x16xf32>,
      %get3A_1093 = vector.shape_cast %get3A_1092 : vector<1x16xf32> to vector<16xf32>
      %mul3A_1094 = arith.mulf %get3A_1089, %get3A_1093 : vector<16xf32>
      %add3A_1095 = arith.addf %add3A_1085, %mul3A_1094 : vector<16xf32>
      %get3A_1096 = arith.index_cast %add3A_1073 : i32 to index
      %get3A_1097 = arith.constant 32 : index
      %get3A_1098 = tpu.vector_load %arg12[%get3A_1096, %get3A_1097] {strides = array<i32>} : memref<512x64xf32, #tpu.memory_space<vmem>>, vector<1x16xf32>,
      %get3A_1099 = vector.shape_cast %get3A_1098 : vector<1x16xf32> to vector<16xf32>
      %get3A_1100 = arith.index_cast %add3A_1073 : i32 to index
      %get3A_1101 = arith.constant 32 : index
      %get3A_1102 = tpu.vector_load %arg13[%get3A_1100, %get3A_1101] {strides = array<i32>} : memref<512x64xf32, #tpu.memory_space<vmem>>, vector<1x16xf32>,
      %get3A_1103 = vector.shape_cast %get3A_1102 : vector<1x16xf32> to vector<16xf32>
      %mul3A_1104 = arith.mulf %get3A_1099, %get3A_1103 : vector<16xf32>
      %add3A_1105 = arith.addf %add3A_1095, %mul3A_1104 : vector<16xf32>
      %get3A_1106 = arith.index_cast %add3A_1073 : i32 to index
      %get3A_1107 = arith.constant 48 : index
      %get3A_1108 = tpu.vector_load %arg12[%get3A_1106, %get3A_1107] {strides = array<i32>} : memref<512x64xf32, #tpu.memory_space<vmem>>, vector<1x16xf32>,
      %get3A_1109 = vector.shape_cast %get3A_1108 : vector<1x16xf32> to vector<16xf32>
      %get3A_1110 = arith.index_cast %add3A_1073 : i32 to index
      %get3A_1111 = arith.constant 48 : index
      %get3A_1112 = tpu.vector_load %arg13[%get3A_1110, %get3A_1111] {strides = array<i32>} : memref<512x64xf32, #tpu.memory_space<vmem>>, vector<1x16xf32>,
      %get3A_1113 = vector.shape_cast %get3A_1112 : vector<1x16xf32> to vector<16xf32>
      %mul3A_1114 = arith.mulf %get3A_1109, %get3A_1113 : vector<16xf32>
      %add3A_1115 = arith.addf %add3A_1105, %mul3A_1114 : vector<16xf32>
      %add3A_1116 = arith.constant 8 : i32
      %add3A_1117 = vector.broadcast %add3A_1116 : i32 to vector<16xi32>
      %add3A_1118 = arith.addi %iota3A, %add3A_1117 : vector<16xi32>
      %jit3A_1119 = arith.constant 16 : i32
      %eq3A_1120 = arith.constant 0 : i32
      %eq3A_1121 = arith.cmpi eq, %jit3A_1119, %eq3A_1120 : i32
      %jit3A_1122 = arith.constant 1 : i32
      %select_n3A_1123 = arith.select %eq3A_1121, %jit3A_1122, %jit3A_1119 : i32
      %rem3A_1124 = vector.broadcast %select_n3A_1123 : i32 to vector<16xi32>
      %rem3A_1125 = arith.remsi %add3A_1118, %rem3A_1124 : vector<16xi32>
      %ne3A_1126 = arith.constant 0 : i32
      %ne3A_1127 = vector.broadcast %ne3A_1126 : i32 to vector<16xi32>
      %ne3A_1128 = arith.cmpi ne, %rem3A_1125, %ne3A_1127 : vector<16xi32>
      %lt3A_1129 = arith.constant 0 : i32
      %lt3A_1130 = vector.broadcast %lt3A_1129 : i32 to vector<16xi32>
      %lt3A_1131 = arith.cmpi slt, %rem3A_1125, %lt3A_1130 : vector<16xi32>
      %lt3A_1132 = arith.constant 0 : i32
      %lt3A_1133 = arith.cmpi slt, %select_n3A_1123, %lt3A_1132 : i32
      %ne3A_1134 = vector.broadcast %lt3A_1133 : i1 to vector<16xi1>
      %ne3A_1135 = vector.broadcast %ne3A_1134 : vector<16xi1> to vector<16xi1>
      %ne3A_1136 = arith.xori %lt3A_1131, %ne3A_1135 : vector<16xi1>
      %and3A_1137 = arith.andi %ne3A_1136, %ne3A_1128 : vector<16xi1>
      %add3A_1138 = vector.broadcast %select_n3A_1123 : i32 to vector<16xi32>
      %add3A_1139 = arith.addi %rem3A_1125, %add3A_1138 : vector<16xi32>
      %select_n3A_1140 = arith.select %and3A_1137, %add3A_1139, %rem3A_1125 : vector<16xi1>, vector<16xi32>
      %lt3A_1141 = arith.constant 0 : i32
      %lt3A_1142 = vector.broadcast %lt3A_1141 : i32 to vector<16xi32>
      %lt3A_1143 = arith.cmpi slt, %select_n3A_1140, %lt3A_1142 : vector<16xi32>
      %add3A_1144 = arith.constant 16 : i32
      %add3A_1145 = vector.broadcast %add3A_1144 : i32 to vector<16xi32>
      %add3A_1146 = arith.addi %select_n3A_1140, %add3A_1145 : vector<16xi32>
      %select_n3A_1147 = arith.select %lt3A_1143, %add3A_1146, %select_n3A_1140 : vector<16xi1>, vector<16xi32>
      %broadcast_in_dim3A_1148 = vector.shape_cast %select_n3A_1147 : vector<16xi32> to vector<16x1xi32>
      %gather3A_1149 = vector.shape_cast %broadcast_in_dim3A_1148 : vector<16x1xi32> to vector<16xi32>
      %gather3A_1150 = tpu.dynamic_gather %add3A_1115[%gather3A_1149] in [0] : vector<16xf32>, vector<16xi32> -> vector<16xf32>
      %add3A_1151 = arith.addf %add3A_1115, %gather3A_1150 : vector<16xf32>
      %add3A_1152 = arith.constant 4 : i32
      %add3A_1153 = vector.broadcast %add3A_1152 : i32 to vector<16xi32>
      %add3A_1154 = arith.addi %iota3A, %add3A_1153 : vector<16xi32>
      %jit3A_1155 = arith.constant 16 : i32
      %eq3A_1156 = arith.constant 0 : i32
      %eq3A_1157 = arith.cmpi eq, %jit3A_1155, %eq3A_1156 : i32
      %jit3A_1158 = arith.constant 1 : i32
      %select_n3A_1159 = arith.select %eq3A_1157, %jit3A_1158, %jit3A_1155 : i32
      %rem3A_1160 = vector.broadcast %select_n3A_1159 : i32 to vector<16xi32>
      %rem3A_1161 = arith.remsi %add3A_1154, %rem3A_1160 : vector<16xi32>
      %ne3A_1162 = arith.constant 0 : i32
      %ne3A_1163 = vector.broadcast %ne3A_1162 : i32 to vector<16xi32>
      %ne3A_1164 = arith.cmpi ne, %rem3A_1161, %ne3A_1163 : vector<16xi32>
      %lt3A_1165 = arith.constant 0 : i32
      %lt3A_1166 = vector.broadcast %lt3A_1165 : i32 to vector<16xi32>
      %lt3A_1167 = arith.cmpi slt, %rem3A_1161, %lt3A_1166 : vector<16xi32>
      %lt3A_1168 = arith.constant 0 : i32
      %lt3A_1169 = arith.cmpi slt, %select_n3A_1159, %lt3A_1168 : i32
      %ne3A_1170 = vector.broadcast %lt3A_1169 : i1 to vector<16xi1>
      %ne3A_1171 = vector.broadcast %ne3A_1170 : vector<16xi1> to vector<16xi1>
      %ne3A_1172 = arith.xori %lt3A_1167, %ne3A_1171 : vector<16xi1>
      %and3A_1173 = arith.andi %ne3A_1172, %ne3A_1164 : vector<16xi1>
      %add3A_1174 = vector.broadcast %select_n3A_1159 : i32 to vector<16xi32>
      %add3A_1175 = arith.addi %rem3A_1161, %add3A_1174 : vector<16xi32>
      %select_n3A_1176 = arith.select %and3A_1173, %add3A_1175, %rem3A_1161 : vector<16xi1>, vector<16xi32>
      %lt3A_1177 = arith.constant 0 : i32
      %lt3A_1178 = vector.broadcast %lt3A_1177 : i32 to vector<16xi32>
      %lt3A_1179 = arith.cmpi slt, %select_n3A_1176, %lt3A_1178 : vector<16xi32>
      %add3A_1180 = arith.constant 16 : i32
      %add3A_1181 = vector.broadcast %add3A_1180 : i32 to vector<16xi32>
      %add3A_1182 = arith.addi %select_n3A_1176, %add3A_1181 : vector<16xi32>
      %select_n3A_1183 = arith.select %lt3A_1179, %add3A_1182, %select_n3A_1176 : vector<16xi1>, vector<16xi32>
      %broadcast_in_dim3A_1184 = vector.shape_cast %select_n3A_1183 : vector<16xi32> to vector<16x1xi32>
      %gather3A_1185 = vector.shape_cast %broadcast_in_dim3A_1184 : vector<16x1xi32> to vector<16xi32>
      %gather3A_1186 = tpu.dynamic_gather %add3A_1151[%gather3A_1185] in [0] : vector<16xf32>, vector<16xi32> -> vector<16xf32>
      %add3A_1187 = arith.addf %add3A_1151, %gather3A_1186 : vector<16xf32>
      %add3A_1188 = arith.constant 2 : i32
      %add3A_1189 = vector.broadcast %add3A_1188 : i32 to vector<16xi32>
      %add3A_1190 = arith.addi %iota3A, %add3A_1189 : vector<16xi32>
      %jit3A_1191 = arith.constant 16 : i32
      %eq3A_1192 = arith.constant 0 : i32
      %eq3A_1193 = arith.cmpi eq, %jit3A_1191, %eq3A_1192 : i32
      %jit3A_1194 = arith.constant 1 : i32
      %select_n3A_1195 = arith.select %eq3A_1193, %jit3A_1194, %jit3A_1191 : i32
      %rem3A_1196 = vector.broadcast %select_n3A_1195 : i32 to vector<16xi32>
      %rem3A_1197 = arith.remsi %add3A_1190, %rem3A_1196 : vector<16xi32>
      %ne3A_1198 = arith.constant 0 : i32
      %ne3A_1199 = vector.broadcast %ne3A_1198 : i32 to vector<16xi32>
      %ne3A_1200 = arith.cmpi ne, %rem3A_1197, %ne3A_1199 : vector<16xi32>
      %lt3A_1201 = arith.constant 0 : i32
      %lt3A_1202 = vector.broadcast %lt3A_1201 : i32 to vector<16xi32>
      %lt3A_1203 = arith.cmpi slt, %rem3A_1197, %lt3A_1202 : vector<16xi32>
      %lt3A_1204 = arith.constant 0 : i32
      %lt3A_1205 = arith.cmpi slt, %select_n3A_1195, %lt3A_1204 : i32
      %ne3A_1206 = vector.broadcast %lt3A_1205 : i1 to vector<16xi1>
      %ne3A_1207 = vector.broadcast %ne3A_1206 : vector<16xi1> to vector<16xi1>
      %ne3A_1208 = arith.xori %lt3A_1203, %ne3A_1207 : vector<16xi1>
      %and3A_1209 = arith.andi %ne3A_1208, %ne3A_1200 : vector<16xi1>
      %add3A_1210 = vector.broadcast %select_n3A_1195 : i32 to vector<16xi32>
      %add3A_1211 = arith.addi %rem3A_1197, %add3A_1210 : vector<16xi32>
      %select_n3A_1212 = arith.select %and3A_1209, %add3A_1211, %rem3A_1197 : vector<16xi1>, vector<16xi32>
      %lt3A_1213 = arith.constant 0 : i32
      %lt3A_1214 = vector.broadcast %lt3A_1213 : i32 to vector<16xi32>
      %lt3A_1215 = arith.cmpi slt, %select_n3A_1212, %lt3A_1214 : vector<16xi32>
      %add3A_1216 = arith.constant 16 : i32
      %add3A_1217 = vector.broadcast %add3A_1216 : i32 to vector<16xi32>
      %add3A_1218 = arith.addi %select_n3A_1212, %add3A_1217 : vector<16xi32>
      %select_n3A_1219 = arith.select %lt3A_1215, %add3A_1218, %select_n3A_1212 : vector<16xi1>, vector<16xi32>
      %broadcast_in_dim3A_1220 = vector.shape_cast %select_n3A_1219 : vector<16xi32> to vector<16x1xi32>
      %gather3A_1221 = vector.shape_cast %broadcast_in_dim3A_1220 : vector<16x1xi32> to vector<16xi32>
      %gather3A_1222 = tpu.dynamic_gather %add3A_1187[%gather3A_1221] in [0] : vector<16xf32>, vector<16xi32> -> vector<16xf32>
      %add3A_1223 = arith.addf %add3A_1187, %gather3A_1222 : vector<16xf32>
      %add3A_1224 = arith.constant 1 : i32
      %add3A_1225 = vector.broadcast %add3A_1224 : i32 to vector<16xi32>
      %add3A_1226 = arith.addi %iota3A, %add3A_1225 : vector<16xi32>
      %jit3A_1227 = arith.constant 16 : i32
      %eq3A_1228 = arith.constant 0 : i32
      %eq3A_1229 = arith.cmpi eq, %jit3A_1227, %eq3A_1228 : i32
      %jit3A_1230 = arith.constant 1 : i32
      %select_n3A_1231 = arith.select %eq3A_1229, %jit3A_1230, %jit3A_1227 : i32
      %rem3A_1232 = vector.broadcast %select_n3A_1231 : i32 to vector<16xi32>
      %rem3A_1233 = arith.remsi %add3A_1226, %rem3A_1232 : vector<16xi32>
      %ne3A_1234 = arith.constant 0 : i32
      %ne3A_1235 = vector.broadcast %ne3A_1234 : i32 to vector<16xi32>
      %ne3A_1236 = arith.cmpi ne, %rem3A_1233, %ne3A_1235 : vector<16xi32>
      %lt3A_1237 = arith.constant 0 : i32
      %lt3A_1238 = vector.broadcast %lt3A_1237 : i32 to vector<16xi32>
      %lt3A_1239 = arith.cmpi slt, %rem3A_1233, %lt3A_1238 : vector<16xi32>
      %lt3A_1240 = arith.constant 0 : i32
      %lt3A_1241 = arith.cmpi slt, %select_n3A_1231, %lt3A_1240 : i32
      %ne3A_1242 = vector.broadcast %lt3A_1241 : i1 to vector<16xi1>
      %ne3A_1243 = vector.broadcast %ne3A_1242 : vector<16xi1> to vector<16xi1>
      %ne3A_1244 = arith.xori %lt3A_1239, %ne3A_1243 : vector<16xi1>
      %and3A_1245 = arith.andi %ne3A_1244, %ne3A_1236 : vector<16xi1>
      %add3A_1246 = vector.broadcast %select_n3A_1231 : i32 to vector<16xi32>
      %add3A_1247 = arith.addi %rem3A_1233, %add3A_1246 : vector<16xi32>
      %select_n3A_1248 = arith.select %and3A_1245, %add3A_1247, %rem3A_1233 : vector<16xi1>, vector<16xi32>
      %lt3A_1249 = arith.constant 0 : i32
      %lt3A_1250 = vector.broadcast %lt3A_1249 : i32 to vector<16xi32>
      %lt3A_1251 = arith.cmpi slt, %select_n3A_1248, %lt3A_1250 : vector<16xi32>
      %add3A_1252 = arith.constant 16 : i32
      %add3A_1253 = vector.broadcast %add3A_1252 : i32 to vector<16xi32>
      %add3A_1254 = arith.addi %select_n3A_1248, %add3A_1253 : vector<16xi32>
      %select_n3A_1255 = arith.select %lt3A_1251, %add3A_1254, %select_n3A_1248 : vector<16xi1>, vector<16xi32>
      %broadcast_in_dim3A_1256 = vector.shape_cast %select_n3A_1255 : vector<16xi32> to vector<16x1xi32>
      %gather3A_1257 = vector.shape_cast %broadcast_in_dim3A_1256 : vector<16x1xi32> to vector<16xi32>
      %gather3A_1258 = tpu.dynamic_gather %add3A_1223[%gather3A_1257] in [0] : vector<16xf32>, vector<16xi32> -> vector<16xf32>
      %add3A_1259 = arith.addf %add3A_1223, %gather3A_1258 : vector<16xf32>
      %eq3A_1260 = arith.constant 4 : i32
      %eq3A_1261 = vector.broadcast %eq3A_1260 : i32 to vector<16xi32>
      %eq3A_1262 = arith.cmpi eq, %iota3A, %eq3A_1261 : vector<16xi32>
      %select_n3A_1263 = arith.select %eq3A_1262, %add3A_1259, %select_n3A_1069 : vector<16xi1>, vector<16xf32>
      %mul3A_1264 = arith.constant 16 : i32
      %mul3A_1265 = arith.muli %scan3A_300, %mul3A_1264 : i32
      %add3A_1266 = arith.constant 5 : i32
      %add3A_1267 = arith.addi %mul3A_1265, %add3A_1266 : i32
      %broadcast_in_dim3A_1268 = arith.constant 0.000000e+00 : f32
      %broadcast_in_dim3A_1269 = vector.broadcast %broadcast_in_dim3A_1268 : f32 to vector<16xf32>
      %get3A_1270 = arith.index_cast %add3A_1267 : i32 to index
      %get3A_1271 = arith.constant 0 : index
      %get3A_1272 = tpu.vector_load %arg12[%get3A_1270, %get3A_1271] {strides = array<i32>} : memref<512x64xf32, #tpu.memory_space<vmem>>, vector<1x16xf32>,
      %get3A_1273 = vector.shape_cast %get3A_1272 : vector<1x16xf32> to vector<16xf32>
      %get3A_1274 = arith.index_cast %add3A_1267 : i32 to index
      %get3A_1275 = arith.constant 0 : index
      %get3A_1276 = tpu.vector_load %arg13[%get3A_1274, %get3A_1275] {strides = array<i32>} : memref<512x64xf32, #tpu.memory_space<vmem>>, vector<1x16xf32>,
      %get3A_1277 = vector.shape_cast %get3A_1276 : vector<1x16xf32> to vector<16xf32>
      %mul3A_1278 = arith.mulf %get3A_1273, %get3A_1277 : vector<16xf32>
      %add3A_1279 = arith.addf %broadcast_in_dim3A_1269, %mul3A_1278 : vector<16xf32>
      %get3A_1280 = arith.index_cast %add3A_1267 : i32 to index
      %get3A_1281 = arith.constant 16 : index
      %get3A_1282 = tpu.vector_load %arg12[%get3A_1280, %get3A_1281] {strides = array<i32>} : memref<512x64xf32, #tpu.memory_space<vmem>>, vector<1x16xf32>,
      %get3A_1283 = vector.shape_cast %get3A_1282 : vector<1x16xf32> to vector<16xf32>
      %get3A_1284 = arith.index_cast %add3A_1267 : i32 to index
      %get3A_1285 = arith.constant 16 : index
      %get3A_1286 = tpu.vector_load %arg13[%get3A_1284, %get3A_1285] {strides = array<i32>} : memref<512x64xf32, #tpu.memory_space<vmem>>, vector<1x16xf32>,
      %get3A_1287 = vector.shape_cast %get3A_1286 : vector<1x16xf32> to vector<16xf32>
      %mul3A_1288 = arith.mulf %get3A_1283, %get3A_1287 : vector<16xf32>
      %add3A_1289 = arith.addf %add3A_1279, %mul3A_1288 : vector<16xf32>
      %get3A_1290 = arith.index_cast %add3A_1267 : i32 to index
      %get3A_1291 = arith.constant 32 : index
      %get3A_1292 = tpu.vector_load %arg12[%get3A_1290, %get3A_1291] {strides = array<i32>} : memref<512x64xf32, #tpu.memory_space<vmem>>, vector<1x16xf32>,
      %get3A_1293 = vector.shape_cast %get3A_1292 : vector<1x16xf32> to vector<16xf32>
      %get3A_1294 = arith.index_cast %add3A_1267 : i32 to index
      %get3A_1295 = arith.constant 32 : index
      %get3A_1296 = tpu.vector_load %arg13[%get3A_1294, %get3A_1295] {strides = array<i32>} : memref<512x64xf32, #tpu.memory_space<vmem>>, vector<1x16xf32>,
      %get3A_1297 = vector.shape_cast %get3A_1296 : vector<1x16xf32> to vector<16xf32>
      %mul3A_1298 = arith.mulf %get3A_1293, %get3A_1297 : vector<16xf32>
      %add3A_1299 = arith.addf %add3A_1289, %mul3A_1298 : vector<16xf32>
      %get3A_1300 = arith.index_cast %add3A_1267 : i32 to index
      %get3A_1301 = arith.constant 48 : index
      %get3A_1302 = tpu.vector_load %arg12[%get3A_1300, %get3A_1301] {strides = array<i32>} : memref<512x64xf32, #tpu.memory_space<vmem>>, vector<1x16xf32>,
      %get3A_1303 = vector.shape_cast %get3A_1302 : vector<1x16xf32> to vector<16xf32>
      %get3A_1304 = arith.index_cast %add3A_1267 : i32 to index
      %get3A_1305 = arith.constant 48 : index
      %get3A_1306 = tpu.vector_load %arg13[%get3A_1304, %get3A_1305] {strides = array<i32>} : memref<512x64xf32, #tpu.memory_space<vmem>>, vector<1x16xf32>,
      %get3A_1307 = vector.shape_cast %get3A_1306 : vector<1x16xf32> to vector<16xf32>
      %mul3A_1308 = arith.mulf %get3A_1303, %get3A_1307 : vector<16xf32>
      %add3A_1309 = arith.addf %add3A_1299, %mul3A_1308 : vector<16xf32>
      %add3A_1310 = arith.constant 8 : i32
      %add3A_1311 = vector.broadcast %add3A_1310 : i32 to vector<16xi32>
      %add3A_1312 = arith.addi %iota3A, %add3A_1311 : vector<16xi32>
      %jit3A_1313 = arith.constant 16 : i32
      %eq3A_1314 = arith.constant 0 : i32
      %eq3A_1315 = arith.cmpi eq, %jit3A_1313, %eq3A_1314 : i32
      %jit3A_1316 = arith.constant 1 : i32
      %select_n3A_1317 = arith.select %eq3A_1315, %jit3A_1316, %jit3A_1313 : i32
      %rem3A_1318 = vector.broadcast %select_n3A_1317 : i32 to vector<16xi32>
      %rem3A_1319 = arith.remsi %add3A_1312, %rem3A_1318 : vector<16xi32>
      %ne3A_1320 = arith.constant 0 : i32
      %ne3A_1321 = vector.broadcast %ne3A_1320 : i32 to vector<16xi32>
      %ne3A_1322 = arith.cmpi ne, %rem3A_1319, %ne3A_1321 : vector<16xi32>
      %lt3A_1323 = arith.constant 0 : i32
      %lt3A_1324 = vector.broadcast %lt3A_1323 : i32 to vector<16xi32>
      %lt3A_1325 = arith.cmpi slt, %rem3A_1319, %lt3A_1324 : vector<16xi32>
      %lt3A_1326 = arith.constant 0 : i32
      %lt3A_1327 = arith.cmpi slt, %select_n3A_1317, %lt3A_1326 : i32
      %ne3A_1328 = vector.broadcast %lt3A_1327 : i1 to vector<16xi1>
      %ne3A_1329 = vector.broadcast %ne3A_1328 : vector<16xi1> to vector<16xi1>
      %ne3A_1330 = arith.xori %lt3A_1325, %ne3A_1329 : vector<16xi1>
      %and3A_1331 = arith.andi %ne3A_1330, %ne3A_1322 : vector<16xi1>
      %add3A_1332 = vector.broadcast %select_n3A_1317 : i32 to vector<16xi32>
      %add3A_1333 = arith.addi %rem3A_1319, %add3A_1332 : vector<16xi32>
      %select_n3A_1334 = arith.select %and3A_1331, %add3A_1333, %rem3A_1319 : vector<16xi1>, vector<16xi32>
      %lt3A_1335 = arith.constant 0 : i32
      %lt3A_1336 = vector.broadcast %lt3A_1335 : i32 to vector<16xi32>
      %lt3A_1337 = arith.cmpi slt, %select_n3A_1334, %lt3A_1336 : vector<16xi32>
      %add3A_1338 = arith.constant 16 : i32
      %add3A_1339 = vector.broadcast %add3A_1338 : i32 to vector<16xi32>
      %add3A_1340 = arith.addi %select_n3A_1334, %add3A_1339 : vector<16xi32>
      %select_n3A_1341 = arith.select %lt3A_1337, %add3A_1340, %select_n3A_1334 : vector<16xi1>, vector<16xi32>
      %broadcast_in_dim3A_1342 = vector.shape_cast %select_n3A_1341 : vector<16xi32> to vector<16x1xi32>
      %gather3A_1343 = vector.shape_cast %broadcast_in_dim3A_1342 : vector<16x1xi32> to vector<16xi32>
      %gather3A_1344 = tpu.dynamic_gather %add3A_1309[%gather3A_1343] in [0] : vector<16xf32>, vector<16xi32> -> vector<16xf32>
      %add3A_1345 = arith.addf %add3A_1309, %gather3A_1344 : vector<16xf32>
      %add3A_1346 = arith.constant 4 : i32
      %add3A_1347 = vector.broadcast %add3A_1346 : i32 to vector<16xi32>
      %add3A_1348 = arith.addi %iota3A, %add3A_1347 : vector<16xi32>
      %jit3A_1349 = arith.constant 16 : i32
      %eq3A_1350 = arith.constant 0 : i32
      %eq3A_1351 = arith.cmpi eq, %jit3A_1349, %eq3A_1350 : i32
      %jit3A_1352 = arith.constant 1 : i32
      %select_n3A_1353 = arith.select %eq3A_1351, %jit3A_1352, %jit3A_1349 : i32
      %rem3A_1354 = vector.broadcast %select_n3A_1353 : i32 to vector<16xi32>
      %rem3A_1355 = arith.remsi %add3A_1348, %rem3A_1354 : vector<16xi32>
      %ne3A_1356 = arith.constant 0 : i32
      %ne3A_1357 = vector.broadcast %ne3A_1356 : i32 to vector<16xi32>
      %ne3A_1358 = arith.cmpi ne, %rem3A_1355, %ne3A_1357 : vector<16xi32>
      %lt3A_1359 = arith.constant 0 : i32
      %lt3A_1360 = vector.broadcast %lt3A_1359 : i32 to vector<16xi32>
      %lt3A_1361 = arith.cmpi slt, %rem3A_1355, %lt3A_1360 : vector<16xi32>
      %lt3A_1362 = arith.constant 0 : i32
      %lt3A_1363 = arith.cmpi slt, %select_n3A_1353, %lt3A_1362 : i32
      %ne3A_1364 = vector.broadcast %lt3A_1363 : i1 to vector<16xi1>
      %ne3A_1365 = vector.broadcast %ne3A_1364 : vector<16xi1> to vector<16xi1>
      %ne3A_1366 = arith.xori %lt3A_1361, %ne3A_1365 : vector<16xi1>
      %and3A_1367 = arith.andi %ne3A_1366, %ne3A_1358 : vector<16xi1>
      %add3A_1368 = vector.broadcast %select_n3A_1353 : i32 to vector<16xi32>
      %add3A_1369 = arith.addi %rem3A_1355, %add3A_1368 : vector<16xi32>
      %select_n3A_1370 = arith.select %and3A_1367, %add3A_1369, %rem3A_1355 : vector<16xi1>, vector<16xi32>
      %lt3A_1371 = arith.constant 0 : i32
      %lt3A_1372 = vector.broadcast %lt3A_1371 : i32 to vector<16xi32>
      %lt3A_1373 = arith.cmpi slt, %select_n3A_1370, %lt3A_1372 : vector<16xi32>
      %add3A_1374 = arith.constant 16 : i32
      %add3A_1375 = vector.broadcast %add3A_1374 : i32 to vector<16xi32>
      %add3A_1376 = arith.addi %select_n3A_1370, %add3A_1375 : vector<16xi32>
      %select_n3A_1377 = arith.select %lt3A_1373, %add3A_1376, %select_n3A_1370 : vector<16xi1>, vector<16xi32>
      %broadcast_in_dim3A_1378 = vector.shape_cast %select_n3A_1377 : vector<16xi32> to vector<16x1xi32>
      %gather3A_1379 = vector.shape_cast %broadcast_in_dim3A_1378 : vector<16x1xi32> to vector<16xi32>
      %gather3A_1380 = tpu.dynamic_gather %add3A_1345[%gather3A_1379] in [0] : vector<16xf32>, vector<16xi32> -> vector<16xf32>
      %add3A_1381 = arith.addf %add3A_1345, %gather3A_1380 : vector<16xf32>
      %add3A_1382 = arith.constant 2 : i32
      %add3A_1383 = vector.broadcast %add3A_1382 : i32 to vector<16xi32>
      %add3A_1384 = arith.addi %iota3A, %add3A_1383 : vector<16xi32>
      %jit3A_1385 = arith.constant 16 : i32
      %eq3A_1386 = arith.constant 0 : i32
      %eq3A_1387 = arith.cmpi eq, %jit3A_1385, %eq3A_1386 : i32
      %jit3A_1388 = arith.constant 1 : i32
      %select_n3A_1389 = arith.select %eq3A_1387, %jit3A_1388, %jit3A_1385 : i32
      %rem3A_1390 = vector.broadcast %select_n3A_1389 : i32 to vector<16xi32>
      %rem3A_1391 = arith.remsi %add3A_1384, %rem3A_1390 : vector<16xi32>
      %ne3A_1392 = arith.constant 0 : i32
      %ne3A_1393 = vector.broadcast %ne3A_1392 : i32 to vector<16xi32>
      %ne3A_1394 = arith.cmpi ne, %rem3A_1391, %ne3A_1393 : vector<16xi32>
      %lt3A_1395 = arith.constant 0 : i32
      %lt3A_1396 = vector.broadcast %lt3A_1395 : i32 to vector<16xi32>
      %lt3A_1397 = arith.cmpi slt, %rem3A_1391, %lt3A_1396 : vector<16xi32>
      %lt3A_1398 = arith.constant 0 : i32
      %lt3A_1399 = arith.cmpi slt, %select_n3A_1389, %lt3A_1398 : i32
      %ne3A_1400 = vector.broadcast %lt3A_1399 : i1 to vector<16xi1>
      %ne3A_1401 = vector.broadcast %ne3A_1400 : vector<16xi1> to vector<16xi1>
      %ne3A_1402 = arith.xori %lt3A_1397, %ne3A_1401 : vector<16xi1>
      %and3A_1403 = arith.andi %ne3A_1402, %ne3A_1394 : vector<16xi1>
      %add3A_1404 = vector.broadcast %select_n3A_1389 : i32 to vector<16xi32>
      %add3A_1405 = arith.addi %rem3A_1391, %add3A_1404 : vector<16xi32>
      %select_n3A_1406 = arith.select %and3A_1403, %add3A_1405, %rem3A_1391 : vector<16xi1>, vector<16xi32>
      %lt3A_1407 = arith.constant 0 : i32
      %lt3A_1408 = vector.broadcast %lt3A_1407 : i32 to vector<16xi32>
      %lt3A_1409 = arith.cmpi slt, %select_n3A_1406, %lt3A_1408 : vector<16xi32>
      %add3A_1410 = arith.constant 16 : i32
      %add3A_1411 = vector.broadcast %add3A_1410 : i32 to vector<16xi32>
      %add3A_1412 = arith.addi %select_n3A_1406, %add3A_1411 : vector<16xi32>
      %select_n3A_1413 = arith.select %lt3A_1409, %add3A_1412, %select_n3A_1406 : vector<16xi1>, vector<16xi32>
      %broadcast_in_dim3A_1414 = vector.shape_cast %select_n3A_1413 : vector<16xi32> to vector<16x1xi32>
      %gather3A_1415 = vector.shape_cast %broadcast_in_dim3A_1414 : vector<16x1xi32> to vector<16xi32>
      %gather3A_1416 = tpu.dynamic_gather %add3A_1381[%gather3A_1415] in [0] : vector<16xf32>, vector<16xi32> -> vector<16xf32>
      %add3A_1417 = arith.addf %add3A_1381, %gather3A_1416 : vector<16xf32>
      %add3A_1418 = arith.constant 1 : i32
      %add3A_1419 = vector.broadcast %add3A_1418 : i32 to vector<16xi32>
      %add3A_1420 = arith.addi %iota3A, %add3A_1419 : vector<16xi32>
      %jit3A_1421 = arith.constant 16 : i32
      %eq3A_1422 = arith.constant 0 : i32
      %eq3A_1423 = arith.cmpi eq, %jit3A_1421, %eq3A_1422 : i32
      %jit3A_1424 = arith.constant 1 : i32
      %select_n3A_1425 = arith.select %eq3A_1423, %jit3A_1424, %jit3A_1421 : i32
      %rem3A_1426 = vector.broadcast %select_n3A_1425 : i32 to vector<16xi32>
      %rem3A_1427 = arith.remsi %add3A_1420, %rem3A_1426 : vector<16xi32>
      %ne3A_1428 = arith.constant 0 : i32
      %ne3A_1429 = vector.broadcast %ne3A_1428 : i32 to vector<16xi32>
      %ne3A_1430 = arith.cmpi ne, %rem3A_1427, %ne3A_1429 : vector<16xi32>
      %lt3A_1431 = arith.constant 0 : i32
      %lt3A_1432 = vector.broadcast %lt3A_1431 : i32 to vector<16xi32>
      %lt3A_1433 = arith.cmpi slt, %rem3A_1427, %lt3A_1432 : vector<16xi32>
      %lt3A_1434 = arith.constant 0 : i32
      %lt3A_1435 = arith.cmpi slt, %select_n3A_1425, %lt3A_1434 : i32
      %ne3A_1436 = vector.broadcast %lt3A_1435 : i1 to vector<16xi1>
      %ne3A_1437 = vector.broadcast %ne3A_1436 : vector<16xi1> to vector<16xi1>
      %ne3A_1438 = arith.xori %lt3A_1433, %ne3A_1437 : vector<16xi1>
      %and3A_1439 = arith.andi %ne3A_1438, %ne3A_1430 : vector<16xi1>
      %add3A_1440 = vector.broadcast %select_n3A_1425 : i32 to vector<16xi32>
      %add3A_1441 = arith.addi %rem3A_1427, %add3A_1440 : vector<16xi32>
      %select_n3A_1442 = arith.select %and3A_1439, %add3A_1441, %rem3A_1427 : vector<16xi1>, vector<16xi32>
      %lt3A_1443 = arith.constant 0 : i32
      %lt3A_1444 = vector.broadcast %lt3A_1443 : i32 to vector<16xi32>
      %lt3A_1445 = arith.cmpi slt, %select_n3A_1442, %lt3A_1444 : vector<16xi32>
      %add3A_1446 = arith.constant 16 : i32
      %add3A_1447 = vector.broadcast %add3A_1446 : i32 to vector<16xi32>
      %add3A_1448 = arith.addi %select_n3A_1442, %add3A_1447 : vector<16xi32>
      %select_n3A_1449 = arith.select %lt3A_1445, %add3A_1448, %select_n3A_1442 : vector<16xi1>, vector<16xi32>
      %broadcast_in_dim3A_1450 = vector.shape_cast %select_n3A_1449 : vector<16xi32> to vector<16x1xi32>
      %gather3A_1451 = vector.shape_cast %broadcast_in_dim3A_1450 : vector<16x1xi32> to vector<16xi32>
      %gather3A_1452 = tpu.dynamic_gather %add3A_1417[%gather3A_1451] in [0] : vector<16xf32>, vector<16xi32> -> vector<16xf32>
      %add3A_1453 = arith.addf %add3A_1417, %gather3A_1452 : vector<16xf32>
      %eq3A_1454 = arith.constant 5 : i32
      %eq3A_1455 = vector.broadcast %eq3A_1454 : i32 to vector<16xi32>
      %eq3A_1456 = arith.cmpi eq, %iota3A, %eq3A_1455 : vector<16xi32>
      %select_n3A_1457 = arith.select %eq3A_1456, %add3A_1453, %select_n3A_1263 : vector<16xi1>, vector<16xf32>
      %mul3A_1458 = arith.constant 16 : i32
      %mul3A_1459 = arith.muli %scan3A_300, %mul3A_1458 : i32
      %add3A_1460 = arith.constant 6 : i32
      %add3A_1461 = arith.addi %mul3A_1459, %add3A_1460 : i32
      %broadcast_in_dim3A_1462 = arith.constant 0.000000e+00 : f32
      %broadcast_in_dim3A_1463 = vector.broadcast %broadcast_in_dim3A_1462 : f32 to vector<16xf32>
      %get3A_1464 = arith.index_cast %add3A_1461 : i32 to index
      %get3A_1465 = arith.constant 0 : index
      %get3A_1466 = tpu.vector_load %arg12[%get3A_1464, %get3A_1465] {strides = array<i32>} : memref<512x64xf32, #tpu.memory_space<vmem>>, vector<1x16xf32>,
      %get3A_1467 = vector.shape_cast %get3A_1466 : vector<1x16xf32> to vector<16xf32>
      %get3A_1468 = arith.index_cast %add3A_1461 : i32 to index
      %get3A_1469 = arith.constant 0 : index
      %get3A_1470 = tpu.vector_load %arg13[%get3A_1468, %get3A_1469] {strides = array<i32>} : memref<512x64xf32, #tpu.memory_space<vmem>>, vector<1x16xf32>,
      %get3A_1471 = vector.shape_cast %get3A_1470 : vector<1x16xf32> to vector<16xf32>
      %mul3A_1472 = arith.mulf %get3A_1467, %get3A_1471 : vector<16xf32>
      %add3A_1473 = arith.addf %broadcast_in_dim3A_1463, %mul3A_1472 : vector<16xf32>
      %get3A_1474 = arith.index_cast %add3A_1461 : i32 to index
      %get3A_1475 = arith.constant 16 : index
      %get3A_1476 = tpu.vector_load %arg12[%get3A_1474, %get3A_1475] {strides = array<i32>} : memref<512x64xf32, #tpu.memory_space<vmem>>, vector<1x16xf32>,
      %get3A_1477 = vector.shape_cast %get3A_1476 : vector<1x16xf32> to vector<16xf32>
      %get3A_1478 = arith.index_cast %add3A_1461 : i32 to index
      %get3A_1479 = arith.constant 16 : index
      %get3A_1480 = tpu.vector_load %arg13[%get3A_1478, %get3A_1479] {strides = array<i32>} : memref<512x64xf32, #tpu.memory_space<vmem>>, vector<1x16xf32>,
      %get3A_1481 = vector.shape_cast %get3A_1480 : vector<1x16xf32> to vector<16xf32>
      %mul3A_1482 = arith.mulf %get3A_1477, %get3A_1481 : vector<16xf32>
      %add3A_1483 = arith.addf %add3A_1473, %mul3A_1482 : vector<16xf32>
      %get3A_1484 = arith.index_cast %add3A_1461 : i32 to index
      %get3A_1485 = arith.constant 32 : index
      %get3A_1486 = tpu.vector_load %arg12[%get3A_1484, %get3A_1485] {strides = array<i32>} : memref<512x64xf32, #tpu.memory_space<vmem>>, vector<1x16xf32>,
      %get3A_1487 = vector.shape_cast %get3A_1486 : vector<1x16xf32> to vector<16xf32>
      %get3A_1488 = arith.index_cast %add3A_1461 : i32 to index
      %get3A_1489 = arith.constant 32 : index
      %get3A_1490 = tpu.vector_load %arg13[%get3A_1488, %get3A_1489] {strides = array<i32>} : memref<512x64xf32, #tpu.memory_space<vmem>>, vector<1x16xf32>,
      %get3A_1491 = vector.shape_cast %get3A_1490 : vector<1x16xf32> to vector<16xf32>
      %mul3A_1492 = arith.mulf %get3A_1487, %get3A_1491 : vector<16xf32>
      %add3A_1493 = arith.addf %add3A_1483, %mul3A_1492 : vector<16xf32>
      %get3A_1494 = arith.index_cast %add3A_1461 : i32 to index
      %get3A_1495 = arith.constant 48 : index
      %get3A_1496 = tpu.vector_load %arg12[%get3A_1494, %get3A_1495] {strides = array<i32>} : memref<512x64xf32, #tpu.memory_space<vmem>>, vector<1x16xf32>,
      %get3A_1497 = vector.shape_cast %get3A_1496 : vector<1x16xf32> to vector<16xf32>
      %get3A_1498 = arith.index_cast %add3A_1461 : i32 to index
      %get3A_1499 = arith.constant 48 : index
      %get3A_1500 = tpu.vector_load %arg13[%get3A_1498, %get3A_1499] {strides = array<i32>} : memref<512x64xf32, #tpu.memory_space<vmem>>, vector<1x16xf32>,
      %get3A_1501 = vector.shape_cast %get3A_1500 : vector<1x16xf32> to vector<16xf32>
      %mul3A_1502 = arith.mulf %get3A_1497, %get3A_1501 : vector<16xf32>
      %add3A_1503 = arith.addf %add3A_1493, %mul3A_1502 : vector<16xf32>
      %add3A_1504 = arith.constant 8 : i32
      %add3A_1505 = vector.broadcast %add3A_1504 : i32 to vector<16xi32>
      %add3A_1506 = arith.addi %iota3A, %add3A_1505 : vector<16xi32>
      %jit3A_1507 = arith.constant 16 : i32
      %eq3A_1508 = arith.constant 0 : i32
      %eq3A_1509 = arith.cmpi eq, %jit3A_1507, %eq3A_1508 : i32
      %jit3A_1510 = arith.constant 1 : i32
      %select_n3A_1511 = arith.select %eq3A_1509, %jit3A_1510, %jit3A_1507 : i32
      %rem3A_1512 = vector.broadcast %select_n3A_1511 : i32 to vector<16xi32>
      %rem3A_1513 = arith.remsi %add3A_1506, %rem3A_1512 : vector<16xi32>
      %ne3A_1514 = arith.constant 0 : i32
      %ne3A_1515 = vector.broadcast %ne3A_1514 : i32 to vector<16xi32>
      %ne3A_1516 = arith.cmpi ne, %rem3A_1513, %ne3A_1515 : vector<16xi32>
      %lt3A_1517 = arith.constant 0 : i32
      %lt3A_1518 = vector.broadcast %lt3A_1517 : i32 to vector<16xi32>
      %lt3A_1519 = arith.cmpi slt, %rem3A_1513, %lt3A_1518 : vector<16xi32>
      %lt3A_1520 = arith.constant 0 : i32
      %lt3A_1521 = arith.cmpi slt, %select_n3A_1511, %lt3A_1520 : i32
      %ne3A_1522 = vector.broadcast %lt3A_1521 : i1 to vector<16xi1>
      %ne3A_1523 = vector.broadcast %ne3A_1522 : vector<16xi1> to vector<16xi1>
      %ne3A_1524 = arith.xori %lt3A_1519, %ne3A_1523 : vector<16xi1>
      %and3A_1525 = arith.andi %ne3A_1524, %ne3A_1516 : vector<16xi1>
      %add3A_1526 = vector.broadcast %select_n3A_1511 : i32 to vector<16xi32>
      %add3A_1527 = arith.addi %rem3A_1513, %add3A_1526 : vector<16xi32>
      %select_n3A_1528 = arith.select %and3A_1525, %add3A_1527, %rem3A_1513 : vector<16xi1>, vector<16xi32>
      %lt3A_1529 = arith.constant 0 : i32
      %lt3A_1530 = vector.broadcast %lt3A_1529 : i32 to vector<16xi32>
      %lt3A_1531 = arith.cmpi slt, %select_n3A_1528, %lt3A_1530 : vector<16xi32>
      %add3A_1532 = arith.constant 16 : i32
      %add3A_1533 = vector.broadcast %add3A_1532 : i32 to vector<16xi32>
      %add3A_1534 = arith.addi %select_n3A_1528, %add3A_1533 : vector<16xi32>
      %select_n3A_1535 = arith.select %lt3A_1531, %add3A_1534, %select_n3A_1528 : vector<16xi1>, vector<16xi32>
      %broadcast_in_dim3A_1536 = vector.shape_cast %select_n3A_1535 : vector<16xi32> to vector<16x1xi32>
      %gather3A_1537 = vector.shape_cast %broadcast_in_dim3A_1536 : vector<16x1xi32> to vector<16xi32>
      %gather3A_1538 = tpu.dynamic_gather %add3A_1503[%gather3A_1537] in [0] : vector<16xf32>, vector<16xi32> -> vector<16xf32>
      %add3A_1539 = arith.addf %add3A_1503, %gather3A_1538 : vector<16xf32>
      %add3A_1540 = arith.constant 4 : i32
      %add3A_1541 = vector.broadcast %add3A_1540 : i32 to vector<16xi32>
      %add3A_1542 = arith.addi %iota3A, %add3A_1541 : vector<16xi32>
      %jit3A_1543 = arith.constant 16 : i32
      %eq3A_1544 = arith.constant 0 : i32
      %eq3A_1545 = arith.cmpi eq, %jit3A_1543, %eq3A_1544 : i32
      %jit3A_1546 = arith.constant 1 : i32
      %select_n3A_1547 = arith.select %eq3A_1545, %jit3A_1546, %jit3A_1543 : i32
      %rem3A_1548 = vector.broadcast %select_n3A_1547 : i32 to vector<16xi32>
      %rem3A_1549 = arith.remsi %add3A_1542, %rem3A_1548 : vector<16xi32>
      %ne3A_1550 = arith.constant 0 : i32
      %ne3A_1551 = vector.broadcast %ne3A_1550 : i32 to vector<16xi32>
      %ne3A_1552 = arith.cmpi ne, %rem3A_1549, %ne3A_1551 : vector<16xi32>
      %lt3A_1553 = arith.constant 0 : i32
      %lt3A_1554 = vector.broadcast %lt3A_1553 : i32 to vector<16xi32>
      %lt3A_1555 = arith.cmpi slt, %rem3A_1549, %lt3A_1554 : vector<16xi32>
      %lt3A_1556 = arith.constant 0 : i32
      %lt3A_1557 = arith.cmpi slt, %select_n3A_1547, %lt3A_1556 : i32
      %ne3A_1558 = vector.broadcast %lt3A_1557 : i1 to vector<16xi1>
      %ne3A_1559 = vector.broadcast %ne3A_1558 : vector<16xi1> to vector<16xi1>
      %ne3A_1560 = arith.xori %lt3A_1555, %ne3A_1559 : vector<16xi1>
      %and3A_1561 = arith.andi %ne3A_1560, %ne3A_1552 : vector<16xi1>
      %add3A_1562 = vector.broadcast %select_n3A_1547 : i32 to vector<16xi32>
      %add3A_1563 = arith.addi %rem3A_1549, %add3A_1562 : vector<16xi32>
      %select_n3A_1564 = arith.select %and3A_1561, %add3A_1563, %rem3A_1549 : vector<16xi1>, vector<16xi32>
      %lt3A_1565 = arith.constant 0 : i32
      %lt3A_1566 = vector.broadcast %lt3A_1565 : i32 to vector<16xi32>
      %lt3A_1567 = arith.cmpi slt, %select_n3A_1564, %lt3A_1566 : vector<16xi32>
      %add3A_1568 = arith.constant 16 : i32
      %add3A_1569 = vector.broadcast %add3A_1568 : i32 to vector<16xi32>
      %add3A_1570 = arith.addi %select_n3A_1564, %add3A_1569 : vector<16xi32>
      %select_n3A_1571 = arith.select %lt3A_1567, %add3A_1570, %select_n3A_1564 : vector<16xi1>, vector<16xi32>
      %broadcast_in_dim3A_1572 = vector.shape_cast %select_n3A_1571 : vector<16xi32> to vector<16x1xi32>
      %gather3A_1573 = vector.shape_cast %broadcast_in_dim3A_1572 : vector<16x1xi32> to vector<16xi32>
      %gather3A_1574 = tpu.dynamic_gather %add3A_1539[%gather3A_1573] in [0] : vector<16xf32>, vector<16xi32> -> vector<16xf32>
      %add3A_1575 = arith.addf %add3A_1539, %gather3A_1574 : vector<16xf32>
      %add3A_1576 = arith.constant 2 : i32
      %add3A_1577 = vector.broadcast %add3A_1576 : i32 to vector<16xi32>
      %add3A_1578 = arith.addi %iota3A, %add3A_1577 : vector<16xi32>
      %jit3A_1579 = arith.constant 16 : i32
      %eq3A_1580 = arith.constant 0 : i32
      %eq3A_1581 = arith.cmpi eq, %jit3A_1579, %eq3A_1580 : i32
      %jit3A_1582 = arith.constant 1 : i32
      %select_n3A_1583 = arith.select %eq3A_1581, %jit3A_1582, %jit3A_1579 : i32
      %rem3A_1584 = vector.broadcast %select_n3A_1583 : i32 to vector<16xi32>
      %rem3A_1585 = arith.remsi %add3A_1578, %rem3A_1584 : vector<16xi32>
      %ne3A_1586 = arith.constant 0 : i32
      %ne3A_1587 = vector.broadcast %ne3A_1586 : i32 to vector<16xi32>
      %ne3A_1588 = arith.cmpi ne, %rem3A_1585, %ne3A_1587 : vector<16xi32>
      %lt3A_1589 = arith.constant 0 : i32
      %lt3A_1590 = vector.broadcast %lt3A_1589 : i32 to vector<16xi32>
      %lt3A_1591 = arith.cmpi slt, %rem3A_1585, %lt3A_1590 : vector<16xi32>
      %lt3A_1592 = arith.constant 0 : i32
      %lt3A_1593 = arith.cmpi slt, %select_n3A_1583, %lt3A_1592 : i32
      %ne3A_1594 = vector.broadcast %lt3A_1593 : i1 to vector<16xi1>
      %ne3A_1595 = vector.broadcast %ne3A_1594 : vector<16xi1> to vector<16xi1>
      %ne3A_1596 = arith.xori %lt3A_1591, %ne3A_1595 : vector<16xi1>
      %and3A_1597 = arith.andi %ne3A_1596, %ne3A_1588 : vector<16xi1>
      %add3A_1598 = vector.broadcast %select_n3A_1583 : i32 to vector<16xi32>
      %add3A_1599 = arith.addi %rem3A_1585, %add3A_1598 : vector<16xi32>
      %select_n3A_1600 = arith.select %and3A_1597, %add3A_1599, %rem3A_1585 : vector<16xi1>, vector<16xi32>
      %lt3A_1601 = arith.constant 0 : i32
      %lt3A_1602 = vector.broadcast %lt3A_1601 : i32 to vector<16xi32>
      %lt3A_1603 = arith.cmpi slt, %select_n3A_1600, %lt3A_1602 : vector<16xi32>
      %add3A_1604 = arith.constant 16 : i32
      %add3A_1605 = vector.broadcast %add3A_1604 : i32 to vector<16xi32>
      %add3A_1606 = arith.addi %select_n3A_1600, %add3A_1605 : vector<16xi32>
      %select_n3A_1607 = arith.select %lt3A_1603, %add3A_1606, %select_n3A_1600 : vector<16xi1>, vector<16xi32>
      %broadcast_in_dim3A_1608 = vector.shape_cast %select_n3A_1607 : vector<16xi32> to vector<16x1xi32>
      %gather3A_1609 = vector.shape_cast %broadcast_in_dim3A_1608 : vector<16x1xi32> to vector<16xi32>
      %gather3A_1610 = tpu.dynamic_gather %add3A_1575[%gather3A_1609] in [0] : vector<16xf32>, vector<16xi32> -> vector<16xf32>
      %add3A_1611 = arith.addf %add3A_1575, %gather3A_1610 : vector<16xf32>
      %add3A_1612 = arith.constant 1 : i32
      %add3A_1613 = vector.broadcast %add3A_1612 : i32 to vector<16xi32>
      %add3A_1614 = arith.addi %iota3A, %add3A_1613 : vector<16xi32>
      %jit3A_1615 = arith.constant 16 : i32
      %eq3A_1616 = arith.constant 0 : i32
      %eq3A_1617 = arith.cmpi eq, %jit3A_1615, %eq3A_1616 : i32
      %jit3A_1618 = arith.constant 1 : i32
      %select_n3A_1619 = arith.select %eq3A_1617, %jit3A_1618, %jit3A_1615 : i32
      %rem3A_1620 = vector.broadcast %select_n3A_1619 : i32 to vector<16xi32>
      %rem3A_1621 = arith.remsi %add3A_1614, %rem3A_1620 : vector<16xi32>
      %ne3A_1622 = arith.constant 0 : i32
      %ne3A_1623 = vector.broadcast %ne3A_1622 : i32 to vector<16xi32>
      %ne3A_1624 = arith.cmpi ne, %rem3A_1621, %ne3A_1623 : vector<16xi32>
      %lt3A_1625 = arith.constant 0 : i32
      %lt3A_1626 = vector.broadcast %lt3A_1625 : i32 to vector<16xi32>
      %lt3A_1627 = arith.cmpi slt, %rem3A_1621, %lt3A_1626 : vector<16xi32>
      %lt3A_1628 = arith.constant 0 : i32
      %lt3A_1629 = arith.cmpi slt, %select_n3A_1619, %lt3A_1628 : i32
      %ne3A_1630 = vector.broadcast %lt3A_1629 : i1 to vector<16xi1>
      %ne3A_1631 = vector.broadcast %ne3A_1630 : vector<16xi1> to vector<16xi1>
      %ne3A_1632 = arith.xori %lt3A_1627, %ne3A_1631 : vector<16xi1>
      %and3A_1633 = arith.andi %ne3A_1632, %ne3A_1624 : vector<16xi1>
      %add3A_1634 = vector.broadcast %select_n3A_1619 : i32 to vector<16xi32>
      %add3A_1635 = arith.addi %rem3A_1621, %add3A_1634 : vector<16xi32>
      %select_n3A_1636 = arith.select %and3A_1633, %add3A_1635, %rem3A_1621 : vector<16xi1>, vector<16xi32>
      %lt3A_1637 = arith.constant 0 : i32
      %lt3A_1638 = vector.broadcast %lt3A_1637 : i32 to vector<16xi32>
      %lt3A_1639 = arith.cmpi slt, %select_n3A_1636, %lt3A_1638 : vector<16xi32>
      %add3A_1640 = arith.constant 16 : i32
      %add3A_1641 = vector.broadcast %add3A_1640 : i32 to vector<16xi32>
      %add3A_1642 = arith.addi %select_n3A_1636, %add3A_1641 : vector<16xi32>
      %select_n3A_1643 = arith.select %lt3A_1639, %add3A_1642, %select_n3A_1636 : vector<16xi1>, vector<16xi32>
      %broadcast_in_dim3A_1644 = vector.shape_cast %select_n3A_1643 : vector<16xi32> to vector<16x1xi32>
      %gather3A_1645 = vector.shape_cast %broadcast_in_dim3A_1644 : vector<16x1xi32> to vector<16xi32>
      %gather3A_1646 = tpu.dynamic_gather %add3A_1611[%gather3A_1645] in [0] : vector<16xf32>, vector<16xi32> -> vector<16xf32>
      %add3A_1647 = arith.addf %add3A_1611, %gather3A_1646 : vector<16xf32>
      %eq3A_1648 = arith.constant 6 : i32
      %eq3A_1649 = vector.broadcast %eq3A_1648 : i32 to vector<16xi32>
      %eq3A_1650 = arith.cmpi eq, %iota3A, %eq3A_1649 : vector<16xi32>
      %select_n3A_1651 = arith.select %eq3A_1650, %add3A_1647, %select_n3A_1457 : vector<16xi1>, vector<16xf32>
      %mul3A_1652 = arith.constant 16 : i32
      %mul3A_1653 = arith.muli %scan3A_300, %mul3A_1652 : i32
      %add3A_1654 = arith.constant 7 : i32
      %add3A_1655 = arith.addi %mul3A_1653, %add3A_1654 : i32
      %broadcast_in_dim3A_1656 = arith.constant 0.000000e+00 : f32
      %broadcast_in_dim3A_1657 = vector.broadcast %broadcast_in_dim3A_1656 : f32 to vector<16xf32>
      %get3A_1658 = arith.index_cast %add3A_1655 : i32 to index
      %get3A_1659 = arith.constant 0 : index
      %get3A_1660 = tpu.vector_load %arg12[%get3A_1658, %get3A_1659] {strides = array<i32>} : memref<512x64xf32, #tpu.memory_space<vmem>>, vector<1x16xf32>,
      %get3A_1661 = vector.shape_cast %get3A_1660 : vector<1x16xf32> to vector<16xf32>
      %get3A_1662 = arith.index_cast %add3A_1655 : i32 to index
      %get3A_1663 = arith.constant 0 : index
      %get3A_1664 = tpu.vector_load %arg13[%get3A_1662, %get3A_1663] {strides = array<i32>} : memref<512x64xf32, #tpu.memory_space<vmem>>, vector<1x16xf32>,
      %get3A_1665 = vector.shape_cast %get3A_1664 : vector<1x16xf32> to vector<16xf32>
      %mul3A_1666 = arith.mulf %get3A_1661, %get3A_1665 : vector<16xf32>
      %add3A_1667 = arith.addf %broadcast_in_dim3A_1657, %mul3A_1666 : vector<16xf32>
      %get3A_1668 = arith.index_cast %add3A_1655 : i32 to index
      %get3A_1669 = arith.constant 16 : index
      %get3A_1670 = tpu.vector_load %arg12[%get3A_1668, %get3A_1669] {strides = array<i32>} : memref<512x64xf32, #tpu.memory_space<vmem>>, vector<1x16xf32>,
      %get3A_1671 = vector.shape_cast %get3A_1670 : vector<1x16xf32> to vector<16xf32>
      %get3A_1672 = arith.index_cast %add3A_1655 : i32 to index
      %get3A_1673 = arith.constant 16 : index
      %get3A_1674 = tpu.vector_load %arg13[%get3A_1672, %get3A_1673] {strides = array<i32>} : memref<512x64xf32, #tpu.memory_space<vmem>>, vector<1x16xf32>,
      %get3A_1675 = vector.shape_cast %get3A_1674 : vector<1x16xf32> to vector<16xf32>
      %mul3A_1676 = arith.mulf %get3A_1671, %get3A_1675 : vector<16xf32>
      %add3A_1677 = arith.addf %add3A_1667, %mul3A_1676 : vector<16xf32>
      %get3A_1678 = arith.index_cast %add3A_1655 : i32 to index
      %get3A_1679 = arith.constant 32 : index
      %get3A_1680 = tpu.vector_load %arg12[%get3A_1678, %get3A_1679] {strides = array<i32>} : memref<512x64xf32, #tpu.memory_space<vmem>>, vector<1x16xf32>,
      %get3A_1681 = vector.shape_cast %get3A_1680 : vector<1x16xf32> to vector<16xf32>
      %get3A_1682 = arith.index_cast %add3A_1655 : i32 to index
      %get3A_1683 = arith.constant 32 : index
      %get3A_1684 = tpu.vector_load %arg13[%get3A_1682, %get3A_1683] {strides = array<i32>} : memref<512x64xf32, #tpu.memory_space<vmem>>, vector<1x16xf32>,
      %get3A_1685 = vector.shape_cast %get3A_1684 : vector<1x16xf32> to vector<16xf32>
      %mul3A_1686 = arith.mulf %get3A_1681, %get3A_1685 : vector<16xf32>
      %add3A_1687 = arith.addf %add3A_1677, %mul3A_1686 : vector<16xf32>
      %get3A_1688 = arith.index_cast %add3A_1655 : i32 to index
      %get3A_1689 = arith.constant 48 : index
      %get3A_1690 = tpu.vector_load %arg12[%get3A_1688, %get3A_1689] {strides = array<i32>} : memref<512x64xf32, #tpu.memory_space<vmem>>, vector<1x16xf32>,
      %get3A_1691 = vector.shape_cast %get3A_1690 : vector<1x16xf32> to vector<16xf32>
      %get3A_1692 = arith.index_cast %add3A_1655 : i32 to index
      %get3A_1693 = arith.constant 48 : index
      %get3A_1694 = tpu.vector_load %arg13[%get3A_1692, %get3A_1693] {strides = array<i32>} : memref<512x64xf32, #tpu.memory_space<vmem>>, vector<1x16xf32>,
      %get3A_1695 = vector.shape_cast %get3A_1694 : vector<1x16xf32> to vector<16xf32>
      %mul3A_1696 = arith.mulf %get3A_1691, %get3A_1695 : vector<16xf32>
      %add3A_1697 = arith.addf %add3A_1687, %mul3A_1696 : vector<16xf32>
      %add3A_1698 = arith.constant 8 : i32
      %add3A_1699 = vector.broadcast %add3A_1698 : i32 to vector<16xi32>
      %add3A_1700 = arith.addi %iota3A, %add3A_1699 : vector<16xi32>
      %jit3A_1701 = arith.constant 16 : i32
      %eq3A_1702 = arith.constant 0 : i32
      %eq3A_1703 = arith.cmpi eq, %jit3A_1701, %eq3A_1702 : i32
      %jit3A_1704 = arith.constant 1 : i32
      %select_n3A_1705 = arith.select %eq3A_1703, %jit3A_1704, %jit3A_1701 : i32
      %rem3A_1706 = vector.broadcast %select_n3A_1705 : i32 to vector<16xi32>
      %rem3A_1707 = arith.remsi %add3A_1700, %rem3A_1706 : vector<16xi32>
      %ne3A_1708 = arith.constant 0 : i32
      %ne3A_1709 = vector.broadcast %ne3A_1708 : i32 to vector<16xi32>
      %ne3A_1710 = arith.cmpi ne, %rem3A_1707, %ne3A_1709 : vector<16xi32>
      %lt3A_1711 = arith.constant 0 : i32
      %lt3A_1712 = vector.broadcast %lt3A_1711 : i32 to vector<16xi32>
      %lt3A_1713 = arith.cmpi slt, %rem3A_1707, %lt3A_1712 : vector<16xi32>
      %lt3A_1714 = arith.constant 0 : i32
      %lt3A_1715 = arith.cmpi slt, %select_n3A_1705, %lt3A_1714 : i32
      %ne3A_1716 = vector.broadcast %lt3A_1715 : i1 to vector<16xi1>
      %ne3A_1717 = vector.broadcast %ne3A_1716 : vector<16xi1> to vector<16xi1>
      %ne3A_1718 = arith.xori %lt3A_1713, %ne3A_1717 : vector<16xi1>
      %and3A_1719 = arith.andi %ne3A_1718, %ne3A_1710 : vector<16xi1>
      %add3A_1720 = vector.broadcast %select_n3A_1705 : i32 to vector<16xi32>
      %add3A_1721 = arith.addi %rem3A_1707, %add3A_1720 : vector<16xi32>
      %select_n3A_1722 = arith.select %and3A_1719, %add3A_1721, %rem3A_1707 : vector<16xi1>, vector<16xi32>
      %lt3A_1723 = arith.constant 0 : i32
      %lt3A_1724 = vector.broadcast %lt3A_1723 : i32 to vector<16xi32>
      %lt3A_1725 = arith.cmpi slt, %select_n3A_1722, %lt3A_1724 : vector<16xi32>
      %add3A_1726 = arith.constant 16 : i32
      %add3A_1727 = vector.broadcast %add3A_1726 : i32 to vector<16xi32>
      %add3A_1728 = arith.addi %select_n3A_1722, %add3A_1727 : vector<16xi32>
      %select_n3A_1729 = arith.select %lt3A_1725, %add3A_1728, %select_n3A_1722 : vector<16xi1>, vector<16xi32>
      %broadcast_in_dim3A_1730 = vector.shape_cast %select_n3A_1729 : vector<16xi32> to vector<16x1xi32>
      %gather3A_1731 = vector.shape_cast %broadcast_in_dim3A_1730 : vector<16x1xi32> to vector<16xi32>
      %gather3A_1732 = tpu.dynamic_gather %add3A_1697[%gather3A_1731] in [0] : vector<16xf32>, vector<16xi32> -> vector<16xf32>
      %add3A_1733 = arith.addf %add3A_1697, %gather3A_1732 : vector<16xf32>
      %add3A_1734 = arith.constant 4 : i32
      %add3A_1735 = vector.broadcast %add3A_1734 : i32 to vector<16xi32>
      %add3A_1736 = arith.addi %iota3A, %add3A_1735 : vector<16xi32>
      %jit3A_1737 = arith.constant 16 : i32
      %eq3A_1738 = arith.constant 0 : i32
      %eq3A_1739 = arith.cmpi eq, %jit3A_1737, %eq3A_1738 : i32
      %jit3A_1740 = arith.constant 1 : i32
      %select_n3A_1741 = arith.select %eq3A_1739, %jit3A_1740, %jit3A_1737 : i32
      %rem3A_1742 = vector.broadcast %select_n3A_1741 : i32 to vector<16xi32>
      %rem3A_1743 = arith.remsi %add3A_1736, %rem3A_1742 : vector<16xi32>
      %ne3A_1744 = arith.constant 0 : i32
      %ne3A_1745 = vector.broadcast %ne3A_1744 : i32 to vector<16xi32>
      %ne3A_1746 = arith.cmpi ne, %rem3A_1743, %ne3A_1745 : vector<16xi32>
      %lt3A_1747 = arith.constant 0 : i32
      %lt3A_1748 = vector.broadcast %lt3A_1747 : i32 to vector<16xi32>
      %lt3A_1749 = arith.cmpi slt, %rem3A_1743, %lt3A_1748 : vector<16xi32>
      %lt3A_1750 = arith.constant 0 : i32
      %lt3A_1751 = arith.cmpi slt, %select_n3A_1741, %lt3A_1750 : i32
      %ne3A_1752 = vector.broadcast %lt3A_1751 : i1 to vector<16xi1>
      %ne3A_1753 = vector.broadcast %ne3A_1752 : vector<16xi1> to vector<16xi1>
      %ne3A_1754 = arith.xori %lt3A_1749, %ne3A_1753 : vector<16xi1>
      %and3A_1755 = arith.andi %ne3A_1754, %ne3A_1746 : vector<16xi1>
      %add3A_1756 = vector.broadcast %select_n3A_1741 : i32 to vector<16xi32>
      %add3A_1757 = arith.addi %rem3A_1743, %add3A_1756 : vector<16xi32>
      %select_n3A_1758 = arith.select %and3A_1755, %add3A_1757, %rem3A_1743 : vector<16xi1>, vector<16xi32>
      %lt3A_1759 = arith.constant 0 : i32
      %lt3A_1760 = vector.broadcast %lt3A_1759 : i32 to vector<16xi32>
      %lt3A_1761 = arith.cmpi slt, %select_n3A_1758, %lt3A_1760 : vector<16xi32>
      %add3A_1762 = arith.constant 16 : i32
      %add3A_1763 = vector.broadcast %add3A_1762 : i32 to vector<16xi32>
      %add3A_1764 = arith.addi %select_n3A_1758, %add3A_1763 : vector<16xi32>
      %select_n3A_1765 = arith.select %lt3A_1761, %add3A_1764, %select_n3A_1758 : vector<16xi1>, vector<16xi32>
      %broadcast_in_dim3A_1766 = vector.shape_cast %select_n3A_1765 : vector<16xi32> to vector<16x1xi32>
      %gather3A_1767 = vector.shape_cast %broadcast_in_dim3A_1766 : vector<16x1xi32> to vector<16xi32>
      %gather3A_1768 = tpu.dynamic_gather %add3A_1733[%gather3A_1767] in [0] : vector<16xf32>, vector<16xi32> -> vector<16xf32>
      %add3A_1769 = arith.addf %add3A_1733, %gather3A_1768 : vector<16xf32>
      %add3A_1770 = arith.constant 2 : i32
      %add3A_1771 = vector.broadcast %add3A_1770 : i32 to vector<16xi32>
      %add3A_1772 = arith.addi %iota3A, %add3A_1771 : vector<16xi32>
      %jit3A_1773 = arith.constant 16 : i32
      %eq3A_1774 = arith.constant 0 : i32
      %eq3A_1775 = arith.cmpi eq, %jit3A_1773, %eq3A_1774 : i32
      %jit3A_1776 = arith.constant 1 : i32
      %select_n3A_1777 = arith.select %eq3A_1775, %jit3A_1776, %jit3A_1773 : i32
      %rem3A_1778 = vector.broadcast %select_n3A_1777 : i32 to vector<16xi32>
      %rem3A_1779 = arith.remsi %add3A_1772, %rem3A_1778 : vector<16xi32>
      %ne3A_1780 = arith.constant 0 : i32
      %ne3A_1781 = vector.broadcast %ne3A_1780 : i32 to vector<16xi32>
      %ne3A_1782 = arith.cmpi ne, %rem3A_1779, %ne3A_1781 : vector<16xi32>
      %lt3A_1783 = arith.constant 0 : i32
      %lt3A_1784 = vector.broadcast %lt3A_1783 : i32 to vector<16xi32>
      %lt3A_1785 = arith.cmpi slt, %rem3A_1779, %lt3A_1784 : vector<16xi32>
      %lt3A_1786 = arith.constant 0 : i32
      %lt3A_1787 = arith.cmpi slt, %select_n3A_1777, %lt3A_1786 : i32
      %ne3A_1788 = vector.broadcast %lt3A_1787 : i1 to vector<16xi1>
      %ne3A_1789 = vector.broadcast %ne3A_1788 : vector<16xi1> to vector<16xi1>
      %ne3A_1790 = arith.xori %lt3A_1785, %ne3A_1789 : vector<16xi1>
      %and3A_1791 = arith.andi %ne3A_1790, %ne3A_1782 : vector<16xi1>
      %add3A_1792 = vector.broadcast %select_n3A_1777 : i32 to vector<16xi32>
      %add3A_1793 = arith.addi %rem3A_1779, %add3A_1792 : vector<16xi32>
      %select_n3A_1794 = arith.select %and3A_1791, %add3A_1793, %rem3A_1779 : vector<16xi1>, vector<16xi32>
      %lt3A_1795 = arith.constant 0 : i32
      %lt3A_1796 = vector.broadcast %lt3A_1795 : i32 to vector<16xi32>
      %lt3A_1797 = arith.cmpi slt, %select_n3A_1794, %lt3A_1796 : vector<16xi32>
      %add3A_1798 = arith.constant 16 : i32
      %add3A_1799 = vector.broadcast %add3A_1798 : i32 to vector<16xi32>
      %add3A_1800 = arith.addi %select_n3A_1794, %add3A_1799 : vector<16xi32>
      %select_n3A_1801 = arith.select %lt3A_1797, %add3A_1800, %select_n3A_1794 : vector<16xi1>, vector<16xi32>
      %broadcast_in_dim3A_1802 = vector.shape_cast %select_n3A_1801 : vector<16xi32> to vector<16x1xi32>
      %gather3A_1803 = vector.shape_cast %broadcast_in_dim3A_1802 : vector<16x1xi32> to vector<16xi32>
      %gather3A_1804 = tpu.dynamic_gather %add3A_1769[%gather3A_1803] in [0] : vector<16xf32>, vector<16xi32> -> vector<16xf32>
      %add3A_1805 = arith.addf %add3A_1769, %gather3A_1804 : vector<16xf32>
      %add3A_1806 = arith.constant 1 : i32
      %add3A_1807 = vector.broadcast %add3A_1806 : i32 to vector<16xi32>
      %add3A_1808 = arith.addi %iota3A, %add3A_1807 : vector<16xi32>
      %jit3A_1809 = arith.constant 16 : i32
      %eq3A_1810 = arith.constant 0 : i32
      %eq3A_1811 = arith.cmpi eq, %jit3A_1809, %eq3A_1810 : i32
      %jit3A_1812 = arith.constant 1 : i32
      %select_n3A_1813 = arith.select %eq3A_1811, %jit3A_1812, %jit3A_1809 : i32
      %rem3A_1814 = vector.broadcast %select_n3A_1813 : i32 to vector<16xi32>
      %rem3A_1815 = arith.remsi %add3A_1808, %rem3A_1814 : vector<16xi32>
      %ne3A_1816 = arith.constant 0 : i32
      %ne3A_1817 = vector.broadcast %ne3A_1816 : i32 to vector<16xi32>
      %ne3A_1818 = arith.cmpi ne, %rem3A_1815, %ne3A_1817 : vector<16xi32>
      %lt3A_1819 = arith.constant 0 : i32
      %lt3A_1820 = vector.broadcast %lt3A_1819 : i32 to vector<16xi32>
      %lt3A_1821 = arith.cmpi slt, %rem3A_1815, %lt3A_1820 : vector<16xi32>
      %lt3A_1822 = arith.constant 0 : i32
      %lt3A_1823 = arith.cmpi slt, %select_n3A_1813, %lt3A_1822 : i32
      %ne3A_1824 = vector.broadcast %lt3A_1823 : i1 to vector<16xi1>
      %ne3A_1825 = vector.broadcast %ne3A_1824 : vector<16xi1> to vector<16xi1>
      %ne3A_1826 = arith.xori %lt3A_1821, %ne3A_1825 : vector<16xi1>
      %and3A_1827 = arith.andi %ne3A_1826, %ne3A_1818 : vector<16xi1>
      %add3A_1828 = vector.broadcast %select_n3A_1813 : i32 to vector<16xi32>
      %add3A_1829 = arith.addi %rem3A_1815, %add3A_1828 : vector<16xi32>
      %select_n3A_1830 = arith.select %and3A_1827, %add3A_1829, %rem3A_1815 : vector<16xi1>, vector<16xi32>
      %lt3A_1831 = arith.constant 0 : i32
      %lt3A_1832 = vector.broadcast %lt3A_1831 : i32 to vector<16xi32>
      %lt3A_1833 = arith.cmpi slt, %select_n3A_1830, %lt3A_1832 : vector<16xi32>
      %add3A_1834 = arith.constant 16 : i32
      %add3A_1835 = vector.broadcast %add3A_1834 : i32 to vector<16xi32>
      %add3A_1836 = arith.addi %select_n3A_1830, %add3A_1835 : vector<16xi32>
      %select_n3A_1837 = arith.select %lt3A_1833, %add3A_1836, %select_n3A_1830 : vector<16xi1>, vector<16xi32>
      %broadcast_in_dim3A_1838 = vector.shape_cast %select_n3A_1837 : vector<16xi32> to vector<16x1xi32>
      %gather3A_1839 = vector.shape_cast %broadcast_in_dim3A_1838 : vector<16x1xi32> to vector<16xi32>
      %gather3A_1840 = tpu.dynamic_gather %add3A_1805[%gather3A_1839] in [0] : vector<16xf32>, vector<16xi32> -> vector<16xf32>
      %add3A_1841 = arith.addf %add3A_1805, %gather3A_1840 : vector<16xf32>
      %eq3A_1842 = arith.constant 7 : i32
      %eq3A_1843 = vector.broadcast %eq3A_1842 : i32 to vector<16xi32>
      %eq3A_1844 = arith.cmpi eq, %iota3A, %eq3A_1843 : vector<16xi32>
      %select_n3A_1845 = arith.select %eq3A_1844, %add3A_1841, %select_n3A_1651 : vector<16xi1>, vector<16xf32>
      %mul3A_1846 = arith.constant 16 : i32
      %mul3A_1847 = arith.muli %scan3A_300, %mul3A_1846 : i32
      %add3A_1848 = arith.constant 8 : i32
      %add3A_1849 = arith.addi %mul3A_1847, %add3A_1848 : i32
      %broadcast_in_dim3A_1850 = arith.constant 0.000000e+00 : f32
      %broadcast_in_dim3A_1851 = vector.broadcast %broadcast_in_dim3A_1850 : f32 to vector<16xf32>
      %get3A_1852 = arith.index_cast %add3A_1849 : i32 to index
      %get3A_1853 = arith.constant 0 : index
      %get3A_1854 = tpu.vector_load %arg12[%get3A_1852, %get3A_1853] {strides = array<i32>} : memref<512x64xf32, #tpu.memory_space<vmem>>, vector<1x16xf32>,
      %get3A_1855 = vector.shape_cast %get3A_1854 : vector<1x16xf32> to vector<16xf32>
      %get3A_1856 = arith.index_cast %add3A_1849 : i32 to index
      %get3A_1857 = arith.constant 0 : index
      %get3A_1858 = tpu.vector_load %arg13[%get3A_1856, %get3A_1857] {strides = array<i32>} : memref<512x64xf32, #tpu.memory_space<vmem>>, vector<1x16xf32>,
      %get3A_1859 = vector.shape_cast %get3A_1858 : vector<1x16xf32> to vector<16xf32>
      %mul3A_1860 = arith.mulf %get3A_1855, %get3A_1859 : vector<16xf32>
      %add3A_1861 = arith.addf %broadcast_in_dim3A_1851, %mul3A_1860 : vector<16xf32>
      %get3A_1862 = arith.index_cast %add3A_1849 : i32 to index
      %get3A_1863 = arith.constant 16 : index
      %get3A_1864 = tpu.vector_load %arg12[%get3A_1862, %get3A_1863] {strides = array<i32>} : memref<512x64xf32, #tpu.memory_space<vmem>>, vector<1x16xf32>,
      %get3A_1865 = vector.shape_cast %get3A_1864 : vector<1x16xf32> to vector<16xf32>
      %get3A_1866 = arith.index_cast %add3A_1849 : i32 to index
      %get3A_1867 = arith.constant 16 : index
      %get3A_1868 = tpu.vector_load %arg13[%get3A_1866, %get3A_1867] {strides = array<i32>} : memref<512x64xf32, #tpu.memory_space<vmem>>, vector<1x16xf32>,
      %get3A_1869 = vector.shape_cast %get3A_1868 : vector<1x16xf32> to vector<16xf32>
      %mul3A_1870 = arith.mulf %get3A_1865, %get3A_1869 : vector<16xf32>
      %add3A_1871 = arith.addf %add3A_1861, %mul3A_1870 : vector<16xf32>
      %get3A_1872 = arith.index_cast %add3A_1849 : i32 to index
      %get3A_1873 = arith.constant 32 : index
      %get3A_1874 = tpu.vector_load %arg12[%get3A_1872, %get3A_1873] {strides = array<i32>} : memref<512x64xf32, #tpu.memory_space<vmem>>, vector<1x16xf32>,
      %get3A_1875 = vector.shape_cast %get3A_1874 : vector<1x16xf32> to vector<16xf32>
      %get3A_1876 = arith.index_cast %add3A_1849 : i32 to index
      %get3A_1877 = arith.constant 32 : index
      %get3A_1878 = tpu.vector_load %arg13[%get3A_1876, %get3A_1877] {strides = array<i32>} : memref<512x64xf32, #tpu.memory_space<vmem>>, vector<1x16xf32>,
      %get3A_1879 = vector.shape_cast %get3A_1878 : vector<1x16xf32> to vector<16xf32>
      %mul3A_1880 = arith.mulf %get3A_1875, %get3A_1879 : vector<16xf32>
      %add3A_1881 = arith.addf %add3A_1871, %mul3A_1880 : vector<16xf32>
      %get3A_1882 = arith.index_cast %add3A_1849 : i32 to index
      %get3A_1883 = arith.constant 48 : index
      %get3A_1884 = tpu.vector_load %arg12[%get3A_1882, %get3A_1883] {strides = array<i32>} : memref<512x64xf32, #tpu.memory_space<vmem>>, vector<1x16xf32>,
      %get3A_1885 = vector.shape_cast %get3A_1884 : vector<1x16xf32> to vector<16xf32>
      %get3A_1886 = arith.index_cast %add3A_1849 : i32 to index
      %get3A_1887 = arith.constant 48 : index
      %get3A_1888 = tpu.vector_load %arg13[%get3A_1886, %get3A_1887] {strides = array<i32>} : memref<512x64xf32, #tpu.memory_space<vmem>>, vector<1x16xf32>,
      %get3A_1889 = vector.shape_cast %get3A_1888 : vector<1x16xf32> to vector<16xf32>
      %mul3A_1890 = arith.mulf %get3A_1885, %get3A_1889 : vector<16xf32>
      %add3A_1891 = arith.addf %add3A_1881, %mul3A_1890 : vector<16xf32>
      %add3A_1892 = arith.constant 8 : i32
      %add3A_1893 = vector.broadcast %add3A_1892 : i32 to vector<16xi32>
      %add3A_1894 = arith.addi %iota3A, %add3A_1893 : vector<16xi32>
      %jit3A_1895 = arith.constant 16 : i32
      %eq3A_1896 = arith.constant 0 : i32
      %eq3A_1897 = arith.cmpi eq, %jit3A_1895, %eq3A_1896 : i32
      %jit3A_1898 = arith.constant 1 : i32
      %select_n3A_1899 = arith.select %eq3A_1897, %jit3A_1898, %jit3A_1895 : i32
      %rem3A_1900 = vector.broadcast %select_n3A_1899 : i32 to vector<16xi32>
      %rem3A_1901 = arith.remsi %add3A_1894, %rem3A_1900 : vector<16xi32>
      %ne3A_1902 = arith.constant 0 : i32
      %ne3A_1903 = vector.broadcast %ne3A_1902 : i32 to vector<16xi32>
      %ne3A_1904 = arith.cmpi ne, %rem3A_1901, %ne3A_1903 : vector<16xi32>
      %lt3A_1905 = arith.constant 0 : i32
      %lt3A_1906 = vector.broadcast %lt3A_1905 : i32 to vector<16xi32>
      %lt3A_1907 = arith.cmpi slt, %rem3A_1901, %lt3A_1906 : vector<16xi32>
      %lt3A_1908 = arith.constant 0 : i32
      %lt3A_1909 = arith.cmpi slt, %select_n3A_1899, %lt3A_1908 : i32
      %ne3A_1910 = vector.broadcast %lt3A_1909 : i1 to vector<16xi1>
      %ne3A_1911 = vector.broadcast %ne3A_1910 : vector<16xi1> to vector<16xi1>
      %ne3A_1912 = arith.xori %lt3A_1907, %ne3A_1911 : vector<16xi1>
      %and3A_1913 = arith.andi %ne3A_1912, %ne3A_1904 : vector<16xi1>
      %add3A_1914 = vector.broadcast %select_n3A_1899 : i32 to vector<16xi32>
      %add3A_1915 = arith.addi %rem3A_1901, %add3A_1914 : vector<16xi32>
      %select_n3A_1916 = arith.select %and3A_1913, %add3A_1915, %rem3A_1901 : vector<16xi1>, vector<16xi32>
      %lt3A_1917 = arith.constant 0 : i32
      %lt3A_1918 = vector.broadcast %lt3A_1917 : i32 to vector<16xi32>
      %lt3A_1919 = arith.cmpi slt, %select_n3A_1916, %lt3A_1918 : vector<16xi32>
      %add3A_1920 = arith.constant 16 : i32
      %add3A_1921 = vector.broadcast %add3A_1920 : i32 to vector<16xi32>
      %add3A_1922 = arith.addi %select_n3A_1916, %add3A_1921 : vector<16xi32>
      %select_n3A_1923 = arith.select %lt3A_1919, %add3A_1922, %select_n3A_1916 : vector<16xi1>, vector<16xi32>
      %broadcast_in_dim3A_1924 = vector.shape_cast %select_n3A_1923 : vector<16xi32> to vector<16x1xi32>
      %gather3A_1925 = vector.shape_cast %broadcast_in_dim3A_1924 : vector<16x1xi32> to vector<16xi32>
      %gather3A_1926 = tpu.dynamic_gather %add3A_1891[%gather3A_1925] in [0] : vector<16xf32>, vector<16xi32> -> vector<16xf32>
      %add3A_1927 = arith.addf %add3A_1891, %gather3A_1926 : vector<16xf32>
      %add3A_1928 = arith.constant 4 : i32
      %add3A_1929 = vector.broadcast %add3A_1928 : i32 to vector<16xi32>
      %add3A_1930 = arith.addi %iota3A, %add3A_1929 : vector<16xi32>
      %jit3A_1931 = arith.constant 16 : i32
      %eq3A_1932 = arith.constant 0 : i32
      %eq3A_1933 = arith.cmpi eq, %jit3A_1931, %eq3A_1932 : i32
      %jit3A_1934 = arith.constant 1 : i32
      %select_n3A_1935 = arith.select %eq3A_1933, %jit3A_1934, %jit3A_1931 : i32
      %rem3A_1936 = vector.broadcast %select_n3A_1935 : i32 to vector<16xi32>
      %rem3A_1937 = arith.remsi %add3A_1930, %rem3A_1936 : vector<16xi32>
      %ne3A_1938 = arith.constant 0 : i32
      %ne3A_1939 = vector.broadcast %ne3A_1938 : i32 to vector<16xi32>
      %ne3A_1940 = arith.cmpi ne, %rem3A_1937, %ne3A_1939 : vector<16xi32>
      %lt3A_1941 = arith.constant 0 : i32
      %lt3A_1942 = vector.broadcast %lt3A_1941 : i32 to vector<16xi32>
      %lt3A_1943 = arith.cmpi slt, %rem3A_1937, %lt3A_1942 : vector<16xi32>
      %lt3A_1944 = arith.constant 0 : i32
      %lt3A_1945 = arith.cmpi slt, %select_n3A_1935, %lt3A_1944 : i32
      %ne3A_1946 = vector.broadcast %lt3A_1945 : i1 to vector<16xi1>
      %ne3A_1947 = vector.broadcast %ne3A_1946 : vector<16xi1> to vector<16xi1>
      %ne3A_1948 = arith.xori %lt3A_1943, %ne3A_1947 : vector<16xi1>
      %and3A_1949 = arith.andi %ne3A_1948, %ne3A_1940 : vector<16xi1>
      %add3A_1950 = vector.broadcast %select_n3A_1935 : i32 to vector<16xi32>
      %add3A_1951 = arith.addi %rem3A_1937, %add3A_1950 : vector<16xi32>
      %select_n3A_1952 = arith.select %and3A_1949, %add3A_1951, %rem3A_1937 : vector<16xi1>, vector<16xi32>
      %lt3A_1953 = arith.constant 0 : i32
      %lt3A_1954 = vector.broadcast %lt3A_1953 : i32 to vector<16xi32>
      %lt3A_1955 = arith.cmpi slt, %select_n3A_1952, %lt3A_1954 : vector<16xi32>
      %add3A_1956 = arith.constant 16 : i32
      %add3A_1957 = vector.broadcast %add3A_1956 : i32 to vector<16xi32>
      %add3A_1958 = arith.addi %select_n3A_1952, %add3A_1957 : vector<16xi32>
      %select_n3A_1959 = arith.select %lt3A_1955, %add3A_1958, %select_n3A_1952 : vector<16xi1>, vector<16xi32>
      %broadcast_in_dim3A_1960 = vector.shape_cast %select_n3A_1959 : vector<16xi32> to vector<16x1xi32>
      %gather3A_1961 = vector.shape_cast %broadcast_in_dim3A_1960 : vector<16x1xi32> to vector<16xi32>
      %gather3A_1962 = tpu.dynamic_gather %add3A_1927[%gather3A_1961] in [0] : vector<16xf32>, vector<16xi32> -> vector<16xf32>
      %add3A_1963 = arith.addf %add3A_1927, %gather3A_1962 : vector<16xf32>
      %add3A_1964 = arith.constant 2 : i32
      %add3A_1965 = vector.broadcast %add3A_1964 : i32 to vector<16xi32>
      %add3A_1966 = arith.addi %iota3A, %add3A_1965 : vector<16xi32>
      %jit3A_1967 = arith.constant 16 : i32
      %eq3A_1968 = arith.constant 0 : i32
      %eq3A_1969 = arith.cmpi eq, %jit3A_1967, %eq3A_1968 : i32
      %jit3A_1970 = arith.constant 1 : i32
      %select_n3A_1971 = arith.select %eq3A_1969, %jit3A_1970, %jit3A_1967 : i32
      %rem3A_1972 = vector.broadcast %select_n3A_1971 : i32 to vector<16xi32>
      %rem3A_1973 = arith.remsi %add3A_1966, %rem3A_1972 : vector<16xi32>
      %ne3A_1974 = arith.constant 0 : i32
      %ne3A_1975 = vector.broadcast %ne3A_1974 : i32 to vector<16xi32>
      %ne3A_1976 = arith.cmpi ne, %rem3A_1973, %ne3A_1975 : vector<16xi32>
      %lt3A_1977 = arith.constant 0 : i32
      %lt3A_1978 = vector.broadcast %lt3A_1977 : i32 to vector<16xi32>
      %lt3A_1979 = arith.cmpi slt, %rem3A_1973, %lt3A_1978 : vector<16xi32>
      %lt3A_1980 = arith.constant 0 : i32
      %lt3A_1981 = arith.cmpi slt, %select_n3A_1971, %lt3A_1980 : i32
      %ne3A_1982 = vector.broadcast %lt3A_1981 : i1 to vector<16xi1>
      %ne3A_1983 = vector.broadcast %ne3A_1982 : vector<16xi1> to vector<16xi1>
      %ne3A_1984 = arith.xori %lt3A_1979, %ne3A_1983 : vector<16xi1>
      %and3A_1985 = arith.andi %ne3A_1984, %ne3A_1976 : vector<16xi1>
      %add3A_1986 = vector.broadcast %select_n3A_1971 : i32 to vector<16xi32>
      %add3A_1987 = arith.addi %rem3A_1973, %add3A_1986 : vector<16xi32>
      %select_n3A_1988 = arith.select %and3A_1985, %add3A_1987, %rem3A_1973 : vector<16xi1>, vector<16xi32>
      %lt3A_1989 = arith.constant 0 : i32
      %lt3A_1990 = vector.broadcast %lt3A_1989 : i32 to vector<16xi32>
      %lt3A_1991 = arith.cmpi slt, %select_n3A_1988, %lt3A_1990 : vector<16xi32>
      %add3A_1992 = arith.constant 16 : i32
      %add3A_1993 = vector.broadcast %add3A_1992 : i32 to vector<16xi32>
      %add3A_1994 = arith.addi %select_n3A_1988, %add3A_1993 : vector<16xi32>
      %select_n3A_1995 = arith.select %lt3A_1991, %add3A_1994, %select_n3A_1988 : vector<16xi1>, vector<16xi32>
      %broadcast_in_dim3A_1996 = vector.shape_cast %select_n3A_1995 : vector<16xi32> to vector<16x1xi32>
      %gather3A_1997 = vector.shape_cast %broadcast_in_dim3A_1996 : vector<16x1xi32> to vector<16xi32>
      %gather3A_1998 = tpu.dynamic_gather %add3A_1963[%gather3A_1997] in [0] : vector<16xf32>, vector<16xi32> -> vector<16xf32>
      %add3A_1999 = arith.addf %add3A_1963, %gather3A_1998 : vector<16xf32>
      %add3A_2000 = arith.constant 1 : i32
      %add3A_2001 = vector.broadcast %add3A_2000 : i32 to vector<16xi32>
      %add3A_2002 = arith.addi %iota3A, %add3A_2001 : vector<16xi32>
      %jit3A_2003 = arith.constant 16 : i32
      %eq3A_2004 = arith.constant 0 : i32
      %eq3A_2005 = arith.cmpi eq, %jit3A_2003, %eq3A_2004 : i32
      %jit3A_2006 = arith.constant 1 : i32
      %select_n3A_2007 = arith.select %eq3A_2005, %jit3A_2006, %jit3A_2003 : i32
      %rem3A_2008 = vector.broadcast %select_n3A_2007 : i32 to vector<16xi32>
      %rem3A_2009 = arith.remsi %add3A_2002, %rem3A_2008 : vector<16xi32>
      %ne3A_2010 = arith.constant 0 : i32
      %ne3A_2011 = vector.broadcast %ne3A_2010 : i32 to vector<16xi32>
      %ne3A_2012 = arith.cmpi ne, %rem3A_2009, %ne3A_2011 : vector<16xi32>
      %lt3A_2013 = arith.constant 0 : i32
      %lt3A_2014 = vector.broadcast %lt3A_2013 : i32 to vector<16xi32>
      %lt3A_2015 = arith.cmpi slt, %rem3A_2009, %lt3A_2014 : vector<16xi32>
      %lt3A_2016 = arith.constant 0 : i32
      %lt3A_2017 = arith.cmpi slt, %select_n3A_2007, %lt3A_2016 : i32
      %ne3A_2018 = vector.broadcast %lt3A_2017 : i1 to vector<16xi1>
      %ne3A_2019 = vector.broadcast %ne3A_2018 : vector<16xi1> to vector<16xi1>
      %ne3A_2020 = arith.xori %lt3A_2015, %ne3A_2019 : vector<16xi1>
      %and3A_2021 = arith.andi %ne3A_2020, %ne3A_2012 : vector<16xi1>
      %add3A_2022 = vector.broadcast %select_n3A_2007 : i32 to vector<16xi32>
      %add3A_2023 = arith.addi %rem3A_2009, %add3A_2022 : vector<16xi32>
      %select_n3A_2024 = arith.select %and3A_2021, %add3A_2023, %rem3A_2009 : vector<16xi1>, vector<16xi32>
      %lt3A_2025 = arith.constant 0 : i32
      %lt3A_2026 = vector.broadcast %lt3A_2025 : i32 to vector<16xi32>
      %lt3A_2027 = arith.cmpi slt, %select_n3A_2024, %lt3A_2026 : vector<16xi32>
      %add3A_2028 = arith.constant 16 : i32
      %add3A_2029 = vector.broadcast %add3A_2028 : i32 to vector<16xi32>
      %add3A_2030 = arith.addi %select_n3A_2024, %add3A_2029 : vector<16xi32>
      %select_n3A_2031 = arith.select %lt3A_2027, %add3A_2030, %select_n3A_2024 : vector<16xi1>, vector<16xi32>
      %broadcast_in_dim3A_2032 = vector.shape_cast %select_n3A_2031 : vector<16xi32> to vector<16x1xi32>
      %gather3A_2033 = vector.shape_cast %broadcast_in_dim3A_2032 : vector<16x1xi32> to vector<16xi32>
      %gather3A_2034 = tpu.dynamic_gather %add3A_1999[%gather3A_2033] in [0] : vector<16xf32>, vector<16xi32> -> vector<16xf32>
      %add3A_2035 = arith.addf %add3A_1999, %gather3A_2034 : vector<16xf32>
      %eq3A_2036 = arith.constant 8 : i32
      %eq3A_2037 = vector.broadcast %eq3A_2036 : i32 to vector<16xi32>
      %eq3A_2038 = arith.cmpi eq, %iota3A, %eq3A_2037 : vector<16xi32>
      %select_n3A_2039 = arith.select %eq3A_2038, %add3A_2035, %select_n3A_1845 : vector<16xi1>, vector<16xf32>
      %mul3A_2040 = arith.constant 16 : i32
      %mul3A_2041 = arith.muli %scan3A_300, %mul3A_2040 : i32
      %add3A_2042 = arith.constant 9 : i32
      %add3A_2043 = arith.addi %mul3A_2041, %add3A_2042 : i32
      %broadcast_in_dim3A_2044 = arith.constant 0.000000e+00 : f32
      %broadcast_in_dim3A_2045 = vector.broadcast %broadcast_in_dim3A_2044 : f32 to vector<16xf32>
      %get3A_2046 = arith.index_cast %add3A_2043 : i32 to index
      %get3A_2047 = arith.constant 0 : index
      %get3A_2048 = tpu.vector_load %arg12[%get3A_2046, %get3A_2047] {strides = array<i32>} : memref<512x64xf32, #tpu.memory_space<vmem>>, vector<1x16xf32>,
      %get3A_2049 = vector.shape_cast %get3A_2048 : vector<1x16xf32> to vector<16xf32>
      %get3A_2050 = arith.index_cast %add3A_2043 : i32 to index
      %get3A_2051 = arith.constant 0 : index
      %get3A_2052 = tpu.vector_load %arg13[%get3A_2050, %get3A_2051] {strides = array<i32>} : memref<512x64xf32, #tpu.memory_space<vmem>>, vector<1x16xf32>,
      %get3A_2053 = vector.shape_cast %get3A_2052 : vector<1x16xf32> to vector<16xf32>
      %mul3A_2054 = arith.mulf %get3A_2049, %get3A_2053 : vector<16xf32>
      %add3A_2055 = arith.addf %broadcast_in_dim3A_2045, %mul3A_2054 : vector<16xf32>
      %get3A_2056 = arith.index_cast %add3A_2043 : i32 to index
      %get3A_2057 = arith.constant 16 : index
      %get3A_2058 = tpu.vector_load %arg12[%get3A_2056, %get3A_2057] {strides = array<i32>} : memref<512x64xf32, #tpu.memory_space<vmem>>, vector<1x16xf32>,
      %get3A_2059 = vector.shape_cast %get3A_2058 : vector<1x16xf32> to vector<16xf32>
      %get3A_2060 = arith.index_cast %add3A_2043 : i32 to index
      %get3A_2061 = arith.constant 16 : index
      %get3A_2062 = tpu.vector_load %arg13[%get3A_2060, %get3A_2061] {strides = array<i32>} : memref<512x64xf32, #tpu.memory_space<vmem>>, vector<1x16xf32>,
      %get3A_2063 = vector.shape_cast %get3A_2062 : vector<1x16xf32> to vector<16xf32>
      %mul3A_2064 = arith.mulf %get3A_2059, %get3A_2063 : vector<16xf32>
      %add3A_2065 = arith.addf %add3A_2055, %mul3A_2064 : vector<16xf32>
      %get3A_2066 = arith.index_cast %add3A_2043 : i32 to index
      %get3A_2067 = arith.constant 32 : index
      %get3A_2068 = tpu.vector_load %arg12[%get3A_2066, %get3A_2067] {strides = array<i32>} : memref<512x64xf32, #tpu.memory_space<vmem>>, vector<1x16xf32>,
      %get3A_2069 = vector.shape_cast %get3A_2068 : vector<1x16xf32> to vector<16xf32>
      %get3A_2070 = arith.index_cast %add3A_2043 : i32 to index
      %get3A_2071 = arith.constant 32 : index
      %get3A_2072 = tpu.vector_load %arg13[%get3A_2070, %get3A_2071] {strides = array<i32>} : memref<512x64xf32, #tpu.memory_space<vmem>>, vector<1x16xf32>,
      %get3A_2073 = vector.shape_cast %get3A_2072 : vector<1x16xf32> to vector<16xf32>
      %mul3A_2074 = arith.mulf %get3A_2069, %get3A_2073 : vector<16xf32>
      %add3A_2075 = arith.addf %add3A_2065, %mul3A_2074 : vector<16xf32>
      %get3A_2076 = arith.index_cast %add3A_2043 : i32 to index
      %get3A_2077 = arith.constant 48 : index
      %get3A_2078 = tpu.vector_load %arg12[%get3A_2076, %get3A_2077] {strides = array<i32>} : memref<512x64xf32, #tpu.memory_space<vmem>>, vector<1x16xf32>,
      %get3A_2079 = vector.shape_cast %get3A_2078 : vector<1x16xf32> to vector<16xf32>
      %get3A_2080 = arith.index_cast %add3A_2043 : i32 to index
      %get3A_2081 = arith.constant 48 : index
      %get3A_2082 = tpu.vector_load %arg13[%get3A_2080, %get3A_2081] {strides = array<i32>} : memref<512x64xf32, #tpu.memory_space<vmem>>, vector<1x16xf32>,
      %get3A_2083 = vector.shape_cast %get3A_2082 : vector<1x16xf32> to vector<16xf32>
      %mul3A_2084 = arith.mulf %get3A_2079, %get3A_2083 : vector<16xf32>
      %add3A_2085 = arith.addf %add3A_2075, %mul3A_2084 : vector<16xf32>
      %add3A_2086 = arith.constant 8 : i32
      %add3A_2087 = vector.broadcast %add3A_2086 : i32 to vector<16xi32>
      %add3A_2088 = arith.addi %iota3A, %add3A_2087 : vector<16xi32>
      %jit3A_2089 = arith.constant 16 : i32
      %eq3A_2090 = arith.constant 0 : i32
      %eq3A_2091 = arith.cmpi eq, %jit3A_2089, %eq3A_2090 : i32
      %jit3A_2092 = arith.constant 1 : i32
      %select_n3A_2093 = arith.select %eq3A_2091, %jit3A_2092, %jit3A_2089 : i32
      %rem3A_2094 = vector.broadcast %select_n3A_2093 : i32 to vector<16xi32>
      %rem3A_2095 = arith.remsi %add3A_2088, %rem3A_2094 : vector<16xi32>
      %ne3A_2096 = arith.constant 0 : i32
      %ne3A_2097 = vector.broadcast %ne3A_2096 : i32 to vector<16xi32>
      %ne3A_2098 = arith.cmpi ne, %rem3A_2095, %ne3A_2097 : vector<16xi32>
      %lt3A_2099 = arith.constant 0 : i32
      %lt3A_2100 = vector.broadcast %lt3A_2099 : i32 to vector<16xi32>
      %lt3A_2101 = arith.cmpi slt, %rem3A_2095, %lt3A_2100 : vector<16xi32>
      %lt3A_2102 = arith.constant 0 : i32
      %lt3A_2103 = arith.cmpi slt, %select_n3A_2093, %lt3A_2102 : i32
      %ne3A_2104 = vector.broadcast %lt3A_2103 : i1 to vector<16xi1>
      %ne3A_2105 = vector.broadcast %ne3A_2104 : vector<16xi1> to vector<16xi1>
      %ne3A_2106 = arith.xori %lt3A_2101, %ne3A_2105 : vector<16xi1>
      %and3A_2107 = arith.andi %ne3A_2106, %ne3A_2098 : vector<16xi1>
      %add3A_2108 = vector.broadcast %select_n3A_2093 : i32 to vector<16xi32>
      %add3A_2109 = arith.addi %rem3A_2095, %add3A_2108 : vector<16xi32>
      %select_n3A_2110 = arith.select %and3A_2107, %add3A_2109, %rem3A_2095 : vector<16xi1>, vector<16xi32>
      %lt3A_2111 = arith.constant 0 : i32
      %lt3A_2112 = vector.broadcast %lt3A_2111 : i32 to vector<16xi32>
      %lt3A_2113 = arith.cmpi slt, %select_n3A_2110, %lt3A_2112 : vector<16xi32>
      %add3A_2114 = arith.constant 16 : i32
      %add3A_2115 = vector.broadcast %add3A_2114 : i32 to vector<16xi32>
      %add3A_2116 = arith.addi %select_n3A_2110, %add3A_2115 : vector<16xi32>
      %select_n3A_2117 = arith.select %lt3A_2113, %add3A_2116, %select_n3A_2110 : vector<16xi1>, vector<16xi32>
      %broadcast_in_dim3A_2118 = vector.shape_cast %select_n3A_2117 : vector<16xi32> to vector<16x1xi32>
      %gather3A_2119 = vector.shape_cast %broadcast_in_dim3A_2118 : vector<16x1xi32> to vector<16xi32>
      %gather3A_2120 = tpu.dynamic_gather %add3A_2085[%gather3A_2119] in [0] : vector<16xf32>, vector<16xi32> -> vector<16xf32>
      %add3A_2121 = arith.addf %add3A_2085, %gather3A_2120 : vector<16xf32>
      %add3A_2122 = arith.constant 4 : i32
      %add3A_2123 = vector.broadcast %add3A_2122 : i32 to vector<16xi32>
      %add3A_2124 = arith.addi %iota3A, %add3A_2123 : vector<16xi32>
      %jit3A_2125 = arith.constant 16 : i32
      %eq3A_2126 = arith.constant 0 : i32
      %eq3A_2127 = arith.cmpi eq, %jit3A_2125, %eq3A_2126 : i32
      %jit3A_2128 = arith.constant 1 : i32
      %select_n3A_2129 = arith.select %eq3A_2127, %jit3A_2128, %jit3A_2125 : i32
      %rem3A_2130 = vector.broadcast %select_n3A_2129 : i32 to vector<16xi32>
      %rem3A_2131 = arith.remsi %add3A_2124, %rem3A_2130 : vector<16xi32>
      %ne3A_2132 = arith.constant 0 : i32
      %ne3A_2133 = vector.broadcast %ne3A_2132 : i32 to vector<16xi32>
      %ne3A_2134 = arith.cmpi ne, %rem3A_2131, %ne3A_2133 : vector<16xi32>
      %lt3A_2135 = arith.constant 0 : i32
      %lt3A_2136 = vector.broadcast %lt3A_2135 : i32 to vector<16xi32>
      %lt3A_2137 = arith.cmpi slt, %rem3A_2131, %lt3A_2136 : vector<16xi32>
      %lt3A_2138 = arith.constant 0 : i32
      %lt3A_2139 = arith.cmpi slt, %select_n3A_2129, %lt3A_2138 : i32
      %ne3A_2140 = vector.broadcast %lt3A_2139 : i1 to vector<16xi1>
      %ne3A_2141 = vector.broadcast %ne3A_2140 : vector<16xi1> to vector<16xi1>
      %ne3A_2142 = arith.xori %lt3A_2137, %ne3A_2141 : vector<16xi1>
      %and3A_2143 = arith.andi %ne3A_2142, %ne3A_2134 : vector<16xi1>
      %add3A_2144 = vector.broadcast %select_n3A_2129 : i32 to vector<16xi32>
      %add3A_2145 = arith.addi %rem3A_2131, %add3A_2144 : vector<16xi32>
      %select_n3A_2146 = arith.select %and3A_2143, %add3A_2145, %rem3A_2131 : vector<16xi1>, vector<16xi32>
      %lt3A_2147 = arith.constant 0 : i32
      %lt3A_2148 = vector.broadcast %lt3A_2147 : i32 to vector<16xi32>
      %lt3A_2149 = arith.cmpi slt, %select_n3A_2146, %lt3A_2148 : vector<16xi32>
      %add3A_2150 = arith.constant 16 : i32
      %add3A_2151 = vector.broadcast %add3A_2150 : i32 to vector<16xi32>
      %add3A_2152 = arith.addi %select_n3A_2146, %add3A_2151 : vector<16xi32>
      %select_n3A_2153 = arith.select %lt3A_2149, %add3A_2152, %select_n3A_2146 : vector<16xi1>, vector<16xi32>
      %broadcast_in_dim3A_2154 = vector.shape_cast %select_n3A_2153 : vector<16xi32> to vector<16x1xi32>
      %gather3A_2155 = vector.shape_cast %broadcast_in_dim3A_2154 : vector<16x1xi32> to vector<16xi32>
      %gather3A_2156 = tpu.dynamic_gather %add3A_2121[%gather3A_2155] in [0] : vector<16xf32>, vector<16xi32> -> vector<16xf32>
      %add3A_2157 = arith.addf %add3A_2121, %gather3A_2156 : vector<16xf32>
      %add3A_2158 = arith.constant 2 : i32
      %add3A_2159 = vector.broadcast %add3A_2158 : i32 to vector<16xi32>
      %add3A_2160 = arith.addi %iota3A, %add3A_2159 : vector<16xi32>
      %jit3A_2161 = arith.constant 16 : i32
      %eq3A_2162 = arith.constant 0 : i32
      %eq3A_2163 = arith.cmpi eq, %jit3A_2161, %eq3A_2162 : i32
      %jit3A_2164 = arith.constant 1 : i32
      %select_n3A_2165 = arith.select %eq3A_2163, %jit3A_2164, %jit3A_2161 : i32
      %rem3A_2166 = vector.broadcast %select_n3A_2165 : i32 to vector<16xi32>
      %rem3A_2167 = arith.remsi %add3A_2160, %rem3A_2166 : vector<16xi32>
      %ne3A_2168 = arith.constant 0 : i32
      %ne3A_2169 = vector.broadcast %ne3A_2168 : i32 to vector<16xi32>
      %ne3A_2170 = arith.cmpi ne, %rem3A_2167, %ne3A_2169 : vector<16xi32>
      %lt3A_2171 = arith.constant 0 : i32
      %lt3A_2172 = vector.broadcast %lt3A_2171 : i32 to vector<16xi32>
      %lt3A_2173 = arith.cmpi slt, %rem3A_2167, %lt3A_2172 : vector<16xi32>
      %lt3A_2174 = arith.constant 0 : i32
      %lt3A_2175 = arith.cmpi slt, %select_n3A_2165, %lt3A_2174 : i32
      %ne3A_2176 = vector.broadcast %lt3A_2175 : i1 to vector<16xi1>
      %ne3A_2177 = vector.broadcast %ne3A_2176 : vector<16xi1> to vector<16xi1>
      %ne3A_2178 = arith.xori %lt3A_2173, %ne3A_2177 : vector<16xi1>
      %and3A_2179 = arith.andi %ne3A_2178, %ne3A_2170 : vector<16xi1>
      %add3A_2180 = vector.broadcast %select_n3A_2165 : i32 to vector<16xi32>
      %add3A_2181 = arith.addi %rem3A_2167, %add3A_2180 : vector<16xi32>
      %select_n3A_2182 = arith.select %and3A_2179, %add3A_2181, %rem3A_2167 : vector<16xi1>, vector<16xi32>
      %lt3A_2183 = arith.constant 0 : i32
      %lt3A_2184 = vector.broadcast %lt3A_2183 : i32 to vector<16xi32>
      %lt3A_2185 = arith.cmpi slt, %select_n3A_2182, %lt3A_2184 : vector<16xi32>
      %add3A_2186 = arith.constant 16 : i32
      %add3A_2187 = vector.broadcast %add3A_2186 : i32 to vector<16xi32>
      %add3A_2188 = arith.addi %select_n3A_2182, %add3A_2187 : vector<16xi32>
      %select_n3A_2189 = arith.select %lt3A_2185, %add3A_2188, %select_n3A_2182 : vector<16xi1>, vector<16xi32>
      %broadcast_in_dim3A_2190 = vector.shape_cast %select_n3A_2189 : vector<16xi32> to vector<16x1xi32>
      %gather3A_2191 = vector.shape_cast %broadcast_in_dim3A_2190 : vector<16x1xi32> to vector<16xi32>
      %gather3A_2192 = tpu.dynamic_gather %add3A_2157[%gather3A_2191] in [0] : vector<16xf32>, vector<16xi32> -> vector<16xf32>
      %add3A_2193 = arith.addf %add3A_2157, %gather3A_2192 : vector<16xf32>
      %add3A_2194 = arith.constant 1 : i32
      %add3A_2195 = vector.broadcast %add3A_2194 : i32 to vector<16xi32>
      %add3A_2196 = arith.addi %iota3A, %add3A_2195 : vector<16xi32>
      %jit3A_2197 = arith.constant 16 : i32
      %eq3A_2198 = arith.constant 0 : i32
      %eq3A_2199 = arith.cmpi eq, %jit3A_2197, %eq3A_2198 : i32
      %jit3A_2200 = arith.constant 1 : i32
      %select_n3A_2201 = arith.select %eq3A_2199, %jit3A_2200, %jit3A_2197 : i32
      %rem3A_2202 = vector.broadcast %select_n3A_2201 : i32 to vector<16xi32>
      %rem3A_2203 = arith.remsi %add3A_2196, %rem3A_2202 : vector<16xi32>
      %ne3A_2204 = arith.constant 0 : i32
      %ne3A_2205 = vector.broadcast %ne3A_2204 : i32 to vector<16xi32>
      %ne3A_2206 = arith.cmpi ne, %rem3A_2203, %ne3A_2205 : vector<16xi32>
      %lt3A_2207 = arith.constant 0 : i32
      %lt3A_2208 = vector.broadcast %lt3A_2207 : i32 to vector<16xi32>
      %lt3A_2209 = arith.cmpi slt, %rem3A_2203, %lt3A_2208 : vector<16xi32>
      %lt3A_2210 = arith.constant 0 : i32
      %lt3A_2211 = arith.cmpi slt, %select_n3A_2201, %lt3A_2210 : i32
      %ne3A_2212 = vector.broadcast %lt3A_2211 : i1 to vector<16xi1>
      %ne3A_2213 = vector.broadcast %ne3A_2212 : vector<16xi1> to vector<16xi1>
      %ne3A_2214 = arith.xori %lt3A_2209, %ne3A_2213 : vector<16xi1>
      %and3A_2215 = arith.andi %ne3A_2214, %ne3A_2206 : vector<16xi1>
      %add3A_2216 = vector.broadcast %select_n3A_2201 : i32 to vector<16xi32>
      %add3A_2217 = arith.addi %rem3A_2203, %add3A_2216 : vector<16xi32>
      %select_n3A_2218 = arith.select %and3A_2215, %add3A_2217, %rem3A_2203 : vector<16xi1>, vector<16xi32>
      %lt3A_2219 = arith.constant 0 : i32
      %lt3A_2220 = vector.broadcast %lt3A_2219 : i32 to vector<16xi32>
      %lt3A_2221 = arith.cmpi slt, %select_n3A_2218, %lt3A_2220 : vector<16xi32>
      %add3A_2222 = arith.constant 16 : i32
      %add3A_2223 = vector.broadcast %add3A_2222 : i32 to vector<16xi32>
      %add3A_2224 = arith.addi %select_n3A_2218, %add3A_2223 : vector<16xi32>
      %select_n3A_2225 = arith.select %lt3A_2221, %add3A_2224, %select_n3A_2218 : vector<16xi1>, vector<16xi32>
      %broadcast_in_dim3A_2226 = vector.shape_cast %select_n3A_2225 : vector<16xi32> to vector<16x1xi32>
      %gather3A_2227 = vector.shape_cast %broadcast_in_dim3A_2226 : vector<16x1xi32> to vector<16xi32>
      %gather3A_2228 = tpu.dynamic_gather %add3A_2193[%gather3A_2227] in [0] : vector<16xf32>, vector<16xi32> -> vector<16xf32>
      %add3A_2229 = arith.addf %add3A_2193, %gather3A_2228 : vector<16xf32>
      %eq3A_2230 = arith.constant 9 : i32
      %eq3A_2231 = vector.broadcast %eq3A_2230 : i32 to vector<16xi32>
      %eq3A_2232 = arith.cmpi eq, %iota3A, %eq3A_2231 : vector<16xi32>
      %select_n3A_2233 = arith.select %eq3A_2232, %add3A_2229, %select_n3A_2039 : vector<16xi1>, vector<16xf32>
      %mul3A_2234 = arith.constant 16 : i32
      %mul3A_2235 = arith.muli %scan3A_300, %mul3A_2234 : i32
      %add3A_2236 = arith.constant 10 : i32
      %add3A_2237 = arith.addi %mul3A_2235, %add3A_2236 : i32
      %broadcast_in_dim3A_2238 = arith.constant 0.000000e+00 : f32
      %broadcast_in_dim3A_2239 = vector.broadcast %broadcast_in_dim3A_2238 : f32 to vector<16xf32>
      %get3A_2240 = arith.index_cast %add3A_2237 : i32 to index
      %get3A_2241 = arith.constant 0 : index
      %get3A_2242 = tpu.vector_load %arg12[%get3A_2240, %get3A_2241] {strides = array<i32>} : memref<512x64xf32, #tpu.memory_space<vmem>>, vector<1x16xf32>,
      %get3A_2243 = vector.shape_cast %get3A_2242 : vector<1x16xf32> to vector<16xf32>
      %get3A_2244 = arith.index_cast %add3A_2237 : i32 to index
      %get3A_2245 = arith.constant 0 : index
      %get3A_2246 = tpu.vector_load %arg13[%get3A_2244, %get3A_2245] {strides = array<i32>} : memref<512x64xf32, #tpu.memory_space<vmem>>, vector<1x16xf32>,
      %get3A_2247 = vector.shape_cast %get3A_2246 : vector<1x16xf32> to vector<16xf32>
      %mul3A_2248 = arith.mulf %get3A_2243, %get3A_2247 : vector<16xf32>
      %add3A_2249 = arith.addf %broadcast_in_dim3A_2239, %mul3A_2248 : vector<16xf32>
      %get3A_2250 = arith.index_cast %add3A_2237 : i32 to index
      %get3A_2251 = arith.constant 16 : index
      %get3A_2252 = tpu.vector_load %arg12[%get3A_2250, %get3A_2251] {strides = array<i32>} : memref<512x64xf32, #tpu.memory_space<vmem>>, vector<1x16xf32>,
      %get3A_2253 = vector.shape_cast %get3A_2252 : vector<1x16xf32> to vector<16xf32>
      %get3A_2254 = arith.index_cast %add3A_2237 : i32 to index
      %get3A_2255 = arith.constant 16 : index
      %get3A_2256 = tpu.vector_load %arg13[%get3A_2254, %get3A_2255] {strides = array<i32>} : memref<512x64xf32, #tpu.memory_space<vmem>>, vector<1x16xf32>,
      %get3A_2257 = vector.shape_cast %get3A_2256 : vector<1x16xf32> to vector<16xf32>
      %mul3A_2258 = arith.mulf %get3A_2253, %get3A_2257 : vector<16xf32>
      %add3A_2259 = arith.addf %add3A_2249, %mul3A_2258 : vector<16xf32>
      %get3A_2260 = arith.index_cast %add3A_2237 : i32 to index
      %get3A_2261 = arith.constant 32 : index
      %get3A_2262 = tpu.vector_load %arg12[%get3A_2260, %get3A_2261] {strides = array<i32>} : memref<512x64xf32, #tpu.memory_space<vmem>>, vector<1x16xf32>,
      %get3A_2263 = vector.shape_cast %get3A_2262 : vector<1x16xf32> to vector<16xf32>
      %get3A_2264 = arith.index_cast %add3A_2237 : i32 to index
      %get3A_2265 = arith.constant 32 : index
      %get3A_2266 = tpu.vector_load %arg13[%get3A_2264, %get3A_2265] {strides = array<i32>} : memref<512x64xf32, #tpu.memory_space<vmem>>, vector<1x16xf32>,
      %get3A_2267 = vector.shape_cast %get3A_2266 : vector<1x16xf32> to vector<16xf32>
      %mul3A_2268 = arith.mulf %get3A_2263, %get3A_2267 : vector<16xf32>
      %add3A_2269 = arith.addf %add3A_2259, %mul3A_2268 : vector<16xf32>
      %get3A_2270 = arith.index_cast %add3A_2237 : i32 to index
      %get3A_2271 = arith.constant 48 : index
      %get3A_2272 = tpu.vector_load %arg12[%get3A_2270, %get3A_2271] {strides = array<i32>} : memref<512x64xf32, #tpu.memory_space<vmem>>, vector<1x16xf32>,
      %get3A_2273 = vector.shape_cast %get3A_2272 : vector<1x16xf32> to vector<16xf32>
      %get3A_2274 = arith.index_cast %add3A_2237 : i32 to index
      %get3A_2275 = arith.constant 48 : index
      %get3A_2276 = tpu.vector_load %arg13[%get3A_2274, %get3A_2275] {strides = array<i32>} : memref<512x64xf32, #tpu.memory_space<vmem>>, vector<1x16xf32>,
      %get3A_2277 = vector.shape_cast %get3A_2276 : vector<1x16xf32> to vector<16xf32>
      %mul3A_2278 = arith.mulf %get3A_2273, %get3A_2277 : vector<16xf32>
      %add3A_2279 = arith.addf %add3A_2269, %mul3A_2278 : vector<16xf32>
      %add3A_2280 = arith.constant 8 : i32
      %add3A_2281 = vector.broadcast %add3A_2280 : i32 to vector<16xi32>
      %add3A_2282 = arith.addi %iota3A, %add3A_2281 : vector<16xi32>
      %jit3A_2283 = arith.constant 16 : i32
      %eq3A_2284 = arith.constant 0 : i32
      %eq3A_2285 = arith.cmpi eq, %jit3A_2283, %eq3A_2284 : i32
      %jit3A_2286 = arith.constant 1 : i32
      %select_n3A_2287 = arith.select %eq3A_2285, %jit3A_2286, %jit3A_2283 : i32
      %rem3A_2288 = vector.broadcast %select_n3A_2287 : i32 to vector<16xi32>
      %rem3A_2289 = arith.remsi %add3A_2282, %rem3A_2288 : vector<16xi32>
      %ne3A_2290 = arith.constant 0 : i32
      %ne3A_2291 = vector.broadcast %ne3A_2290 : i32 to vector<16xi32>
      %ne3A_2292 = arith.cmpi ne, %rem3A_2289, %ne3A_2291 : vector<16xi32>
      %lt3A_2293 = arith.constant 0 : i32
      %lt3A_2294 = vector.broadcast %lt3A_2293 : i32 to vector<16xi32>
      %lt3A_2295 = arith.cmpi slt, %rem3A_2289, %lt3A_2294 : vector<16xi32>
      %lt3A_2296 = arith.constant 0 : i32
      %lt3A_2297 = arith.cmpi slt, %select_n3A_2287, %lt3A_2296 : i32
      %ne3A_2298 = vector.broadcast %lt3A_2297 : i1 to vector<16xi1>
      %ne3A_2299 = vector.broadcast %ne3A_2298 : vector<16xi1> to vector<16xi1>
      %ne3A_2300 = arith.xori %lt3A_2295, %ne3A_2299 : vector<16xi1>
      %and3A_2301 = arith.andi %ne3A_2300, %ne3A_2292 : vector<16xi1>
      %add3A_2302 = vector.broadcast %select_n3A_2287 : i32 to vector<16xi32>
      %add3A_2303 = arith.addi %rem3A_2289, %add3A_2302 : vector<16xi32>
      %select_n3A_2304 = arith.select %and3A_2301, %add3A_2303, %rem3A_2289 : vector<16xi1>, vector<16xi32>
      %lt3A_2305 = arith.constant 0 : i32
      %lt3A_2306 = vector.broadcast %lt3A_2305 : i32 to vector<16xi32>
      %lt3A_2307 = arith.cmpi slt, %select_n3A_2304, %lt3A_2306 : vector<16xi32>
      %add3A_2308 = arith.constant 16 : i32
      %add3A_2309 = vector.broadcast %add3A_2308 : i32 to vector<16xi32>
      %add3A_2310 = arith.addi %select_n3A_2304, %add3A_2309 : vector<16xi32>
      %select_n3A_2311 = arith.select %lt3A_2307, %add3A_2310, %select_n3A_2304 : vector<16xi1>, vector<16xi32>
      %broadcast_in_dim3A_2312 = vector.shape_cast %select_n3A_2311 : vector<16xi32> to vector<16x1xi32>
      %gather3A_2313 = vector.shape_cast %broadcast_in_dim3A_2312 : vector<16x1xi32> to vector<16xi32>
      %gather3A_2314 = tpu.dynamic_gather %add3A_2279[%gather3A_2313] in [0] : vector<16xf32>, vector<16xi32> -> vector<16xf32>
      %add3A_2315 = arith.addf %add3A_2279, %gather3A_2314 : vector<16xf32>
      %add3A_2316 = arith.constant 4 : i32
      %add3A_2317 = vector.broadcast %add3A_2316 : i32 to vector<16xi32>
      %add3A_2318 = arith.addi %iota3A, %add3A_2317 : vector<16xi32>
      %jit3A_2319 = arith.constant 16 : i32
      %eq3A_2320 = arith.constant 0 : i32
      %eq3A_2321 = arith.cmpi eq, %jit3A_2319, %eq3A_2320 : i32
      %jit3A_2322 = arith.constant 1 : i32
      %select_n3A_2323 = arith.select %eq3A_2321, %jit3A_2322, %jit3A_2319 : i32
      %rem3A_2324 = vector.broadcast %select_n3A_2323 : i32 to vector<16xi32>
      %rem3A_2325 = arith.remsi %add3A_2318, %rem3A_2324 : vector<16xi32>
      %ne3A_2326 = arith.constant 0 : i32
      %ne3A_2327 = vector.broadcast %ne3A_2326 : i32 to vector<16xi32>
      %ne3A_2328 = arith.cmpi ne, %rem3A_2325, %ne3A_2327 : vector<16xi32>
      %lt3A_2329 = arith.constant 0 : i32
      %lt3A_2330 = vector.broadcast %lt3A_2329 : i32 to vector<16xi32>
      %lt3A_2331 = arith.cmpi slt, %rem3A_2325, %lt3A_2330 : vector<16xi32>
      %lt3A_2332 = arith.constant 0 : i32
      %lt3A_2333 = arith.cmpi slt, %select_n3A_2323, %lt3A_2332 : i32
      %ne3A_2334 = vector.broadcast %lt3A_2333 : i1 to vector<16xi1>
      %ne3A_2335 = vector.broadcast %ne3A_2334 : vector<16xi1> to vector<16xi1>
      %ne3A_2336 = arith.xori %lt3A_2331, %ne3A_2335 : vector<16xi1>
      %and3A_2337 = arith.andi %ne3A_2336, %ne3A_2328 : vector<16xi1>
      %add3A_2338 = vector.broadcast %select_n3A_2323 : i32 to vector<16xi32>
      %add3A_2339 = arith.addi %rem3A_2325, %add3A_2338 : vector<16xi32>
      %select_n3A_2340 = arith.select %and3A_2337, %add3A_2339, %rem3A_2325 : vector<16xi1>, vector<16xi32>
      %lt3A_2341 = arith.constant 0 : i32
      %lt3A_2342 = vector.broadcast %lt3A_2341 : i32 to vector<16xi32>
      %lt3A_2343 = arith.cmpi slt, %select_n3A_2340, %lt3A_2342 : vector<16xi32>
      %add3A_2344 = arith.constant 16 : i32
      %add3A_2345 = vector.broadcast %add3A_2344 : i32 to vector<16xi32>
      %add3A_2346 = arith.addi %select_n3A_2340, %add3A_2345 : vector<16xi32>
      %select_n3A_2347 = arith.select %lt3A_2343, %add3A_2346, %select_n3A_2340 : vector<16xi1>, vector<16xi32>
      %broadcast_in_dim3A_2348 = vector.shape_cast %select_n3A_2347 : vector<16xi32> to vector<16x1xi32>
      %gather3A_2349 = vector.shape_cast %broadcast_in_dim3A_2348 : vector<16x1xi32> to vector<16xi32>
      %gather3A_2350 = tpu.dynamic_gather %add3A_2315[%gather3A_2349] in [0] : vector<16xf32>, vector<16xi32> -> vector<16xf32>
      %add3A_2351 = arith.addf %add3A_2315, %gather3A_2350 : vector<16xf32>
      %add3A_2352 = arith.constant 2 : i32
      %add3A_2353 = vector.broadcast %add3A_2352 : i32 to vector<16xi32>
      %add3A_2354 = arith.addi %iota3A, %add3A_2353 : vector<16xi32>
      %jit3A_2355 = arith.constant 16 : i32
      %eq3A_2356 = arith.constant 0 : i32
      %eq3A_2357 = arith.cmpi eq, %jit3A_2355, %eq3A_2356 : i32
      %jit3A_2358 = arith.constant 1 : i32
      %select_n3A_2359 = arith.select %eq3A_2357, %jit3A_2358, %jit3A_2355 : i32
      %rem3A_2360 = vector.broadcast %select_n3A_2359 : i32 to vector<16xi32>
      %rem3A_2361 = arith.remsi %add3A_2354, %rem3A_2360 : vector<16xi32>
      %ne3A_2362 = arith.constant 0 : i32
      %ne3A_2363 = vector.broadcast %ne3A_2362 : i32 to vector<16xi32>
      %ne3A_2364 = arith.cmpi ne, %rem3A_2361, %ne3A_2363 : vector<16xi32>
      %lt3A_2365 = arith.constant 0 : i32
      %lt3A_2366 = vector.broadcast %lt3A_2365 : i32 to vector<16xi32>
      %lt3A_2367 = arith.cmpi slt, %rem3A_2361, %lt3A_2366 : vector<16xi32>
      %lt3A_2368 = arith.constant 0 : i32
      %lt3A_2369 = arith.cmpi slt, %select_n3A_2359, %lt3A_2368 : i32
      %ne3A_2370 = vector.broadcast %lt3A_2369 : i1 to vector<16xi1>
      %ne3A_2371 = vector.broadcast %ne3A_2370 : vector<16xi1> to vector<16xi1>
      %ne3A_2372 = arith.xori %lt3A_2367, %ne3A_2371 : vector<16xi1>
      %and3A_2373 = arith.andi %ne3A_2372, %ne3A_2364 : vector<16xi1>
      %add3A_2374 = vector.broadcast %select_n3A_2359 : i32 to vector<16xi32>
      %add3A_2375 = arith.addi %rem3A_2361, %add3A_2374 : vector<16xi32>
      %select_n3A_2376 = arith.select %and3A_2373, %add3A_2375, %rem3A_2361 : vector<16xi1>, vector<16xi32>
      %lt3A_2377 = arith.constant 0 : i32
      %lt3A_2378 = vector.broadcast %lt3A_2377 : i32 to vector<16xi32>
      %lt3A_2379 = arith.cmpi slt, %select_n3A_2376, %lt3A_2378 : vector<16xi32>
      %add3A_2380 = arith.constant 16 : i32
      %add3A_2381 = vector.broadcast %add3A_2380 : i32 to vector<16xi32>
      %add3A_2382 = arith.addi %select_n3A_2376, %add3A_2381 : vector<16xi32>
      %select_n3A_2383 = arith.select %lt3A_2379, %add3A_2382, %select_n3A_2376 : vector<16xi1>, vector<16xi32>
      %broadcast_in_dim3A_2384 = vector.shape_cast %select_n3A_2383 : vector<16xi32> to vector<16x1xi32>
      %gather3A_2385 = vector.shape_cast %broadcast_in_dim3A_2384 : vector<16x1xi32> to vector<16xi32>
      %gather3A_2386 = tpu.dynamic_gather %add3A_2351[%gather3A_2385] in [0] : vector<16xf32>, vector<16xi32> -> vector<16xf32>
      %add3A_2387 = arith.addf %add3A_2351, %gather3A_2386 : vector<16xf32>
      %add3A_2388 = arith.constant 1 : i32
      %add3A_2389 = vector.broadcast %add3A_2388 : i32 to vector<16xi32>
      %add3A_2390 = arith.addi %iota3A, %add3A_2389 : vector<16xi32>
      %jit3A_2391 = arith.constant 16 : i32
      %eq3A_2392 = arith.constant 0 : i32
      %eq3A_2393 = arith.cmpi eq, %jit3A_2391, %eq3A_2392 : i32
      %jit3A_2394 = arith.constant 1 : i32
      %select_n3A_2395 = arith.select %eq3A_2393, %jit3A_2394, %jit3A_2391 : i32
      %rem3A_2396 = vector.broadcast %select_n3A_2395 : i32 to vector<16xi32>
      %rem3A_2397 = arith.remsi %add3A_2390, %rem3A_2396 : vector<16xi32>
      %ne3A_2398 = arith.constant 0 : i32
      %ne3A_2399 = vector.broadcast %ne3A_2398 : i32 to vector<16xi32>
      %ne3A_2400 = arith.cmpi ne, %rem3A_2397, %ne3A_2399 : vector<16xi32>
      %lt3A_2401 = arith.constant 0 : i32
      %lt3A_2402 = vector.broadcast %lt3A_2401 : i32 to vector<16xi32>
      %lt3A_2403 = arith.cmpi slt, %rem3A_2397, %lt3A_2402 : vector<16xi32>
      %lt3A_2404 = arith.constant 0 : i32
      %lt3A_2405 = arith.cmpi slt, %select_n3A_2395, %lt3A_2404 : i32
      %ne3A_2406 = vector.broadcast %lt3A_2405 : i1 to vector<16xi1>
      %ne3A_2407 = vector.broadcast %ne3A_2406 : vector<16xi1> to vector<16xi1>
      %ne3A_2408 = arith.xori %lt3A_2403, %ne3A_2407 : vector<16xi1>
      %and3A_2409 = arith.andi %ne3A_2408, %ne3A_2400 : vector<16xi1>
      %add3A_2410 = vector.broadcast %select_n3A_2395 : i32 to vector<16xi32>
      %add3A_2411 = arith.addi %rem3A_2397, %add3A_2410 : vector<16xi32>
      %select_n3A_2412 = arith.select %and3A_2409, %add3A_2411, %rem3A_2397 : vector<16xi1>, vector<16xi32>
      %lt3A_2413 = arith.constant 0 : i32
      %lt3A_2414 = vector.broadcast %lt3A_2413 : i32 to vector<16xi32>
      %lt3A_2415 = arith.cmpi slt, %select_n3A_2412, %lt3A_2414 : vector<16xi32>
      %add3A_2416 = arith.constant 16 : i32
      %add3A_2417 = vector.broadcast %add3A_2416 : i32 to vector<16xi32>
      %add3A_2418 = arith.addi %select_n3A_2412, %add3A_2417 : vector<16xi32>
      %select_n3A_2419 = arith.select %lt3A_2415, %add3A_2418, %select_n3A_2412 : vector<16xi1>, vector<16xi32>
      %broadcast_in_dim3A_2420 = vector.shape_cast %select_n3A_2419 : vector<16xi32> to vector<16x1xi32>
      %gather3A_2421 = vector.shape_cast %broadcast_in_dim3A_2420 : vector<16x1xi32> to vector<16xi32>
      %gather3A_2422 = tpu.dynamic_gather %add3A_2387[%gather3A_2421] in [0] : vector<16xf32>, vector<16xi32> -> vector<16xf32>
      %add3A_2423 = arith.addf %add3A_2387, %gather3A_2422 : vector<16xf32>
      %eq3A_2424 = arith.constant 10 : i32
      %eq3A_2425 = vector.broadcast %eq3A_2424 : i32 to vector<16xi32>
      %eq3A_2426 = arith.cmpi eq, %iota3A, %eq3A_2425 : vector<16xi32>
      %select_n3A_2427 = arith.select %eq3A_2426, %add3A_2423, %select_n3A_2233 : vector<16xi1>, vector<16xf32>
      %mul3A_2428 = arith.constant 16 : i32
      %mul3A_2429 = arith.muli %scan3A_300, %mul3A_2428 : i32
      %add3A_2430 = arith.constant 11 : i32
      %add3A_2431 = arith.addi %mul3A_2429, %add3A_2430 : i32
      %broadcast_in_dim3A_2432 = arith.constant 0.000000e+00 : f32
      %broadcast_in_dim3A_2433 = vector.broadcast %broadcast_in_dim3A_2432 : f32 to vector<16xf32>
      %get3A_2434 = arith.index_cast %add3A_2431 : i32 to index
      %get3A_2435 = arith.constant 0 : index
      %get3A_2436 = tpu.vector_load %arg12[%get3A_2434, %get3A_2435] {strides = array<i32>} : memref<512x64xf32, #tpu.memory_space<vmem>>, vector<1x16xf32>,
      %get3A_2437 = vector.shape_cast %get3A_2436 : vector<1x16xf32> to vector<16xf32>
      %get3A_2438 = arith.index_cast %add3A_2431 : i32 to index
      %get3A_2439 = arith.constant 0 : index
      %get3A_2440 = tpu.vector_load %arg13[%get3A_2438, %get3A_2439] {strides = array<i32>} : memref<512x64xf32, #tpu.memory_space<vmem>>, vector<1x16xf32>,
      %get3A_2441 = vector.shape_cast %get3A_2440 : vector<1x16xf32> to vector<16xf32>
      %mul3A_2442 = arith.mulf %get3A_2437, %get3A_2441 : vector<16xf32>
      %add3A_2443 = arith.addf %broadcast_in_dim3A_2433, %mul3A_2442 : vector<16xf32>
      %get3A_2444 = arith.index_cast %add3A_2431 : i32 to index
      %get3A_2445 = arith.constant 16 : index
      %get3A_2446 = tpu.vector_load %arg12[%get3A_2444, %get3A_2445] {strides = array<i32>} : memref<512x64xf32, #tpu.memory_space<vmem>>, vector<1x16xf32>,
      %get3A_2447 = vector.shape_cast %get3A_2446 : vector<1x16xf32> to vector<16xf32>
      %get3A_2448 = arith.index_cast %add3A_2431 : i32 to index
      %get3A_2449 = arith.constant 16 : index
      %get3A_2450 = tpu.vector_load %arg13[%get3A_2448, %get3A_2449] {strides = array<i32>} : memref<512x64xf32, #tpu.memory_space<vmem>>, vector<1x16xf32>,
      %get3A_2451 = vector.shape_cast %get3A_2450 : vector<1x16xf32> to vector<16xf32>
      %mul3A_2452 = arith.mulf %get3A_2447, %get3A_2451 : vector<16xf32>
      %add3A_2453 = arith.addf %add3A_2443, %mul3A_2452 : vector<16xf32>
      %get3A_2454 = arith.index_cast %add3A_2431 : i32 to index
      %get3A_2455 = arith.constant 32 : index
      %get3A_2456 = tpu.vector_load %arg12[%get3A_2454, %get3A_2455] {strides = array<i32>} : memref<512x64xf32, #tpu.memory_space<vmem>>, vector<1x16xf32>,
      %get3A_2457 = vector.shape_cast %get3A_2456 : vector<1x16xf32> to vector<16xf32>
      %get3A_2458 = arith.index_cast %add3A_2431 : i32 to index
      %get3A_2459 = arith.constant 32 : index
      %get3A_2460 = tpu.vector_load %arg13[%get3A_2458, %get3A_2459] {strides = array<i32>} : memref<512x64xf32, #tpu.memory_space<vmem>>, vector<1x16xf32>,
      %get3A_2461 = vector.shape_cast %get3A_2460 : vector<1x16xf32> to vector<16xf32>
      %mul3A_2462 = arith.mulf %get3A_2457, %get3A_2461 : vector<16xf32>
      %add3A_2463 = arith.addf %add3A_2453, %mul3A_2462 : vector<16xf32>
      %get3A_2464 = arith.index_cast %add3A_2431 : i32 to index
      %get3A_2465 = arith.constant 48 : index
      %get3A_2466 = tpu.vector_load %arg12[%get3A_2464, %get3A_2465] {strides = array<i32>} : memref<512x64xf32, #tpu.memory_space<vmem>>, vector<1x16xf32>,
      %get3A_2467 = vector.shape_cast %get3A_2466 : vector<1x16xf32> to vector<16xf32>
      %get3A_2468 = arith.index_cast %add3A_2431 : i32 to index
      %get3A_2469 = arith.constant 48 : index
      %get3A_2470 = tpu.vector_load %arg13[%get3A_2468, %get3A_2469] {strides = array<i32>} : memref<512x64xf32, #tpu.memory_space<vmem>>, vector<1x16xf32>,
      %get3A_2471 = vector.shape_cast %get3A_2470 : vector<1x16xf32> to vector<16xf32>
      %mul3A_2472 = arith.mulf %get3A_2467, %get3A_2471 : vector<16xf32>
      %add3A_2473 = arith.addf %add3A_2463, %mul3A_2472 : vector<16xf32>
      %add3A_2474 = arith.constant 8 : i32
      %add3A_2475 = vector.broadcast %add3A_2474 : i32 to vector<16xi32>
      %add3A_2476 = arith.addi %iota3A, %add3A_2475 : vector<16xi32>
      %jit3A_2477 = arith.constant 16 : i32
      %eq3A_2478 = arith.constant 0 : i32
      %eq3A_2479 = arith.cmpi eq, %jit3A_2477, %eq3A_2478 : i32
      %jit3A_2480 = arith.constant 1 : i32
      %select_n3A_2481 = arith.select %eq3A_2479, %jit3A_2480, %jit3A_2477 : i32
      %rem3A_2482 = vector.broadcast %select_n3A_2481 : i32 to vector<16xi32>
      %rem3A_2483 = arith.remsi %add3A_2476, %rem3A_2482 : vector<16xi32>
      %ne3A_2484 = arith.constant 0 : i32
      %ne3A_2485 = vector.broadcast %ne3A_2484 : i32 to vector<16xi32>
      %ne3A_2486 = arith.cmpi ne, %rem3A_2483, %ne3A_2485 : vector<16xi32>
      %lt3A_2487 = arith.constant 0 : i32
      %lt3A_2488 = vector.broadcast %lt3A_2487 : i32 to vector<16xi32>
      %lt3A_2489 = arith.cmpi slt, %rem3A_2483, %lt3A_2488 : vector<16xi32>
      %lt3A_2490 = arith.constant 0 : i32
      %lt3A_2491 = arith.cmpi slt, %select_n3A_2481, %lt3A_2490 : i32
      %ne3A_2492 = vector.broadcast %lt3A_2491 : i1 to vector<16xi1>
      %ne3A_2493 = vector.broadcast %ne3A_2492 : vector<16xi1> to vector<16xi1>
      %ne3A_2494 = arith.xori %lt3A_2489, %ne3A_2493 : vector<16xi1>
      %and3A_2495 = arith.andi %ne3A_2494, %ne3A_2486 : vector<16xi1>
      %add3A_2496 = vector.broadcast %select_n3A_2481 : i32 to vector<16xi32>
      %add3A_2497 = arith.addi %rem3A_2483, %add3A_2496 : vector<16xi32>
      %select_n3A_2498 = arith.select %and3A_2495, %add3A_2497, %rem3A_2483 : vector<16xi1>, vector<16xi32>
      %lt3A_2499 = arith.constant 0 : i32
      %lt3A_2500 = vector.broadcast %lt3A_2499 : i32 to vector<16xi32>
      %lt3A_2501 = arith.cmpi slt, %select_n3A_2498, %lt3A_2500 : vector<16xi32>
      %add3A_2502 = arith.constant 16 : i32
      %add3A_2503 = vector.broadcast %add3A_2502 : i32 to vector<16xi32>
      %add3A_2504 = arith.addi %select_n3A_2498, %add3A_2503 : vector<16xi32>
      %select_n3A_2505 = arith.select %lt3A_2501, %add3A_2504, %select_n3A_2498 : vector<16xi1>, vector<16xi32>
      %broadcast_in_dim3A_2506 = vector.shape_cast %select_n3A_2505 : vector<16xi32> to vector<16x1xi32>
      %gather3A_2507 = vector.shape_cast %broadcast_in_dim3A_2506 : vector<16x1xi32> to vector<16xi32>
      %gather3A_2508 = tpu.dynamic_gather %add3A_2473[%gather3A_2507] in [0] : vector<16xf32>, vector<16xi32> -> vector<16xf32>
      %add3A_2509 = arith.addf %add3A_2473, %gather3A_2508 : vector<16xf32>
      %add3A_2510 = arith.constant 4 : i32
      %add3A_2511 = vector.broadcast %add3A_2510 : i32 to vector<16xi32>
      %add3A_2512 = arith.addi %iota3A, %add3A_2511 : vector<16xi32>
      %jit3A_2513 = arith.constant 16 : i32
      %eq3A_2514 = arith.constant 0 : i32
      %eq3A_2515 = arith.cmpi eq, %jit3A_2513, %eq3A_2514 : i32
      %jit3A_2516 = arith.constant 1 : i32
      %select_n3A_2517 = arith.select %eq3A_2515, %jit3A_2516, %jit3A_2513 : i32
      %rem3A_2518 = vector.broadcast %select_n3A_2517 : i32 to vector<16xi32>
      %rem3A_2519 = arith.remsi %add3A_2512, %rem3A_2518 : vector<16xi32>
      %ne3A_2520 = arith.constant 0 : i32
      %ne3A_2521 = vector.broadcast %ne3A_2520 : i32 to vector<16xi32>
      %ne3A_2522 = arith.cmpi ne, %rem3A_2519, %ne3A_2521 : vector<16xi32>
      %lt3A_2523 = arith.constant 0 : i32
      %lt3A_2524 = vector.broadcast %lt3A_2523 : i32 to vector<16xi32>
      %lt3A_2525 = arith.cmpi slt, %rem3A_2519, %lt3A_2524 : vector<16xi32>
      %lt3A_2526 = arith.constant 0 : i32
      %lt3A_2527 = arith.cmpi slt, %select_n3A_2517, %lt3A_2526 : i32
      %ne3A_2528 = vector.broadcast %lt3A_2527 : i1 to vector<16xi1>
      %ne3A_2529 = vector.broadcast %ne3A_2528 : vector<16xi1> to vector<16xi1>
      %ne3A_2530 = arith.xori %lt3A_2525, %ne3A_2529 : vector<16xi1>
      %and3A_2531 = arith.andi %ne3A_2530, %ne3A_2522 : vector<16xi1>
      %add3A_2532 = vector.broadcast %select_n3A_2517 : i32 to vector<16xi32>
      %add3A_2533 = arith.addi %rem3A_2519, %add3A_2532 : vector<16xi32>
      %select_n3A_2534 = arith.select %and3A_2531, %add3A_2533, %rem3A_2519 : vector<16xi1>, vector<16xi32>
      %lt3A_2535 = arith.constant 0 : i32
      %lt3A_2536 = vector.broadcast %lt3A_2535 : i32 to vector<16xi32>
      %lt3A_2537 = arith.cmpi slt, %select_n3A_2534, %lt3A_2536 : vector<16xi32>
      %add3A_2538 = arith.constant 16 : i32
      %add3A_2539 = vector.broadcast %add3A_2538 : i32 to vector<16xi32>
      %add3A_2540 = arith.addi %select_n3A_2534, %add3A_2539 : vector<16xi32>
      %select_n3A_2541 = arith.select %lt3A_2537, %add3A_2540, %select_n3A_2534 : vector<16xi1>, vector<16xi32>
      %broadcast_in_dim3A_2542 = vector.shape_cast %select_n3A_2541 : vector<16xi32> to vector<16x1xi32>
      %gather3A_2543 = vector.shape_cast %broadcast_in_dim3A_2542 : vector<16x1xi32> to vector<16xi32>
      %gather3A_2544 = tpu.dynamic_gather %add3A_2509[%gather3A_2543] in [0] : vector<16xf32>, vector<16xi32> -> vector<16xf32>
      %add3A_2545 = arith.addf %add3A_2509, %gather3A_2544 : vector<16xf32>
      %add3A_2546 = arith.constant 2 : i32
      %add3A_2547 = vector.broadcast %add3A_2546 : i32 to vector<16xi32>
      %add3A_2548 = arith.addi %iota3A, %add3A_2547 : vector<16xi32>
      %jit3A_2549 = arith.constant 16 : i32
      %eq3A_2550 = arith.constant 0 : i32
      %eq3A_2551 = arith.cmpi eq, %jit3A_2549, %eq3A_2550 : i32
      %jit3A_2552 = arith.constant 1 : i32
      %select_n3A_2553 = arith.select %eq3A_2551, %jit3A_2552, %jit3A_2549 : i32
      %rem3A_2554 = vector.broadcast %select_n3A_2553 : i32 to vector<16xi32>
      %rem3A_2555 = arith.remsi %add3A_2548, %rem3A_2554 : vector<16xi32>
      %ne3A_2556 = arith.constant 0 : i32
      %ne3A_2557 = vector.broadcast %ne3A_2556 : i32 to vector<16xi32>
      %ne3A_2558 = arith.cmpi ne, %rem3A_2555, %ne3A_2557 : vector<16xi32>
      %lt3A_2559 = arith.constant 0 : i32
      %lt3A_2560 = vector.broadcast %lt3A_2559 : i32 to vector<16xi32>
      %lt3A_2561 = arith.cmpi slt, %rem3A_2555, %lt3A_2560 : vector<16xi32>
      %lt3A_2562 = arith.constant 0 : i32
      %lt3A_2563 = arith.cmpi slt, %select_n3A_2553, %lt3A_2562 : i32
      %ne3A_2564 = vector.broadcast %lt3A_2563 : i1 to vector<16xi1>
      %ne3A_2565 = vector.broadcast %ne3A_2564 : vector<16xi1> to vector<16xi1>
      %ne3A_2566 = arith.xori %lt3A_2561, %ne3A_2565 : vector<16xi1>
      %and3A_2567 = arith.andi %ne3A_2566, %ne3A_2558 : vector<16xi1>
      %add3A_2568 = vector.broadcast %select_n3A_2553 : i32 to vector<16xi32>
      %add3A_2569 = arith.addi %rem3A_2555, %add3A_2568 : vector<16xi32>
      %select_n3A_2570 = arith.select %and3A_2567, %add3A_2569, %rem3A_2555 : vector<16xi1>, vector<16xi32>
      %lt3A_2571 = arith.constant 0 : i32
      %lt3A_2572 = vector.broadcast %lt3A_2571 : i32 to vector<16xi32>
      %lt3A_2573 = arith.cmpi slt, %select_n3A_2570, %lt3A_2572 : vector<16xi32>
      %add3A_2574 = arith.constant 16 : i32
      %add3A_2575 = vector.broadcast %add3A_2574 : i32 to vector<16xi32>
      %add3A_2576 = arith.addi %select_n3A_2570, %add3A_2575 : vector<16xi32>
      %select_n3A_2577 = arith.select %lt3A_2573, %add3A_2576, %select_n3A_2570 : vector<16xi1>, vector<16xi32>
      %broadcast_in_dim3A_2578 = vector.shape_cast %select_n3A_2577 : vector<16xi32> to vector<16x1xi32>
      %gather3A_2579 = vector.shape_cast %broadcast_in_dim3A_2578 : vector<16x1xi32> to vector<16xi32>
      %gather3A_2580 = tpu.dynamic_gather %add3A_2545[%gather3A_2579] in [0] : vector<16xf32>, vector<16xi32> -> vector<16xf32>
      %add3A_2581 = arith.addf %add3A_2545, %gather3A_2580 : vector<16xf32>
      %add3A_2582 = arith.constant 1 : i32
      %add3A_2583 = vector.broadcast %add3A_2582 : i32 to vector<16xi32>
      %add3A_2584 = arith.addi %iota3A, %add3A_2583 : vector<16xi32>
      %jit3A_2585 = arith.constant 16 : i32
      %eq3A_2586 = arith.constant 0 : i32
      %eq3A_2587 = arith.cmpi eq, %jit3A_2585, %eq3A_2586 : i32
      %jit3A_2588 = arith.constant 1 : i32
      %select_n3A_2589 = arith.select %eq3A_2587, %jit3A_2588, %jit3A_2585 : i32
      %rem3A_2590 = vector.broadcast %select_n3A_2589 : i32 to vector<16xi32>
      %rem3A_2591 = arith.remsi %add3A_2584, %rem3A_2590 : vector<16xi32>
      %ne3A_2592 = arith.constant 0 : i32
      %ne3A_2593 = vector.broadcast %ne3A_2592 : i32 to vector<16xi32>
      %ne3A_2594 = arith.cmpi ne, %rem3A_2591, %ne3A_2593 : vector<16xi32>
      %lt3A_2595 = arith.constant 0 : i32
      %lt3A_2596 = vector.broadcast %lt3A_2595 : i32 to vector<16xi32>
      %lt3A_2597 = arith.cmpi slt, %rem3A_2591, %lt3A_2596 : vector<16xi32>
      %lt3A_2598 = arith.constant 0 : i32
      %lt3A_2599 = arith.cmpi slt, %select_n3A_2589, %lt3A_2598 : i32
      %ne3A_2600 = vector.broadcast %lt3A_2599 : i1 to vector<16xi1>
      %ne3A_2601 = vector.broadcast %ne3A_2600 : vector<16xi1> to vector<16xi1>
      %ne3A_2602 = arith.xori %lt3A_2597, %ne3A_2601 : vector<16xi1>
      %and3A_2603 = arith.andi %ne3A_2602, %ne3A_2594 : vector<16xi1>
      %add3A_2604 = vector.broadcast %select_n3A_2589 : i32 to vector<16xi32>
      %add3A_2605 = arith.addi %rem3A_2591, %add3A_2604 : vector<16xi32>
      %select_n3A_2606 = arith.select %and3A_2603, %add3A_2605, %rem3A_2591 : vector<16xi1>, vector<16xi32>
      %lt3A_2607 = arith.constant 0 : i32
      %lt3A_2608 = vector.broadcast %lt3A_2607 : i32 to vector<16xi32>
      %lt3A_2609 = arith.cmpi slt, %select_n3A_2606, %lt3A_2608 : vector<16xi32>
      %add3A_2610 = arith.constant 16 : i32
      %add3A_2611 = vector.broadcast %add3A_2610 : i32 to vector<16xi32>
      %add3A_2612 = arith.addi %select_n3A_2606, %add3A_2611 : vector<16xi32>
      %select_n3A_2613 = arith.select %lt3A_2609, %add3A_2612, %select_n3A_2606 : vector<16xi1>, vector<16xi32>
      %broadcast_in_dim3A_2614 = vector.shape_cast %select_n3A_2613 : vector<16xi32> to vector<16x1xi32>
      %gather3A_2615 = vector.shape_cast %broadcast_in_dim3A_2614 : vector<16x1xi32> to vector<16xi32>
      %gather3A_2616 = tpu.dynamic_gather %add3A_2581[%gather3A_2615] in [0] : vector<16xf32>, vector<16xi32> -> vector<16xf32>
      %add3A_2617 = arith.addf %add3A_2581, %gather3A_2616 : vector<16xf32>
      %eq3A_2618 = arith.constant 11 : i32
      %eq3A_2619 = vector.broadcast %eq3A_2618 : i32 to vector<16xi32>
      %eq3A_2620 = arith.cmpi eq, %iota3A, %eq3A_2619 : vector<16xi32>
      %select_n3A_2621 = arith.select %eq3A_2620, %add3A_2617, %select_n3A_2427 : vector<16xi1>, vector<16xf32>
      %mul3A_2622 = arith.constant 16 : i32
      %mul3A_2623 = arith.muli %scan3A_300, %mul3A_2622 : i32
      %add3A_2624 = arith.constant 12 : i32
      %add3A_2625 = arith.addi %mul3A_2623, %add3A_2624 : i32
      %broadcast_in_dim3A_2626 = arith.constant 0.000000e+00 : f32
      %broadcast_in_dim3A_2627 = vector.broadcast %broadcast_in_dim3A_2626 : f32 to vector<16xf32>
      %get3A_2628 = arith.index_cast %add3A_2625 : i32 to index
      %get3A_2629 = arith.constant 0 : index
      %get3A_2630 = tpu.vector_load %arg12[%get3A_2628, %get3A_2629] {strides = array<i32>} : memref<512x64xf32, #tpu.memory_space<vmem>>, vector<1x16xf32>,
      %get3A_2631 = vector.shape_cast %get3A_2630 : vector<1x16xf32> to vector<16xf32>
      %get3A_2632 = arith.index_cast %add3A_2625 : i32 to index
      %get3A_2633 = arith.constant 0 : index
      %get3A_2634 = tpu.vector_load %arg13[%get3A_2632, %get3A_2633] {strides = array<i32>} : memref<512x64xf32, #tpu.memory_space<vmem>>, vector<1x16xf32>,
      %get3A_2635 = vector.shape_cast %get3A_2634 : vector<1x16xf32> to vector<16xf32>
      %mul3A_2636 = arith.mulf %get3A_2631, %get3A_2635 : vector<16xf32>
      %add3A_2637 = arith.addf %broadcast_in_dim3A_2627, %mul3A_2636 : vector<16xf32>
      %get3A_2638 = arith.index_cast %add3A_2625 : i32 to index
      %get3A_2639 = arith.constant 16 : index
      %get3A_2640 = tpu.vector_load %arg12[%get3A_2638, %get3A_2639] {strides = array<i32>} : memref<512x64xf32, #tpu.memory_space<vmem>>, vector<1x16xf32>,
      %get3A_2641 = vector.shape_cast %get3A_2640 : vector<1x16xf32> to vector<16xf32>
      %get3A_2642 = arith.index_cast %add3A_2625 : i32 to index
      %get3A_2643 = arith.constant 16 : index
      %get3A_2644 = tpu.vector_load %arg13[%get3A_2642, %get3A_2643] {strides = array<i32>} : memref<512x64xf32, #tpu.memory_space<vmem>>, vector<1x16xf32>,
      %get3A_2645 = vector.shape_cast %get3A_2644 : vector<1x16xf32> to vector<16xf32>
      %mul3A_2646 = arith.mulf %get3A_2641, %get3A_2645 : vector<16xf32>
      %add3A_2647 = arith.addf %add3A_2637, %mul3A_2646 : vector<16xf32>
      %get3A_2648 = arith.index_cast %add3A_2625 : i32 to index
      %get3A_2649 = arith.constant 32 : index
      %get3A_2650 = tpu.vector_load %arg12[%get3A_2648, %get3A_2649] {strides = array<i32>} : memref<512x64xf32, #tpu.memory_space<vmem>>, vector<1x16xf32>,
      %get3A_2651 = vector.shape_cast %get3A_2650 : vector<1x16xf32> to vector<16xf32>
      %get3A_2652 = arith.index_cast %add3A_2625 : i32 to index
      %get3A_2653 = arith.constant 32 : index
      %get3A_2654 = tpu.vector_load %arg13[%get3A_2652, %get3A_2653] {strides = array<i32>} : memref<512x64xf32, #tpu.memory_space<vmem>>, vector<1x16xf32>,
      %get3A_2655 = vector.shape_cast %get3A_2654 : vector<1x16xf32> to vector<16xf32>
      %mul3A_2656 = arith.mulf %get3A_2651, %get3A_2655 : vector<16xf32>
      %add3A_2657 = arith.addf %add3A_2647, %mul3A_2656 : vector<16xf32>
      %get3A_2658 = arith.index_cast %add3A_2625 : i32 to index
      %get3A_2659 = arith.constant 48 : index
      %get3A_2660 = tpu.vector_load %arg12[%get3A_2658, %get3A_2659] {strides = array<i32>} : memref<512x64xf32, #tpu.memory_space<vmem>>, vector<1x16xf32>,
      %get3A_2661 = vector.shape_cast %get3A_2660 : vector<1x16xf32> to vector<16xf32>
      %get3A_2662 = arith.index_cast %add3A_2625 : i32 to index
      %get3A_2663 = arith.constant 48 : index
      %get3A_2664 = tpu.vector_load %arg13[%get3A_2662, %get3A_2663] {strides = array<i32>} : memref<512x64xf32, #tpu.memory_space<vmem>>, vector<1x16xf32>,
      %get3A_2665 = vector.shape_cast %get3A_2664 : vector<1x16xf32> to vector<16xf32>
      %mul3A_2666 = arith.mulf %get3A_2661, %get3A_2665 : vector<16xf32>
      %add3A_2667 = arith.addf %add3A_2657, %mul3A_2666 : vector<16xf32>
      %add3A_2668 = arith.constant 8 : i32
      %add3A_2669 = vector.broadcast %add3A_2668 : i32 to vector<16xi32>
      %add3A_2670 = arith.addi %iota3A, %add3A_2669 : vector<16xi32>
      %jit3A_2671 = arith.constant 16 : i32
      %eq3A_2672 = arith.constant 0 : i32
      %eq3A_2673 = arith.cmpi eq, %jit3A_2671, %eq3A_2672 : i32
      %jit3A_2674 = arith.constant 1 : i32
      %select_n3A_2675 = arith.select %eq3A_2673, %jit3A_2674, %jit3A_2671 : i32
      %rem3A_2676 = vector.broadcast %select_n3A_2675 : i32 to vector<16xi32>
      %rem3A_2677 = arith.remsi %add3A_2670, %rem3A_2676 : vector<16xi32>
      %ne3A_2678 = arith.constant 0 : i32
      %ne3A_2679 = vector.broadcast %ne3A_2678 : i32 to vector<16xi32>
      %ne3A_2680 = arith.cmpi ne, %rem3A_2677, %ne3A_2679 : vector<16xi32>
      %lt3A_2681 = arith.constant 0 : i32
      %lt3A_2682 = vector.broadcast %lt3A_2681 : i32 to vector<16xi32>
      %lt3A_2683 = arith.cmpi slt, %rem3A_2677, %lt3A_2682 : vector<16xi32>
      %lt3A_2684 = arith.constant 0 : i32
      %lt3A_2685 = arith.cmpi slt, %select_n3A_2675, %lt3A_2684 : i32
      %ne3A_2686 = vector.broadcast %lt3A_2685 : i1 to vector<16xi1>
      %ne3A_2687 = vector.broadcast %ne3A_2686 : vector<16xi1> to vector<16xi1>
      %ne3A_2688 = arith.xori %lt3A_2683, %ne3A_2687 : vector<16xi1>
      %and3A_2689 = arith.andi %ne3A_2688, %ne3A_2680 : vector<16xi1>
      %add3A_2690 = vector.broadcast %select_n3A_2675 : i32 to vector<16xi32>
      %add3A_2691 = arith.addi %rem3A_2677, %add3A_2690 : vector<16xi32>
      %select_n3A_2692 = arith.select %and3A_2689, %add3A_2691, %rem3A_2677 : vector<16xi1>, vector<16xi32>
      %lt3A_2693 = arith.constant 0 : i32
      %lt3A_2694 = vector.broadcast %lt3A_2693 : i32 to vector<16xi32>
      %lt3A_2695 = arith.cmpi slt, %select_n3A_2692, %lt3A_2694 : vector<16xi32>
      %add3A_2696 = arith.constant 16 : i32
      %add3A_2697 = vector.broadcast %add3A_2696 : i32 to vector<16xi32>
      %add3A_2698 = arith.addi %select_n3A_2692, %add3A_2697 : vector<16xi32>
      %select_n3A_2699 = arith.select %lt3A_2695, %add3A_2698, %select_n3A_2692 : vector<16xi1>, vector<16xi32>
      %broadcast_in_dim3A_2700 = vector.shape_cast %select_n3A_2699 : vector<16xi32> to vector<16x1xi32>
      %gather3A_2701 = vector.shape_cast %broadcast_in_dim3A_2700 : vector<16x1xi32> to vector<16xi32>
      %gather3A_2702 = tpu.dynamic_gather %add3A_2667[%gather3A_2701] in [0] : vector<16xf32>, vector<16xi32> -> vector<16xf32>
      %add3A_2703 = arith.addf %add3A_2667, %gather3A_2702 : vector<16xf32>
      %add3A_2704 = arith.constant 4 : i32
      %add3A_2705 = vector.broadcast %add3A_2704 : i32 to vector<16xi32>
      %add3A_2706 = arith.addi %iota3A, %add3A_2705 : vector<16xi32>
      %jit3A_2707 = arith.constant 16 : i32
      %eq3A_2708 = arith.constant 0 : i32
      %eq3A_2709 = arith.cmpi eq, %jit3A_2707, %eq3A_2708 : i32
      %jit3A_2710 = arith.constant 1 : i32
      %select_n3A_2711 = arith.select %eq3A_2709, %jit3A_2710, %jit3A_2707 : i32
      %rem3A_2712 = vector.broadcast %select_n3A_2711 : i32 to vector<16xi32>
      %rem3A_2713 = arith.remsi %add3A_2706, %rem3A_2712 : vector<16xi32>
      %ne3A_2714 = arith.constant 0 : i32
      %ne3A_2715 = vector.broadcast %ne3A_2714 : i32 to vector<16xi32>
      %ne3A_2716 = arith.cmpi ne, %rem3A_2713, %ne3A_2715 : vector<16xi32>
      %lt3A_2717 = arith.constant 0 : i32
      %lt3A_2718 = vector.broadcast %lt3A_2717 : i32 to vector<16xi32>
      %lt3A_2719 = arith.cmpi slt, %rem3A_2713, %lt3A_2718 : vector<16xi32>
      %lt3A_2720 = arith.constant 0 : i32
      %lt3A_2721 = arith.cmpi slt, %select_n3A_2711, %lt3A_2720 : i32
      %ne3A_2722 = vector.broadcast %lt3A_2721 : i1 to vector<16xi1>
      %ne3A_2723 = vector.broadcast %ne3A_2722 : vector<16xi1> to vector<16xi1>
      %ne3A_2724 = arith.xori %lt3A_2719, %ne3A_2723 : vector<16xi1>
      %and3A_2725 = arith.andi %ne3A_2724, %ne3A_2716 : vector<16xi1>
      %add3A_2726 = vector.broadcast %select_n3A_2711 : i32 to vector<16xi32>
      %add3A_2727 = arith.addi %rem3A_2713, %add3A_2726 : vector<16xi32>
      %select_n3A_2728 = arith.select %and3A_2725, %add3A_2727, %rem3A_2713 : vector<16xi1>, vector<16xi32>
      %lt3A_2729 = arith.constant 0 : i32
      %lt3A_2730 = vector.broadcast %lt3A_2729 : i32 to vector<16xi32>
      %lt3A_2731 = arith.cmpi slt, %select_n3A_2728, %lt3A_2730 : vector<16xi32>
      %add3A_2732 = arith.constant 16 : i32
      %add3A_2733 = vector.broadcast %add3A_2732 : i32 to vector<16xi32>
      %add3A_2734 = arith.addi %select_n3A_2728, %add3A_2733 : vector<16xi32>
      %select_n3A_2735 = arith.select %lt3A_2731, %add3A_2734, %select_n3A_2728 : vector<16xi1>, vector<16xi32>
      %broadcast_in_dim3A_2736 = vector.shape_cast %select_n3A_2735 : vector<16xi32> to vector<16x1xi32>
      %gather3A_2737 = vector.shape_cast %broadcast_in_dim3A_2736 : vector<16x1xi32> to vector<16xi32>
      %gather3A_2738 = tpu.dynamic_gather %add3A_2703[%gather3A_2737] in [0] : vector<16xf32>, vector<16xi32> -> vector<16xf32>
      %add3A_2739 = arith.addf %add3A_2703, %gather3A_2738 : vector<16xf32>
      %add3A_2740 = arith.constant 2 : i32
      %add3A_2741 = vector.broadcast %add3A_2740 : i32 to vector<16xi32>
      %add3A_2742 = arith.addi %iota3A, %add3A_2741 : vector<16xi32>
      %jit3A_2743 = arith.constant 16 : i32
      %eq3A_2744 = arith.constant 0 : i32
      %eq3A_2745 = arith.cmpi eq, %jit3A_2743, %eq3A_2744 : i32
      %jit3A_2746 = arith.constant 1 : i32
      %select_n3A_2747 = arith.select %eq3A_2745, %jit3A_2746, %jit3A_2743 : i32
      %rem3A_2748 = vector.broadcast %select_n3A_2747 : i32 to vector<16xi32>
      %rem3A_2749 = arith.remsi %add3A_2742, %rem3A_2748 : vector<16xi32>
      %ne3A_2750 = arith.constant 0 : i32
      %ne3A_2751 = vector.broadcast %ne3A_2750 : i32 to vector<16xi32>
      %ne3A_2752 = arith.cmpi ne, %rem3A_2749, %ne3A_2751 : vector<16xi32>
      %lt3A_2753 = arith.constant 0 : i32
      %lt3A_2754 = vector.broadcast %lt3A_2753 : i32 to vector<16xi32>
      %lt3A_2755 = arith.cmpi slt, %rem3A_2749, %lt3A_2754 : vector<16xi32>
      %lt3A_2756 = arith.constant 0 : i32
      %lt3A_2757 = arith.cmpi slt, %select_n3A_2747, %lt3A_2756 : i32
      %ne3A_2758 = vector.broadcast %lt3A_2757 : i1 to vector<16xi1>
      %ne3A_2759 = vector.broadcast %ne3A_2758 : vector<16xi1> to vector<16xi1>
      %ne3A_2760 = arith.xori %lt3A_2755, %ne3A_2759 : vector<16xi1>
      %and3A_2761 = arith.andi %ne3A_2760, %ne3A_2752 : vector<16xi1>
      %add3A_2762 = vector.broadcast %select_n3A_2747 : i32 to vector<16xi32>
      %add3A_2763 = arith.addi %rem3A_2749, %add3A_2762 : vector<16xi32>
      %select_n3A_2764 = arith.select %and3A_2761, %add3A_2763, %rem3A_2749 : vector<16xi1>, vector<16xi32>
      %lt3A_2765 = arith.constant 0 : i32
      %lt3A_2766 = vector.broadcast %lt3A_2765 : i32 to vector<16xi32>
      %lt3A_2767 = arith.cmpi slt, %select_n3A_2764, %lt3A_2766 : vector<16xi32>
      %add3A_2768 = arith.constant 16 : i32
      %add3A_2769 = vector.broadcast %add3A_2768 : i32 to vector<16xi32>
      %add3A_2770 = arith.addi %select_n3A_2764, %add3A_2769 : vector<16xi32>
      %select_n3A_2771 = arith.select %lt3A_2767, %add3A_2770, %select_n3A_2764 : vector<16xi1>, vector<16xi32>
      %broadcast_in_dim3A_2772 = vector.shape_cast %select_n3A_2771 : vector<16xi32> to vector<16x1xi32>
      %gather3A_2773 = vector.shape_cast %broadcast_in_dim3A_2772 : vector<16x1xi32> to vector<16xi32>
      %gather3A_2774 = tpu.dynamic_gather %add3A_2739[%gather3A_2773] in [0] : vector<16xf32>, vector<16xi32> -> vector<16xf32>
      %add3A_2775 = arith.addf %add3A_2739, %gather3A_2774 : vector<16xf32>
      %add3A_2776 = arith.constant 1 : i32
      %add3A_2777 = vector.broadcast %add3A_2776 : i32 to vector<16xi32>
      %add3A_2778 = arith.addi %iota3A, %add3A_2777 : vector<16xi32>
      %jit3A_2779 = arith.constant 16 : i32
      %eq3A_2780 = arith.constant 0 : i32
      %eq3A_2781 = arith.cmpi eq, %jit3A_2779, %eq3A_2780 : i32
      %jit3A_2782 = arith.constant 1 : i32
      %select_n3A_2783 = arith.select %eq3A_2781, %jit3A_2782, %jit3A_2779 : i32
      %rem3A_2784 = vector.broadcast %select_n3A_2783 : i32 to vector<16xi32>
      %rem3A_2785 = arith.remsi %add3A_2778, %rem3A_2784 : vector<16xi32>
      %ne3A_2786 = arith.constant 0 : i32
      %ne3A_2787 = vector.broadcast %ne3A_2786 : i32 to vector<16xi32>
      %ne3A_2788 = arith.cmpi ne, %rem3A_2785, %ne3A_2787 : vector<16xi32>
      %lt3A_2789 = arith.constant 0 : i32
      %lt3A_2790 = vector.broadcast %lt3A_2789 : i32 to vector<16xi32>
      %lt3A_2791 = arith.cmpi slt, %rem3A_2785, %lt3A_2790 : vector<16xi32>
      %lt3A_2792 = arith.constant 0 : i32
      %lt3A_2793 = arith.cmpi slt, %select_n3A_2783, %lt3A_2792 : i32
      %ne3A_2794 = vector.broadcast %lt3A_2793 : i1 to vector<16xi1>
      %ne3A_2795 = vector.broadcast %ne3A_2794 : vector<16xi1> to vector<16xi1>
      %ne3A_2796 = arith.xori %lt3A_2791, %ne3A_2795 : vector<16xi1>
      %and3A_2797 = arith.andi %ne3A_2796, %ne3A_2788 : vector<16xi1>
      %add3A_2798 = vector.broadcast %select_n3A_2783 : i32 to vector<16xi32>
      %add3A_2799 = arith.addi %rem3A_2785, %add3A_2798 : vector<16xi32>
      %select_n3A_2800 = arith.select %and3A_2797, %add3A_2799, %rem3A_2785 : vector<16xi1>, vector<16xi32>
      %lt3A_2801 = arith.constant 0 : i32
      %lt3A_2802 = vector.broadcast %lt3A_2801 : i32 to vector<16xi32>
      %lt3A_2803 = arith.cmpi slt, %select_n3A_2800, %lt3A_2802 : vector<16xi32>
      %add3A_2804 = arith.constant 16 : i32
      %add3A_2805 = vector.broadcast %add3A_2804 : i32 to vector<16xi32>
      %add3A_2806 = arith.addi %select_n3A_2800, %add3A_2805 : vector<16xi32>
      %select_n3A_2807 = arith.select %lt3A_2803, %add3A_2806, %select_n3A_2800 : vector<16xi1>, vector<16xi32>
      %broadcast_in_dim3A_2808 = vector.shape_cast %select_n3A_2807 : vector<16xi32> to vector<16x1xi32>
      %gather3A_2809 = vector.shape_cast %broadcast_in_dim3A_2808 : vector<16x1xi32> to vector<16xi32>
      %gather3A_2810 = tpu.dynamic_gather %add3A_2775[%gather3A_2809] in [0] : vector<16xf32>, vector<16xi32> -> vector<16xf32>
      %add3A_2811 = arith.addf %add3A_2775, %gather3A_2810 : vector<16xf32>
      %eq3A_2812 = arith.constant 12 : i32
      %eq3A_2813 = vector.broadcast %eq3A_2812 : i32 to vector<16xi32>
      %eq3A_2814 = arith.cmpi eq, %iota3A, %eq3A_2813 : vector<16xi32>
      %select_n3A_2815 = arith.select %eq3A_2814, %add3A_2811, %select_n3A_2621 : vector<16xi1>, vector<16xf32>
      %mul3A_2816 = arith.constant 16 : i32
      %mul3A_2817 = arith.muli %scan3A_300, %mul3A_2816 : i32
      %add3A_2818 = arith.constant 13 : i32
      %add3A_2819 = arith.addi %mul3A_2817, %add3A_2818 : i32
      %broadcast_in_dim3A_2820 = arith.constant 0.000000e+00 : f32
      %broadcast_in_dim3A_2821 = vector.broadcast %broadcast_in_dim3A_2820 : f32 to vector<16xf32>
      %get3A_2822 = arith.index_cast %add3A_2819 : i32 to index
      %get3A_2823 = arith.constant 0 : index
      %get3A_2824 = tpu.vector_load %arg12[%get3A_2822, %get3A_2823] {strides = array<i32>} : memref<512x64xf32, #tpu.memory_space<vmem>>, vector<1x16xf32>,
      %get3A_2825 = vector.shape_cast %get3A_2824 : vector<1x16xf32> to vector<16xf32>
      %get3A_2826 = arith.index_cast %add3A_2819 : i32 to index
      %get3A_2827 = arith.constant 0 : index
      %get3A_2828 = tpu.vector_load %arg13[%get3A_2826, %get3A_2827] {strides = array<i32>} : memref<512x64xf32, #tpu.memory_space<vmem>>, vector<1x16xf32>,
      %get3A_2829 = vector.shape_cast %get3A_2828 : vector<1x16xf32> to vector<16xf32>
      %mul3A_2830 = arith.mulf %get3A_2825, %get3A_2829 : vector<16xf32>
      %add3A_2831 = arith.addf %broadcast_in_dim3A_2821, %mul3A_2830 : vector<16xf32>
      %get3A_2832 = arith.index_cast %add3A_2819 : i32 to index
      %get3A_2833 = arith.constant 16 : index
      %get3A_2834 = tpu.vector_load %arg12[%get3A_2832, %get3A_2833] {strides = array<i32>} : memref<512x64xf32, #tpu.memory_space<vmem>>, vector<1x16xf32>,
      %get3A_2835 = vector.shape_cast %get3A_2834 : vector<1x16xf32> to vector<16xf32>
      %get3A_2836 = arith.index_cast %add3A_2819 : i32 to index
      %get3A_2837 = arith.constant 16 : index
      %get3A_2838 = tpu.vector_load %arg13[%get3A_2836, %get3A_2837] {strides = array<i32>} : memref<512x64xf32, #tpu.memory_space<vmem>>, vector<1x16xf32>,
      %get3A_2839 = vector.shape_cast %get3A_2838 : vector<1x16xf32> to vector<16xf32>
      %mul3A_2840 = arith.mulf %get3A_2835, %get3A_2839 : vector<16xf32>
      %add3A_2841 = arith.addf %add3A_2831, %mul3A_2840 : vector<16xf32>
      %get3A_2842 = arith.index_cast %add3A_2819 : i32 to index
      %get3A_2843 = arith.constant 32 : index
      %get3A_2844 = tpu.vector_load %arg12[%get3A_2842, %get3A_2843] {strides = array<i32>} : memref<512x64xf32, #tpu.memory_space<vmem>>, vector<1x16xf32>,
      %get3A_2845 = vector.shape_cast %get3A_2844 : vector<1x16xf32> to vector<16xf32>
      %get3A_2846 = arith.index_cast %add3A_2819 : i32 to index
      %get3A_2847 = arith.constant 32 : index
      %get3A_2848 = tpu.vector_load %arg13[%get3A_2846, %get3A_2847] {strides = array<i32>} : memref<512x64xf32, #tpu.memory_space<vmem>>, vector<1x16xf32>,
      %get3A_2849 = vector.shape_cast %get3A_2848 : vector<1x16xf32> to vector<16xf32>
      %mul3A_2850 = arith.mulf %get3A_2845, %get3A_2849 : vector<16xf32>
      %add3A_2851 = arith.addf %add3A_2841, %mul3A_2850 : vector<16xf32>
      %get3A_2852 = arith.index_cast %add3A_2819 : i32 to index
      %get3A_2853 = arith.constant 48 : index
      %get3A_2854 = tpu.vector_load %arg12[%get3A_2852, %get3A_2853] {strides = array<i32>} : memref<512x64xf32, #tpu.memory_space<vmem>>, vector<1x16xf32>,
      %get3A_2855 = vector.shape_cast %get3A_2854 : vector<1x16xf32> to vector<16xf32>
      %get3A_2856 = arith.index_cast %add3A_2819 : i32 to index
      %get3A_2857 = arith.constant 48 : index
      %get3A_2858 = tpu.vector_load %arg13[%get3A_2856, %get3A_2857] {strides = array<i32>} : memref<512x64xf32, #tpu.memory_space<vmem>>, vector<1x16xf32>,
      %get3A_2859 = vector.shape_cast %get3A_2858 : vector<1x16xf32> to vector<16xf32>
      %mul3A_2860 = arith.mulf %get3A_2855, %get3A_2859 : vector<16xf32>
      %add3A_2861 = arith.addf %add3A_2851, %mul3A_2860 : vector<16xf32>
      %add3A_2862 = arith.constant 8 : i32
      %add3A_2863 = vector.broadcast %add3A_2862 : i32 to vector<16xi32>
      %add3A_2864 = arith.addi %iota3A, %add3A_2863 : vector<16xi32>
      %jit3A_2865 = arith.constant 16 : i32
      %eq3A_2866 = arith.constant 0 : i32
      %eq3A_2867 = arith.cmpi eq, %jit3A_2865, %eq3A_2866 : i32
      %jit3A_2868 = arith.constant 1 : i32
      %select_n3A_2869 = arith.select %eq3A_2867, %jit3A_2868, %jit3A_2865 : i32
      %rem3A_2870 = vector.broadcast %select_n3A_2869 : i32 to vector<16xi32>
      %rem3A_2871 = arith.remsi %add3A_2864, %rem3A_2870 : vector<16xi32>
      %ne3A_2872 = arith.constant 0 : i32
      %ne3A_2873 = vector.broadcast %ne3A_2872 : i32 to vector<16xi32>
      %ne3A_2874 = arith.cmpi ne, %rem3A_2871, %ne3A_2873 : vector<16xi32>
      %lt3A_2875 = arith.constant 0 : i32
      %lt3A_2876 = vector.broadcast %lt3A_2875 : i32 to vector<16xi32>
      %lt3A_2877 = arith.cmpi slt, %rem3A_2871, %lt3A_2876 : vector<16xi32>
      %lt3A_2878 = arith.constant 0 : i32
      %lt3A_2879 = arith.cmpi slt, %select_n3A_2869, %lt3A_2878 : i32
      %ne3A_2880 = vector.broadcast %lt3A_2879 : i1 to vector<16xi1>
      %ne3A_2881 = vector.broadcast %ne3A_2880 : vector<16xi1> to vector<16xi1>
      %ne3A_2882 = arith.xori %lt3A_2877, %ne3A_2881 : vector<16xi1>
      %and3A_2883 = arith.andi %ne3A_2882, %ne3A_2874 : vector<16xi1>
      %add3A_2884 = vector.broadcast %select_n3A_2869 : i32 to vector<16xi32>
      %add3A_2885 = arith.addi %rem3A_2871, %add3A_2884 : vector<16xi32>
      %select_n3A_2886 = arith.select %and3A_2883, %add3A_2885, %rem3A_2871 : vector<16xi1>, vector<16xi32>
      %lt3A_2887 = arith.constant 0 : i32
      %lt3A_2888 = vector.broadcast %lt3A_2887 : i32 to vector<16xi32>
      %lt3A_2889 = arith.cmpi slt, %select_n3A_2886, %lt3A_2888 : vector<16xi32>
      %add3A_2890 = arith.constant 16 : i32
      %add3A_2891 = vector.broadcast %add3A_2890 : i32 to vector<16xi32>
      %add3A_2892 = arith.addi %select_n3A_2886, %add3A_2891 : vector<16xi32>
      %select_n3A_2893 = arith.select %lt3A_2889, %add3A_2892, %select_n3A_2886 : vector<16xi1>, vector<16xi32>
      %broadcast_in_dim3A_2894 = vector.shape_cast %select_n3A_2893 : vector<16xi32> to vector<16x1xi32>
      %gather3A_2895 = vector.shape_cast %broadcast_in_dim3A_2894 : vector<16x1xi32> to vector<16xi32>
      %gather3A_2896 = tpu.dynamic_gather %add3A_2861[%gather3A_2895] in [0] : vector<16xf32>, vector<16xi32> -> vector<16xf32>
      %add3A_2897 = arith.addf %add3A_2861, %gather3A_2896 : vector<16xf32>
      %add3A_2898 = arith.constant 4 : i32
      %add3A_2899 = vector.broadcast %add3A_2898 : i32 to vector<16xi32>
      %add3A_2900 = arith.addi %iota3A, %add3A_2899 : vector<16xi32>
      %jit3A_2901 = arith.constant 16 : i32
      %eq3A_2902 = arith.constant 0 : i32
      %eq3A_2903 = arith.cmpi eq, %jit3A_2901, %eq3A_2902 : i32
      %jit3A_2904 = arith.constant 1 : i32
      %select_n3A_2905 = arith.select %eq3A_2903, %jit3A_2904, %jit3A_2901 : i32
      %rem3A_2906 = vector.broadcast %select_n3A_2905 : i32 to vector<16xi32>
      %rem3A_2907 = arith.remsi %add3A_2900, %rem3A_2906 : vector<16xi32>
      %ne3A_2908 = arith.constant 0 : i32
      %ne3A_2909 = vector.broadcast %ne3A_2908 : i32 to vector<16xi32>
      %ne3A_2910 = arith.cmpi ne, %rem3A_2907, %ne3A_2909 : vector<16xi32>
      %lt3A_2911 = arith.constant 0 : i32
      %lt3A_2912 = vector.broadcast %lt3A_2911 : i32 to vector<16xi32>
      %lt3A_2913 = arith.cmpi slt, %rem3A_2907, %lt3A_2912 : vector<16xi32>
      %lt3A_2914 = arith.constant 0 : i32
      %lt3A_2915 = arith.cmpi slt, %select_n3A_2905, %lt3A_2914 : i32
      %ne3A_2916 = vector.broadcast %lt3A_2915 : i1 to vector<16xi1>
      %ne3A_2917 = vector.broadcast %ne3A_2916 : vector<16xi1> to vector<16xi1>
      %ne3A_2918 = arith.xori %lt3A_2913, %ne3A_2917 : vector<16xi1>
      %and3A_2919 = arith.andi %ne3A_2918, %ne3A_2910 : vector<16xi1>
      %add3A_2920 = vector.broadcast %select_n3A_2905 : i32 to vector<16xi32>
      %add3A_2921 = arith.addi %rem3A_2907, %add3A_2920 : vector<16xi32>
      %select_n3A_2922 = arith.select %and3A_2919, %add3A_2921, %rem3A_2907 : vector<16xi1>, vector<16xi32>
      %lt3A_2923 = arith.constant 0 : i32
      %lt3A_2924 = vector.broadcast %lt3A_2923 : i32 to vector<16xi32>
      %lt3A_2925 = arith.cmpi slt, %select_n3A_2922, %lt3A_2924 : vector<16xi32>
      %add3A_2926 = arith.constant 16 : i32
      %add3A_2927 = vector.broadcast %add3A_2926 : i32 to vector<16xi32>
      %add3A_2928 = arith.addi %select_n3A_2922, %add3A_2927 : vector<16xi32>
      %select_n3A_2929 = arith.select %lt3A_2925, %add3A_2928, %select_n3A_2922 : vector<16xi1>, vector<16xi32>
      %broadcast_in_dim3A_2930 = vector.shape_cast %select_n3A_2929 : vector<16xi32> to vector<16x1xi32>
      %gather3A_2931 = vector.shape_cast %broadcast_in_dim3A_2930 : vector<16x1xi32> to vector<16xi32>
      %gather3A_2932 = tpu.dynamic_gather %add3A_2897[%gather3A_2931] in [0] : vector<16xf32>, vector<16xi32> -> vector<16xf32>
      %add3A_2933 = arith.addf %add3A_2897, %gather3A_2932 : vector<16xf32>
      %add3A_2934 = arith.constant 2 : i32
      %add3A_2935 = vector.broadcast %add3A_2934 : i32 to vector<16xi32>
      %add3A_2936 = arith.addi %iota3A, %add3A_2935 : vector<16xi32>
      %jit3A_2937 = arith.constant 16 : i32
      %eq3A_2938 = arith.constant 0 : i32
      %eq3A_2939 = arith.cmpi eq, %jit3A_2937, %eq3A_2938 : i32
      %jit3A_2940 = arith.constant 1 : i32
      %select_n3A_2941 = arith.select %eq3A_2939, %jit3A_2940, %jit3A_2937 : i32
      %rem3A_2942 = vector.broadcast %select_n3A_2941 : i32 to vector<16xi32>
      %rem3A_2943 = arith.remsi %add3A_2936, %rem3A_2942 : vector<16xi32>
      %ne3A_2944 = arith.constant 0 : i32
      %ne3A_2945 = vector.broadcast %ne3A_2944 : i32 to vector<16xi32>
      %ne3A_2946 = arith.cmpi ne, %rem3A_2943, %ne3A_2945 : vector<16xi32>
      %lt3A_2947 = arith.constant 0 : i32
      %lt3A_2948 = vector.broadcast %lt3A_2947 : i32 to vector<16xi32>
      %lt3A_2949 = arith.cmpi slt, %rem3A_2943, %lt3A_2948 : vector<16xi32>
      %lt3A_2950 = arith.constant 0 : i32
      %lt3A_2951 = arith.cmpi slt, %select_n3A_2941, %lt3A_2950 : i32
      %ne3A_2952 = vector.broadcast %lt3A_2951 : i1 to vector<16xi1>
      %ne3A_2953 = vector.broadcast %ne3A_2952 : vector<16xi1> to vector<16xi1>
      %ne3A_2954 = arith.xori %lt3A_2949, %ne3A_2953 : vector<16xi1>
      %and3A_2955 = arith.andi %ne3A_2954, %ne3A_2946 : vector<16xi1>
      %add3A_2956 = vector.broadcast %select_n3A_2941 : i32 to vector<16xi32>
      %add3A_2957 = arith.addi %rem3A_2943, %add3A_2956 : vector<16xi32>
      %select_n3A_2958 = arith.select %and3A_2955, %add3A_2957, %rem3A_2943 : vector<16xi1>, vector<16xi32>
      %lt3A_2959 = arith.constant 0 : i32
      %lt3A_2960 = vector.broadcast %lt3A_2959 : i32 to vector<16xi32>
      %lt3A_2961 = arith.cmpi slt, %select_n3A_2958, %lt3A_2960 : vector<16xi32>
      %add3A_2962 = arith.constant 16 : i32
      %add3A_2963 = vector.broadcast %add3A_2962 : i32 to vector<16xi32>
      %add3A_2964 = arith.addi %select_n3A_2958, %add3A_2963 : vector<16xi32>
      %select_n3A_2965 = arith.select %lt3A_2961, %add3A_2964, %select_n3A_2958 : vector<16xi1>, vector<16xi32>
      %broadcast_in_dim3A_2966 = vector.shape_cast %select_n3A_2965 : vector<16xi32> to vector<16x1xi32>
      %gather3A_2967 = vector.shape_cast %broadcast_in_dim3A_2966 : vector<16x1xi32> to vector<16xi32>
      %gather3A_2968 = tpu.dynamic_gather %add3A_2933[%gather3A_2967] in [0] : vector<16xf32>, vector<16xi32> -> vector<16xf32>
      %add3A_2969 = arith.addf %add3A_2933, %gather3A_2968 : vector<16xf32>
      %add3A_2970 = arith.constant 1 : i32
      %add3A_2971 = vector.broadcast %add3A_2970 : i32 to vector<16xi32>
      %add3A_2972 = arith.addi %iota3A, %add3A_2971 : vector<16xi32>
      %jit3A_2973 = arith.constant 16 : i32
      %eq3A_2974 = arith.constant 0 : i32
      %eq3A_2975 = arith.cmpi eq, %jit3A_2973, %eq3A_2974 : i32
      %jit3A_2976 = arith.constant 1 : i32
      %select_n3A_2977 = arith.select %eq3A_2975, %jit3A_2976, %jit3A_2973 : i32
      %rem3A_2978 = vector.broadcast %select_n3A_2977 : i32 to vector<16xi32>
      %rem3A_2979 = arith.remsi %add3A_2972, %rem3A_2978 : vector<16xi32>
      %ne3A_2980 = arith.constant 0 : i32
      %ne3A_2981 = vector.broadcast %ne3A_2980 : i32 to vector<16xi32>
      %ne3A_2982 = arith.cmpi ne, %rem3A_2979, %ne3A_2981 : vector<16xi32>
      %lt3A_2983 = arith.constant 0 : i32
      %lt3A_2984 = vector.broadcast %lt3A_2983 : i32 to vector<16xi32>
      %lt3A_2985 = arith.cmpi slt, %rem3A_2979, %lt3A_2984 : vector<16xi32>
      %lt3A_2986 = arith.constant 0 : i32
      %lt3A_2987 = arith.cmpi slt, %select_n3A_2977, %lt3A_2986 : i32
      %ne3A_2988 = vector.broadcast %lt3A_2987 : i1 to vector<16xi1>
      %ne3A_2989 = vector.broadcast %ne3A_2988 : vector<16xi1> to vector<16xi1>
      %ne3A_2990 = arith.xori %lt3A_2985, %ne3A_2989 : vector<16xi1>
      %and3A_2991 = arith.andi %ne3A_2990, %ne3A_2982 : vector<16xi1>
      %add3A_2992 = vector.broadcast %select_n3A_2977 : i32 to vector<16xi32>
      %add3A_2993 = arith.addi %rem3A_2979, %add3A_2992 : vector<16xi32>
      %select_n3A_2994 = arith.select %and3A_2991, %add3A_2993, %rem3A_2979 : vector<16xi1>, vector<16xi32>
      %lt3A_2995 = arith.constant 0 : i32
      %lt3A_2996 = vector.broadcast %lt3A_2995 : i32 to vector<16xi32>
      %lt3A_2997 = arith.cmpi slt, %select_n3A_2994, %lt3A_2996 : vector<16xi32>
      %add3A_2998 = arith.constant 16 : i32
      %add3A_2999 = vector.broadcast %add3A_2998 : i32 to vector<16xi32>
      %add3A_3000 = arith.addi %select_n3A_2994, %add3A_2999 : vector<16xi32>
      %select_n3A_3001 = arith.select %lt3A_2997, %add3A_3000, %select_n3A_2994 : vector<16xi1>, vector<16xi32>
      %broadcast_in_dim3A_3002 = vector.shape_cast %select_n3A_3001 : vector<16xi32> to vector<16x1xi32>
      %gather3A_3003 = vector.shape_cast %broadcast_in_dim3A_3002 : vector<16x1xi32> to vector<16xi32>
      %gather3A_3004 = tpu.dynamic_gather %add3A_2969[%gather3A_3003] in [0] : vector<16xf32>, vector<16xi32> -> vector<16xf32>
      %add3A_3005 = arith.addf %add3A_2969, %gather3A_3004 : vector<16xf32>
      %eq3A_3006 = arith.constant 13 : i32
      %eq3A_3007 = vector.broadcast %eq3A_3006 : i32 to vector<16xi32>
      %eq3A_3008 = arith.cmpi eq, %iota3A, %eq3A_3007 : vector<16xi32>
      %select_n3A_3009 = arith.select %eq3A_3008, %add3A_3005, %select_n3A_2815 : vector<16xi1>, vector<16xf32>
      %mul3A_3010 = arith.constant 16 : i32
      %mul3A_3011 = arith.muli %scan3A_300, %mul3A_3010 : i32
      %add3A_3012 = arith.constant 14 : i32
      %add3A_3013 = arith.addi %mul3A_3011, %add3A_3012 : i32
      %broadcast_in_dim3A_3014 = arith.constant 0.000000e+00 : f32
      %broadcast_in_dim3A_3015 = vector.broadcast %broadcast_in_dim3A_3014 : f32 to vector<16xf32>
      %get3A_3016 = arith.index_cast %add3A_3013 : i32 to index
      %get3A_3017 = arith.constant 0 : index
      %get3A_3018 = tpu.vector_load %arg12[%get3A_3016, %get3A_3017] {strides = array<i32>} : memref<512x64xf32, #tpu.memory_space<vmem>>, vector<1x16xf32>,
      %get3A_3019 = vector.shape_cast %get3A_3018 : vector<1x16xf32> to vector<16xf32>
      %get3A_3020 = arith.index_cast %add3A_3013 : i32 to index
      %get3A_3021 = arith.constant 0 : index
      %get3A_3022 = tpu.vector_load %arg13[%get3A_3020, %get3A_3021] {strides = array<i32>} : memref<512x64xf32, #tpu.memory_space<vmem>>, vector<1x16xf32>,
      %get3A_3023 = vector.shape_cast %get3A_3022 : vector<1x16xf32> to vector<16xf32>
      %mul3A_3024 = arith.mulf %get3A_3019, %get3A_3023 : vector<16xf32>
      %add3A_3025 = arith.addf %broadcast_in_dim3A_3015, %mul3A_3024 : vector<16xf32>
      %get3A_3026 = arith.index_cast %add3A_3013 : i32 to index
      %get3A_3027 = arith.constant 16 : index
      %get3A_3028 = tpu.vector_load %arg12[%get3A_3026, %get3A_3027] {strides = array<i32>} : memref<512x64xf32, #tpu.memory_space<vmem>>, vector<1x16xf32>,
      %get3A_3029 = vector.shape_cast %get3A_3028 : vector<1x16xf32> to vector<16xf32>
      %get3A_3030 = arith.index_cast %add3A_3013 : i32 to index
      %get3A_3031 = arith.constant 16 : index
      %get3A_3032 = tpu.vector_load %arg13[%get3A_3030, %get3A_3031] {strides = array<i32>} : memref<512x64xf32, #tpu.memory_space<vmem>>, vector<1x16xf32>,
      %get3A_3033 = vector.shape_cast %get3A_3032 : vector<1x16xf32> to vector<16xf32>
      %mul3A_3034 = arith.mulf %get3A_3029, %get3A_3033 : vector<16xf32>
      %add3A_3035 = arith.addf %add3A_3025, %mul3A_3034 : vector<16xf32>
      %get3A_3036 = arith.index_cast %add3A_3013 : i32 to index
      %get3A_3037 = arith.constant 32 : index
      %get3A_3038 = tpu.vector_load %arg12[%get3A_3036, %get3A_3037] {strides = array<i32>} : memref<512x64xf32, #tpu.memory_space<vmem>>, vector<1x16xf32>,
      %get3A_3039 = vector.shape_cast %get3A_3038 : vector<1x16xf32> to vector<16xf32>
      %get3A_3040 = arith.index_cast %add3A_3013 : i32 to index
      %get3A_3041 = arith.constant 32 : index
      %get3A_3042 = tpu.vector_load %arg13[%get3A_3040, %get3A_3041] {strides = array<i32>} : memref<512x64xf32, #tpu.memory_space<vmem>>, vector<1x16xf32>,
      %get3A_3043 = vector.shape_cast %get3A_3042 : vector<1x16xf32> to vector<16xf32>
      %mul3A_3044 = arith.mulf %get3A_3039, %get3A_3043 : vector<16xf32>
      %add3A_3045 = arith.addf %add3A_3035, %mul3A_3044 : vector<16xf32>
      %get3A_3046 = arith.index_cast %add3A_3013 : i32 to index
      %get3A_3047 = arith.constant 48 : index
      %get3A_3048 = tpu.vector_load %arg12[%get3A_3046, %get3A_3047] {strides = array<i32>} : memref<512x64xf32, #tpu.memory_space<vmem>>, vector<1x16xf32>,
      %get3A_3049 = vector.shape_cast %get3A_3048 : vector<1x16xf32> to vector<16xf32>
      %get3A_3050 = arith.index_cast %add3A_3013 : i32 to index
      %get3A_3051 = arith.constant 48 : index
      %get3A_3052 = tpu.vector_load %arg13[%get3A_3050, %get3A_3051] {strides = array<i32>} : memref<512x64xf32, #tpu.memory_space<vmem>>, vector<1x16xf32>,
      %get3A_3053 = vector.shape_cast %get3A_3052 : vector<1x16xf32> to vector<16xf32>
      %mul3A_3054 = arith.mulf %get3A_3049, %get3A_3053 : vector<16xf32>
      %add3A_3055 = arith.addf %add3A_3045, %mul3A_3054 : vector<16xf32>
      %add3A_3056 = arith.constant 8 : i32
      %add3A_3057 = vector.broadcast %add3A_3056 : i32 to vector<16xi32>
      %add3A_3058 = arith.addi %iota3A, %add3A_3057 : vector<16xi32>
      %jit3A_3059 = arith.constant 16 : i32
      %eq3A_3060 = arith.constant 0 : i32
      %eq3A_3061 = arith.cmpi eq, %jit3A_3059, %eq3A_3060 : i32
      %jit3A_3062 = arith.constant 1 : i32
      %select_n3A_3063 = arith.select %eq3A_3061, %jit3A_3062, %jit3A_3059 : i32
      %rem3A_3064 = vector.broadcast %select_n3A_3063 : i32 to vector<16xi32>
      %rem3A_3065 = arith.remsi %add3A_3058, %rem3A_3064 : vector<16xi32>
      %ne3A_3066 = arith.constant 0 : i32
      %ne3A_3067 = vector.broadcast %ne3A_3066 : i32 to vector<16xi32>
      %ne3A_3068 = arith.cmpi ne, %rem3A_3065, %ne3A_3067 : vector<16xi32>
      %lt3A_3069 = arith.constant 0 : i32
      %lt3A_3070 = vector.broadcast %lt3A_3069 : i32 to vector<16xi32>
      %lt3A_3071 = arith.cmpi slt, %rem3A_3065, %lt3A_3070 : vector<16xi32>
      %lt3A_3072 = arith.constant 0 : i32
      %lt3A_3073 = arith.cmpi slt, %select_n3A_3063, %lt3A_3072 : i32
      %ne3A_3074 = vector.broadcast %lt3A_3073 : i1 to vector<16xi1>
      %ne3A_3075 = vector.broadcast %ne3A_3074 : vector<16xi1> to vector<16xi1>
      %ne3A_3076 = arith.xori %lt3A_3071, %ne3A_3075 : vector<16xi1>
      %and3A_3077 = arith.andi %ne3A_3076, %ne3A_3068 : vector<16xi1>
      %add3A_3078 = vector.broadcast %select_n3A_3063 : i32 to vector<16xi32>
      %add3A_3079 = arith.addi %rem3A_3065, %add3A_3078 : vector<16xi32>
      %select_n3A_3080 = arith.select %and3A_3077, %add3A_3079, %rem3A_3065 : vector<16xi1>, vector<16xi32>
      %lt3A_3081 = arith.constant 0 : i32
      %lt3A_3082 = vector.broadcast %lt3A_3081 : i32 to vector<16xi32>
      %lt3A_3083 = arith.cmpi slt, %select_n3A_3080, %lt3A_3082 : vector<16xi32>
      %add3A_3084 = arith.constant 16 : i32
      %add3A_3085 = vector.broadcast %add3A_3084 : i32 to vector<16xi32>
      %add3A_3086 = arith.addi %select_n3A_3080, %add3A_3085 : vector<16xi32>
      %select_n3A_3087 = arith.select %lt3A_3083, %add3A_3086, %select_n3A_3080 : vector<16xi1>, vector<16xi32>
      %broadcast_in_dim3A_3088 = vector.shape_cast %select_n3A_3087 : vector<16xi32> to vector<16x1xi32>
      %gather3A_3089 = vector.shape_cast %broadcast_in_dim3A_3088 : vector<16x1xi32> to vector<16xi32>
      %gather3A_3090 = tpu.dynamic_gather %add3A_3055[%gather3A_3089] in [0] : vector<16xf32>, vector<16xi32> -> vector<16xf32>
      %add3A_3091 = arith.addf %add3A_3055, %gather3A_3090 : vector<16xf32>
      %add3A_3092 = arith.constant 4 : i32
      %add3A_3093 = vector.broadcast %add3A_3092 : i32 to vector<16xi32>
      %add3A_3094 = arith.addi %iota3A, %add3A_3093 : vector<16xi32>
      %jit3A_3095 = arith.constant 16 : i32
      %eq3A_3096 = arith.constant 0 : i32
      %eq3A_3097 = arith.cmpi eq, %jit3A_3095, %eq3A_3096 : i32
      %jit3A_3098 = arith.constant 1 : i32
      %select_n3A_3099 = arith.select %eq3A_3097, %jit3A_3098, %jit3A_3095 : i32
      %rem3A_3100 = vector.broadcast %select_n3A_3099 : i32 to vector<16xi32>
      %rem3A_3101 = arith.remsi %add3A_3094, %rem3A_3100 : vector<16xi32>
      %ne3A_3102 = arith.constant 0 : i32
      %ne3A_3103 = vector.broadcast %ne3A_3102 : i32 to vector<16xi32>
      %ne3A_3104 = arith.cmpi ne, %rem3A_3101, %ne3A_3103 : vector<16xi32>
      %lt3A_3105 = arith.constant 0 : i32
      %lt3A_3106 = vector.broadcast %lt3A_3105 : i32 to vector<16xi32>
      %lt3A_3107 = arith.cmpi slt, %rem3A_3101, %lt3A_3106 : vector<16xi32>
      %lt3A_3108 = arith.constant 0 : i32
      %lt3A_3109 = arith.cmpi slt, %select_n3A_3099, %lt3A_3108 : i32
      %ne3A_3110 = vector.broadcast %lt3A_3109 : i1 to vector<16xi1>
      %ne3A_3111 = vector.broadcast %ne3A_3110 : vector<16xi1> to vector<16xi1>
      %ne3A_3112 = arith.xori %lt3A_3107, %ne3A_3111 : vector<16xi1>
      %and3A_3113 = arith.andi %ne3A_3112, %ne3A_3104 : vector<16xi1>
      %add3A_3114 = vector.broadcast %select_n3A_3099 : i32 to vector<16xi32>
      %add3A_3115 = arith.addi %rem3A_3101, %add3A_3114 : vector<16xi32>
      %select_n3A_3116 = arith.select %and3A_3113, %add3A_3115, %rem3A_3101 : vector<16xi1>, vector<16xi32>
      %lt3A_3117 = arith.constant 0 : i32
      %lt3A_3118 = vector.broadcast %lt3A_3117 : i32 to vector<16xi32>
      %lt3A_3119 = arith.cmpi slt, %select_n3A_3116, %lt3A_3118 : vector<16xi32>
      %add3A_3120 = arith.constant 16 : i32
      %add3A_3121 = vector.broadcast %add3A_3120 : i32 to vector<16xi32>
      %add3A_3122 = arith.addi %select_n3A_3116, %add3A_3121 : vector<16xi32>
      %select_n3A_3123 = arith.select %lt3A_3119, %add3A_3122, %select_n3A_3116 : vector<16xi1>, vector<16xi32>
      %broadcast_in_dim3A_3124 = vector.shape_cast %select_n3A_3123 : vector<16xi32> to vector<16x1xi32>
      %gather3A_3125 = vector.shape_cast %broadcast_in_dim3A_3124 : vector<16x1xi32> to vector<16xi32>
      %gather3A_3126 = tpu.dynamic_gather %add3A_3091[%gather3A_3125] in [0] : vector<16xf32>, vector<16xi32> -> vector<16xf32>
      %add3A_3127 = arith.addf %add3A_3091, %gather3A_3126 : vector<16xf32>
      %add3A_3128 = arith.constant 2 : i32
      %add3A_3129 = vector.broadcast %add3A_3128 : i32 to vector<16xi32>
      %add3A_3130 = arith.addi %iota3A, %add3A_3129 : vector<16xi32>
      %jit3A_3131 = arith.constant 16 : i32
      %eq3A_3132 = arith.constant 0 : i32
      %eq3A_3133 = arith.cmpi eq, %jit3A_3131, %eq3A_3132 : i32
      %jit3A_3134 = arith.constant 1 : i32
      %select_n3A_3135 = arith.select %eq3A_3133, %jit3A_3134, %jit3A_3131 : i32
      %rem3A_3136 = vector.broadcast %select_n3A_3135 : i32 to vector<16xi32>
      %rem3A_3137 = arith.remsi %add3A_3130, %rem3A_3136 : vector<16xi32>
      %ne3A_3138 = arith.constant 0 : i32
      %ne3A_3139 = vector.broadcast %ne3A_3138 : i32 to vector<16xi32>
      %ne3A_3140 = arith.cmpi ne, %rem3A_3137, %ne3A_3139 : vector<16xi32>
      %lt3A_3141 = arith.constant 0 : i32
      %lt3A_3142 = vector.broadcast %lt3A_3141 : i32 to vector<16xi32>
      %lt3A_3143 = arith.cmpi slt, %rem3A_3137, %lt3A_3142 : vector<16xi32>
      %lt3A_3144 = arith.constant 0 : i32
      %lt3A_3145 = arith.cmpi slt, %select_n3A_3135, %lt3A_3144 : i32
      %ne3A_3146 = vector.broadcast %lt3A_3145 : i1 to vector<16xi1>
      %ne3A_3147 = vector.broadcast %ne3A_3146 : vector<16xi1> to vector<16xi1>
      %ne3A_3148 = arith.xori %lt3A_3143, %ne3A_3147 : vector<16xi1>
      %and3A_3149 = arith.andi %ne3A_3148, %ne3A_3140 : vector<16xi1>
      %add3A_3150 = vector.broadcast %select_n3A_3135 : i32 to vector<16xi32>
      %add3A_3151 = arith.addi %rem3A_3137, %add3A_3150 : vector<16xi32>
      %select_n3A_3152 = arith.select %and3A_3149, %add3A_3151, %rem3A_3137 : vector<16xi1>, vector<16xi32>
      %lt3A_3153 = arith.constant 0 : i32
      %lt3A_3154 = vector.broadcast %lt3A_3153 : i32 to vector<16xi32>
      %lt3A_3155 = arith.cmpi slt, %select_n3A_3152, %lt3A_3154 : vector<16xi32>
      %add3A_3156 = arith.constant 16 : i32
      %add3A_3157 = vector.broadcast %add3A_3156 : i32 to vector<16xi32>
      %add3A_3158 = arith.addi %select_n3A_3152, %add3A_3157 : vector<16xi32>
      %select_n3A_3159 = arith.select %lt3A_3155, %add3A_3158, %select_n3A_3152 : vector<16xi1>, vector<16xi32>
      %broadcast_in_dim3A_3160 = vector.shape_cast %select_n3A_3159 : vector<16xi32> to vector<16x1xi32>
      %gather3A_3161 = vector.shape_cast %broadcast_in_dim3A_3160 : vector<16x1xi32> to vector<16xi32>
      %gather3A_3162 = tpu.dynamic_gather %add3A_3127[%gather3A_3161] in [0] : vector<16xf32>, vector<16xi32> -> vector<16xf32>
      %add3A_3163 = arith.addf %add3A_3127, %gather3A_3162 : vector<16xf32>
      %add3A_3164 = arith.constant 1 : i32
      %add3A_3165 = vector.broadcast %add3A_3164 : i32 to vector<16xi32>
      %add3A_3166 = arith.addi %iota3A, %add3A_3165 : vector<16xi32>
      %jit3A_3167 = arith.constant 16 : i32
      %eq3A_3168 = arith.constant 0 : i32
      %eq3A_3169 = arith.cmpi eq, %jit3A_3167, %eq3A_3168 : i32
      %jit3A_3170 = arith.constant 1 : i32
      %select_n3A_3171 = arith.select %eq3A_3169, %jit3A_3170, %jit3A_3167 : i32
      %rem3A_3172 = vector.broadcast %select_n3A_3171 : i32 to vector<16xi32>
      %rem3A_3173 = arith.remsi %add3A_3166, %rem3A_3172 : vector<16xi32>
      %ne3A_3174 = arith.constant 0 : i32
      %ne3A_3175 = vector.broadcast %ne3A_3174 : i32 to vector<16xi32>
      %ne3A_3176 = arith.cmpi ne, %rem3A_3173, %ne3A_3175 : vector<16xi32>
      %lt3A_3177 = arith.constant 0 : i32
      %lt3A_3178 = vector.broadcast %lt3A_3177 : i32 to vector<16xi32>
      %lt3A_3179 = arith.cmpi slt, %rem3A_3173, %lt3A_3178 : vector<16xi32>
      %lt3A_3180 = arith.constant 0 : i32
      %lt3A_3181 = arith.cmpi slt, %select_n3A_3171, %lt3A_3180 : i32
      %ne3A_3182 = vector.broadcast %lt3A_3181 : i1 to vector<16xi1>
      %ne3A_3183 = vector.broadcast %ne3A_3182 : vector<16xi1> to vector<16xi1>
      %ne3A_3184 = arith.xori %lt3A_3179, %ne3A_3183 : vector<16xi1>
      %and3A_3185 = arith.andi %ne3A_3184, %ne3A_3176 : vector<16xi1>
      %add3A_3186 = vector.broadcast %select_n3A_3171 : i32 to vector<16xi32>
      %add3A_3187 = arith.addi %rem3A_3173, %add3A_3186 : vector<16xi32>
      %select_n3A_3188 = arith.select %and3A_3185, %add3A_3187, %rem3A_3173 : vector<16xi1>, vector<16xi32>
      %lt3A_3189 = arith.constant 0 : i32
      %lt3A_3190 = vector.broadcast %lt3A_3189 : i32 to vector<16xi32>
      %lt3A_3191 = arith.cmpi slt, %select_n3A_3188, %lt3A_3190 : vector<16xi32>
      %add3A_3192 = arith.constant 16 : i32
      %add3A_3193 = vector.broadcast %add3A_3192 : i32 to vector<16xi32>
      %add3A_3194 = arith.addi %select_n3A_3188, %add3A_3193 : vector<16xi32>
      %select_n3A_3195 = arith.select %lt3A_3191, %add3A_3194, %select_n3A_3188 : vector<16xi1>, vector<16xi32>
      %broadcast_in_dim3A_3196 = vector.shape_cast %select_n3A_3195 : vector<16xi32> to vector<16x1xi32>
      %gather3A_3197 = vector.shape_cast %broadcast_in_dim3A_3196 : vector<16x1xi32> to vector<16xi32>
      %gather3A_3198 = tpu.dynamic_gather %add3A_3163[%gather3A_3197] in [0] : vector<16xf32>, vector<16xi32> -> vector<16xf32>
      %add3A_3199 = arith.addf %add3A_3163, %gather3A_3198 : vector<16xf32>
      %eq3A_3200 = arith.constant 14 : i32
      %eq3A_3201 = vector.broadcast %eq3A_3200 : i32 to vector<16xi32>
      %eq3A_3202 = arith.cmpi eq, %iota3A, %eq3A_3201 : vector<16xi32>
      %select_n3A_3203 = arith.select %eq3A_3202, %add3A_3199, %select_n3A_3009 : vector<16xi1>, vector<16xf32>
      %mul3A_3204 = arith.constant 16 : i32
      %mul3A_3205 = arith.muli %scan3A_300, %mul3A_3204 : i32
      %add3A_3206 = arith.constant 15 : i32
      %add3A_3207 = arith.addi %mul3A_3205, %add3A_3206 : i32
      %broadcast_in_dim3A_3208 = arith.constant 0.000000e+00 : f32
      %broadcast_in_dim3A_3209 = vector.broadcast %broadcast_in_dim3A_3208 : f32 to vector<16xf32>
      %get3A_3210 = arith.index_cast %add3A_3207 : i32 to index
      %get3A_3211 = arith.constant 0 : index
      %get3A_3212 = tpu.vector_load %arg12[%get3A_3210, %get3A_3211] {strides = array<i32>} : memref<512x64xf32, #tpu.memory_space<vmem>>, vector<1x16xf32>,
      %get3A_3213 = vector.shape_cast %get3A_3212 : vector<1x16xf32> to vector<16xf32>
      %get3A_3214 = arith.index_cast %add3A_3207 : i32 to index
      %get3A_3215 = arith.constant 0 : index
      %get3A_3216 = tpu.vector_load %arg13[%get3A_3214, %get3A_3215] {strides = array<i32>} : memref<512x64xf32, #tpu.memory_space<vmem>>, vector<1x16xf32>,
      %get3A_3217 = vector.shape_cast %get3A_3216 : vector<1x16xf32> to vector<16xf32>
      %mul3A_3218 = arith.mulf %get3A_3213, %get3A_3217 : vector<16xf32>
      %add3A_3219 = arith.addf %broadcast_in_dim3A_3209, %mul3A_3218 : vector<16xf32>
      %get3A_3220 = arith.index_cast %add3A_3207 : i32 to index
      %get3A_3221 = arith.constant 16 : index
      %get3A_3222 = tpu.vector_load %arg12[%get3A_3220, %get3A_3221] {strides = array<i32>} : memref<512x64xf32, #tpu.memory_space<vmem>>, vector<1x16xf32>,
      %get3A_3223 = vector.shape_cast %get3A_3222 : vector<1x16xf32> to vector<16xf32>
      %get3A_3224 = arith.index_cast %add3A_3207 : i32 to index
      %get3A_3225 = arith.constant 16 : index
      %get3A_3226 = tpu.vector_load %arg13[%get3A_3224, %get3A_3225] {strides = array<i32>} : memref<512x64xf32, #tpu.memory_space<vmem>>, vector<1x16xf32>,
      %get3A_3227 = vector.shape_cast %get3A_3226 : vector<1x16xf32> to vector<16xf32>
      %mul3A_3228 = arith.mulf %get3A_3223, %get3A_3227 : vector<16xf32>
      %add3A_3229 = arith.addf %add3A_3219, %mul3A_3228 : vector<16xf32>
      %get3A_3230 = arith.index_cast %add3A_3207 : i32 to index
      %get3A_3231 = arith.constant 32 : index
      %get3A_3232 = tpu.vector_load %arg12[%get3A_3230, %get3A_3231] {strides = array<i32>} : memref<512x64xf32, #tpu.memory_space<vmem>>, vector<1x16xf32>,
      %get3A_3233 = vector.shape_cast %get3A_3232 : vector<1x16xf32> to vector<16xf32>
      %get3A_3234 = arith.index_cast %add3A_3207 : i32 to index
      %get3A_3235 = arith.constant 32 : index
      %get3A_3236 = tpu.vector_load %arg13[%get3A_3234, %get3A_3235] {strides = array<i32>} : memref<512x64xf32, #tpu.memory_space<vmem>>, vector<1x16xf32>,
      %get3A_3237 = vector.shape_cast %get3A_3236 : vector<1x16xf32> to vector<16xf32>
      %mul3A_3238 = arith.mulf %get3A_3233, %get3A_3237 : vector<16xf32>
      %add3A_3239 = arith.addf %add3A_3229, %mul3A_3238 : vector<16xf32>
      %get3A_3240 = arith.index_cast %add3A_3207 : i32 to index
      %get3A_3241 = arith.constant 48 : index
      %get3A_3242 = tpu.vector_load %arg12[%get3A_3240, %get3A_3241] {strides = array<i32>} : memref<512x64xf32, #tpu.memory_space<vmem>>, vector<1x16xf32>,
      %get3A_3243 = vector.shape_cast %get3A_3242 : vector<1x16xf32> to vector<16xf32>
      %get3A_3244 = arith.index_cast %add3A_3207 : i32 to index
      %get3A_3245 = arith.constant 48 : index
      %get3A_3246 = tpu.vector_load %arg13[%get3A_3244, %get3A_3245] {strides = array<i32>} : memref<512x64xf32, #tpu.memory_space<vmem>>, vector<1x16xf32>,
      %get3A_3247 = vector.shape_cast %get3A_3246 : vector<1x16xf32> to vector<16xf32>
      %mul3A_3248 = arith.mulf %get3A_3243, %get3A_3247 : vector<16xf32>
      %add3A_3249 = arith.addf %add3A_3239, %mul3A_3248 : vector<16xf32>
      %add3A_3250 = arith.constant 8 : i32
      %add3A_3251 = vector.broadcast %add3A_3250 : i32 to vector<16xi32>
      %add3A_3252 = arith.addi %iota3A, %add3A_3251 : vector<16xi32>
      %jit3A_3253 = arith.constant 16 : i32
      %eq3A_3254 = arith.constant 0 : i32
      %eq3A_3255 = arith.cmpi eq, %jit3A_3253, %eq3A_3254 : i32
      %jit3A_3256 = arith.constant 1 : i32
      %select_n3A_3257 = arith.select %eq3A_3255, %jit3A_3256, %jit3A_3253 : i32
      %rem3A_3258 = vector.broadcast %select_n3A_3257 : i32 to vector<16xi32>
      %rem3A_3259 = arith.remsi %add3A_3252, %rem3A_3258 : vector<16xi32>
      %ne3A_3260 = arith.constant 0 : i32
      %ne3A_3261 = vector.broadcast %ne3A_3260 : i32 to vector<16xi32>
      %ne3A_3262 = arith.cmpi ne, %rem3A_3259, %ne3A_3261 : vector<16xi32>
      %lt3A_3263 = arith.constant 0 : i32
      %lt3A_3264 = vector.broadcast %lt3A_3263 : i32 to vector<16xi32>
      %lt3A_3265 = arith.cmpi slt, %rem3A_3259, %lt3A_3264 : vector<16xi32>
      %lt3A_3266 = arith.constant 0 : i32
      %lt3A_3267 = arith.cmpi slt, %select_n3A_3257, %lt3A_3266 : i32
      %ne3A_3268 = vector.broadcast %lt3A_3267 : i1 to vector<16xi1>
      %ne3A_3269 = vector.broadcast %ne3A_3268 : vector<16xi1> to vector<16xi1>
      %ne3A_3270 = arith.xori %lt3A_3265, %ne3A_3269 : vector<16xi1>
      %and3A_3271 = arith.andi %ne3A_3270, %ne3A_3262 : vector<16xi1>
      %add3A_3272 = vector.broadcast %select_n3A_3257 : i32 to vector<16xi32>
      %add3A_3273 = arith.addi %rem3A_3259, %add3A_3272 : vector<16xi32>
      %select_n3A_3274 = arith.select %and3A_3271, %add3A_3273, %rem3A_3259 : vector<16xi1>, vector<16xi32>
      %lt3A_3275 = arith.constant 0 : i32
      %lt3A_3276 = vector.broadcast %lt3A_3275 : i32 to vector<16xi32>
      %lt3A_3277 = arith.cmpi slt, %select_n3A_3274, %lt3A_3276 : vector<16xi32>
      %add3A_3278 = arith.constant 16 : i32
      %add3A_3279 = vector.broadcast %add3A_3278 : i32 to vector<16xi32>
      %add3A_3280 = arith.addi %select_n3A_3274, %add3A_3279 : vector<16xi32>
      %select_n3A_3281 = arith.select %lt3A_3277, %add3A_3280, %select_n3A_3274 : vector<16xi1>, vector<16xi32>
      %broadcast_in_dim3A_3282 = vector.shape_cast %select_n3A_3281 : vector<16xi32> to vector<16x1xi32>
      %gather3A_3283 = vector.shape_cast %broadcast_in_dim3A_3282 : vector<16x1xi32> to vector<16xi32>
      %gather3A_3284 = tpu.dynamic_gather %add3A_3249[%gather3A_3283] in [0] : vector<16xf32>, vector<16xi32> -> vector<16xf32>
      %add3A_3285 = arith.addf %add3A_3249, %gather3A_3284 : vector<16xf32>
      %add3A_3286 = arith.constant 4 : i32
      %add3A_3287 = vector.broadcast %add3A_3286 : i32 to vector<16xi32>
      %add3A_3288 = arith.addi %iota3A, %add3A_3287 : vector<16xi32>
      %jit3A_3289 = arith.constant 16 : i32
      %eq3A_3290 = arith.constant 0 : i32
      %eq3A_3291 = arith.cmpi eq, %jit3A_3289, %eq3A_3290 : i32
      %jit3A_3292 = arith.constant 1 : i32
      %select_n3A_3293 = arith.select %eq3A_3291, %jit3A_3292, %jit3A_3289 : i32
      %rem3A_3294 = vector.broadcast %select_n3A_3293 : i32 to vector<16xi32>
      %rem3A_3295 = arith.remsi %add3A_3288, %rem3A_3294 : vector<16xi32>
      %ne3A_3296 = arith.constant 0 : i32
      %ne3A_3297 = vector.broadcast %ne3A_3296 : i32 to vector<16xi32>
      %ne3A_3298 = arith.cmpi ne, %rem3A_3295, %ne3A_3297 : vector<16xi32>
      %lt3A_3299 = arith.constant 0 : i32
      %lt3A_3300 = vector.broadcast %lt3A_3299 : i32 to vector<16xi32>
      %lt3A_3301 = arith.cmpi slt, %rem3A_3295, %lt3A_3300 : vector<16xi32>
      %lt3A_3302 = arith.constant 0 : i32
      %lt3A_3303 = arith.cmpi slt, %select_n3A_3293, %lt3A_3302 : i32
      %ne3A_3304 = vector.broadcast %lt3A_3303 : i1 to vector<16xi1>
      %ne3A_3305 = vector.broadcast %ne3A_3304 : vector<16xi1> to vector<16xi1>
      %ne3A_3306 = arith.xori %lt3A_3301, %ne3A_3305 : vector<16xi1>
      %and3A_3307 = arith.andi %ne3A_3306, %ne3A_3298 : vector<16xi1>
      %add3A_3308 = vector.broadcast %select_n3A_3293 : i32 to vector<16xi32>
      %add3A_3309 = arith.addi %rem3A_3295, %add3A_3308 : vector<16xi32>
      %select_n3A_3310 = arith.select %and3A_3307, %add3A_3309, %rem3A_3295 : vector<16xi1>, vector<16xi32>
      %lt3A_3311 = arith.constant 0 : i32
      %lt3A_3312 = vector.broadcast %lt3A_3311 : i32 to vector<16xi32>
      %lt3A_3313 = arith.cmpi slt, %select_n3A_3310, %lt3A_3312 : vector<16xi32>
      %add3A_3314 = arith.constant 16 : i32
      %add3A_3315 = vector.broadcast %add3A_3314 : i32 to vector<16xi32>
      %add3A_3316 = arith.addi %select_n3A_3310, %add3A_3315 : vector<16xi32>
      %select_n3A_3317 = arith.select %lt3A_3313, %add3A_3316, %select_n3A_3310 : vector<16xi1>, vector<16xi32>
      %broadcast_in_dim3A_3318 = vector.shape_cast %select_n3A_3317 : vector<16xi32> to vector<16x1xi32>
      %gather3A_3319 = vector.shape_cast %broadcast_in_dim3A_3318 : vector<16x1xi32> to vector<16xi32>
      %gather3A_3320 = tpu.dynamic_gather %add3A_3285[%gather3A_3319] in [0] : vector<16xf32>, vector<16xi32> -> vector<16xf32>
      %add3A_3321 = arith.addf %add3A_3285, %gather3A_3320 : vector<16xf32>
      %add3A_3322 = arith.constant 2 : i32
      %add3A_3323 = vector.broadcast %add3A_3322 : i32 to vector<16xi32>
      %add3A_3324 = arith.addi %iota3A, %add3A_3323 : vector<16xi32>
      %jit3A_3325 = arith.constant 16 : i32
      %eq3A_3326 = arith.constant 0 : i32
      %eq3A_3327 = arith.cmpi eq, %jit3A_3325, %eq3A_3326 : i32
      %jit3A_3328 = arith.constant 1 : i32
      %select_n3A_3329 = arith.select %eq3A_3327, %jit3A_3328, %jit3A_3325 : i32
      %rem3A_3330 = vector.broadcast %select_n3A_3329 : i32 to vector<16xi32>
      %rem3A_3331 = arith.remsi %add3A_3324, %rem3A_3330 : vector<16xi32>
      %ne3A_3332 = arith.constant 0 : i32
      %ne3A_3333 = vector.broadcast %ne3A_3332 : i32 to vector<16xi32>
      %ne3A_3334 = arith.cmpi ne, %rem3A_3331, %ne3A_3333 : vector<16xi32>
      %lt3A_3335 = arith.constant 0 : i32
      %lt3A_3336 = vector.broadcast %lt3A_3335 : i32 to vector<16xi32>
      %lt3A_3337 = arith.cmpi slt, %rem3A_3331, %lt3A_3336 : vector<16xi32>
      %lt3A_3338 = arith.constant 0 : i32
      %lt3A_3339 = arith.cmpi slt, %select_n3A_3329, %lt3A_3338 : i32
      %ne3A_3340 = vector.broadcast %lt3A_3339 : i1 to vector<16xi1>
      %ne3A_3341 = vector.broadcast %ne3A_3340 : vector<16xi1> to vector<16xi1>
      %ne3A_3342 = arith.xori %lt3A_3337, %ne3A_3341 : vector<16xi1>
      %and3A_3343 = arith.andi %ne3A_3342, %ne3A_3334 : vector<16xi1>
      %add3A_3344 = vector.broadcast %select_n3A_3329 : i32 to vector<16xi32>
      %add3A_3345 = arith.addi %rem3A_3331, %add3A_3344 : vector<16xi32>
      %select_n3A_3346 = arith.select %and3A_3343, %add3A_3345, %rem3A_3331 : vector<16xi1>, vector<16xi32>
      %lt3A_3347 = arith.constant 0 : i32
      %lt3A_3348 = vector.broadcast %lt3A_3347 : i32 to vector<16xi32>
      %lt3A_3349 = arith.cmpi slt, %select_n3A_3346, %lt3A_3348 : vector<16xi32>
      %add3A_3350 = arith.constant 16 : i32
      %add3A_3351 = vector.broadcast %add3A_3350 : i32 to vector<16xi32>
      %add3A_3352 = arith.addi %select_n3A_3346, %add3A_3351 : vector<16xi32>
      %select_n3A_3353 = arith.select %lt3A_3349, %add3A_3352, %select_n3A_3346 : vector<16xi1>, vector<16xi32>
      %broadcast_in_dim3A_3354 = vector.shape_cast %select_n3A_3353 : vector<16xi32> to vector<16x1xi32>
      %gather3A_3355 = vector.shape_cast %broadcast_in_dim3A_3354 : vector<16x1xi32> to vector<16xi32>
      %gather3A_3356 = tpu.dynamic_gather %add3A_3321[%gather3A_3355] in [0] : vector<16xf32>, vector<16xi32> -> vector<16xf32>
      %add3A_3357 = arith.addf %add3A_3321, %gather3A_3356 : vector<16xf32>
      %add3A_3358 = arith.constant 1 : i32
      %add3A_3359 = vector.broadcast %add3A_3358 : i32 to vector<16xi32>
      %add3A_3360 = arith.addi %iota3A, %add3A_3359 : vector<16xi32>
      %jit3A_3361 = arith.constant 16 : i32
      %eq3A_3362 = arith.constant 0 : i32
      %eq3A_3363 = arith.cmpi eq, %jit3A_3361, %eq3A_3362 : i32
      %jit3A_3364 = arith.constant 1 : i32
      %select_n3A_3365 = arith.select %eq3A_3363, %jit3A_3364, %jit3A_3361 : i32
      %rem3A_3366 = vector.broadcast %select_n3A_3365 : i32 to vector<16xi32>
      %rem3A_3367 = arith.remsi %add3A_3360, %rem3A_3366 : vector<16xi32>
      %ne3A_3368 = arith.constant 0 : i32
      %ne3A_3369 = vector.broadcast %ne3A_3368 : i32 to vector<16xi32>
      %ne3A_3370 = arith.cmpi ne, %rem3A_3367, %ne3A_3369 : vector<16xi32>
      %lt3A_3371 = arith.constant 0 : i32
      %lt3A_3372 = vector.broadcast %lt3A_3371 : i32 to vector<16xi32>
      %lt3A_3373 = arith.cmpi slt, %rem3A_3367, %lt3A_3372 : vector<16xi32>
      %lt3A_3374 = arith.constant 0 : i32
      %lt3A_3375 = arith.cmpi slt, %select_n3A_3365, %lt3A_3374 : i32
      %ne3A_3376 = vector.broadcast %lt3A_3375 : i1 to vector<16xi1>
      %ne3A_3377 = vector.broadcast %ne3A_3376 : vector<16xi1> to vector<16xi1>
      %ne3A_3378 = arith.xori %lt3A_3373, %ne3A_3377 : vector<16xi1>
      %and3A_3379 = arith.andi %ne3A_3378, %ne3A_3370 : vector<16xi1>
      %add3A_3380 = vector.broadcast %select_n3A_3365 : i32 to vector<16xi32>
      %add3A_3381 = arith.addi %rem3A_3367, %add3A_3380 : vector<16xi32>
      %select_n3A_3382 = arith.select %and3A_3379, %add3A_3381, %rem3A_3367 : vector<16xi1>, vector<16xi32>
      %lt3A_3383 = arith.constant 0 : i32
      %lt3A_3384 = vector.broadcast %lt3A_3383 : i32 to vector<16xi32>
      %lt3A_3385 = arith.cmpi slt, %select_n3A_3382, %lt3A_3384 : vector<16xi32>
      %add3A_3386 = arith.constant 16 : i32
      %add3A_3387 = vector.broadcast %add3A_3386 : i32 to vector<16xi32>
      %add3A_3388 = arith.addi %select_n3A_3382, %add3A_3387 : vector<16xi32>
      %select_n3A_3389 = arith.select %lt3A_3385, %add3A_3388, %select_n3A_3382 : vector<16xi1>, vector<16xi32>
      %broadcast_in_dim3A_3390 = vector.shape_cast %select_n3A_3389 : vector<16xi32> to vector<16x1xi32>
      %gather3A_3391 = vector.shape_cast %broadcast_in_dim3A_3390 : vector<16x1xi32> to vector<16xi32>
      %gather3A_3392 = tpu.dynamic_gather %add3A_3357[%gather3A_3391] in [0] : vector<16xf32>, vector<16xi32> -> vector<16xf32>
      %add3A_3393 = arith.addf %add3A_3357, %gather3A_3392 : vector<16xf32>
      %eq3A_3394 = arith.constant 15 : i32
      %eq3A_3395 = vector.broadcast %eq3A_3394 : i32 to vector<16xi32>
      %eq3A_3396 = arith.cmpi eq, %iota3A, %eq3A_3395 : vector<16xi32>
      %select_n3A_3397 = arith.select %eq3A_3396, %add3A_3393, %select_n3A_3203 : vector<16xi1>, vector<16xf32>
      %mul3A_3398 = arith.constant 16 : i32
      %mul3A_3399 = arith.muli %scan3A_300, %mul3A_3398 : i32
      %get3A_3400 = arith.index_cast %mul3A_3399 : i32 to index
      %get3A_3401 = tpu.vector_load %arg14[%get3A_3400] {strides = array<i32>} : memref<512xf32, #tpu.memory_space<vmem>>, vector<16xf32>,
      %get3A_3402 = vector.shape_cast %get3A_3401 : vector<16xf32> to vector<16xf32>
      %add3A_3403 = arith.addf %select_n3A_3397, %get3A_3402 : vector<16xf32>
      %get3A_3404 = arith.index_cast %mul3A_3399 : i32 to index
      %get3A_3405 = tpu.vector_load %arg15[%get3A_3404] {strides = array<i32>} : memref<512xf32, #tpu.memory_space<vmem>>, vector<16xf32>,
      %get3A_3406 = vector.shape_cast %get3A_3405 : vector<16xf32> to vector<16xf32>
      %add3A_3407 = arith.addf %add3A_3403, %get3A_3406 : vector<16xf32>
      %add3A_3408 = arith.addf %add3A_3407, %get3A_294 : vector<16xf32>
      %swap3A = arith.index_cast %mul3A_3399 : i32 to index
      %swap3A_3409 = tpu.vector_load %arg17[%swap3A] {strides = array<i32>} : memref<512xf32, #tpu.memory_space<vmem>>, vector<16xf32>,
      %swap3A_3410 = vector.shape_cast %swap3A_3409 : vector<16xf32> to vector<16xf32>
      %swap3A_3411 = vector.shape_cast %add3A_3408 : vector<16xf32> to vector<16xf32>
      tpu.vector_store %arg17[%swap3A], %swap3A_3411 {strides = array<i32>} : memref<512xf32, #tpu.memory_space<vmem>>, vector<16xf32>,
    }
    %scan3A_299 = arith.constant 32 : i32
    "tpu.region"() ({
      %run_scoped3A = tpu.sem_alloc : memref<!tpu.dma_semaphore, #tpu.memory_space<semaphore_mem>>
      %dma_start3A_300 = tpu.memref_slice %arg9[%mul3A_2] : memref<16384xf32, #tpu.memory_space<hbm>> -> memref<512xf32, #tpu.memory_space<hbm>>
      %dma_start3A_301 = tpu.memref_slice %arg9[%mul3A_2] : memref<16384xf32, #tpu.memory_space<hbm>> -> memref<512xf32, #tpu.memory_space<hbm>>
      tpu.enqueue_dma source(%arg17 : memref<512xf32, #tpu.memory_space<vmem>>) target(%dma_start3A_301 : memref<512xf32, #tpu.memory_space<hbm>>) target_semaphore(%run_scoped3A : memref<!tpu.dma_semaphore, #tpu.memory_space<semaphore_mem>>)
      %dma_wait3A_302 = tpu.memref_slice %arg9[%mul3A_2] : memref<16384xf32, #tpu.memory_space<hbm>> -> memref<512xf32, #tpu.memory_space<hbm>>
      %dma_wait3A_303 = tpu.memref_slice %arg9[%mul3A_2] : memref<16384xf32, #tpu.memory_space<hbm>> -> memref<512xf32, #tpu.memory_space<hbm>>
      tpu.wait_dma2 semaphore(%run_scoped3A : memref<!tpu.dma_semaphore, #tpu.memory_space<semaphore_mem>>) src(%arg17 : memref<512xf32, #tpu.memory_space<vmem>>) dst(%dma_wait3A_303 : memref<512xf32, #tpu.memory_space<hbm>>)
      tpu.yield
    }) : () -> ()
    return
  }
}

</mosaic_0001>

<sc_bundles>
// kernel: kernel.3.cloned.1.call-start
scs
__scs_entry_jumppad:
0x0: {  	(pc) =	sbr.rel $0x88, $3  }
0x1: {  	(tag) =	ssettag $0x0;
	lr =	simm.s32 $0x1  }
0x2: {  	[smem:$0x3F9A] =	sst lr;
	_ =	strace $0xD0000000  }
0x3: {  	_ = 	snop  }
0x4: {  	_ = 	snop  }
0x5: {  	_ = 	snop  }
0x6: {  	_ = 	snop  }
0x7: {  	_ = 	snop  }
__scs_overlays_trampoline_lowered:
0x8: {  	[smem:$0x3FA9] =	sst s0  }
0x9: {  	[smem:$0x3FAA] =	sst s1  }
0xa: {  	[smem:$0x3FAB] =	sst s2  }
0xb: {  	[smem:$0x3FAC] =	sst s3  }
0xc: {  	[smem:$0x3FAD] =	sst s4  }
0xd: {  	[smem:$0x3FAE] =	sst s5  }
0xe: {  	[smem:$0x3FAF] =	sst s6  }
0xf: {  	[smem:$0x3FB0] =	sst s7  }
0x10: {  	[smem:$0x3FB1] =	sst s8  }
0x11: {  	[smem:$0x3FB2] =	sst s9;
	s0 =	simm.s32 @!p0 $0x0  }
0x12: {  	s1 =	sld [smem:$0x3F98];
	s0 =	simm.s32 @p0 $0x1  }
0x13: {  	[smem:$0x3FB3] =	sst s0;
	s0 =	simm.s32 @!p1 $0x0  }
0x14: {  	s2 =	sld [smem:$0x3F97];
	s0 =	simm.s32 @p1 $0x1  }
0x15: {  	[smem:$0x3FB4] =	sst s0;
	s0 =	simm.s32 @!p2 $0x0  }
0x16: {  	s3 =	sld [smem:$0x3FDB];
	s0 =	simm.s32 @p2 $0x1  }
0x17: {  	s4 =	simm.s32 $0x1BF5;
	[smem:$0x3FB6] =	sst s0  }
0x18: {  	s0 =	sld [smem:$0x3F99];
	_ =	swait.ge [sflag:s4], $0x0  }
0x19: {  	s7 =	sld [smem:$0x3F9A]  }
0x1a: {  	s8 =	sadd.s32 $0xFFFFE003, lr  }
0x1b: {  	s9 =	sadd.s32 $0xFFFFFEF7, lr;
	s5 =	simm.s32 $0xFFFFFFFF;
	p2 =	slt.u32 s8, $0xFFFFF086  }
0x1c: {  	p1 =	slt.u32 s9, $0xF7A;
	s5 =	simm.s32 @!p2 $0x0  }
0x1d: {  	s5 =	simm.s32 @p1 $0x1;
	p0 =	seq.s32 s7, s2  }
0x1e: {  	s7 =	smul.u32 @!p0 $0xF7A, s2;
	p2 =	seq.s32 @!p0 s5, $0x0  }
0x1f: {  	s9 =	smul.u32 $0xF7A, s1;
	s8 =	simm.s32 @!p0 $0x1BF5;
	p2 =	por !p2, p0  }
0x20: {  	[sflag:s8] =	ssyncset.s32 @!p0 $0xFFFFF086;
	s6 =	sadd.s32 @!p0 s3, s7;
	s7 =	simm.s32 @!p0 $0x108  }
0x21: {  	s3 =	sadd.s32 s3, s9;
	s6 =	sadd.s32 @!p0 $0x88, s6;
	s7 =	simm.s32 @p2 $0x1082  }
0x22: {  	[simem:s7], [sflag:s8] =	dma.local @!p0 [hbm:s6], $0xF7A  }
0x23: {  	s9 =	sor.u32 $0xD0000000, s2;
	s6 =	simm.s32 $0x108;
	_ =	swait.ge @!p0 [sflag:s8], $0x0  }
0x24: {  	s3 =	sadd.s32 $0x88, s3;
	s6 =	simm.s32 @!p1 $0x1082;
	[sflag:s4] =	ssyncset.s32 $0xFFFFF086  }
0x25: {  	[simem:s6], [sflag:s4] =	dma.local [hbm:s3], $0xF7A  }
0x26: {  	[smem:$0x3F9A] =	sst s1;
	(tag) =	ssettag s2;
	_ =	strace s9  }
0x27: {  	s1 =	sld [smem:$0x3FAA]  }
0x28: {  	s2 =	sld [smem:$0x3FAB]  }
0x29: {  	s4 =	sld [smem:$0x3FAD]  }
0x2a: {  	p0 =	seq.s32 s5, $0x0;
	s5 =	sld [smem:$0x3FAE]  }
0x2b: {  	s6 =	sld [smem:$0x3FAF]  }
0x2c: {  	s7 =	sld [smem:$0x3FB0]  }
0x2d: {  	s3 =	simm.s32 $0x108;
	s8 =	sld [smem:$0x3FB1]  }
0x2e: {  	s3 =	simm.s32 @!p0 $0x1082;
	s9 =	sld [smem:$0x3FB2]  }
0x2f: {  	lr =	sadd.s32 s0, s3;
	s0 =	sld [smem:$0x3FA9]  }
0x30: {  	s3 =	sld [smem:$0x3FAC]  }
0x31: {  	[smem:$0x3FB5] =	sst s10  }
0x32: {  	s10 =	sld [smem:$0x3FB3];
	_ =	sdelay $0x3  }
0x33: {  	p0 =	seq.s32 s10, $0x1;
	s10 =	sld [smem:$0x3FB5];
	_ =	sdelay $0x3  }
0x34: {  	[smem:$0x3FB5] =	sst s10  }
0x35: {  	s10 =	sld [smem:$0x3FB4];
	_ =	sdelay $0x3  }
0x36: {  	p1 =	seq.s32 s10, $0x1;
	s10 =	sld [smem:$0x3FB5];
	_ =	sdelay $0x3  }
0x37: {  	[smem:$0x3FB5] =	sst s10  }
0x38: {  	s10 =	sld [smem:$0x3FB6]  }
0x39: {  	_ = 	snop;
	(pc) =	sbr.ind lr, $3  }
0x3a: {  	_ = 	snop  }
0x3b: {  	_ = 	snop  }
0x3c: {  	p2 =	seq.s32 s10, $0x1;
	s10 =	sld [smem:$0x3FB5]  }
0x3d: {  	_ =	shalt  }
0x3e: {  	_ =	shalt  }
0x3f: {  	_ =	shalt  }
0x40: {  	_ =	shalt  }
0x41: {  	_ =	shalt  }
0x42: {  	_ =	shalt  }
0x43: {  	_ =	shalt  }
0x44: {  	_ =	shalt  }
0x45: {  	_ =	shalt  }
0x46: {  	_ =	shalt  }
0x47: {  	_ =	shalt  }
0x48: {  	_ =	shalt  }
0x49: {  	_ =	shalt  }
0x4a: {  	_ =	shalt  }
0x4b: {  	_ =	shalt  }
0x4c: {  	_ =	shalt  }
0x4d: {  	_ =	shalt  }
0x4e: {  	_ =	shalt  }
0x4f: {  	_ =	shalt  }
0x50: {  	_ =	shalt  }
0x51: {  	_ =	shalt  }
0x52: {  	_ =	shalt  }
0x53: {  	_ =	shalt  }
0x54: {  	_ =	shalt  }
0x55: {  	_ =	shalt  }
0x56: {  	_ =	shalt  }
0x57: {  	_ =	shalt  }
0x58: {  	_ =	shalt  }
0x59: {  	_ =	shalt  }
0x5a: {  	_ =	shalt  }
0x5b: {  	_ =	shalt  }
0x5c: {  	_ =	shalt  }
0x5d: {  	_ =	shalt  }
0x5e: {  	_ =	shalt  }
0x5f: {  	_ =	shalt  }
0x60: {  	_ =	shalt  }
0x61: {  	_ =	shalt  }
0x62: {  	_ =	shalt  }
0x63: {  	_ =	shalt  }
0x64: {  	_ =	shalt  }
0x65: {  	_ =	shalt  }
0x66: {  	_ =	shalt  }
0x67: {  	_ =	shalt  }
0x68: {  	_ =	shalt  }
0x69: {  	_ =	shalt  }
0x6a: {  	_ =	shalt  }
0x6b: {  	_ =	shalt  }
0x6c: {  	_ =	shalt  }
0x6d: {  	_ =	shalt  }
0x6e: {  	_ =	shalt  }
0x6f: {  	_ =	shalt  }
0x70: {  	_ =	shalt  }
0x71: {  	_ =	shalt  }
0x72: {  	_ =	shalt  }
0x73: {  	_ =	shalt  }
0x74: {  	_ =	shalt  }
0x75: {  	_ =	shalt  }
0x76: {  	_ =	shalt  }
0x77: {  	_ =	shalt  }
0x78: {  	_ =	shalt  }
0x79: {  	_ =	shalt  }
0x7a: {  	_ =	shalt  }
0x7b: {  	_ =	shalt  }
0x7c: {  	_ =	shalt  }
0x7d: {  	_ =	shalt  }
0x7e: {  	_ =	shalt  }
0x7f: {  	_ =	shalt  }
0x80: {  	_ =	shalt  }
0x81: {  	_ =	shalt  }
0x82: {  	_ =	shalt  }
0x83: {  	_ =	shalt  }
0x84: {  	_ =	shalt  }
0x85: {  	_ =	shalt  }
0x86: {  	_ =	shalt  }
0x87: {  	_ =	shalt  }
.Lfunc_end0:
.L_simem_size_0:
called_computation_lowered:
.L_overlay_start_0:
0x88: {  	s2 =	sld [smem:$0x3FD9]  }
0x89: {  	s3 =	sld [smem:$0x3FFE];
	_ =	sdelay $0x1  }
0x8a: {  	s1 =	srdreg.scid  }
0x8b: {  	s0 =	sand.u32 $0x1, s1  }
0x8c: {  	s17 =	sshll.u32 s0, $0xA;
	s2 =	sadd.s32 s3, s2  }
0x8d: {  	s2 =	sadd.s32 s2, s17  }
0x8e: {  	[smem:$0x3FC1] =	sst s2  }
0x8f: {  	_ = 	snop  }
0x90: {  	s2 =	sld [smem:$0x3FC9]  }
0x91: {  	s18 =	sld [smem:$0x3FC8]  }
0x92: {  	s4 =	sld [smem:$0x3FC6]  }
0x93: {  	s5 =	sld [smem:$0x3FC4]  }
0x94: {  	s6 =	sld [smem:$0x3FD0];
	(tm) =	ssettm $0x1  }
0x95: {  	s7 =	sld [smem:$0x3FFB];
	_ =	sdelay $0x3  }
0x96: {  	_ =	strace s7  }
0x97: {  	s7 =	sld [smem:$0x3FFC];
	_ =	sdelay $0x3  }
0x98: {  	_ =	strace s7  }
0x99: {  	s7 =	sld [smem:$0x3FFD];
	_ =	sdelay $0x3  }
0x9a: {  	_ =	strace s7  }
0x9b: {  	_ =	strace $0x8FFFFFFF  }
0x9c: {  	s19 =	sld [smem:$0x3FDB];
	_ =	sdelay $0x1  }
0x9d: {  	s8 =	simm.s32 $_scs_section_size  }
0x9e: {  	s9 =	simm.s32 $_size__tile_overlayer_lowered;
	s10 =	simm.s32 $_tile_overlayer_lowered  }
0x9f: {  	s22 =	simm.s32 $0x1BFF;
	s21 =	sshll.u32 s10, $0x1;
	s7 =	sadd.s32 s8, s19  }
0xa0: {  	s11 =	simm.s32 $0x0;
	s20 =	sshll.u32 s9, $0x1;
	s9 =	sadd.s32 s21, s7  }
0xa1: {  	[timem:s11], [sflag:s22] =	dma.local [hbm:s9], s20  }
0xa2: {  	_ =	swait.ge [sflag:s22], s20  }
0xa3: {  	s8 =	ssub.s32 $0x0, s20;
	[sflag:s22] =	ssyncset.done $0x0  }
0xa4: {  	[sflag:s22] =	ssyncadd.s32 s8;
	_ =	sdelay $0x1  }
0xa5: {  	s23 =	simm.s32 $0x1B8B  }
0xa6: {  	_ =	swait.ge [sflag:s23], $0x1  }
0xa7: {  	[sflag:s23] =	ssyncset.done $0x0  }
0xa8: {  	s25 =	simm.s32 $0x1B8E;
	s24 =	sld [smem:$0x3FFE];
	[sflag:s23] =	ssyncadd.s32 $0xFFFFFFFF  }
0xa9: {  	s26 =	simm.s32 $execute0_lowered;
	[smem:$0x3FD2] =	sst s25  }
0xaa: {  	s9 =	sshll.u32 s26, $0x1;
	_ =	strace $0x80000046;
	[dreg:$0x1] =	wrdreg $0xFFFFFFFF  }
0xab: {  	s28 =	simm.s32 $_size_execute0_lowered;
	s7 =	sadd.s32 s7, s9;
	[dreg:$0x0] =	wrdreg $0x0  }
0xac: {  	s9 =	sshll.u32 s28, $0x1;
	[dreg:$0x2] =	wrdreg s7  }
0xad: {  	[dreg:$0x3] =	wrdreg s9  }
0xae: {  	[dreg:$0x4] =	wrdreg $0xC0  }
0xaf: {  	_ =	task [dreg:s11], $0x5FFFF  }
0xb0: {  	[dreg:$0x1] =	wrdreg $0xFFFFFFFF  }
0xb1: {  	[dreg:$0x0] =	wrdreg $0x60  }
0xb2: {  	[dreg:$0x2] =	wrdreg s2  }
0xb3: {  	[dreg:$0x3] =	wrdreg s18  }
0xb4: {  	[dreg:$0x4] =	wrdreg s24  }
0xb5: {  	[dreg:$0x5] =	wrdreg s4  }
0xb6: {  	[dreg:$0x6] =	wrdreg s5  }
0xb7: {  	[dreg:$0x7] =	wrdreg s6  }
0xb8: {  	[dreg:$0x8] =	wrdreg $0x9  }
0xb9: {  	_ =	task.clear_ibuf [dreg:s11], $0x9FFFF;
	_ =	strace $0x90000046  }
0xba: {  	s29 =	simm.s32 $0x9;
	_ =	strace $0x80000048  }
0xbb: {  	_ =	swait.ge [sflag:s29], $0x1  }
0xbc: {  	[sflag:s29] =	ssyncadd.s32 $0xFFFFFFFF  }
0xbd: {  	_ =	strace $0x90000048  }
0xbe: {  	_ =	sfence  }
0xbf: {  	s30 =	sld [smem:$0x0];
	_ =	sdelay $0x2  }
0xc0: {  	s31 =	sshll.u32 s1, $0xD;
	s1 =	sshrl.u32 s1, $0x2  }
0xc1: {  	s3 =	sand.u32 $0x4000, s31;
	s1 =	sadd.s32 s1, s30  }
0xc2: {  	s0 =	sor.u32 s3, s0;
	s1 =	sshll.u32 s1, $0x11  }
0xc3: {  	s0 =	sor.u32 s1, s0  }
0xc4: {  	s0 =	sadd.s32 $0x8F2B, s0  }
0xc5: {  	[sflag:s0] =	ssyncadd.remote.s32 $0x1  }
0xc6: {  	_ =	sfence.sel $0xFFFF  }
0xc7: {  	[dreg:$0x0] =	wrdreg $0xFFFFFFFF;
	(pc) =	sbr.abs _section_cstart, $3  }
0xc8: {  	[dreg:$0x1] =	wrdreg $0xFFFFFFFF  }
0xc9: {  	_ =	task.clear_ibuf [dreg:s11], $0x2FFFF;
	_ =	strace $0x9FFFFFFF  }
0xca: {  	(tm) =	ssettm $0x7FFFFFFF  }
0xcb: {  	_ =	shalt  }
tec
execute0_lowered:
.L_overlay_start_1:
0x0: {  	(tag) =	ssettag $0x1  }
0x1: {  	s0 =	rddreg [dreg:$0x0]  }
0x2: {  	s5 =	rddreg [dreg:$0x1];
	v0 =	vimm.s32 $0xFEDCBA98;
	v1 =	vimm.s32 $0x76543210  }
0x3: {  	s7 =	rddreg [dreg:$0x2];
	v2 =	vimm.s32 $0x3210FEDC;
	v3 =	vimm.s32 $0xBA987654;
	v4 =	vimm.s32 $0x10FEDCBA  }
0x4: {  	s1 =	rddreg [dreg:$0x3];
	v5 =	vimm.s32 $0x98765432;
	v6 =	vimm.s32 $0xFEDCBA9;
	v7 =	vimm.s32 $0x87654321  }
0x5: {  	s2 =	rddreg [dreg:$0x4];
	vm0 =	vmmov $0x1;
	vm1 =	vmmov $0x3;
	vm2 =	vmmov $0x7  }
0x6: {  	s10 =	rddreg [dreg:$0x5];
	s3 =	simm.s32 $0x0;
	vm3 =	vmmov $0xf;
	vm4 =	vmmov $0x1f;
	vm5 =	vmmov $0x3f  }
0x7: {  	s8 =	srdreg.scid;
	s11 =	stileid.u32;
	s13 =	simm.s32 $0x200;
	vm6 =	vmmov $0x7f;
	vm7 =	vmmov $0xff;
	vm8 =	vmmov $0x1ff  }
0x8: {  	s15 =	simm.s32 $0x80;
	s21 =	simm.s32 $0x280;
	s25 =	simm.s32 $0x100;
	vm9 =	vmmov $0x3ff;
	vm10 =	vmmov $0x7ff;
	vm11 =	vmmov $0xfff  }
0x9: {  	s28 =	simm.s32 $0x300;
	s14 =	simm.s32 $0x380;
	s16 =	simm.s32 $0xE400;
	v0 =	vunpack.c.l.s4.s8 v0;
	v1 =	vunpack.c.l.s4.s8 v1;
	v2 =	vunpack.c.l.s4.s8 v2  }
0xa: {  	s17 =	simm.s32 $0x10580;
	s18 =	simm.s32 $0x10780;
	s19 =	simm.s32 $0x1;
	v3 =	vunpack.c.l.s4.s8 v3;
	v4 =	vunpack.c.l.s4.s8 v4;
	v5 =	vunpack.c.l.s4.s8 v5  }
0xb: {  	s20 =	simm.s32 $0x10810;
	s22 =	simm.s32 $0x0;
	[smem:$0x7FF] =	sst s3;
	v6 =	vunpack.c.l.s4.s8 v6;
	v7 =	vunpack.c.l.s4.s8 v7;
	v0 =	vunpack.c.0.s8.s32 v0  }
0xc: {  	s4 =	sadd.s32 $0x16E3A00, s7;
	s6 =	sadd.s32 $0xF42800, s7;
	s8 =	sand.u32 $0x1, s8;
	v2 =	vunpack.c.0.s8.s32 v2;
	v3 =	vunpack.c.0.s8.s32 v3;
	v4 =	vunpack.c.0.s8.s32 v4  }
0xd: {  	s11 =	sshll.u32 s11, $0x7;
	s9 =	ssub.s32 $0x2, s8;
	s8 =	sshll.u32 s8, $0x6;
	v5 =	vunpack.c.0.s8.s32 v5;
	v6 =	vunpack.c.0.s8.s32 v6;
	v7 =	vunpack.c.0.s8.s32 v7  }
0xe: {  	vm12 =	vmmov $0x1fff;
	s7 =	sadd.s32 $0x400, s7;
	s12 =	sshrl.u32 s9, $0x1;
	s11 =	sor.u32 s8, s11;
	v1 =	vunpack.c.0.s8.s32 v1;
	v2 =	vcombine.low v3, v2  }
0xf: {  	_ =	strace $0x80000047;
	s12 =	ssub.s32 s9, s12;
	s8 =	sadd.s32 s0, s11;
	v3 =	vcombine.low v5, v4;
	v4 =	vcombine.low v7, v6;
	v0 =	vand.u32 $0xF, v0  }
0x10: {  	vm13 =	vmmov $0x3fff;
	vm14 =	vmmov $0x7fff;
	s9 =	sadd.s32 s5, s11;
	s10 =	sadd.s32 s10, s11;
	s0 =	simm.s32 $0x180;
	v0 =	vcombine.low v0, v1  }
0x11: {  	s5 =	simm.s32 $0x6400;
	s11 =	smax.u32 s12, $0x1;
	s12 =	simm.s32 $0x2;
	v1 =	vand.u32 $0xF, v2;
	v2 =	vand.u32 $0xF, v3;
	v3 =	vand.u32 $0xF, v4  }
.LBB2_1:
0x12: {  	[tilespmem:s3], [sflag:$0x2] =	stream.linear.gather [hbm4b:s8+s3], $0x200, $0x38;
	[tilespmem:$0x10A10] =	vst v63  }
0x13: {  	_ =	swait.ge [sflag:s12], $0x200  }
0x14: {  	[sflag:s12] =	ssyncset.done $0x0  }
0x15: {  	[sflag:s12] =	ssyncadd.s32 $0xFFFFFE00  }
0x16: {  	[tilespmem:s13], [sflag:$0x2] =	stream.linear.gather [hbm4b:s9+s3], $0x200, $0x38;
	[tilespmem:$0x10A10] =	vst v63  }
0x17: {  	_ =	swait.ge [sflag:s12], $0x200  }
0x18: {  	[sflag:s12] =	ssyncset.done $0x0  }
0x19: {  	s23 =	simm.s32 $0x10800;
	[sflag:s12] =	ssyncadd.s32 $0xFFFFFE00  }
0x1a: {  	[tilespmem:s23], [sflag:$0x2] =	stream.linear.gather [hbm4b:s7+s3], $0x10, $0x38;
	[tilespmem:$0x10A10] =	vst v63  }
0x1b: {  	_ =	swait.ge [sflag:s12], $0x10  }
0x1c: {  	[sflag:s12] =	ssyncset.done $0x0  }
0x1d: {  	s24 =	simm.s32 $0x400;
	[sflag:s12] =	ssyncadd.s32 $0xFFFFFFF0  }
0x1e: {  	[tilespmem:s24], [sflag:$0x1] =	stream.indirect.gather [hbm4b:s4+s15], $0x40, s3, s15, $0xb8;
	[tilespmem:$0x10A10] =	vst v63  }
0x1f: {  	s26 =	simm.s32 $0x8400  }
0x20: {  	[tilespmem:s26], [sflag:$0x1] =	stream.indirect.gather [hbm4b:s6+s15], $0x40, s13, s15, $0xb8;
	[tilespmem:$0x10A10] =	vst v63  }
0x21: {  	s30 =	simm.s32 $0x10400  }
0x22: {  	[tilespmem:s30], [sflag:$0x1] =	stream.indirect.gather [hbm4b:s1+s15], $0x1, s3, s15, $0xb8;
	[tilespmem:$0x10A10] =	vst v63  }
0x23: {  	s31 =	simm.s32 $0x10600  }
0x24: {  	[tilespmem:s31], [sflag:$0x1] =	stream.indirect.gather [hbm4b:s2+s15], $0x1, s13, s15, $0xb8;
	[tilespmem:$0x10A10] =	vst v63  }
0x25: {  	s24 =	simm.s32 $0x2400  }
0x26: {  	[tilespmem:s24], [sflag:$0x1] =	stream.indirect.gather [hbm4b:s4+s15], $0x40, s15, s15, $0xb8;
	[tilespmem:$0x10A10] =	vst v63  }
0x27: {  	s26 =	simm.s32 $0xA400  }
0x28: {  	[tilespmem:s26], [sflag:$0x1] =	stream.indirect.gather [hbm4b:s6+s15], $0x40, s21, s15, $0xb8;
	[tilespmem:$0x10A10] =	vst v63  }
0x29: {  	s30 =	simm.s32 $0x10480  }
0x2a: {  	[tilespmem:s30], [sflag:$0x1] =	stream.indirect.gather [hbm4b:s1+s15], $0x1, s15, s15, $0xb8;
	[tilespmem:$0x10A10] =	vst v63  }
0x2b: {  	s31 =	simm.s32 $0x10680  }
0x2c: {  	[tilespmem:s31], [sflag:$0x1] =	stream.indirect.gather [hbm4b:s2+s15], $0x1, s21, s15, $0xb8;
	[tilespmem:$0x10A10] =	vst v63  }
0x2d: {  	s24 =	simm.s32 $0x4400  }
0x2e: {  	[tilespmem:s24], [sflag:$0x1] =	stream.indirect.gather [hbm4b:s4+s15], $0x40, s25, s15, $0xb8;
	[tilespmem:$0x10A10] =	vst v63  }
0x2f: {  	s26 =	simm.s32 $0xC400  }
0x30: {  	[tilespmem:s26], [sflag:$0x1] =	stream.indirect.gather [hbm4b:s6+s15], $0x40, s28, s15, $0xb8;
	[tilespmem:$0x10A10] =	vst v63  }
0x31: {  	s30 =	simm.s32 $0x10500  }
0x32: {  	[tilespmem:s30], [sflag:$0x1] =	stream.indirect.gather [hbm4b:s1+s15], $0x1, s25, s15, $0xb8;
	[tilespmem:$0x10A10] =	vst v63  }
0x33: {  	s31 =	simm.s32 $0x10700  }
0x34: {  	[tilespmem:s31], [sflag:$0x1] =	stream.indirect.gather [hbm4b:s2+s15], $0x1, s28, s15, $0xb8;
	[tilespmem:$0x10A10] =	vst v63  }
0x35: {  	_ = 	snop  }
0x36: {  	[tilespmem:s5], [sflag:$0x1] =	stream.indirect.gather [hbm4b:s4+s15], $0x40, s0, s15, $0xb8;
	[tilespmem:$0x10A10] =	vst v63  }
0x37: {  	_ = 	snop  }
0x38: {  	[tilespmem:s16], [sflag:$0x1] =	stream.indirect.gather [hbm4b:s6+s15], $0x40, s14, s15, $0xb8;
	[tilespmem:$0x10A10] =	vst v63  }
0x39: {  	_ = 	snop  }
0x3a: {  	[tilespmem:s17], [sflag:$0x1] =	stream.indirect.gather [hbm4b:s1+s15], $0x1, s0, s15, $0xb8;
	[tilespmem:$0x10A10] =	vst v63  }
0x3b: {  	_ = 	snop  }
0x3c: {  	[tilespmem:s18], [sflag:$0x1] =	stream.indirect.gather [hbm4b:s2+s15], $0x1, s14, s15, $0xb8;
	[tilespmem:$0x10A10] =	vst v63  }
0x3d: {  	_ =	swait.ge [sflag:s19], $0x2000  }
0x3e: {  	[sflag:s19] =	ssyncset.done $0x0  }
0x3f: {  	[sflag:s19] =	ssyncadd.s32 $0xFFFFE000  }
0x40: {  	_ =	swait.ge [sflag:s19], $0x2000  }
0x41: {  	[sflag:s19] =	ssyncset.done $0x0  }
0x42: {  	[sflag:s19] =	ssyncadd.s32 $0xFFFFE000  }
0x43: {  	_ =	swait.ge [sflag:s19], $0x80  }
0x44: {  	[sflag:s19] =	ssyncset.done $0x0  }
0x45: {  	[sflag:s19] =	ssyncadd.s32 $0xFFFFFF80  }
0x46: {  	_ =	swait.ge [sflag:s19], $0x80  }
0x47: {  	[sflag:s19] =	ssyncset.done $0x0  }
0x48: {  	[sflag:s19] =	ssyncadd.s32 $0xFFFFFF80  }
0x49: {  	_ =	swait.ge [sflag:s19], $0x2000  }
0x4a: {  	[sflag:s19] =	ssyncset.done $0x0  }
0x4b: {  	[sflag:s19] =	ssyncadd.s32 $0xFFFFE000  }
0x4c: {  	_ =	swait.ge [sflag:s19], $0x2000  }
0x4d: {  	[sflag:s19] =	ssyncset.done $0x0  }
0x4e: {  	[sflag:s19] =	ssyncadd.s32 $0xFFFFE000  }
0x4f: {  	_ =	swait.ge [sflag:s19], $0x80  }
0x50: {  	[sflag:s19] =	ssyncset.done $0x0  }
0x51: {  	[sflag:s19] =	ssyncadd.s32 $0xFFFFFF80  }
0x52: {  	_ =	swait.ge [sflag:s19], $0x80  }
0x53: {  	[sflag:s19] =	ssyncset.done $0x0  }
0x54: {  	[sflag:s19] =	ssyncadd.s32 $0xFFFFFF80  }
0x55: {  	_ =	swait.ge [sflag:s19], $0x2000  }
0x56: {  	[sflag:s19] =	ssyncset.done $0x0  }
0x57: {  	[sflag:s19] =	ssyncadd.s32 $0xFFFFE000  }
0x58: {  	_ =	swait.ge [sflag:s19], $0x2000  }
0x59: {  	[sflag:s19] =	ssyncset.done $0x0  }
0x5a: {  	[sflag:s19] =	ssyncadd.s32 $0xFFFFE000  }
0x5b: {  	_ =	swait.ge [sflag:s19], $0x80  }
0x5c: {  	[sflag:s19] =	ssyncset.done $0x0  }
0x5d: {  	[sflag:s19] =	ssyncadd.s32 $0xFFFFFF80  }
0x5e: {  	_ =	swait.ge [sflag:s19], $0x80  }
0x5f: {  	[sflag:s19] =	ssyncset.done $0x0  }
0x60: {  	[sflag:s19] =	ssyncadd.s32 $0xFFFFFF80  }
0x61: {  	_ =	swait.ge [sflag:s19], $0x2000  }
0x62: {  	[sflag:s19] =	ssyncset.done $0x0  }
0x63: {  	[sflag:s19] =	ssyncadd.s32 $0xFFFFE000  }
0x64: {  	_ =	swait.ge [sflag:s19], $0x2000  }
0x65: {  	[sflag:s19] =	ssyncset.done $0x0  }
0x66: {  	[sflag:s19] =	ssyncadd.s32 $0xFFFFE000  }
0x67: {  	_ =	swait.ge [sflag:s19], $0x80  }
0x68: {  	[sflag:s19] =	ssyncset.done $0x0  }
0x69: {  	[sflag:s19] =	ssyncadd.s32 $0xFFFFFF80  }
0x6a: {  	_ =	swait.ge [sflag:s19], $0x80  }
0x6b: {  	[sflag:s19] =	ssyncset.done $0x0  }
0x6c: {  	s23 =	simm.s32 $0x8600;
	[sflag:s19] =	ssyncadd.s32 $0xFFFFFF80  }
0x6d: {  	s24 =	simm.s32 $0x600;
	v4 =	vld [tilespmem:s23+$0x1B0]  }
0x6e: {  	v5 =	vld [tilespmem:s24+$0x1B0]  }
0x6f: {  	v7 =	vld [tilespmem:s23+$0x1D0]  }
0x70: {  	v8 =	vld [tilespmem:s23+$0x120]  }
0x71: {  	v15 =	vld [tilespmem:s24+$0x160]  }
0x72: {  	v18 =	vld [tilespmem:s23+$0x150]  }
0x73: {  	v9 =	vld [tilespmem:s23+$0x180]  }
0x74: {  	v19 =	vld [tilespmem:s23+$0x170]  }
0x75: {  	v20 =	vld [tilespmem:s24+$0x170]  }
0x76: {  	v21 =	vld [tilespmem:s23+$0x160]  }
0x77: {  	v11 =	vld [tilespmem:s23+$0x110]  }
0x78: {  	v13 =	vld [tilespmem:s24+$0x110]  }
0x79: {  	v22 =	vld [tilespmem:s24+$0x150]  }
0x7a: {  	v23 =	vld [tilespmem:s23+$0x140]  }
0x7b: {  	v24 =	vld [tilespmem:s24+$0x140]  }
0x7c: {  	v10 =	vld [tilespmem:s23+$0x100]  }
0x7d: {  	v12 =	vld [tilespmem:s23+$0xA0]  }
0x7e: {  	v25 =	vld [tilespmem:s23+$0xFFFFFE70]  }
0x7f: {  	v26 =	vld [tilespmem:s24+$0xFFFFFE70]  }
0x80: {  	v27 =	vld [tilespmem:s23+$0xFFFFFE60]  }
0x81: {  	v14 =	vld [tilespmem:s23+$0x90]  }
0x82: {  	v28 =	vld [tilespmem:s23+$0xF0]  }
0x83: {  	v29 =	vld [tilespmem:s24+$0xF0]  }
0x84: {  	v30 =	vld [tilespmem:s23+$0xE0]  }
0x85: {  	v31 =	vld [tilespmem:s24+$0xE0]  }
0x86: {  	v32 =	vld [tilespmem:s23+$0xD0]  }
0x87: {  	v33 =	vld [tilespmem:s24+$0xD0]  }
0x88: {  	v34 =	vld [tilespmem:s23+$0xC0]  }
0x89: {  	v35 =	vld [tilespmem:s24+$0xC0]  }
0x8a: {  	v16 =	vld [tilespmem:s23+$0x80]  }
0x8b: {  	v36 =	vld [tilespmem:s24+$0xFFFFFE60]  }
0x8c: {  	v37 =	vld [tilespmem:s23+$0xFFFFFE50]  }
0x8d: {  	v38 =	vld [tilespmem:s24+$0xFFFFFE50]  }
0x8e: {  	v39 =	vld [tilespmem:s23+$0xFFFFFFF0]  }
0x8f: {  	v40 =	vld [tilespmem:s24+$0xFFFFFFF0]  }
0x90: {  	v41 =	vld [tilespmem:s23+$0xFFFFFFE0]  }
0x91: {  	v42 =	vld [tilespmem:s24+$0xFFFFFFE0]  }
0x92: {  	v43 =	vld [tilespmem:s23+$0x30]  }
0x93: {  	v44 =	vld [tilespmem:s24+$0x30]  }
0x94: {  	v45 =	vld [tilespmem:s23+$0x20]  }
0x95: {  	v46 =	vld [tilespmem:s24+$0x20]  }
0x96: {  	v47 =	vld [tilespmem:s23+$0x10]  }
0x97: {  	v48 =	vld [tilespmem:s24+$0x10]  }
0x98: {  	v49 =	vld [tilespmem:s23+$0x0]  }
0x99: {  	v50 =	vld [tilespmem:s24+$0x0]  }
0x9a: {  	v17 =	vld [tilespmem:s23+$0xFFFFFEB0]  }
0x9b: {  	v51 =	vld [tilespmem:s24+$0xFFFFFFB0]  }
0x9c: {  	v52 =	vld [tilespmem:s23+$0xFFFFFFA0]  }
0x9d: {  	v53 =	vld [tilespmem:s24+$0xFFFFFFD0]  }
0x9e: {  	v55 =	vld [tilespmem:s24+$0xFFFFFEF0]  }
0x9f: {  	v56 =	vld [tilespmem:s23+$0xFFFFFF30]  }
0xa0: {  	v23 =	vmul.f32 v23, v24;
	v24 =	vld [tilespmem:s23+$0xFFFFFFB0]  }
0xa1: {  	v18 =	vmul.f32 v18, v22;
	v22 =	vld [tilespmem:s23+$0xFFFFFFD0]  }
0xa2: {  	v15 =	vmul.f32 v21, v15;
	v21 =	vld [tilespmem:s24+$0xFFFFFFA0]  }
0xa3: {  	v34 =	vmul.f32 v34, v35;
	v35 =	vld [tilespmem:s24+$0xFFFFFFC0]  }
0xa4: {  	v19 =	vmul.f32 v19, v20;
	v20 =	vld [tilespmem:s23+$0xFFFFFE30];
	v23 =	vadd.f32 $0.0e+00, v23  }
0xa5: {  	v32 =	vmul.f32 v32, v33;
	v33 =	vld [tilespmem:s24+$0xFFFFFE40]  }
0xa6: {  	v28 =	vmul.f32 v28, v29;
	v29 =	vld [tilespmem:s23+$0xFFFFFEE0];
	v18 =	vadd.f32 v18, v23  }
0xa7: {  	v41 =	vmul.f32 v41, v42;
	v42 =	vld [tilespmem:s24+$0xFFFFFF60]  }
0xa8: {  	v27 =	vmul.f32 v27, v36;
	v36 =	vld [tilespmem:s24+$0x180];
	v15 =	vadd.f32 v15, v18  }
0xa9: {  	v57 =	vadd.f32 $0.0e+00, v34;
	v34 =	vld [tilespmem:s23+$0xFFFFFF80]  }
0xaa: {  	v23 =	vld [tilespmem:s23+$0xFFFFFF90];
	v15 =	vadd.f32 v19, v15  }
0xab: {  	v58 =	vadd.f32 v32, v57;
	v32 =	vld [tilespmem:s23+$0xFFFFFEF0]  }
0xac: {  	v24 =	vmul.f32 v24, v51;
	v51 =	vld [tilespmem:s24+$0xFFFFFF50];
	v54 =	vperm.xlane v15, v0  }
0xad: {  	v30 =	vmul.f32 v30, v31;
	v21 =	vmul.f32 v52, v21;
	v52 =	vld [tilespmem:s24+$0xFFFFFED0]  }
0xae: {  	v18 =	vld [tilespmem:s24+$0xFFFFFF90];
	v15 =	vadd.f32 v15, v54  }
0xaf: {  	v60 =	vadd.f32 v30, v58;
	v30 =	vld [tilespmem:s23+$0xFFFFFE40]  }
0xb0: {  	v19 =	vld [tilespmem:s23+$0xFFFFFFC0];
	v59 =	vperm.xlane v15, v1  }
0xb1: {  	v54 =	vld [tilespmem:s24+$0xFFFFFF80]  }
0xb2: {  	v47 =	vmul.f32 v47, v48;
	v61 =	vadd.f32 v15, v59;
	v15 =	vmul.f32 v49, v50;
	v50 =	vld [tilespmem:s24+$0xFFFFFEE0]  }
0xb3: {  	v39 =	vmul.f32 v39, v40;
	v28 =	vadd.f32 v28, v60;
	v49 =	vmul.f32 v45, v46;
	v46 =	vld [tilespmem:s24+$0xFFFFFF30]  }
0xb4: {  	v25 =	vmul.f32 v25, v26;
	v59 =	vmul.f32 v43, v44;
	v43 =	vld [tilespmem:s24+$0xFFFFFF70]  }
0xb5: {  	v44 =	vld [tilespmem:s23+$0xFFFFFF50];
	v63 =	vadd.f32 $0.0e+00, v15;
	v15 =	vmul.f32 v4, v5;
	v4 =	vperm.xlane v28, v0  }
0xb6: {  	v30 =	vmul.f32 v30, v33;
	v45 =	vld [tilespmem:s23+$0xFFFFFE00];
	v62 =	vperm.xlane v61, v2  }
0xb7: {  	v9 =	vmul.f32 v9, v36;
	v28 =	vadd.f32 v28, v4;
	v4 =	vmul.f32 v19, v35;
	v19 =	vld [tilespmem:s23+$0xFFFFFF70]  }
0xb8: {  	v30 =	vadd.f32 $0.0e+00, v30;
	v5 =	vadd.f32 v61, v62;
	v61 =	vmul.f32 v22, v53;
	v22 =	vld [tilespmem:s23+$0xFFFFFEA0]  }
0xb9: {  	v57 =	vadd.f32 v47, v63;
	v63 =	vmul.f32 v34, v54;
	v34 =	vld [tilespmem:s23+$0xFFFFFF60];
	v54 =	vmul.f32 v37, v38  }
0xba: {  	v11 =	vmul.f32 v11, v13;
	v9 =	vadd.f32 $0.0e+00, v9;
	v53 =	vld [tilespmem:s23+$0xFFFFFF40];
	v58 =	vperm.xlane v5, v3  }
0xbb: {  	v32 =	vmul.f32 v32, v55;
	v38 =	vld [tilespmem:s23+$0xFFFFFF10];
	v31 =	vadd.f32 v49, v57;
	v30 =	vadd.f32 v54, v30  }
0xbc: {  	v18 =	vmul.f32 v23, v18;
	v62 =	vadd.f32 $0.0e+00, v4;
	v57 =	vld [tilespmem:s24+$0xFFFFFF40];
	v4 =	vadd.f32 v5, v58  }
0xbd: {  	v60 =	vperm.xlane v28, v1;
	v54 =	vld [tilespmem:s23+$0xFFFFFEC0];
	v5 =	vadd.f32 v59, v31;
	v27 =	vadd.f32 v27, v30  }
0xbe: {  	v29 =	vmul.f32 v29, v50;
	v48 =	vadd.f32 v61, v62;
	v31 =	vadd.f32 $0.0e+00, v63;
	v30 =	vld [tilespmem:s24+$0xFFFFFF20]  }
0xbf: {  	v28 =	vadd.f32 v28, v60;
	v49 =	vperm.xlane v5, v0;
	v25 =	vadd.f32 v25, v27;
	v27 =	vld [tilespmem:s24+$0xFFFFFF10]  }
0xc0: {  	v33 =	vmul.f32 v44, v51;
	v35 =	vadd.f32 v41, v48;
	v18 =	vadd.f32 v18, v31;
	v48 =	vld [tilespmem:s23+$0xFFFFFF00]  }
0xc1: {  	v59 =	vperm.xlane v28, v2;
	v23 =	vmul.f32 v53, v57;
	v57 =	vld [tilespmem:s24+$0xFFFFFEC0];
	v5 =	vadd.f32 v5, v49  }
0xc2: {  	v34 =	vmul.f32 v34, v42;
	v35 =	vadd.f32 v39, v35;
	v18 =	vadd.f32 v21, v18;
	v49 =	vld [tilespmem:s24+$0xFFFFFF00]  }
0xc3: {  	v19 =	vmul.f32 v19, v43;
	v21 =	vld [tilespmem:s23+$0xFFFFFED0];
	v28 =	vadd.f32 v28, v59;
	v23 =	vadd.f32 $0.0e+00, v23  }
0xc4: {  	v43 =	vld [tilespmem:s23+$0x50];
	v58 =	vperm.xlane v5, v1;
	v39 =	vperm.xlane v35, v0;
	v18 =	vadd.f32 v24, v18  }
0xc5: {  	v31 =	vld [tilespmem:s23+$0xFFFFFE20];
	v63 =	vperm.xlane v28, v3;
	v23 =	vadd.f32 v33, v23;
	v27 =	vmul.f32 v38, v27  }
0xc6: {  	v24 =	vld [tilespmem:s23+$0xFFFFFF20];
	v5 =	vadd.f32 v5, v58;
	v62 =	vperm.xlane v18, v0;
	v33 =	vmul.f32 v54, v57  }
0xc7: {  	v60 =	vadd.f32 v35, v39;
	v54 =	vmul.f32 v56, v46;
	v57 =	vld [tilespmem:s24+$0xFFFFFEA0];
	v59 =	vmul.f32 v48, v49  }
0xc8: {  	v41 =	vld [tilespmem:s23+$0xFFFFFE90];
	v23 =	vadd.f32 v34, v23;
	v52 =	vmul.f32 v21, v52;
	v61 =	vperm.xlane v5, v2  }
0xc9: {  	v34 =	vld [tilespmem:s23+$0xFFFFFE10];
	v39 =	vperm.xlane v60, v1;
	v18 =	vadd.f32 v18, v62;
	v33 =	vadd.f32 $0.0e+00, v33  }
0xca: {  	v49 =	vld [tilespmem:s24+$0xFFFFFE80];
	v23 =	vadd.f32 v19, v23;
	v35 =	vadd.f32 v5, v61;
	v5 =	vperm.xlane v25, v0  }
0xcb: {  	v24 =	vmul.f32 v24, v30;
	v26 =	vadd.f32 v60, v39;
	v50 =	vperm.xlane v18, v1;
	v60 =	vld [tilespmem:s23+$0xFFFFFE80]  }
0xcc: {  	v48 =	vperm.xlane v23, v0;
	v22 =	vmul.f32 v22, v57;
	v57 =	vld [tilespmem:s23+$0xB0];
	v25 =	vadd.f32 v25, v5  }
0xcd: {  	v39 =	vadd.f32 v18, v50;
	v53 =	vperm.xlane v26, v2;
	v5 =	vadd.f32 v28, v63;
	v63 =	vld [tilespmem:s24+$0xFFFFFE00]  }
0xce: {  	v51 =	vperm.xlane v35, v3;
	v28 =	vadd.f32 $0.0e+00, v59;
	v59 =	vld [tilespmem:s24+$0xFFFFFE30];
	v23 =	vadd.f32 v23, v48  }
0xcf: {  	v48 =	vld [tilespmem:s24+$0x60];
	v55 =	vperm.xlane v25, v1;
	v26 =	vadd.f32 v26, v53;
	v58 =	vperm.xlane v39, v2  }
0xd0: {  	v18 =	vadd.f32 v35, v51;
	v27 =	vadd.f32 v27, v28;
	v51 =	vld [tilespmem:s24+$0xFFFFFE10];
	v35 =	vmul.f32 v60, v49  }
0xd1: {  	v53 =	vld [tilespmem:s24+$0xFFFFFE90];
	v25 =	vadd.f32 v25, v55;
	v61 =	vperm.xlane v26, v3;
	v62 =	vadd.f32 v39, v58  }
0xd2: {  	v60 =	vld [tilespmem:s24+$0xFFFFFEB0];
	v24 =	vadd.f32 v24, v27;
	v58 =	vperm.xlane v23, v1;
	v30 =	vmul.f32 v45, v63  }
0xd3: {  	v55 =	vld [tilespmem:s24+$0xFFFFFE20];
	v35 =	vadd.f32 $0.0e+00, v35;
	v20 =	vmul.f32 v20, v59;
	v19 =	vadd.f32 v26, v61  }
0xd4: {  	v39 =	vld [tilespmem:s23+$0x1C0];
	v47 =	vperm.xlane v25, v2;
	v26 =	vadd.f32 v52, v33;
	v24 =	vadd.f32 v54, v24  }
0xd5: {  	v63 =	vld [tilespmem:s23+$0x40];
	v50 =	vperm.xlane v62, v3;
	v23 =	vadd.f32 v23, v58;
	v30 =	vadd.f32 $0.0e+00, v30  }
0xd6: {  	v45 =	vld [tilespmem:s24+$0x50];
	v28 =	vmul.f32 v34, v51;
	v40 =	vmul.f32 v41, v53;
	v25 =	vadd.f32 v25, v47  }
0xd7: {  	v41 =	vld [tilespmem:s24+$0x80];
	v21 =	vadd.f32 v62, v50;
	v26 =	vadd.f32 v29, v26;
	v61 =	vperm.xlane v24, v0  }
0xd8: {  	v51 =	vld [tilespmem:s24+$0x90];
	v42 =	vperm.xlane v23, v2;
	v17 =	vmul.f32 v17, v60;
	v28 =	vadd.f32 v28, v30  }
0xd9: {  	v53 =	vld [tilespmem:s24+$0x100];
	v27 =	vmul.f32 v31, v55;
	v31 =	vadd.f32 v40, v35;
	v26 =	vadd.f32 v32, v26  }
0xda: {  	v62 =	vld [tilespmem:s24+$0x40];
	v56 =	vperm.xlane v25, v3;
	v24 =	vadd.f32 v24, v61;
	v23 =	vadd.f32 v23, v42  }
0xdb: {  	v47 =	vld [tilespmem:s23+$0x60];
	v27 =	vadd.f32 v27, v28;
	v28 =	vmul.f32 v43, v45;
	v44 =	vperm.xlane v26, v0  }
0xdc: {  	v55 =	vld [tilespmem:s24+$0xA0];
	v22 =	vadd.f32 v22, v31;
	v46 =	vperm.xlane v24, v1;
	v49 =	vperm.xlane v23, v3  }
0xdd: {  	v60 =	vld [tilespmem:s24+$0xB0];
	v25 =	vadd.f32 v25, v56;
	v16 =	vmul.f32 v16, v41;
	v14 =	vmul.f32 v14, v51  }
0xde: {  	v61 =	vld [tilespmem:s23+$0x70];
	v10 =	vmul.f32 v10, v53;
	v20 =	vadd.f32 v20, v27;
	v17 =	vadd.f32 v17, v22  }
0xdf: {  	v42 =	vld [tilespmem:s24+$0x1C0];
	v30 =	vmul.f32 v63, v62;
	v26 =	vadd.f32 v26, v44;
	v24 =	vadd.f32 v24, v46  }
0xe0: {  	v51 =	vld [tilespmem:s24+$0x1D0];
	v27 =	vmul.f32 v47, v48;
	v23 =	vadd.f32 v23, v49;
	v16 =	vadd.f32 $0.0e+00, v16  }
0xe1: {  	v62 =	vld [tilespmem:s24+$0x70];
	v12 =	vmul.f32 v12, v55;
	v10 =	vadd.f32 $0.0e+00, v10;
	v50 =	vperm.xlane v20, v0  }
0xe2: {  	v48 =	vld [tilespmem:s24+$0x120];
	v56 =	vadd.f32 $0.0e+00, v30;
	v41 =	vperm.xlane v17, v0;
	v14 =	vadd.f32 v14, v16  }
0xe3: {  	v52 =	vperm.xlane v26, v1;
	v10 =	vadd.f32 v11, v10;
	v20 =	vadd.f32 v20, v50  }
0xe4: {  	v40 =	vld [tilespmem:s23+$0x190];
	v54 =	vperm.xlane v24, v2;
	v28 =	vadd.f32 v28, v56;
	v17 =	vadd.f32 v17, v41  }
0xe5: {  	v53 =	vld [tilespmem:s24+$0x130];
	v7 =	vmul.f32 v7, v51;
	v12 =	vadd.f32 v12, v14;
	v14 =	vmul.f32 v57, v60  }
0xe6: {  	v11 =	vld [tilespmem:s23+$0x130];
	v58 =	vadd.f32 v24, v54;
	v26 =	vadd.f32 v26, v52;
	v24 =	vmul.f32 v61, v62  }
0xe7: {  	v54 =	vmul.f32 v39, v42;
	v8 =	vmul.f32 v8, v48;
	v12 =	vadd.f32 v14, v12;
	v14 =	vld [tilespmem:s24+$0x190]  }
0xe8: {  	v47 =	vld [tilespmem:s24+$0x1A0];
	v59 =	vperm.xlane v20, v1;
	v27 =	vadd.f32 v27, v28;
	v49 =	vperm.xlane v17, v1  }
0xe9: {  	v44 =	vld [tilespmem:s23+$0x1A0];
	v13 =	vperm.xlane v58, v3;
	v63 =	vperm.xlane v26, v2;
	v22 =	vadd.f32 $0.0e+00, v54  }
0xea: {  	v6 =	vld [tilespmem:s23+$0x1E0];
	v8 =	vadd.f32 v8, v10;
	v20 =	vadd.f32 v20, v59;
	v46 =	vperm.xlane v12, v0  }
0xeb: {  	v55 =	vld [tilespmem:s24+$0x1E0];
	v24 =	vadd.f32 v24, v27;
	v17 =	vadd.f32 v17, v49;
	v11 =	vmul.f32 v11, v53  }
0xec: {  	v13 =	vadd.f32 v58, v13;
	v12 =	vadd.f32 v12, v46;
	v14 =	vmul.f32 v40, v14  }
0xed: {  	v26 =	vadd.f32 v26, v63;
	v7 =	vadd.f32 v7, v22;
	v52 =	vperm.xlane v24, v0  }
0xee: {  	v56 =	vperm.xlane v12, v1;
	v9 =	vadd.f32 v14, v9;
	v14 =	vmul.f32 v44, v47  }
0xef: {  	v57 =	vld [tilespmem:s23+$0x1F0];
	v38 =	vperm.xlane v20, v2;
	v8 =	vadd.f32 v11, v8;
	v24 =	vadd.f32 v24, v52  }
0xf0: {  	v6 =	vmul.f32 v6, v55;
	v58 =	vld [tilespmem:s24+$0x1F0];
	v12 =	vadd.f32 v12, v56;
	v9 =	vadd.f32 v14, v9  }
0xf1: {  	v43 =	vperm.xlane v26, v3;
	v20 =	vadd.f32 v20, v38;
	v14 =	vperm.xlane v17, v2  }
0xf2: {  	v59 =	vperm.xlane v24, v1;
	v10 =	vperm.xlane v12, v2;
	v9 =	vadd.f32 v15, v9  }
0xf3: {  	v6 =	vadd.f32 v6, v7;
	v45 =	vperm.xlane v20, v3;
	v14 =	vadd.f32 v17, v14  }
0xf4: {  	v60 =	vadd.f32 v24, v59;
	v10 =	vadd.f32 v12, v10;
	v12 =	vperm.xlane v9, v0  }
0xf5: {  	v26 =	vadd.f32 v26, v43;
	v11 =	vmul.f32 v57, v58;
	v17 =	vperm.xlane v14, v3  }
0xf6: {  	v50 =	vadd.f32 v20, v45;
	v7 =	vperm.xlane v60, v2;
	v9 =	vadd.f32 v9, v12  }
0xf7: {  	v6 =	vadd.f32 v11, v6;
	v12 =	vadd.f32 v14, v17;
	v14 =	vperm.xlane v8, v0  }
0xf8: {  	v15 =	vsel vm0, v50, v25;
	v7 =	vadd.f32 v60, v7;
	v62 =	vperm.xlane v9, v1  }
0xf9: {  	v61 =	vperm.xlane v10, v3;
	v11 =	vsel vm1, v15, v12;
	v8 =	vadd.f32 v8, v14  }
0xfa: {  	v11 =	vsel vm2, v11, v26;
	v12 =	vadd.f32 v9, v62;
	v9 =	vperm.xlane v6, v0  }
0xfb: {  	v11 =	vsel vm3, v11, v13;
	v13 =	vperm.xlane v7, v3;
	v14 =	vperm.xlane v8, v1  }
0xfc: {  	v11 =	vsel vm4, v11, v23;
	v15 =	vperm.xlane v12, v2;
	v63 =	vadd.f32 v6, v9  }
0xfd: {  	v6 =	vsel vm5, v11, v21;
	v11 =	vadd.f32 v7, v13;
	v9 =	vadd.f32 v8, v14  }
0xfe: {  	v6 =	vsel vm6, v6, v19;
	v8 =	vadd.f32 v12, v15;
	v12 =	vperm.xlane v63, v1  }
0xff: {  	v7 =	vadd.f32 v10, v61;
	v10 =	vsel vm7, v6, v18;
	v13 =	vperm.xlane v9, v2  }
0x100: {  	s29 =	simm.s32 $0x40;
	s26 =	simm.s32 $0x0;
	v6 =	vld [tilespmem:$0x10800];
	v10 =	vsel vm8, v10, v11;
	v11 =	vperm.xlane v8, v3;
	v12 =	vadd.f32 v63, v12  }
.LBB2_2:
0x101: {  	p0 =	sne.s32 s29, $0x7C0;
	v9 =	vadd.f32 v9, v13;
	s24 =	sadd.s32 $0x400, s24;
	s23 =	sadd.s32 $0x400, s23  }
0x102: {  	s30 =	smov.u32 s29;
	s29 =	sadd.s32 $0x40, s29;
	v8 =	vadd.f32 v8, v11;
	v11 =	vperm.xlane v12, v2  }
0x103: {  	v13 =	vperm.xlane v9, v3  }
0x104: {  	v7 =	vsel vm9, v10, v7;
	v10 =	vadd.f32 v12, v11  }
0x105: {  	s31 =	sshra.s32 s26, $0x2;
	v5 =	vsel vm10, v7, v5;
	s26 =	smov.u32 s30;
	v7 =	vadd.f32 v9, v13  }
0x106: {  	v9 =	vperm.xlane v10, v3;
	v11 =	vld [tilespmem:s31+$0x10400]  }
0x107: {  	v5 =	vsel vm11, v5, v7  }
0x108: {  	v4 =	vsel vm12, v5, v4;
	v5 =	vadd.f32 v10, v9;
	v7 =	vld [tilespmem:s31+$0x10600]  }
0x109: {  	v4 =	vsel vm13, v4, v8  }
0x10a: {  	v4 =	vsel vm14, v4, v5  }
0x10b: {  	v4 =	vadd.f32 v4, v11;
	_ =	sdelay $0x1  }
0x10c: {  	v4 =	vadd.f32 v4, v7;
	_ =	sdelay $0x1  }
0x10d: {  	v4 =	vadd.f32 v4, v6;
	_ =	sdelay $0x1  }
0x10e: {  	[tilespmem:s31+$0x10810] =	vst v4  }
0x10f: {  	v7 =	vld [tilespmem:s23+$0x1E0]  }
0x110: {  	v4 =	vld [tilespmem:s23+$0x1B0]  }
0x111: {  	v5 =	vld [tilespmem:s24+$0x1B0]  }
0x112: {  	v9 =	vld [tilespmem:s23+$0x1D0]  }
0x113: {  	v16 =	vld [tilespmem:s23+$0x120]  }
0x114: {  	v17 =	vld [tilespmem:s24+$0x120]  }
0x115: {  	v18 =	vld [tilespmem:s24+$0x160]  }
0x116: {  	v21 =	vld [tilespmem:s23+$0x150];
	v8 =	vmul.f32 v4, v5  }
0x117: {  	v10 =	vld [tilespmem:s23+$0x180]  }
0x118: {  	v4 =	vld [tilespmem:s23+$0x170]  }
0x119: {  	v5 =	vld [tilespmem:s24+$0x170]  }
0x11a: {  	v23 =	vld [tilespmem:s23+$0x160]  }
0x11b: {  	v13 =	vld [tilespmem:s23+$0x110]  }
0x11c: {  	v14 =	vld [tilespmem:s24+$0x110]  }
0x11d: {  	v24 =	vld [tilespmem:s24+$0x150]  }
0x11e: {  	v15 =	vld [tilespmem:s23+$0x140];
	v4 =	vmul.f32 v4, v5  }
0x11f: {  	v5 =	vld [tilespmem:s24+$0x140]  }
0x120: {  	v11 =	vld [tilespmem:s23+$0x100]  }
0x121: {  	v12 =	vld [tilespmem:s23+$0xA0]  }
0x122: {  	v19 =	vld [tilespmem:s23+$0xFFFFFE70]  }
0x123: {  	v20 =	vld [tilespmem:s24+$0xFFFFFE70]  }
0x124: {  	v22 =	vld [tilespmem:s23+$0xFFFFFE60];
	v5 =	vmul.f32 v15, v5  }
0x125: {  	v15 =	vld [tilespmem:s23+$0x90]  }
0x126: {  	v21 =	vmul.f32 v21, v24;
	v25 =	vld [tilespmem:s23+$0xF0];
	v5 =	vadd.f32 $0.0e+00, v5  }
0x127: {  	v24 =	vld [tilespmem:s24+$0xF0]  }
0x128: {  	v18 =	vmul.f32 v23, v18;
	v26 =	vld [tilespmem:s23+$0xE0];
	v5 =	vadd.f32 v21, v5  }
0x129: {  	v21 =	vld [tilespmem:s24+$0xE0]  }
0x12a: {  	v23 =	vld [tilespmem:s23+$0xD0];
	v5 =	vadd.f32 v18, v5  }
0x12b: {  	v27 =	vld [tilespmem:s24+$0xD0]  }
0x12c: {  	v28 =	vld [tilespmem:s23+$0xC0];
	v25 =	vmul.f32 v25, v24;
	v4 =	vadd.f32 v4, v5  }
0x12d: {  	v5 =	vld [tilespmem:s24+$0xC0]  }
0x12e: {  	v18 =	vld [tilespmem:s23+$0x80];
	v21 =	vmul.f32 v26, v21;
	v26 =	vperm.xlane v4, v0  }
0x12f: {  	v24 =	vld [tilespmem:s24+$0xFFFFFE60]  }
0x130: {  	v29 =	vld [tilespmem:s23+$0xFFFFFE50];
	v23 =	vmul.f32 v23, v27;
	v4 =	vadd.f32 v4, v26  }
0x131: {  	v26 =	vld [tilespmem:s24+$0xFFFFFE50]  }
0x132: {  	v27 =	vld [tilespmem:s23+$0xFFFFFFF0];
	v5 =	vmul.f32 v28, v5;
	v28 =	vperm.xlane v4, v1  }
0x133: {  	v30 =	vld [tilespmem:s24+$0xFFFFFFF0]  }
0x134: {  	v31 =	vld [tilespmem:s23+$0xFFFFFFE0];
	v5 =	vadd.f32 $0.0e+00, v5;
	v4 =	vadd.f32 v4, v28  }
0x135: {  	v28 =	vld [tilespmem:s24+$0xFFFFFFE0]  }
0x136: {  	v32 =	vld [tilespmem:s23+$0x30];
	v5 =	vadd.f32 v23, v5;
	v23 =	vperm.xlane v4, v2  }
0x137: {  	v33 =	vld [tilespmem:s24+$0x30]  }
0x138: {  	v34 =	vld [tilespmem:s23+$0x20];
	v5 =	vadd.f32 v21, v5;
	v4 =	vadd.f32 v4, v23  }
0x139: {  	v23 =	vld [tilespmem:s24+$0x20]  }
0x13a: {  	v28 =	vmul.f32 v31, v28;
	v31 =	vld [tilespmem:s23+$0x10];
	v5 =	vadd.f32 v25, v5;
	v21 =	vperm.xlane v4, v3  }
0x13b: {  	v25 =	vld [tilespmem:s24+$0x10]  }
0x13c: {  	v35 =	vld [tilespmem:s23+$0x0];
	v32 =	vmul.f32 v32, v33;
	v33 =	vperm.xlane v5, v0;
	v4 =	vadd.f32 v4, v21  }
0x13d: {  	v36 =	vld [tilespmem:s24+$0x0]  }
0x13e: {  	v21 =	vld [tilespmem:s23+$0xFFFFFEB0];
	v23 =	vmul.f32 v34, v23;
	v5 =	vadd.f32 v5, v33  }
0x13f: {  	v33 =	vld [tilespmem:s23+$0xFFFFFFB0]  }
0x140: {  	v34 =	vld [tilespmem:s24+$0xFFFFFFB0];
	v25 =	vmul.f32 v31, v25;
	v31 =	vperm.xlane v5, v1  }
0x141: {  	v37 =	vld [tilespmem:s23+$0xFFFFFFD0]  }
0x142: {  	v38 =	vld [tilespmem:s23+$0xFFFFFFA0];
	v35 =	vmul.f32 v35, v36;
	v5 =	vadd.f32 v5, v31  }
0x143: {  	v31 =	vld [tilespmem:s24+$0xFFFFFFA0]  }
0x144: {  	v36 =	vld [tilespmem:s23+$0xFFFFFF90];
	v35 =	vadd.f32 $0.0e+00, v35;
	v39 =	vperm.xlane v5, v2  }
0x145: {  	v40 =	vld [tilespmem:s24+$0xFFFFFF90];
	v33 =	vmul.f32 v33, v34  }
0x146: {  	v34 =	vld [tilespmem:s24+$0xFFFFFFD0];
	v25 =	vadd.f32 v25, v35;
	v5 =	vadd.f32 v5, v39  }
0x147: {  	v35 =	vld [tilespmem:s23+$0xFFFFFFC0]  }
0x148: {  	v31 =	vmul.f32 v38, v31;
	v38 =	vld [tilespmem:s24+$0xFFFFFFC0];
	v25 =	vadd.f32 v23, v25;
	v39 =	vperm.xlane v5, v3  }
0x149: {  	v23 =	vld [tilespmem:s23+$0xFFFFFE30]  }
0x14a: {  	v41 =	vld [tilespmem:s23+$0xFFFFFF80];
	v36 =	vmul.f32 v36, v40;
	v25 =	vadd.f32 v32, v25;
	v5 =	vadd.f32 v5, v39  }
0x14b: {  	v32 =	vld [tilespmem:s24+$0xFFFFFF80];
	v34 =	vmul.f32 v37, v34  }
0x14c: {  	v37 =	vld [tilespmem:s23+$0xFFFFFEF0];
	v39 =	vperm.xlane v25, v0  }
0x14d: {  	v40 =	vld [tilespmem:s24+$0xFFFFFEF0];
	v35 =	vmul.f32 v35, v38  }
0x14e: {  	v38 =	vld [tilespmem:s23+$0xFFFFFE40];
	v39 =	vadd.f32 v25, v39  }
0x14f: {  	v42 =	vld [tilespmem:s24+$0xFFFFFE40];
	v25 =	vadd.f32 $0.0e+00, v35  }
0x150: {  	v35 =	vld [tilespmem:s23+$0xFFFFFEE0];
	v32 =	vmul.f32 v41, v32;
	v41 =	vperm.xlane v39, v1  }
0x151: {  	v43 =	vld [tilespmem:s24+$0xFFFFFEE0];
	v34 =	vadd.f32 v34, v25  }
0x152: {  	v25 =	vmul.f32 v37, v40;
	v37 =	vld [tilespmem:s23+$0xFFFFFF30];
	v32 =	vadd.f32 $0.0e+00, v32;
	v39 =	vadd.f32 v39, v41  }
0x153: {  	v27 =	vmul.f32 v27, v30;
	v40 =	vld [tilespmem:s24+$0xFFFFFF30];
	v28 =	vadd.f32 v28, v34  }
0x154: {  	v30 =	vmul.f32 v38, v42;
	v34 =	vld [tilespmem:s23+$0xFFFFFF70];
	v32 =	vadd.f32 v36, v32;
	v36 =	vperm.xlane v39, v2  }
0x155: {  	v29 =	vmul.f32 v29, v26;
	v38 =	vld [tilespmem:s24+$0xFFFFFF70];
	v27 =	vadd.f32 v27, v28  }
0x156: {  	v28 =	vadd.f32 $0.0e+00, v30;
	v26 =	vld [tilespmem:s23+$0xFFFFFEA0];
	v30 =	vmul.f32 v35, v43;
	v31 =	vadd.f32 v31, v32  }
0x157: {  	v36 =	vadd.f32 v39, v36;
	v32 =	vld [tilespmem:s23+$0xFFFFFF60];
	v35 =	vperm.xlane v27, v0  }
0x158: {  	v22 =	vmul.f32 v22, v24;
	v28 =	vadd.f32 v29, v28;
	v24 =	vld [tilespmem:s24+$0xFFFFFF60];
	v29 =	vadd.f32 v33, v31  }
0x159: {  	v20 =	vmul.f32 v19, v20;
	v19 =	vperm.xlane v36, v3;
	v31 =	vld [tilespmem:s23+$0xFFFFFF50];
	v27 =	vadd.f32 v27, v35  }
0x15a: {  	v22 =	vadd.f32 v22, v28;
	v28 =	vld [tilespmem:s24+$0xFFFFFF50];
	v33 =	vmul.f32 v34, v38;
	v34 =	vperm.xlane v29, v0  }
0x15b: {  	v19 =	vadd.f32 v36, v19;
	v35 =	vld [tilespmem:s23+$0xFFFFFF40];
	v38 =	vperm.xlane v27, v1  }
0x15c: {  	v20 =	vadd.f32 v20, v22;
	v22 =	vld [tilespmem:s24+$0xFFFFFF40];
	v29 =	vadd.f32 v29, v34  }
0x15d: {  	v34 =	vld [tilespmem:s23+$0xFFFFFED0];
	v24 =	vmul.f32 v32, v24;
	v27 =	vadd.f32 v27, v38  }
0x15e: {  	v32 =	vld [tilespmem:s23+$0xFFFFFE20];
	v36 =	vperm.xlane v20, v0;
	v38 =	vperm.xlane v29, v1  }
0x15f: {  	v39 =	vld [tilespmem:s23+$0xFFFFFF20];
	v28 =	vmul.f32 v31, v28;
	v31 =	vperm.xlane v27, v2  }
0x160: {  	v20 =	vadd.f32 v20, v36;
	v36 =	vld [tilespmem:s24+$0xFFFFFF20];
	v29 =	vadd.f32 v29, v38  }
0x161: {  	v38 =	vld [tilespmem:s23+$0xFFFFFF10];
	v22 =	vmul.f32 v35, v22;
	v27 =	vadd.f32 v27, v31  }
0x162: {  	v31 =	vperm.xlane v20, v1;
	v35 =	vld [tilespmem:s24+$0xFFFFFF10];
	v41 =	vperm.xlane v29, v2  }
0x163: {  	v42 =	vld [tilespmem:s23+$0xFFFFFF00];
	v22 =	vadd.f32 $0.0e+00, v22;
	v43 =	vperm.xlane v27, v3  }
0x164: {  	v31 =	vadd.f32 v20, v31;
	v44 =	vld [tilespmem:s24+$0xFFFFFF00];
	v29 =	vadd.f32 v29, v41  }
0x165: {  	v41 =	vld [tilespmem:s23+$0xFFFFFE90];
	v36 =	vmul.f32 v39, v36;
	v22 =	vadd.f32 v28, v22;
	v20 =	vadd.f32 v27, v43  }
0x166: {  	v27 =	vperm.xlane v31, v2;
	v28 =	vld [tilespmem:s24+$0xFFFFFED0];
	v39 =	vperm.xlane v29, v3  }
0x167: {  	v43 =	vld [tilespmem:s23+$0xFFFFFEC0];
	v35 =	vmul.f32 v38, v35;
	v24 =	vadd.f32 v24, v22  }
0x168: {  	v27 =	vadd.f32 v31, v27;
	v31 =	vld [tilespmem:s24+$0xFFFFFEC0];
	v22 =	vadd.f32 v29, v39  }
0x169: {  	v29 =	vld [tilespmem:s23+$0xFFFFFE10];
	v38 =	vmul.f32 v42, v44;
	v33 =	vadd.f32 v33, v24  }
0x16a: {  	v24 =	vperm.xlane v27, v3;
	v39 =	vld [tilespmem:s23+$0xFFFFFE80]  }
0x16b: {  	v42 =	vld [tilespmem:s24+$0xFFFFFE00];
	v28 =	vmul.f32 v34, v28;
	v34 =	vadd.f32 $0.0e+00, v38;
	v38 =	vperm.xlane v33, v0  }
0x16c: {  	v44 =	vld [tilespmem:s23+$0xFFFFFE00];
	v24 =	vadd.f32 v27, v24  }
0x16d: {  	v27 =	vld [tilespmem:s24+$0xFFFFFE80];
	v31 =	vmul.f32 v43, v31;
	v34 =	vadd.f32 v35, v34;
	v33 =	vadd.f32 v33, v38  }
0x16e: {  	v37 =	vmul.f32 v37, v40;
	v35 =	vld [tilespmem:s24+$0xFFFFFE10]  }
0x16f: {  	v38 =	vld [tilespmem:s24+$0xFFFFFE90];
	v31 =	vadd.f32 $0.0e+00, v31;
	v34 =	vadd.f32 v36, v34;
	v36 =	vperm.xlane v33, v1  }
0x170: {  	v40 =	vld [tilespmem:s24+$0xFFFFFE20]  }
0x171: {  	v42 =	vmul.f32 v44, v42;
	v43 =	vld [tilespmem:s24+$0xFFFFFEA0];
	v28 =	vadd.f32 v28, v31;
	v31 =	vadd.f32 v37, v34  }
0x172: {  	v16 =	vmul.f32 v16, v17;
	v33 =	vadd.f32 v33, v36;
	v34 =	vld [tilespmem:s24+$0xFFFFFE30];
	v27 =	vmul.f32 v39, v27  }
0x173: {  	v17 =	vadd.f32 $0.0e+00, v42;
	v29 =	vmul.f32 v29, v35;
	v35 =	vld [tilespmem:s24+$0xFFFFFEB0];
	v28 =	vadd.f32 v30, v28  }
0x174: {  	v36 =	vperm.xlane v31, v0;
	v27 =	vadd.f32 $0.0e+00, v27;
	v30 =	vmul.f32 v41, v38;
	v37 =	vld [tilespmem:s24+$0x40]  }
0x175: {  	v17 =	vadd.f32 v29, v17;
	v29 =	vmul.f32 v32, v40;
	v25 =	vadd.f32 v25, v28;
	v28 =	vld [tilespmem:s23+$0x40]  }
0x176: {  	v27 =	vadd.f32 v30, v27;
	v30 =	vadd.f32 v31, v36;
	v31 =	vperm.xlane v33, v2;
	v32 =	vld [tilespmem:s24+$0x80]  }
0x177: {  	v17 =	vadd.f32 v29, v17;
	v23 =	vmul.f32 v23, v34;
	v29 =	vperm.xlane v25, v0;
	v34 =	vld [tilespmem:s23+$0x50]  }
0x178: {  	v26 =	vmul.f32 v26, v43;
	v36 =	vperm.xlane v30, v1;
	v31 =	vadd.f32 v33, v31;
	v33 =	vld [tilespmem:s24+$0x50]  }
0x179: {  	v21 =	vmul.f32 v21, v35;
	v23 =	vadd.f32 v23, v17;
	v25 =	vadd.f32 v25, v29;
	v29 =	vld [tilespmem:s23+$0x60]  }
0x17a: {  	v30 =	vadd.f32 v30, v36;
	v17 =	vperm.xlane v31, v3;
	v28 =	vmul.f32 v28, v37;
	v35 =	vld [tilespmem:s24+$0x60]  }
0x17b: {  	v26 =	vadd.f32 v26, v27;
	v36 =	vperm.xlane v23, v0;
	v27 =	vperm.xlane v25, v1;
	v37 =	vld [tilespmem:s24+$0x90]  }
0x17c: {  	v18 =	vmul.f32 v18, v32;
	v38 =	vperm.xlane v30, v2;
	v17 =	vadd.f32 v31, v17;
	v31 =	vld [tilespmem:s24+$0x100]  }
0x17d: {  	v28 =	vadd.f32 $0.0e+00, v28;
	v23 =	vadd.f32 v23, v36;
	v32 =	vmul.f32 v34, v33;
	v33 =	vld [tilespmem:s24+$0xA0]  }
0x17e: {  	v13 =	vmul.f32 v13, v14;
	v21 =	vadd.f32 v21, v26;
	v26 =	vadd.f32 v30, v38;
	v30 =	vld [tilespmem:s23+$0xB0]  }
0x17f: {  	v25 =	vadd.f32 v25, v27;
	v14 =	vperm.xlane v23, v1;
	v27 =	vadd.f32 v32, v28;
	v28 =	vld [tilespmem:s24+$0xB0]  }
0x180: {  	v18 =	vadd.f32 $0.0e+00, v18;
	v32 =	vperm.xlane v26, v3;
	v34 =	vld [tilespmem:s23+$0x70];
	v15 =	vmul.f32 v15, v37  }
0x181: {  	v29 =	vmul.f32 v29, v35;
	v14 =	vadd.f32 v23, v14;
	v23 =	vperm.xlane v25, v2;
	v35 =	vld [tilespmem:s24+$0x70]  }
0x182: {  	v26 =	vadd.f32 v26, v32;
	v15 =	vadd.f32 v15, v18;
	v12 =	vmul.f32 v12, v33;
	v18 =	vld [tilespmem:s24+$0x180]  }
0x183: {  	v33 =	vperm.xlane v21, v0;
	v32 =	vperm.xlane v14, v2;
	v23 =	vadd.f32 v25, v23;
	v25 =	vld [tilespmem:s23+$0x1C0]  }
0x184: {  	v11 =	vmul.f32 v11, v31;
	v12 =	vadd.f32 v12, v15;
	v15 =	vmul.f32 v30, v28;
	v28 =	vld [tilespmem:s23+$0x190]  }
0x185: {  	v21 =	vadd.f32 v21, v33;
	v14 =	vadd.f32 v14, v32;
	v30 =	vperm.xlane v23, v3;
	v31 =	vld [tilespmem:s24+$0x1C0]  }
0x186: {  	v27 =	vadd.f32 v29, v27;
	v29 =	vmul.f32 v34, v35;
	v12 =	vadd.f32 v15, v12;
	v15 =	vld [tilespmem:s24+$0x190]  }
0x187: {  	v33 =	vperm.xlane v21, v1;
	v32 =	vperm.xlane v14, v3;
	v23 =	vadd.f32 v23, v30;
	v30 =	vld [tilespmem:s23+$0x1A0]  }
0x188: {  	v10 =	vmul.f32 v10, v18;
	v27 =	vadd.f32 v29, v27;
	v29 =	vperm.xlane v12, v0;
	v18 =	vld [tilespmem:s24+$0x1A0]  }
0x189: {  	v21 =	vadd.f32 v21, v33;
	v14 =	vadd.f32 v14, v32;
	v32 =	vld [tilespmem:s24+$0x1D0]  }
0x18a: {  	v11 =	vadd.f32 $0.0e+00, v11;
	v33 =	vperm.xlane v27, v0;
	v12 =	vadd.f32 v12, v29;
	v29 =	vld [tilespmem:s24+$0x130]  }
0x18b: {  	v10 =	vadd.f32 $0.0e+00, v10;
	v25 =	vmul.f32 v25, v31;
	v15 =	vmul.f32 v28, v15;
	v28 =	vld [tilespmem:s24+$0x1E0]  }
0x18c: {  	v11 =	vadd.f32 v13, v11;
	v31 =	vperm.xlane v21, v2;
	v34 =	vperm.xlane v12, v1;
	v13 =	vld [tilespmem:s23+$0x130]  }
0x18d: {  	v27 =	vadd.f32 v27, v33;
	v10 =	vadd.f32 v15, v10;
	v15 =	vmul.f32 v30, v18;
	v18 =	vld [tilespmem:s23+$0x1F0]  }
0x18e: {  	v25 =	vadd.f32 $0.0e+00, v25;
	v12 =	vadd.f32 v12, v34;
	v9 =	vmul.f32 v9, v32;
	v30 =	vld [tilespmem:s24+$0x1F0]  }
0x18f: {  	v11 =	vadd.f32 v16, v11;
	v32 =	vperm.xlane v27, v1;
	v10 =	vadd.f32 v15, v10  }
0x190: {  	v15 =	vperm.xlane v12, v2;
	v9 =	vadd.f32 v9, v25;
	v7 =	vmul.f32 v7, v28  }
0x191: {  	v14 =	vsel vm0, v14, v24;
	v13 =	vmul.f32 v13, v29;
	v8 =	vadd.f32 v8, v10  }
0x192: {  	v10 =	vadd.f32 v21, v31;
	v12 =	vadd.f32 v12, v15  }
0x193: {  	v15 =	vadd.f32 v27, v32;
	v16 =	vperm.xlane v8, v0;
	v18 =	vmul.f32 v18, v30  }
0x194: {  	v21 =	vperm.xlane v10, v3;
	v11 =	vadd.f32 v13, v11;
	v24 =	vperm.xlane v12, v3  }
0x195: {  	v9 =	vadd.f32 v7, v9;
	v13 =	vperm.xlane v15, v2;
	v8 =	vadd.f32 v8, v16  }
0x196: {  	v10 =	vadd.f32 v10, v21;
	v7 =	vadd.f32 v12, v24;
	v12 =	vperm.xlane v11, v0  }
0x197: {  	v9 =	vadd.f32 v18, v9;
	v16 =	vperm.xlane v8, v1  }
0x198: {  	v13 =	vadd.f32 v15, v13;
	v10 =	vsel vm1, v14, v10;
	v11 =	vadd.f32 v11, v12  }
0x199: {  	v10 =	vsel vm2, v10, v23;
	v12 =	vperm.xlane v9, v0;
	v8 =	vadd.f32 v8, v16  }
0x19a: {  	v14 =	vperm.xlane v13, v3;
	v10 =	vsel vm3, v10, v26;
	v15 =	vperm.xlane v11, v1  }
.Ltmp0:
0x19b: {  	v10 =	vsel vm4, v10, v17;
	v12 =	vadd.f32 v9, v12;
	v16 =	vperm.xlane v8, v2;
	(pc) =	sbr.rel @p0 .LBB2_2-.Ltmp0, $4  }
0x19c: {  	v14 =	vadd.f32 v13, v14;
	v10 =	vsel vm5, v10, v22;
	v9 =	vadd.f32 v11, v15  }
0x19d: {  	v10 =	vsel vm6, v10, v20;
	v15 =	vperm.xlane v12, v1;
	v8 =	vadd.f32 v8, v16  }
0x19e: {  	v10 =	vsel vm7, v10, v19;
	v13 =	vperm.xlane v9, v2  }
0x19f: {  	v10 =	vsel vm8, v10, v14;
	v12 =	vadd.f32 v12, v15;
	v11 =	vperm.xlane v8, v3  }
0x1a0: {  	v9 =	vadd.f32 v9, v13  }
0x1a1: {  	v60 =	vperm.xlane v12, v2  }
0x1a2: {  	v14 =	vperm.xlane v9, v3  }
0x1a3: {  	v12 =	vadd.f32 v12, v60  }
0x1a4: {  	v7 =	vsel vm9, v10, v7;
	s23 =	sshra.s32 s26, $0x2;
	v9 =	vadd.f32 v9, v14  }
0x1a5: {  	v5 =	vsel vm10, v7, v5;
	v62 =	vld [tilespmem:s23+$0x10400];
	v61 =	vperm.xlane v12, v3  }
0x1a6: {  	v8 =	vadd.f32 v8, v11;
	v5 =	vsel vm11, v5, v9  }
0x1a7: {  	v63 =	vld [tilespmem:s23+$0x10600];
	v4 =	vsel vm12, v5, v4;
	v5 =	vadd.f32 v12, v61  }
0x1a8: {  	v4 =	vsel vm13, v4, v8  }
0x1a9: {  	v4 =	vsel vm14, v4, v5  }
0x1aa: {  	v4 =	vadd.f32 v4, v62;
	_ =	sdelay $0x1  }
0x1ab: {  	v4 =	vadd.f32 v4, v63;
	_ =	sdelay $0x1  }
0x1ac: {  	s22 =	sadd.s32 $0x1, s22;
	v4 =	vadd.f32 v4, v6  }
0x1ad: {  	p0 =	sne.s32 s22, s11  }
.Ltmp1:
0x1ae: {  	[tilespmem:s23+$0x10810] =	vst v4;
	(pc) =	sbr.rel @p0 .LBB2_1-.Ltmp1, $4  }
0x1af: {  	[hbm4b:s10+s3] =	stream.linear.scatter [tilespmem:s20], [sflag:$0x2], $0x200, $0x38;
	[tilespmem:$0x10A10] =	vst v63  }
0x1b0: {  	_ =	swait.ge [sflag:s12], $0x200  }
0x1b1: {  	[sflag:s12] =	ssyncset.done $0x0  }
0x1b2: {  	[sflag:s12] =	ssyncadd.s32 $0xFFFFFE00  }
0x1b3: {  	_ =	sfence.sel $0x180000  }
0x1b4: {  	[bflag:$0x0] =	sbarrier.arrive $0xFFFF  }
0x1b5: {  	_ =	strace $0x90000047  }
0x1b6: {  	s0 =	stileid.u32;
	[bflag:$0x2] =	sbarrier.arrive $0xFFFF  }
0x1b7: {  	p0 =	sne.s32 s0, $0x0;
	s0 =	rddreg [dreg:$0x6]  }
0x1b8: {  	s0 =	sadd.s32 @!p0 $0x100000, s0  }
0x1b9: {  	[sflag:s0] =	ssyncadd.tile.s32 @!p0 $0x1;
	_ =	shalt  }
.Lfunc_end2:
_tile_overlayer_lowered:
.L_overlay_start_2:
0x1ba: {  	(tag) =	ssettag $0x2  }
0x1bb: {  	s0 =	rddreg [dreg:$0x0];
	s2 =	stileid.u32  }
0x1bc: {  	s1 =	rddreg [dreg:$0x1];
	p0 =	sne.s32 s2, $0x0  }
0x1bd: {  	s3 =	rddreg [dreg:$0x2];
	[bflag:$0x3] =	sbarrier.arrive $0xFFFF;
	s2 =	simm.s32 @!p0 $0x1C02  }
0x1be: {  	[timem:s3], [sflag:s2] =	dma.local @!p0 [hbm:s0], s1  }
0x1bf: {  	s0 =	simm.s32 @!p0 $0x2  }
0x1c0: {  	_ =	swait.ge @!p0 [sflag:s0], s1  }
0x1c1: {  	s1 =	ssub.s32 @!p0 $0x0, s1;
	[sflag:s0] =	ssyncset.done @!p0 $0x0  }
0x1c2: {  	[sflag:s0] =	ssyncadd.s32 @!p0 s1  }
0x1c3: {  	[bflag:$0x3] =	sbarrier.arrive $0xFFFF  }
0x1c4: {  	_ =	shalt  }

</sc_bundles>
